<compile_context>
chip_gen: v7x
topology: tpu7x:2x2x1
jax: 0.10.2.dev20260603
libtpu: 0.0.44.dev20260713+nightly
codegen_flags: <defaults>
</compile_context>

<pallas_src>
import functools

import jax
import jax.numpy as jnp
from jax import lax
from jax.experimental import pallas as pl
from jax.experimental.pallas import tpu as pltpu
from jax.experimental.pallas import tpu_sc as plsc

N = 10000
D = 128
E = 320000
NCORE = 2
NSUB = 16
NW = NCORE * NSUB
BK = 128
NB = 80
EPW = NB * BK
EPAD = NW * EPW
NPAD = 10240
RPS = NPAD // NSUB
PADIDX = N

_mesh = plsc.VectorSubcoreMesh(
    core_axis_name="c", subcore_axis_name="s",
    num_cores=NCORE, num_subcores=NSUB,
)


CH = 16
NCH = NB // CH
HB = NPAD // BK
KD = 2048
NCHK = EPAD // KD


def _deg_body(idx_ref, out_ref):
    g = pl.program_id(1)
    idx = idx_ref[0, 0, :]
    hi = lax.shift_right_logical(idx, 7)
    lo = lax.bitwise_and(idx, 127)
    rh = lax.broadcasted_iota(jnp.int32, (KD, HB), 1)
    rl = lax.broadcasted_iota(jnp.int32, (KD, BK), 1)
    ohh = (hi[:, None] == rh).astype(jnp.bfloat16)
    ohl = (lo[:, None] == rl).astype(jnp.bfloat16)
    part = lax.dot_general(ohh, ohl, (((0,), (0,)), ((), ())),
                           preferred_element_type=jnp.float32)

    @pl.when(g == 0)
    def _():
        out_ref[...] = jnp.zeros_like(out_ref)

    out_ref[...] += part[None]


_deg_tc = pl.pallas_call(
    _deg_body,
    grid=(4, NCHK),
    in_specs=[pl.BlockSpec((1, 1, KD), lambda a, g: (a, 0, g))],
    out_specs=pl.BlockSpec((1, HB, BK), lambda a, g: (a, 0, 0)),
    out_shape=jax.ShapeDtypeStruct((4, HB, BK), jnp.float32),
)


@functools.partial(
    pl.kernel,
    out_type=jax.ShapeDtypeStruct((2, NCORE, NPAD, D), jnp.float32),
    mesh=_mesh,
    scratch_types=[
        pltpu.VMEM((CH, BK), jnp.int32),
        pltpu.VMEM((CH, BK), jnp.int32),
        pltpu.VMEM((BK, D), jnp.float32),
        pltpu.VMEM((BK, D), jnp.float32),
        pltpu.VMEM_SHARED((NPAD, D), jnp.float32),
        pltpu.SemaphoreType.DMA,
        pltpu.SemaphoreType.DMA,
        pltpu.SemaphoreType.DMA,
        pltpu.SemaphoreType.DMA,
    ],
)
def _spmv_kernel(t0, s0, d0, t1, s1, d1, zeros_hbm, out,
                 src_v, dst_v, msg0, msg1, acc, gs0, gs1, ss0, ss1):
    c = lax.axis_index("c")
    s = lax.axis_index("s")
    w = c * NSUB + s
    msgs = (msg0, msg1)
    gsems = (gs0, gs1)
    ssems = (ss0, ss1)
    for rel, (th, sh, dh) in enumerate(((t0, s0, d0), (t1, s1, d1))):
        pltpu.sync_copy(zeros_hbm, acc.at[pl.ds(s * RPS, RPS)])
        plsc.subcore_barrier()

        def chunk(cc, _, th=th, sh=sh, dh=dh):
            pltpu.sync_copy(sh.at[w, pl.ds(cc * CH, CH)], src_v)
            pltpu.sync_copy(dh.at[w, pl.ds(cc * CH, CH)], dst_v)
            gd = [None, None]
            sd = [None, None]
            for j in range(CH):
                b = j & 1
                if sd[b] is not None:
                    sd[b].wait()
                gd[b] = pltpu.async_copy(th.at[src_v.at[j]], msgs[b],
                                         gsems[b])
                if j >= 1:
                    bp = (j - 1) & 1
                    gd[bp].wait()
                    sd[bp] = pltpu.async_copy(msgs[bp],
                                              acc.at[dst_v.at[j - 1]],
                                              ssems[bp], add=True)
            bl = (CH - 1) & 1
            gd[bl].wait()
            sd[bl] = pltpu.async_copy(msgs[bl], acc.at[dst_v.at[CH - 1]],
                                      ssems[bl], add=True)
            sd[0].wait()
            sd[1].wait()
            return 0

        lax.fori_loop(0, NCH, chunk, 0)
        plsc.subcore_barrier()
        pltpu.sync_copy(acc.at[pl.ds(s * RPS, RPS)],
                        out.at[rel, c, pl.ds(s * RPS, RPS)])
        plsc.subcore_barrier()


BN = 1000


def _prep_body(x_ref, degp_ref, xn0_ref, xn1_ref):
    dg0 = degp_ref[:, 0]
    dg1 = degp_ref[:, 2]
    ns0 = lax.rsqrt(jnp.maximum(dg0, 1.0))
    ns1 = lax.rsqrt(jnp.maximum(dg1, 1.0))
    xv = x_ref[...]
    xn0_ref[...] = xv * ns0[:, None]
    xn1_ref[...] = xv * ns1[:, None]


_prep = pl.pallas_call(
    _prep_body,
    grid=(N // BN,),
    in_specs=[
        pl.BlockSpec((BN, D), lambda i: (i, 0)),
        pl.BlockSpec((BN, 4), lambda i: (i, 0)),
    ],
    out_specs=[
        pl.BlockSpec((BN, D), lambda i: (i, 0)),
        pl.BlockSpec((BN, D), lambda i: (i, 0)),
    ],
    out_shape=[
        jax.ShapeDtypeStruct((N, D), jnp.float32),
        jax.ShapeDtypeStruct((N, D), jnp.float32),
    ],
)


def _layer1_body(ap_ref, degp_ref, w0_ref, w1_ref, b_ref, hn0_ref, hn1_ref):
    a0 = ap_ref[0] + ap_ref[1]
    a1 = ap_ref[2] + ap_ref[3]
    nd0 = lax.rsqrt(jnp.maximum(degp_ref[:, 1], 1.0))
    nd1 = lax.rsqrt(jnp.maximum(degp_ref[:, 3], 1.0))
    h = (jnp.dot(a0 * nd0[:, None], w0_ref[...],
                 preferred_element_type=jnp.float32)
         + jnp.dot(a1 * nd1[:, None], w1_ref[...],
                   preferred_element_type=jnp.float32)
         + b_ref[...])
    h = jnp.maximum(h, 0.0)
    ns0 = lax.rsqrt(jnp.maximum(degp_ref[:, 0], 1.0))
    ns1 = lax.rsqrt(jnp.maximum(degp_ref[:, 2], 1.0))
    hn0_ref[...] = h * ns0[:, None]
    hn1_ref[...] = h * ns1[:, None]


_layer1 = pl.pallas_call(
    _layer1_body,
    grid=(N // BN,),
    in_specs=[
        pl.BlockSpec((4, BN, D), lambda i: (0, i, 0)),
        pl.BlockSpec((BN, 4), lambda i: (i, 0)),
        pl.BlockSpec((D, D), lambda i: (0, 0)),
        pl.BlockSpec((D, D), lambda i: (0, 0)),
        pl.BlockSpec((1, D), lambda i: (0, 0)),
    ],
    out_specs=[
        pl.BlockSpec((BN, D), lambda i: (i, 0)),
        pl.BlockSpec((BN, D), lambda i: (i, 0)),
    ],
    out_shape=[
        jax.ShapeDtypeStruct((N, D), jnp.float32),
        jax.ShapeDtypeStruct((N, D), jnp.float32),
    ],
)


def _layer2_body(ap_ref, degp_ref, w0_ref, w1_ref, b_ref, out_ref):
    a0 = ap_ref[0] + ap_ref[1]
    a1 = ap_ref[2] + ap_ref[3]
    nd0 = lax.rsqrt(jnp.maximum(degp_ref[:, 1], 1.0))
    nd1 = lax.rsqrt(jnp.maximum(degp_ref[:, 3], 1.0))
    out_ref[...] = (jnp.dot(a0 * nd0[:, None], w0_ref[...],
                            preferred_element_type=jnp.float32)
                    + jnp.dot(a1 * nd1[:, None], w1_ref[...],
                              preferred_element_type=jnp.float32)
                    + b_ref[...])


_layer2 = pl.pallas_call(
    _layer2_body,
    grid=(N // BN,),
    in_specs=[
        pl.BlockSpec((4, BN, D), lambda i: (0, i, 0)),
        pl.BlockSpec((BN, 4), lambda i: (i, 0)),
        pl.BlockSpec((D, D), lambda i: (0, 0)),
        pl.BlockSpec((D, D), lambda i: (0, 0)),
        pl.BlockSpec((1, D), lambda i: (0, 0)),
    ],
    out_specs=pl.BlockSpec((BN, D), lambda i: (i, 0)),
    out_shape=jax.ShapeDtypeStruct((N, D), jnp.float32),
)


def _prep_edges(idx):
    idx = idx.astype(jnp.int32)
    idx = jnp.pad(idx, (0, EPAD - E), constant_values=PADIDX)
    return idx.reshape(NW, NB, BK)


def _pad_table(t):
    return jnp.pad(t, ((0, NPAD - N), (0, 0)))


def kernel(x, edge_index_r0, edge_index_r1, W1_r0, b1_r0, W1_r1, b1_r1,
                 W6_r0, b6_r0, W6_r1, b6_r1):
    s0p = _prep_edges(edge_index_r0[0])
    d0p = _prep_edges(edge_index_r0[1])
    s1p = _prep_edges(edge_index_r1[0])
    d1p = _prep_edges(edge_index_r1[1])

    zerosD = jnp.zeros((RPS, D), jnp.float32)

    idx4 = jnp.stack([s0p.reshape(EPAD), d0p.reshape(EPAD),
                      s1p.reshape(EPAD), d1p.reshape(EPAD)])
    degp = _deg_tc(idx4.reshape(4, 1, EPAD))
    degp8 = degp.reshape(4, NPAD)[:, :N].T

    xn0, xn1 = _prep(x, degp8)
    ap1 = _spmv_kernel(_pad_table(xn0), s0p, d0p,
                       _pad_table(xn1), s1p, d1p, zerosD)
    ap1r = ap1[:, :, :N, :].reshape(4, N, D)

    b1 = (b1_r0 + b1_r1).reshape(1, D)
    hn0, hn1 = _layer1(ap1r, degp8, W1_r0, W1_r1, b1)

    ap2 = _spmv_kernel(_pad_table(hn0), s0p, d0p,
                       _pad_table(hn1), s1p, d1p, zerosD)
    ap2r = ap2[:, :, :N, :].reshape(4, N, D)

    b6 = (b6_r0 + b6_r1).reshape(1, D)
    return _layer2(ap2r, degp8, W6_r0, W6_r1, b6)

# --- scband reference (transcript-rebuilt; emitter-appended) ---
"""Pipeline reference for scband-rgcn-61778809585719 (READ-ONLY COPY).

The authoritative reference and input builder live on the scoring server;
editing this copy changes nothing except your own understanding.
"""

import jax, jax.numpy as jnp
import numpy as np

N_NODES = 10000
D_IN = 128
D_HID = 128
D_OUT = 128
E = 320000


def _graph_conv(x, src, dst, W, b, n_nodes):
    # DGL GraphConv with norm='both': D_dst^{-1/2} A D_src^{-1/2} X W + b
    # in_feats == out_feats -> aggregate first, then apply weight.
    ones = jnp.ones((src.shape[0],), dtype=x.dtype)
    deg_out = jnp.zeros((n_nodes,), dtype=x.dtype).at[src].add(ones)
    deg_in = jnp.zeros((n_nodes,), dtype=x.dtype).at[dst].add(ones)
    norm_src = jnp.power(jnp.clip(deg_out, 1.0, None), -0.5)
    norm_dst = jnp.power(jnp.clip(deg_in, 1.0, None), -0.5)
    h = x * norm_src[:, None]
    msg = h[src]  # gather
    agg = jnp.zeros((n_nodes, x.shape[1]), dtype=x.dtype).at[dst].add(msg)  # scatter-add
    agg = agg * norm_dst[:, None]
    return agg @ W + b


def setup_inputs(seed: int = 0) -> dict:
    key = jax.random.key(seed)
    ks = jax.random.split(key, 12)
    x = jax.random.normal(ks[0], (N_NODES, D_IN), dtype=jnp.float32)
    edge_index_r0 = jax.random.randint(ks[1], (2, E), 0, N_NODES, dtype=jnp.int64)
    edge_index_r1 = jax.random.randint(ks[2], (2, E), 0, N_NODES, dtype=jnp.int64)
    s1 = 1.0 / np.sqrt(D_IN)
    s6 = 1.0 / np.sqrt(D_HID)
    return {
        "x": x,
        "edge_index_r0": edge_index_r0,
        "edge_index_r1": edge_index_r1,
        "W1_r0": jax.random.normal(ks[3], (D_IN, D_HID), dtype=jnp.float32) * s1,
        "b1_r0": jnp.zeros((D_HID,), dtype=jnp.float32),
        "W1_r1": jax.random.normal(ks[4], (D_IN, D_HID), dtype=jnp.float32) * s1,
        "b1_r1": jnp.zeros((D_HID,), dtype=jnp.float32),
        "W6_r0": jax.random.normal(ks[5], (D_HID, D_OUT), dtype=jnp.float32) * s6,
        "b6_r0": jnp.zeros((D_OUT,), dtype=jnp.float32),
        "W6_r1": jax.random.normal(ks[6], (D_HID, D_OUT), dtype=jnp.float32) * s6,
        "b6_r1": jnp.zeros((D_OUT,), dtype=jnp.float32),
    }


def reference(x, edge_index_r0, edge_index_r1, W1_r0, b1_r0, W1_r1, b1_r1, W6_r0, b6_r0, W6_r1, b6_r1):
    n = x.shape[0]
    s0, d0 = edge_index_r0[0], edge_index_r0[1]
    s1, d1 = edge_index_r1[0], edge_index_r1[1]
    # conv1: HeteroGraphConv sum over relations, then relu
    h = _graph_conv(x, s0, d0, W1_r0, b1_r0, n) + _graph_conv(x, s1, d1, W1_r1, b1_r1, n)
    h = jax.nn.relu(h)
    # conv6: HeteroGraphConv sum over relations
    out = _graph_conv(h, s0, d0, W6_r0, b6_r0, n) + _graph_conv(h, s1, d1, W6_r1, b6_r1, n)
    return out

if __name__ == "__main__":
    import jax
    _d = setup_inputs()
    print(jax.jit(kernel)(*tuple(_d.values())))

</pallas_src>

<mosaic_0001>
#map = affine_map<(d0, d1) -> (0, 0)>
#map1 = affine_map<(d0, d1) -> (0, 0, 0)>
#map2 = affine_map<(d0, d1) -> (0, 0, 0, 0)>
module attributes {stable_mosaic.version = 14 : i64} {
  func.func @_spmv_kernel(%arg0: i32, %arg1: i32, %arg2: memref<10240x128xf32, #tpu.memory_space<hbm>>, %arg3: memref<32x80x128xi32, #tpu.memory_space<hbm>>, %arg4: memref<32x80x128xi32, #tpu.memory_space<hbm>>, %arg5: memref<10240x128xf32, #tpu.memory_space<hbm>>, %arg6: memref<32x80x128xi32, #tpu.memory_space<hbm>>, %arg7: memref<32x80x128xi32, #tpu.memory_space<hbm>>, %arg8: memref<640x128xf32, #tpu.memory_space<hbm>>, %arg9: memref<2x2x10240x128xf32, #tpu.memory_space<hbm>>, %arg10: memref<16x128xi32, #tpu.memory_space<vmem>>, %arg11: memref<16x128xi32, #tpu.memory_space<vmem>>, %arg12: memref<128x128xf32, #tpu.memory_space<vmem>>, %arg13: memref<128x128xf32, #tpu.memory_space<vmem>>, %arg14: memref<10240x128xf32, #tpu.memory_space<vmem_shared>>, %arg15: memref<!tpu.dma_semaphore, #tpu.memory_space<semaphore_mem>>, %arg16: memref<!tpu.dma_semaphore, #tpu.memory_space<semaphore_mem>>, %arg17: memref<!tpu.dma_semaphore, #tpu.memory_space<semaphore_mem>>, %arg18: memref<!tpu.dma_semaphore, #tpu.memory_space<semaphore_mem>>) attributes {dimension_semantics = [#tpu.dimension_semantics<core_parallel>, #tpu.dimension_semantics<subcore_parallel>], iteration_bounds = array<i64: 2, 16>, scalar_prefetch = 0 : i64, scratch_operands = 9 : i64, tpu.core_type = #tpu.core_type<sc_vector_subcore>, window_params = [{transform_indices = #map}, {transform_indices = #map1}, {transform_indices = #map1}, {transform_indices = #map}, {transform_indices = #map1}, {transform_indices = #map1}, {transform_indices = #map}, {transform_indices = #map2}]} {
    %mul3A = arith.constant 16 : i32
    %mul3A_0 = arith.muli %arg0, %mul3A : i32
    %add3A = arith.addi %mul3A_0, %arg1 : i32
    %mul3A_1 = arith.constant 640 : i32
    %mul3A_2 = arith.muli %arg1, %mul3A_1 : i32
    "tpu.region"() ({
      %run_scoped3A_32 = tpu.sem_alloc : memref<!tpu.dma_semaphore, #tpu.memory_space<semaphore_mem>>
      %dma_start3A = arith.constant 0 : i32
      %dma_start3A_33 = tpu.memref_slice %arg14[%mul3A_2, %dma_start3A] : memref<10240x128xf32, #tpu.memory_space<vmem_shared>> -> memref<640x128xf32, #tpu.memory_space<vmem_shared>>
      tpu.enqueue_dma source(%arg8 : memref<640x128xf32, #tpu.memory_space<hbm>>) target(%dma_start3A_33 : memref<640x128xf32, #tpu.memory_space<vmem_shared>>) target_semaphore(%run_scoped3A_32 : memref<!tpu.dma_semaphore, #tpu.memory_space<semaphore_mem>>)
      %dma_wait3A = arith.constant 0 : i32
      %dma_wait3A_34 = tpu.memref_slice %arg14[%mul3A_2, %dma_wait3A] : memref<10240x128xf32, #tpu.memory_space<vmem_shared>> -> memref<640x128xf32, #tpu.memory_space<vmem_shared>>
      tpu.wait_dma2 semaphore(%run_scoped3A_32 : memref<!tpu.dma_semaphore, #tpu.memory_space<semaphore_mem>>) src(%arg8 : memref<640x128xf32, #tpu.memory_space<hbm>>) dst(%dma_wait3A_34 : memref<640x128xf32, #tpu.memory_space<vmem_shared>>)
      tpu.yield
    }) : () -> ()
    %barrier3A = arith.constant 0 : index
    tpu.barrier barrier_id(%barrier3A)
    %scan3A = arith.constant 0 : i32
    %scan3A_3 = arith.constant 0 : i32
    %scan3A_4 = arith.constant 5 : i32
    %scan3A_5 = arith.addi %scan3A_3, %scan3A_4 : i32
    %scan3A_6 = arith.constant 1 : i32
    %scan3A_7 = scf.for %scan3A_32 = %scan3A_3 to %scan3A_5 step %scan3A_6 iter_args(%scan3A_33 = %scan3A) -> (i32)  : i32 {
      %mul3A_34 = arith.constant 16 : i32
      %mul3A_35 = arith.muli %scan3A_32, %mul3A_34 : i32
      "tpu.region"() ({
        %run_scoped3A_485 = tpu.sem_alloc : memref<!tpu.dma_semaphore, #tpu.memory_space<semaphore_mem>>
        %dma_start3A_486 = arith.constant 0 : i32
        %dma_start3A_487 = tpu.memref_slice %arg3[%add3A, %mul3A_35, %dma_start3A_486] : memref<32x80x128xi32, #tpu.memory_space<hbm>> -> memref<1x16x128xi32, #tpu.memory_space<hbm>>
        %dma_start3A_488 = tpu.memref_squeeze %dma_start3A_487 : memref<1x16x128xi32, #tpu.memory_space<hbm>> -> memref<16x128xi32, #tpu.memory_space<hbm>>
        %dma_start3A_489 = arith.constant 0 : i32
        %dma_start3A_490 = tpu.memref_slice %arg3[%add3A, %mul3A_35, %dma_start3A_489] : memref<32x80x128xi32, #tpu.memory_space<hbm>> -> memref<1x16x128xi32, #tpu.memory_space<hbm>>
        %dma_start3A_491 = tpu.memref_squeeze %dma_start3A_490 : memref<1x16x128xi32, #tpu.memory_space<hbm>> -> memref<16x128xi32, #tpu.memory_space<hbm>>
        tpu.enqueue_dma source(%dma_start3A_491 : memref<16x128xi32, #tpu.memory_space<hbm>>) target(%arg10 : memref<16x128xi32, #tpu.memory_space<vmem>>) target_semaphore(%run_scoped3A_485 : memref<!tpu.dma_semaphore, #tpu.memory_space<semaphore_mem>>)
        %dma_wait3A_492 = arith.constant 0 : i32
        %dma_wait3A_493 = tpu.memref_slice %arg3[%add3A, %mul3A_35, %dma_wait3A_492] : memref<32x80x128xi32, #tpu.memory_space<hbm>> -> memref<1x16x128xi32, #tpu.memory_space<hbm>>
        %dma_wait3A_494 = tpu.memref_squeeze %dma_wait3A_493 : memref<1x16x128xi32, #tpu.memory_space<hbm>> -> memref<16x128xi32, #tpu.memory_space<hbm>>
        %dma_wait3A_495 = arith.constant 0 : i32
        %dma_wait3A_496 = tpu.memref_slice %arg3[%add3A, %mul3A_35, %dma_wait3A_495] : memref<32x80x128xi32, #tpu.memory_space<hbm>> -> memref<1x16x128xi32, #tpu.memory_space<hbm>>
        %dma_wait3A_497 = tpu.memref_squeeze %dma_wait3A_496 : memref<1x16x128xi32, #tpu.memory_space<hbm>> -> memref<16x128xi32, #tpu.memory_space<hbm>>
        tpu.wait_dma2 semaphore(%run_scoped3A_485 : memref<!tpu.dma_semaphore, #tpu.memory_space<semaphore_mem>>) src(%dma_wait3A_497 : memref<16x128xi32, #tpu.memory_space<hbm>>) dst(%arg10 : memref<16x128xi32, #tpu.memory_space<vmem>>)
        tpu.yield
      }) : () -> ()
      %mul3A_36 = arith.constant 16 : i32
      %mul3A_37 = arith.muli %scan3A_32, %mul3A_36 : i32
      "tpu.region"() ({
        %run_scoped3A_485 = tpu.sem_alloc : memref<!tpu.dma_semaphore, #tpu.memory_space<semaphore_mem>>
        %dma_start3A_486 = arith.constant 0 : i32
        %dma_start3A_487 = tpu.memref_slice %arg4[%add3A, %mul3A_37, %dma_start3A_486] : memref<32x80x128xi32, #tpu.memory_space<hbm>> -> memref<1x16x128xi32, #tpu.memory_space<hbm>>
        %dma_start3A_488 = tpu.memref_squeeze %dma_start3A_487 : memref<1x16x128xi32, #tpu.memory_space<hbm>> -> memref<16x128xi32, #tpu.memory_space<hbm>>
        %dma_start3A_489 = arith.constant 0 : i32
        %dma_start3A_490 = tpu.memref_slice %arg4[%add3A, %mul3A_37, %dma_start3A_489] : memref<32x80x128xi32, #tpu.memory_space<hbm>> -> memref<1x16x128xi32, #tpu.memory_space<hbm>>
        %dma_start3A_491 = tpu.memref_squeeze %dma_start3A_490 : memref<1x16x128xi32, #tpu.memory_space<hbm>> -> memref<16x128xi32, #tpu.memory_space<hbm>>
        tpu.enqueue_dma source(%dma_start3A_491 : memref<16x128xi32, #tpu.memory_space<hbm>>) target(%arg11 : memref<16x128xi32, #tpu.memory_space<vmem>>) target_semaphore(%run_scoped3A_485 : memref<!tpu.dma_semaphore, #tpu.memory_space<semaphore_mem>>)
        %dma_wait3A_492 = arith.constant 0 : i32
        %dma_wait3A_493 = tpu.memref_slice %arg4[%add3A, %mul3A_37, %dma_wait3A_492] : memref<32x80x128xi32, #tpu.memory_space<hbm>> -> memref<1x16x128xi32, #tpu.memory_space<hbm>>
        %dma_wait3A_494 = tpu.memref_squeeze %dma_wait3A_493 : memref<1x16x128xi32, #tpu.memory_space<hbm>> -> memref<16x128xi32, #tpu.memory_space<hbm>>
        %dma_wait3A_495 = arith.constant 0 : i32
        %dma_wait3A_496 = tpu.memref_slice %arg4[%add3A, %mul3A_37, %dma_wait3A_495] : memref<32x80x128xi32, #tpu.memory_space<hbm>> -> memref<1x16x128xi32, #tpu.memory_space<hbm>>
        %dma_wait3A_497 = tpu.memref_squeeze %dma_wait3A_496 : memref<1x16x128xi32, #tpu.memory_space<hbm>> -> memref<16x128xi32, #tpu.memory_space<hbm>>
        tpu.wait_dma2 semaphore(%run_scoped3A_485 : memref<!tpu.dma_semaphore, #tpu.memory_space<semaphore_mem>>) src(%dma_wait3A_497 : memref<16x128xi32, #tpu.memory_space<hbm>>) dst(%arg11 : memref<16x128xi32, #tpu.memory_space<vmem>>)
        tpu.yield
      }) : () -> ()
      %dma_start3A = arith.constant 0 : i32
      %dma_start3A_38 = arith.constant 0 : i32
      %dma_start3A_39 = tpu.memref_slice %arg10[%dma_start3A, %dma_start3A_38] : memref<16x128xi32, #tpu.memory_space<vmem>> -> memref<1x128xi32, #tpu.memory_space<vmem>>
      %dma_start3A_40 = tpu.memref_squeeze %dma_start3A_39 : memref<1x128xi32, #tpu.memory_space<vmem>> -> memref<128xi32, #tpu.memory_space<vmem>>
      %dma_start3A_41 = arith.constant 0 : i32
      %dma_start3A_42 = arith.constant 0 : i32
      %dma_start3A_43 = tpu.memref_slice %arg2[%dma_start3A_41, %dma_start3A_42] : memref<10240x128xf32, #tpu.memory_space<hbm>> -> memref<10240x128xf32, #tpu.memory_space<hbm>>
      tpu.enqueue_indirect_dma source(%dma_start3A_43 : memref<10240x128xf32, #tpu.memory_space<hbm>>) target(%arg12 : memref<128x128xf32, #tpu.memory_space<vmem>>) offsets(%dma_start3A_40 : memref<128xi32, #tpu.memory_space<vmem>>) semaphore(%arg15 : memref<!tpu.dma_semaphore, #tpu.memory_space<semaphore_mem>>)
      %dma_start3A_44 = arith.constant 1 : i32
      %dma_start3A_45 = arith.constant 0 : i32
      %dma_start3A_46 = tpu.memref_slice %arg10[%dma_start3A_44, %dma_start3A_45] : memref<16x128xi32, #tpu.memory_space<vmem>> -> memref<1x128xi32, #tpu.memory_space<vmem>>
      %dma_start3A_47 = tpu.memref_squeeze %dma_start3A_46 : memref<1x128xi32, #tpu.memory_space<vmem>> -> memref<128xi32, #tpu.memory_space<vmem>>
      %dma_start3A_48 = arith.constant 0 : i32
      %dma_start3A_49 = arith.constant 0 : i32
      %dma_start3A_50 = tpu.memref_slice %arg2[%dma_start3A_48, %dma_start3A_49] : memref<10240x128xf32, #tpu.memory_space<hbm>> -> memref<10240x128xf32, #tpu.memory_space<hbm>>
      tpu.enqueue_indirect_dma source(%dma_start3A_50 : memref<10240x128xf32, #tpu.memory_space<hbm>>) target(%arg13 : memref<128x128xf32, #tpu.memory_space<vmem>>) offsets(%dma_start3A_47 : memref<128xi32, #tpu.memory_space<vmem>>) semaphore(%arg16 : memref<!tpu.dma_semaphore, #tpu.memory_space<semaphore_mem>>)
      %dma_wait3A = arith.constant 0 : i32
      %dma_wait3A_51 = arith.constant 0 : i32
      %dma_wait3A_52 = tpu.memref_slice %arg10[%dma_wait3A, %dma_wait3A_51] : memref<16x128xi32, #tpu.memory_space<vmem>> -> memref<1x128xi32, #tpu.memory_space<vmem>>
      %dma_wait3A_53 = tpu.memref_squeeze %dma_wait3A_52 : memref<1x128xi32, #tpu.memory_space<vmem>> -> memref<128xi32, #tpu.memory_space<vmem>>
      %dma_wait3A_54 = arith.constant 0 : i32
      %dma_wait3A_55 = arith.constant 0 : i32
      %dma_wait3A_56 = tpu.memref_slice %arg2[%dma_wait3A_54, %dma_wait3A_55] : memref<10240x128xf32, #tpu.memory_space<hbm>> -> memref<10240x128xf32, #tpu.memory_space<hbm>>
      tpu.wait_indirect_dma semaphore(%arg15 : memref<!tpu.dma_semaphore, #tpu.memory_space<semaphore_mem>>) src(%dma_wait3A_56 : memref<10240x128xf32, #tpu.memory_space<hbm>>) dst(%arg12 : memref<128x128xf32, #tpu.memory_space<vmem>>)
      %dma_start3A_57 = arith.constant 0 : i32
      %dma_start3A_58 = arith.constant 0 : i32
      %dma_start3A_59 = tpu.memref_slice %arg11[%dma_start3A_57, %dma_start3A_58] : memref<16x128xi32, #tpu.memory_space<vmem>> -> memref<1x128xi32, #tpu.memory_space<vmem>>
      %dma_start3A_60 = tpu.memref_squeeze %dma_start3A_59 : memref<1x128xi32, #tpu.memory_space<vmem>> -> memref<128xi32, #tpu.memory_space<vmem>>
      %dma_start3A_61 = arith.constant 0 : i32
      %dma_start3A_62 = arith.constant 0 : i32
      %dma_start3A_63 = tpu.memref_slice %arg14[%dma_start3A_61, %dma_start3A_62] : memref<10240x128xf32, #tpu.memory_space<vmem_shared>> -> memref<10240x128xf32, #tpu.memory_space<vmem_shared>>
      tpu.enqueue_indirect_dma source(%arg12 : memref<128x128xf32, #tpu.memory_space<vmem>>) target(%dma_start3A_63 : memref<10240x128xf32, #tpu.memory_space<vmem_shared>>) offsets(%dma_start3A_60 : memref<128xi32, #tpu.memory_space<vmem>>) semaphore(%arg17 : memref<!tpu.dma_semaphore, #tpu.memory_space<semaphore_mem>>) {add = true}
      %dma_wait3A_64 = arith.constant 0 : i32
      %dma_wait3A_65 = arith.constant 0 : i32
      %dma_wait3A_66 = tpu.memref_slice %arg11[%dma_wait3A_64, %dma_wait3A_65] : memref<16x128xi32, #tpu.memory_space<vmem>> -> memref<1x128xi32, #tpu.memory_space<vmem>>
      %dma_wait3A_67 = tpu.memref_squeeze %dma_wait3A_66 : memref<1x128xi32, #tpu.memory_space<vmem>> -> memref<128xi32, #tpu.memory_space<vmem>>
      %dma_wait3A_68 = arith.constant 0 : i32
      %dma_wait3A_69 = arith.constant 0 : i32
      %dma_wait3A_70 = tpu.memref_slice %arg14[%dma_wait3A_68, %dma_wait3A_69] : memref<10240x128xf32, #tpu.memory_space<vmem_shared>> -> memref<10240x128xf32, #tpu.memory_space<vmem_shared>>
      tpu.wait_indirect_dma semaphore(%arg17 : memref<!tpu.dma_semaphore, #tpu.memory_space<semaphore_mem>>) src(%arg12 : memref<128x128xf32, #tpu.memory_space<vmem>>) dst(%dma_wait3A_70 : memref<10240x128xf32, #tpu.memory_space<vmem_shared>>)
      %dma_start3A_71 = arith.constant 2 : i32
      %dma_start3A_72 = arith.constant 0 : i32
      %dma_start3A_73 = tpu.memref_slice %arg10[%dma_start3A_71, %dma_start3A_72] : memref<16x128xi32, #tpu.memory_space<vmem>> -> memref<1x128xi32, #tpu.memory_space<vmem>>
      %dma_start3A_74 = tpu.memref_squeeze %dma_start3A_73 : memref<1x128xi32, #tpu.memory_space<vmem>> -> memref<128xi32, #tpu.memory_space<vmem>>
      %dma_start3A_75 = arith.constant 0 : i32
      %dma_start3A_76 = arith.constant 0 : i32
      %dma_start3A_77 = tpu.memref_slice %arg2[%dma_start3A_75, %dma_start3A_76] : memref<10240x128xf32, #tpu.memory_space<hbm>> -> memref<10240x128xf32, #tpu.memory_space<hbm>>
      tpu.enqueue_indirect_dma source(%dma_start3A_77 : memref<10240x128xf32, #tpu.memory_space<hbm>>) target(%arg12 : memref<128x128xf32, #tpu.memory_space<vmem>>) offsets(%dma_start3A_74 : memref<128xi32, #tpu.memory_space<vmem>>) semaphore(%arg15 : memref<!tpu.dma_semaphore, #tpu.memory_space<semaphore_mem>>)
      %dma_wait3A_78 = arith.constant 1 : i32
      %dma_wait3A_79 = arith.constant 0 : i32
      %dma_wait3A_80 = tpu.memref_slice %arg10[%dma_wait3A_78, %dma_wait3A_79] : memref<16x128xi32, #tpu.memory_space<vmem>> -> memref<1x128xi32, #tpu.memory_space<vmem>>
      %dma_wait3A_81 = tpu.memref_squeeze %dma_wait3A_80 : memref<1x128xi32, #tpu.memory_space<vmem>> -> memref<128xi32, #tpu.memory_space<vmem>>
      %dma_wait3A_82 = arith.constant 0 : i32
      %dma_wait3A_83 = arith.constant 0 : i32
      %dma_wait3A_84 = tpu.memref_slice %arg2[%dma_wait3A_82, %dma_wait3A_83] : memref<10240x128xf32, #tpu.memory_space<hbm>> -> memref<10240x128xf32, #tpu.memory_space<hbm>>
      tpu.wait_indirect_dma semaphore(%arg16 : memref<!tpu.dma_semaphore, #tpu.memory_space<semaphore_mem>>) src(%dma_wait3A_84 : memref<10240x128xf32, #tpu.memory_space<hbm>>) dst(%arg13 : memref<128x128xf32, #tpu.memory_space<vmem>>)
      %dma_start3A_85 = arith.constant 1 : i32
      %dma_start3A_86 = arith.constant 0 : i32
      %dma_start3A_87 = tpu.memref_slice %arg11[%dma_start3A_85, %dma_start3A_86] : memref<16x128xi32, #tpu.memory_space<vmem>> -> memref<1x128xi32, #tpu.memory_space<vmem>>
      %dma_start3A_88 = tpu.memref_squeeze %dma_start3A_87 : memref<1x128xi32, #tpu.memory_space<vmem>> -> memref<128xi32, #tpu.memory_space<vmem>>
      %dma_start3A_89 = arith.constant 0 : i32
      %dma_start3A_90 = arith.constant 0 : i32
      %dma_start3A_91 = tpu.memref_slice %arg14[%dma_start3A_89, %dma_start3A_90] : memref<10240x128xf32, #tpu.memory_space<vmem_shared>> -> memref<10240x128xf32, #tpu.memory_space<vmem_shared>>
      tpu.enqueue_indirect_dma source(%arg13 : memref<128x128xf32, #tpu.memory_space<vmem>>) target(%dma_start3A_91 : memref<10240x128xf32, #tpu.memory_space<vmem_shared>>) offsets(%dma_start3A_88 : memref<128xi32, #tpu.memory_space<vmem>>) semaphore(%arg18 : memref<!tpu.dma_semaphore, #tpu.memory_space<semaphore_mem>>) {add = true}
      %dma_wait3A_92 = arith.constant 1 : i32
      %dma_wait3A_93 = arith.constant 0 : i32
      %dma_wait3A_94 = tpu.memref_slice %arg11[%dma_wait3A_92, %dma_wait3A_93] : memref<16x128xi32, #tpu.memory_space<vmem>> -> memref<1x128xi32, #tpu.memory_space<vmem>>
      %dma_wait3A_95 = tpu.memref_squeeze %dma_wait3A_94 : memref<1x128xi32, #tpu.memory_space<vmem>> -> memref<128xi32, #tpu.memory_space<vmem>>
      %dma_wait3A_96 = arith.constant 0 : i32
      %dma_wait3A_97 = arith.constant 0 : i32
      %dma_wait3A_98 = tpu.memref_slice %arg14[%dma_wait3A_96, %dma_wait3A_97] : memref<10240x128xf32, #tpu.memory_space<vmem_shared>> -> memref<10240x128xf32, #tpu.memory_space<vmem_shared>>
      tpu.wait_indirect_dma semaphore(%arg18 : memref<!tpu.dma_semaphore, #tpu.memory_space<semaphore_mem>>) src(%arg13 : memref<128x128xf32, #tpu.memory_space<vmem>>) dst(%dma_wait3A_98 : memref<10240x128xf32, #tpu.memory_space<vmem_shared>>)
      %dma_start3A_99 = arith.constant 3 : i32
      %dma_start3A_100 = arith.constant 0 : i32
      %dma_start3A_101 = tpu.memref_slice %arg10[%dma_start3A_99, %dma_start3A_100] : memref<16x128xi32, #tpu.memory_space<vmem>> -> memref<1x128xi32, #tpu.memory_space<vmem>>
      %dma_start3A_102 = tpu.memref_squeeze %dma_start3A_101 : memref<1x128xi32, #tpu.memory_space<vmem>> -> memref<128xi32, #tpu.memory_space<vmem>>
      %dma_start3A_103 = arith.constant 0 : i32
      %dma_start3A_104 = arith.constant 0 : i32
      %dma_start3A_105 = tpu.memref_slice %arg2[%dma_start3A_103, %dma_start3A_104] : memref<10240x128xf32, #tpu.memory_space<hbm>> -> memref<10240x128xf32, #tpu.memory_space<hbm>>
      tpu.enqueue_indirect_dma source(%dma_start3A_105 : memref<10240x128xf32, #tpu.memory_space<hbm>>) target(%arg13 : memref<128x128xf32, #tpu.memory_space<vmem>>) offsets(%dma_start3A_102 : memref<128xi32, #tpu.memory_space<vmem>>) semaphore(%arg16 : memref<!tpu.dma_semaphore, #tpu.memory_space<semaphore_mem>>)
      %dma_wait3A_106 = arith.constant 2 : i32
      %dma_wait3A_107 = arith.constant 0 : i32
      %dma_wait3A_108 = tpu.memref_slice %arg10[%dma_wait3A_106, %dma_wait3A_107] : memref<16x128xi32, #tpu.memory_space<vmem>> -> memref<1x128xi32, #tpu.memory_space<vmem>>
      %dma_wait3A_109 = tpu.memref_squeeze %dma_wait3A_108 : memref<1x128xi32, #tpu.memory_space<vmem>> -> memref<128xi32, #tpu.memory_space<vmem>>
      %dma_wait3A_110 = arith.constant 0 : i32
      %dma_wait3A_111 = arith.constant 0 : i32
      %dma_wait3A_112 = tpu.memref_slice %arg2[%dma_wait3A_110, %dma_wait3A_111] : memref<10240x128xf32, #tpu.memory_space<hbm>> -> memref<10240x128xf32, #tpu.memory_space<hbm>>
      tpu.wait_indirect_dma semaphore(%arg15 : memref<!tpu.dma_semaphore, #tpu.memory_space<semaphore_mem>>) src(%dma_wait3A_112 : memref<10240x128xf32, #tpu.memory_space<hbm>>) dst(%arg12 : memref<128x128xf32, #tpu.memory_space<vmem>>)
      %dma_start3A_113 = arith.constant 2 : i32
      %dma_start3A_114 = arith.constant 0 : i32
      %dma_start3A_115 = tpu.memref_slice %arg11[%dma_start3A_113, %dma_start3A_114] : memref<16x128xi32, #tpu.memory_space<vmem>> -> memref<1x128xi32, #tpu.memory_space<vmem>>
      %dma_start3A_116 = tpu.memref_squeeze %dma_start3A_115 : memref<1x128xi32, #tpu.memory_space<vmem>> -> memref<128xi32, #tpu.memory_space<vmem>>
      %dma_start3A_117 = arith.constant 0 : i32
      %dma_start3A_118 = arith.constant 0 : i32
      %dma_start3A_119 = tpu.memref_slice %arg14[%dma_start3A_117, %dma_start3A_118] : memref<10240x128xf32, #tpu.memory_space<vmem_shared>> -> memref<10240x128xf32, #tpu.memory_space<vmem_shared>>
      tpu.enqueue_indirect_dma source(%arg12 : memref<128x128xf32, #tpu.memory_space<vmem>>) target(%dma_start3A_119 : memref<10240x128xf32, #tpu.memory_space<vmem_shared>>) offsets(%dma_start3A_116 : memref<128xi32, #tpu.memory_space<vmem>>) semaphore(%arg17 : memref<!tpu.dma_semaphore, #tpu.memory_space<semaphore_mem>>) {add = true}
      %dma_wait3A_120 = arith.constant 2 : i32
      %dma_wait3A_121 = arith.constant 0 : i32
      %dma_wait3A_122 = tpu.memref_slice %arg11[%dma_wait3A_120, %dma_wait3A_121] : memref<16x128xi32, #tpu.memory_space<vmem>> -> memref<1x128xi32, #tpu.memory_space<vmem>>
      %dma_wait3A_123 = tpu.memref_squeeze %dma_wait3A_122 : memref<1x128xi32, #tpu.memory_space<vmem>> -> memref<128xi32, #tpu.memory_space<vmem>>
      %dma_wait3A_124 = arith.constant 0 : i32
      %dma_wait3A_125 = arith.constant 0 : i32
      %dma_wait3A_126 = tpu.memref_slice %arg14[%dma_wait3A_124, %dma_wait3A_125] : memref<10240x128xf32, #tpu.memory_space<vmem_shared>> -> memref<10240x128xf32, #tpu.memory_space<vmem_shared>>
      tpu.wait_indirect_dma semaphore(%arg17 : memref<!tpu.dma_semaphore, #tpu.memory_space<semaphore_mem>>) src(%arg12 : memref<128x128xf32, #tpu.memory_space<vmem>>) dst(%dma_wait3A_126 : memref<10240x128xf32, #tpu.memory_space<vmem_shared>>)
      %dma_start3A_127 = arith.constant 4 : i32
      %dma_start3A_128 = arith.constant 0 : i32
      %dma_start3A_129 = tpu.memref_slice %arg10[%dma_start3A_127, %dma_start3A_128] : memref<16x128xi32, #tpu.memory_space<vmem>> -> memref<1x128xi32, #tpu.memory_space<vmem>>
      %dma_start3A_130 = tpu.memref_squeeze %dma_start3A_129 : memref<1x128xi32, #tpu.memory_space<vmem>> -> memref<128xi32, #tpu.memory_space<vmem>>
      %dma_start3A_131 = arith.constant 0 : i32
      %dma_start3A_132 = arith.constant 0 : i32
      %dma_start3A_133 = tpu.memref_slice %arg2[%dma_start3A_131, %dma_start3A_132] : memref<10240x128xf32, #tpu.memory_space<hbm>> -> memref<10240x128xf32, #tpu.memory_space<hbm>>
      tpu.enqueue_indirect_dma source(%dma_start3A_133 : memref<10240x128xf32, #tpu.memory_space<hbm>>) target(%arg12 : memref<128x128xf32, #tpu.memory_space<vmem>>) offsets(%dma_start3A_130 : memref<128xi32, #tpu.memory_space<vmem>>) semaphore(%arg15 : memref<!tpu.dma_semaphore, #tpu.memory_space<semaphore_mem>>)
      %dma_wait3A_134 = arith.constant 3 : i32
      %dma_wait3A_135 = arith.constant 0 : i32
      %dma_wait3A_136 = tpu.memref_slice %arg10[%dma_wait3A_134, %dma_wait3A_135] : memref<16x128xi32, #tpu.memory_space<vmem>> -> memref<1x128xi32, #tpu.memory_space<vmem>>
      %dma_wait3A_137 = tpu.memref_squeeze %dma_wait3A_136 : memref<1x128xi32, #tpu.memory_space<vmem>> -> memref<128xi32, #tpu.memory_space<vmem>>
      %dma_wait3A_138 = arith.constant 0 : i32
      %dma_wait3A_139 = arith.constant 0 : i32
      %dma_wait3A_140 = tpu.memref_slice %arg2[%dma_wait3A_138, %dma_wait3A_139] : memref<10240x128xf32, #tpu.memory_space<hbm>> -> memref<10240x128xf32, #tpu.memory_space<hbm>>
      tpu.wait_indirect_dma semaphore(%arg16 : memref<!tpu.dma_semaphore, #tpu.memory_space<semaphore_mem>>) src(%dma_wait3A_140 : memref<10240x128xf32, #tpu.memory_space<hbm>>) dst(%arg13 : memref<128x128xf32, #tpu.memory_space<vmem>>)
      %dma_start3A_141 = arith.constant 3 : i32
      %dma_start3A_142 = arith.constant 0 : i32
      %dma_start3A_143 = tpu.memref_slice %arg11[%dma_start3A_141, %dma_start3A_142] : memref<16x128xi32, #tpu.memory_space<vmem>> -> memref<1x128xi32, #tpu.memory_space<vmem>>
      %dma_start3A_144 = tpu.memref_squeeze %dma_start3A_143 : memref<1x128xi32, #tpu.memory_space<vmem>> -> memref<128xi32, #tpu.memory_space<vmem>>
      %dma_start3A_145 = arith.constant 0 : i32
      %dma_start3A_146 = arith.constant 0 : i32
      %dma_start3A_147 = tpu.memref_slice %arg14[%dma_start3A_145, %dma_start3A_146] : memref<10240x128xf32, #tpu.memory_space<vmem_shared>> -> memref<10240x128xf32, #tpu.memory_space<vmem_shared>>
      tpu.enqueue_indirect_dma source(%arg13 : memref<128x128xf32, #tpu.memory_space<vmem>>) target(%dma_start3A_147 : memref<10240x128xf32, #tpu.memory_space<vmem_shared>>) offsets(%dma_start3A_144 : memref<128xi32, #tpu.memory_space<vmem>>) semaphore(%arg18 : memref<!tpu.dma_semaphore, #tpu.memory_space<semaphore_mem>>) {add = true}
      %dma_wait3A_148 = arith.constant 3 : i32
      %dma_wait3A_149 = arith.constant 0 : i32
      %dma_wait3A_150 = tpu.memref_slice %arg11[%dma_wait3A_148, %dma_wait3A_149] : memref<16x128xi32, #tpu.memory_space<vmem>> -> memref<1x128xi32, #tpu.memory_space<vmem>>
      %dma_wait3A_151 = tpu.memref_squeeze %dma_wait3A_150 : memref<1x128xi32, #tpu.memory_space<vmem>> -> memref<128xi32, #tpu.memory_space<vmem>>
      %dma_wait3A_152 = arith.constant 0 : i32
      %dma_wait3A_153 = arith.constant 0 : i32
      %dma_wait3A_154 = tpu.memref_slice %arg14[%dma_wait3A_152, %dma_wait3A_153] : memref<10240x128xf32, #tpu.memory_space<vmem_shared>> -> memref<10240x128xf32, #tpu.memory_space<vmem_shared>>
      tpu.wait_indirect_dma semaphore(%arg18 : memref<!tpu.dma_semaphore, #tpu.memory_space<semaphore_mem>>) src(%arg13 : memref<128x128xf32, #tpu.memory_space<vmem>>) dst(%dma_wait3A_154 : memref<10240x128xf32, #tpu.memory_space<vmem_shared>>)
      %dma_start3A_155 = arith.constant 5 : i32
      %dma_start3A_156 = arith.constant 0 : i32
      %dma_start3A_157 = tpu.memref_slice %arg10[%dma_start3A_155, %dma_start3A_156] : memref<16x128xi32, #tpu.memory_space<vmem>> -> memref<1x128xi32, #tpu.memory_space<vmem>>
      %dma_start3A_158 = tpu.memref_squeeze %dma_start3A_157 : memref<1x128xi32, #tpu.memory_space<vmem>> -> memref<128xi32, #tpu.memory_space<vmem>>
      %dma_start3A_159 = arith.constant 0 : i32
      %dma_start3A_160 = arith.constant 0 : i32
      %dma_start3A_161 = tpu.memref_slice %arg2[%dma_start3A_159, %dma_start3A_160] : memref<10240x128xf32, #tpu.memory_space<hbm>> -> memref<10240x128xf32, #tpu.memory_space<hbm>>
      tpu.enqueue_indirect_dma source(%dma_start3A_161 : memref<10240x128xf32, #tpu.memory_space<hbm>>) target(%arg13 : memref<128x128xf32, #tpu.memory_space<vmem>>) offsets(%dma_start3A_158 : memref<128xi32, #tpu.memory_space<vmem>>) semaphore(%arg16 : memref<!tpu.dma_semaphore, #tpu.memory_space<semaphore_mem>>)
      %dma_wait3A_162 = arith.constant 4 : i32
      %dma_wait3A_163 = arith.constant 0 : i32
      %dma_wait3A_164 = tpu.memref_slice %arg10[%dma_wait3A_162, %dma_wait3A_163] : memref<16x128xi32, #tpu.memory_space<vmem>> -> memref<1x128xi32, #tpu.memory_space<vmem>>
      %dma_wait3A_165 = tpu.memref_squeeze %dma_wait3A_164 : memref<1x128xi32, #tpu.memory_space<vmem>> -> memref<128xi32, #tpu.memory_space<vmem>>
      %dma_wait3A_166 = arith.constant 0 : i32
      %dma_wait3A_167 = arith.constant 0 : i32
      %dma_wait3A_168 = tpu.memref_slice %arg2[%dma_wait3A_166, %dma_wait3A_167] : memref<10240x128xf32, #tpu.memory_space<hbm>> -> memref<10240x128xf32, #tpu.memory_space<hbm>>
      tpu.wait_indirect_dma semaphore(%arg15 : memref<!tpu.dma_semaphore, #tpu.memory_space<semaphore_mem>>) src(%dma_wait3A_168 : memref<10240x128xf32, #tpu.memory_space<hbm>>) dst(%arg12 : memref<128x128xf32, #tpu.memory_space<vmem>>)
      %dma_start3A_169 = arith.constant 4 : i32
      %dma_start3A_170 = arith.constant 0 : i32
      %dma_start3A_171 = tpu.memref_slice %arg11[%dma_start3A_169, %dma_start3A_170] : memref<16x128xi32, #tpu.memory_space<vmem>> -> memref<1x128xi32, #tpu.memory_space<vmem>>
      %dma_start3A_172 = tpu.memref_squeeze %dma_start3A_171 : memref<1x128xi32, #tpu.memory_space<vmem>> -> memref<128xi32, #tpu.memory_space<vmem>>
      %dma_start3A_173 = arith.constant 0 : i32
      %dma_start3A_174 = arith.constant 0 : i32
      %dma_start3A_175 = tpu.memref_slice %arg14[%dma_start3A_173, %dma_start3A_174] : memref<10240x128xf32, #tpu.memory_space<vmem_shared>> -> memref<10240x128xf32, #tpu.memory_space<vmem_shared>>
      tpu.enqueue_indirect_dma source(%arg12 : memref<128x128xf32, #tpu.memory_space<vmem>>) target(%dma_start3A_175 : memref<10240x128xf32, #tpu.memory_space<vmem_shared>>) offsets(%dma_start3A_172 : memref<128xi32, #tpu.memory_space<vmem>>) semaphore(%arg17 : memref<!tpu.dma_semaphore, #tpu.memory_space<semaphore_mem>>) {add = true}
      %dma_wait3A_176 = arith.constant 4 : i32
      %dma_wait3A_177 = arith.constant 0 : i32
      %dma_wait3A_178 = tpu.memref_slice %arg11[%dma_wait3A_176, %dma_wait3A_177] : memref<16x128xi32, #tpu.memory_space<vmem>> -> memref<1x128xi32, #tpu.memory_space<vmem>>
      %dma_wait3A_179 = tpu.memref_squeeze %dma_wait3A_178 : memref<1x128xi32, #tpu.memory_space<vmem>> -> memref<128xi32, #tpu.memory_space<vmem>>
      %dma_wait3A_180 = arith.constant 0 : i32
      %dma_wait3A_181 = arith.constant 0 : i32
      %dma_wait3A_182 = tpu.memref_slice %arg14[%dma_wait3A_180, %dma_wait3A_181] : memref<10240x128xf32, #tpu.memory_space<vmem_shared>> -> memref<10240x128xf32, #tpu.memory_space<vmem_shared>>
      tpu.wait_indirect_dma semaphore(%arg17 : memref<!tpu.dma_semaphore, #tpu.memory_space<semaphore_mem>>) src(%arg12 : memref<128x128xf32, #tpu.memory_space<vmem>>) dst(%dma_wait3A_182 : memref<10240x128xf32, #tpu.memory_space<vmem_shared>>)
      %dma_start3A_183 = arith.constant 6 : i32
      %dma_start3A_184 = arith.constant 0 : i32
      %dma_start3A_185 = tpu.memref_slice %arg10[%dma_start3A_183, %dma_start3A_184] : memref<16x128xi32, #tpu.memory_space<vmem>> -> memref<1x128xi32, #tpu.memory_space<vmem>>
      %dma_start3A_186 = tpu.memref_squeeze %dma_start3A_185 : memref<1x128xi32, #tpu.memory_space<vmem>> -> memref<128xi32, #tpu.memory_space<vmem>>
      %dma_start3A_187 = arith.constant 0 : i32
      %dma_start3A_188 = arith.constant 0 : i32
      %dma_start3A_189 = tpu.memref_slice %arg2[%dma_start3A_187, %dma_start3A_188] : memref<10240x128xf32, #tpu.memory_space<hbm>> -> memref<10240x128xf32, #tpu.memory_space<hbm>>
      tpu.enqueue_indirect_dma source(%dma_start3A_189 : memref<10240x128xf32, #tpu.memory_space<hbm>>) target(%arg12 : memref<128x128xf32, #tpu.memory_space<vmem>>) offsets(%dma_start3A_186 : memref<128xi32, #tpu.memory_space<vmem>>) semaphore(%arg15 : memref<!tpu.dma_semaphore, #tpu.memory_space<semaphore_mem>>)
      %dma_wait3A_190 = arith.constant 5 : i32
      %dma_wait3A_191 = arith.constant 0 : i32
      %dma_wait3A_192 = tpu.memref_slice %arg10[%dma_wait3A_190, %dma_wait3A_191] : memref<16x128xi32, #tpu.memory_space<vmem>> -> memref<1x128xi32, #tpu.memory_space<vmem>>
      %dma_wait3A_193 = tpu.memref_squeeze %dma_wait3A_192 : memref<1x128xi32, #tpu.memory_space<vmem>> -> memref<128xi32, #tpu.memory_space<vmem>>
      %dma_wait3A_194 = arith.constant 0 : i32
      %dma_wait3A_195 = arith.constant 0 : i32
      %dma_wait3A_196 = tpu.memref_slice %arg2[%dma_wait3A_194, %dma_wait3A_195] : memref<10240x128xf32, #tpu.memory_space<hbm>> -> memref<10240x128xf32, #tpu.memory_space<hbm>>
      tpu.wait_indirect_dma semaphore(%arg16 : memref<!tpu.dma_semaphore, #tpu.memory_space<semaphore_mem>>) src(%dma_wait3A_196 : memref<10240x128xf32, #tpu.memory_space<hbm>>) dst(%arg13 : memref<128x128xf32, #tpu.memory_space<vmem>>)
      %dma_start3A_197 = arith.constant 5 : i32
      %dma_start3A_198 = arith.constant 0 : i32
      %dma_start3A_199 = tpu.memref_slice %arg11[%dma_start3A_197, %dma_start3A_198] : memref<16x128xi32, #tpu.memory_space<vmem>> -> memref<1x128xi32, #tpu.memory_space<vmem>>
      %dma_start3A_200 = tpu.memref_squeeze %dma_start3A_199 : memref<1x128xi32, #tpu.memory_space<vmem>> -> memref<128xi32, #tpu.memory_space<vmem>>
      %dma_start3A_201 = arith.constant 0 : i32
      %dma_start3A_202 = arith.constant 0 : i32
      %dma_start3A_203 = tpu.memref_slice %arg14[%dma_start3A_201, %dma_start3A_202] : memref<10240x128xf32, #tpu.memory_space<vmem_shared>> -> memref<10240x128xf32, #tpu.memory_space<vmem_shared>>
      tpu.enqueue_indirect_dma source(%arg13 : memref<128x128xf32, #tpu.memory_space<vmem>>) target(%dma_start3A_203 : memref<10240x128xf32, #tpu.memory_space<vmem_shared>>) offsets(%dma_start3A_200 : memref<128xi32, #tpu.memory_space<vmem>>) semaphore(%arg18 : memref<!tpu.dma_semaphore, #tpu.memory_space<semaphore_mem>>) {add = true}
      %dma_wait3A_204 = arith.constant 5 : i32
      %dma_wait3A_205 = arith.constant 0 : i32
      %dma_wait3A_206 = tpu.memref_slice %arg11[%dma_wait3A_204, %dma_wait3A_205] : memref<16x128xi32, #tpu.memory_space<vmem>> -> memref<1x128xi32, #tpu.memory_space<vmem>>
      %dma_wait3A_207 = tpu.memref_squeeze %dma_wait3A_206 : memref<1x128xi32, #tpu.memory_space<vmem>> -> memref<128xi32, #tpu.memory_space<vmem>>
      %dma_wait3A_208 = arith.constant 0 : i32
      %dma_wait3A_209 = arith.constant 0 : i32
      %dma_wait3A_210 = tpu.memref_slice %arg14[%dma_wait3A_208, %dma_wait3A_209] : memref<10240x128xf32, #tpu.memory_space<vmem_shared>> -> memref<10240x128xf32, #tpu.memory_space<vmem_shared>>
      tpu.wait_indirect_dma semaphore(%arg18 : memref<!tpu.dma_semaphore, #tpu.memory_space<semaphore_mem>>) src(%arg13 : memref<128x128xf32, #tpu.memory_space<vmem>>) dst(%dma_wait3A_210 : memref<10240x128xf32, #tpu.memory_space<vmem_shared>>)
      %dma_start3A_211 = arith.constant 7 : i32
      %dma_start3A_212 = arith.constant 0 : i32
      %dma_start3A_213 = tpu.memref_slice %arg10[%dma_start3A_211, %dma_start3A_212] : memref<16x128xi32, #tpu.memory_space<vmem>> -> memref<1x128xi32, #tpu.memory_space<vmem>>
      %dma_start3A_214 = tpu.memref_squeeze %dma_start3A_213 : memref<1x128xi32, #tpu.memory_space<vmem>> -> memref<128xi32, #tpu.memory_space<vmem>>
      %dma_start3A_215 = arith.constant 0 : i32
      %dma_start3A_216 = arith.constant 0 : i32
      %dma_start3A_217 = tpu.memref_slice %arg2[%dma_start3A_215, %dma_start3A_216] : memref<10240x128xf32, #tpu.memory_space<hbm>> -> memref<10240x128xf32, #tpu.memory_space<hbm>>
      tpu.enqueue_indirect_dma source(%dma_start3A_217 : memref<10240x128xf32, #tpu.memory_space<hbm>>) target(%arg13 : memref<128x128xf32, #tpu.memory_space<vmem>>) offsets(%dma_start3A_214 : memref<128xi32, #tpu.memory_space<vmem>>) semaphore(%arg16 : memref<!tpu.dma_semaphore, #tpu.memory_space<semaphore_mem>>)
      %dma_wait3A_218 = arith.constant 6 : i32
      %dma_wait3A_219 = arith.constant 0 : i32
      %dma_wait3A_220 = tpu.memref_slice %arg10[%dma_wait3A_218, %dma_wait3A_219] : memref<16x128xi32, #tpu.memory_space<vmem>> -> memref<1x128xi32, #tpu.memory_space<vmem>>
      %dma_wait3A_221 = tpu.memref_squeeze %dma_wait3A_220 : memref<1x128xi32, #tpu.memory_space<vmem>> -> memref<128xi32, #tpu.memory_space<vmem>>
      %dma_wait3A_222 = arith.constant 0 : i32
      %dma_wait3A_223 = arith.constant 0 : i32
      %dma_wait3A_224 = tpu.memref_slice %arg2[%dma_wait3A_222, %dma_wait3A_223] : memref<10240x128xf32, #tpu.memory_space<hbm>> -> memref<10240x128xf32, #tpu.memory_space<hbm>>
      tpu.wait_indirect_dma semaphore(%arg15 : memref<!tpu.dma_semaphore, #tpu.memory_space<semaphore_mem>>) src(%dma_wait3A_224 : memref<10240x128xf32, #tpu.memory_space<hbm>>) dst(%arg12 : memref<128x128xf32, #tpu.memory_space<vmem>>)
      %dma_start3A_225 = arith.constant 6 : i32
      %dma_start3A_226 = arith.constant 0 : i32
      %dma_start3A_227 = tpu.memref_slice %arg11[%dma_start3A_225, %dma_start3A_226] : memref<16x128xi32, #tpu.memory_space<vmem>> -> memref<1x128xi32, #tpu.memory_space<vmem>>
      %dma_start3A_228 = tpu.memref_squeeze %dma_start3A_227 : memref<1x128xi32, #tpu.memory_space<vmem>> -> memref<128xi32, #tpu.memory_space<vmem>>
      %dma_start3A_229 = arith.constant 0 : i32
      %dma_start3A_230 = arith.constant 0 : i32
      %dma_start3A_231 = tpu.memref_slice %arg14[%dma_start3A_229, %dma_start3A_230] : memref<10240x128xf32, #tpu.memory_space<vmem_shared>> -> memref<10240x128xf32, #tpu.memory_space<vmem_shared>>
      tpu.enqueue_indirect_dma source(%arg12 : memref<128x128xf32, #tpu.memory_space<vmem>>) target(%dma_start3A_231 : memref<10240x128xf32, #tpu.memory_space<vmem_shared>>) offsets(%dma_start3A_228 : memref<128xi32, #tpu.memory_space<vmem>>) semaphore(%arg17 : memref<!tpu.dma_semaphore, #tpu.memory_space<semaphore_mem>>) {add = true}
      %dma_wait3A_232 = arith.constant 6 : i32
      %dma_wait3A_233 = arith.constant 0 : i32
      %dma_wait3A_234 = tpu.memref_slice %arg11[%dma_wait3A_232, %dma_wait3A_233] : memref<16x128xi32, #tpu.memory_space<vmem>> -> memref<1x128xi32, #tpu.memory_space<vmem>>
      %dma_wait3A_235 = tpu.memref_squeeze %dma_wait3A_234 : memref<1x128xi32, #tpu.memory_space<vmem>> -> memref<128xi32, #tpu.memory_space<vmem>>
      %dma_wait3A_236 = arith.constant 0 : i32
      %dma_wait3A_237 = arith.constant 0 : i32
      %dma_wait3A_238 = tpu.memref_slice %arg14[%dma_wait3A_236, %dma_wait3A_237] : memref<10240x128xf32, #tpu.memory_space<vmem_shared>> -> memref<10240x128xf32, #tpu.memory_space<vmem_shared>>
      tpu.wait_indirect_dma semaphore(%arg17 : memref<!tpu.dma_semaphore, #tpu.memory_space<semaphore_mem>>) src(%arg12 : memref<128x128xf32, #tpu.memory_space<vmem>>) dst(%dma_wait3A_238 : memref<10240x128xf32, #tpu.memory_space<vmem_shared>>)
      %dma_start3A_239 = arith.constant 8 : i32
      %dma_start3A_240 = arith.constant 0 : i32
      %dma_start3A_241 = tpu.memref_slice %arg10[%dma_start3A_239, %dma_start3A_240] : memref<16x128xi32, #tpu.memory_space<vmem>> -> memref<1x128xi32, #tpu.memory_space<vmem>>
      %dma_start3A_242 = tpu.memref_squeeze %dma_start3A_241 : memref<1x128xi32, #tpu.memory_space<vmem>> -> memref<128xi32, #tpu.memory_space<vmem>>
      %dma_start3A_243 = arith.constant 0 : i32
      %dma_start3A_244 = arith.constant 0 : i32
      %dma_start3A_245 = tpu.memref_slice %arg2[%dma_start3A_243, %dma_start3A_244] : memref<10240x128xf32, #tpu.memory_space<hbm>> -> memref<10240x128xf32, #tpu.memory_space<hbm>>
      tpu.enqueue_indirect_dma source(%dma_start3A_245 : memref<10240x128xf32, #tpu.memory_space<hbm>>) target(%arg12 : memref<128x128xf32, #tpu.memory_space<vmem>>) offsets(%dma_start3A_242 : memref<128xi32, #tpu.memory_space<vmem>>) semaphore(%arg15 : memref<!tpu.dma_semaphore, #tpu.memory_space<semaphore_mem>>)
      %dma_wait3A_246 = arith.constant 7 : i32
      %dma_wait3A_247 = arith.constant 0 : i32
      %dma_wait3A_248 = tpu.memref_slice %arg10[%dma_wait3A_246, %dma_wait3A_247] : memref<16x128xi32, #tpu.memory_space<vmem>> -> memref<1x128xi32, #tpu.memory_space<vmem>>
      %dma_wait3A_249 = tpu.memref_squeeze %dma_wait3A_248 : memref<1x128xi32, #tpu.memory_space<vmem>> -> memref<128xi32, #tpu.memory_space<vmem>>
      %dma_wait3A_250 = arith.constant 0 : i32
      %dma_wait3A_251 = arith.constant 0 : i32
      %dma_wait3A_252 = tpu.memref_slice %arg2[%dma_wait3A_250, %dma_wait3A_251] : memref<10240x128xf32, #tpu.memory_space<hbm>> -> memref<10240x128xf32, #tpu.memory_space<hbm>>
      tpu.wait_indirect_dma semaphore(%arg16 : memref<!tpu.dma_semaphore, #tpu.memory_space<semaphore_mem>>) src(%dma_wait3A_252 : memref<10240x128xf32, #tpu.memory_space<hbm>>) dst(%arg13 : memref<128x128xf32, #tpu.memory_space<vmem>>)
      %dma_start3A_253 = arith.constant 7 : i32
      %dma_start3A_254 = arith.constant 0 : i32
      %dma_start3A_255 = tpu.memref_slice %arg11[%dma_start3A_253, %dma_start3A_254] : memref<16x128xi32, #tpu.memory_space<vmem>> -> memref<1x128xi32, #tpu.memory_space<vmem>>
      %dma_start3A_256 = tpu.memref_squeeze %dma_start3A_255 : memref<1x128xi32, #tpu.memory_space<vmem>> -> memref<128xi32, #tpu.memory_space<vmem>>
      %dma_start3A_257 = arith.constant 0 : i32
      %dma_start3A_258 = arith.constant 0 : i32
      %dma_start3A_259 = tpu.memref_slice %arg14[%dma_start3A_257, %dma_start3A_258] : memref<10240x128xf32, #tpu.memory_space<vmem_shared>> -> memref<10240x128xf32, #tpu.memory_space<vmem_shared>>
      tpu.enqueue_indirect_dma source(%arg13 : memref<128x128xf32, #tpu.memory_space<vmem>>) target(%dma_start3A_259 : memref<10240x128xf32, #tpu.memory_space<vmem_shared>>) offsets(%dma_start3A_256 : memref<128xi32, #tpu.memory_space<vmem>>) semaphore(%arg18 : memref<!tpu.dma_semaphore, #tpu.memory_space<semaphore_mem>>) {add = true}
      %dma_wait3A_260 = arith.constant 7 : i32
      %dma_wait3A_261 = arith.constant 0 : i32
      %dma_wait3A_262 = tpu.memref_slice %arg11[%dma_wait3A_260, %dma_wait3A_261] : memref<16x128xi32, #tpu.memory_space<vmem>> -> memref<1x128xi32, #tpu.memory_space<vmem>>
      %dma_wait3A_263 = tpu.memref_squeeze %dma_wait3A_262 : memref<1x128xi32, #tpu.memory_space<vmem>> -> memref<128xi32, #tpu.memory_space<vmem>>
      %dma_wait3A_264 = arith.constant 0 : i32
      %dma_wait3A_265 = arith.constant 0 : i32
      %dma_wait3A_266 = tpu.memref_slice %arg14[%dma_wait3A_264, %dma_wait3A_265] : memref<10240x128xf32, #tpu.memory_space<vmem_shared>> -> memref<10240x128xf32, #tpu.memory_space<vmem_shared>>
      tpu.wait_indirect_dma semaphore(%arg18 : memref<!tpu.dma_semaphore, #tpu.memory_space<semaphore_mem>>) src(%arg13 : memref<128x128xf32, #tpu.memory_space<vmem>>) dst(%dma_wait3A_266 : memref<10240x128xf32, #tpu.memory_space<vmem_shared>>)
      %dma_start3A_267 = arith.constant 9 : i32
      %dma_start3A_268 = arith.constant 0 : i32
      %dma_start3A_269 = tpu.memref_slice %arg10[%dma_start3A_267, %dma_start3A_268] : memref<16x128xi32, #tpu.memory_space<vmem>> -> memref<1x128xi32, #tpu.memory_space<vmem>>
      %dma_start3A_270 = tpu.memref_squeeze %dma_start3A_269 : memref<1x128xi32, #tpu.memory_space<vmem>> -> memref<128xi32, #tpu.memory_space<vmem>>
      %dma_start3A_271 = arith.constant 0 : i32
      %dma_start3A_272 = arith.constant 0 : i32
      %dma_start3A_273 = tpu.memref_slice %arg2[%dma_start3A_271, %dma_start3A_272] : memref<10240x128xf32, #tpu.memory_space<hbm>> -> memref<10240x128xf32, #tpu.memory_space<hbm>>
      tpu.enqueue_indirect_dma source(%dma_start3A_273 : memref<10240x128xf32, #tpu.memory_space<hbm>>) target(%arg13 : memref<128x128xf32, #tpu.memory_space<vmem>>) offsets(%dma_start3A_270 : memref<128xi32, #tpu.memory_space<vmem>>) semaphore(%arg16 : memref<!tpu.dma_semaphore, #tpu.memory_space<semaphore_mem>>)
      %dma_wait3A_274 = arith.constant 8 : i32
      %dma_wait3A_275 = arith.constant 0 : i32
      %dma_wait3A_276 = tpu.memref_slice %arg10[%dma_wait3A_274, %dma_wait3A_275] : memref<16x128xi32, #tpu.memory_space<vmem>> -> memref<1x128xi32, #tpu.memory_space<vmem>>
      %dma_wait3A_277 = tpu.memref_squeeze %dma_wait3A_276 : memref<1x128xi32, #tpu.memory_space<vmem>> -> memref<128xi32, #tpu.memory_space<vmem>>
      %dma_wait3A_278 = arith.constant 0 : i32
      %dma_wait3A_279 = arith.constant 0 : i32
      %dma_wait3A_280 = tpu.memref_slice %arg2[%dma_wait3A_278, %dma_wait3A_279] : memref<10240x128xf32, #tpu.memory_space<hbm>> -> memref<10240x128xf32, #tpu.memory_space<hbm>>
      tpu.wait_indirect_dma semaphore(%arg15 : memref<!tpu.dma_semaphore, #tpu.memory_space<semaphore_mem>>) src(%dma_wait3A_280 : memref<10240x128xf32, #tpu.memory_space<hbm>>) dst(%arg12 : memref<128x128xf32, #tpu.memory_space<vmem>>)
      %dma_start3A_281 = arith.constant 8 : i32
      %dma_start3A_282 = arith.constant 0 : i32
      %dma_start3A_283 = tpu.memref_slice %arg11[%dma_start3A_281, %dma_start3A_282] : memref<16x128xi32, #tpu.memory_space<vmem>> -> memref<1x128xi32, #tpu.memory_space<vmem>>
      %dma_start3A_284 = tpu.memref_squeeze %dma_start3A_283 : memref<1x128xi32, #tpu.memory_space<vmem>> -> memref<128xi32, #tpu.memory_space<vmem>>
      %dma_start3A_285 = arith.constant 0 : i32
      %dma_start3A_286 = arith.constant 0 : i32
      %dma_start3A_287 = tpu.memref_slice %arg14[%dma_start3A_285, %dma_start3A_286] : memref<10240x128xf32, #tpu.memory_space<vmem_shared>> -> memref<10240x128xf32, #tpu.memory_space<vmem_shared>>
      tpu.enqueue_indirect_dma source(%arg12 : memref<128x128xf32, #tpu.memory_space<vmem>>) target(%dma_start3A_287 : memref<10240x128xf32, #tpu.memory_space<vmem_shared>>) offsets(%dma_start3A_284 : memref<128xi32, #tpu.memory_space<vmem>>) semaphore(%arg17 : memref<!tpu.dma_semaphore, #tpu.memory_space<semaphore_mem>>) {add = true}
      %dma_wait3A_288 = arith.constant 8 : i32
      %dma_wait3A_289 = arith.constant 0 : i32
      %dma_wait3A_290 = tpu.memref_slice %arg11[%dma_wait3A_288, %dma_wait3A_289] : memref<16x128xi32, #tpu.memory_space<vmem>> -> memref<1x128xi32, #tpu.memory_space<vmem>>
      %dma_wait3A_291 = tpu.memref_squeeze %dma_wait3A_290 : memref<1x128xi32, #tpu.memory_space<vmem>> -> memref<128xi32, #tpu.memory_space<vmem>>
      %dma_wait3A_292 = arith.constant 0 : i32
      %dma_wait3A_293 = arith.constant 0 : i32
      %dma_wait3A_294 = tpu.memref_slice %arg14[%dma_wait3A_292, %dma_wait3A_293] : memref<10240x128xf32, #tpu.memory_space<vmem_shared>> -> memref<10240x128xf32, #tpu.memory_space<vmem_shared>>
      tpu.wait_indirect_dma semaphore(%arg17 : memref<!tpu.dma_semaphore, #tpu.memory_space<semaphore_mem>>) src(%arg12 : memref<128x128xf32, #tpu.memory_space<vmem>>) dst(%dma_wait3A_294 : memref<10240x128xf32, #tpu.memory_space<vmem_shared>>)
      %dma_start3A_295 = arith.constant 10 : i32
      %dma_start3A_296 = arith.constant 0 : i32
      %dma_start3A_297 = tpu.memref_slice %arg10[%dma_start3A_295, %dma_start3A_296] : memref<16x128xi32, #tpu.memory_space<vmem>> -> memref<1x128xi32, #tpu.memory_space<vmem>>
      %dma_start3A_298 = tpu.memref_squeeze %dma_start3A_297 : memref<1x128xi32, #tpu.memory_space<vmem>> -> memref<128xi32, #tpu.memory_space<vmem>>
      %dma_start3A_299 = arith.constant 0 : i32
      %dma_start3A_300 = arith.constant 0 : i32
      %dma_start3A_301 = tpu.memref_slice %arg2[%dma_start3A_299, %dma_start3A_300] : memref<10240x128xf32, #tpu.memory_space<hbm>> -> memref<10240x128xf32, #tpu.memory_space<hbm>>
      tpu.enqueue_indirect_dma source(%dma_start3A_301 : memref<10240x128xf32, #tpu.memory_space<hbm>>) target(%arg12 : memref<128x128xf32, #tpu.memory_space<vmem>>) offsets(%dma_start3A_298 : memref<128xi32, #tpu.memory_space<vmem>>) semaphore(%arg15 : memref<!tpu.dma_semaphore, #tpu.memory_space<semaphore_mem>>)
      %dma_wait3A_302 = arith.constant 9 : i32
      %dma_wait3A_303 = arith.constant 0 : i32
      %dma_wait3A_304 = tpu.memref_slice %arg10[%dma_wait3A_302, %dma_wait3A_303] : memref<16x128xi32, #tpu.memory_space<vmem>> -> memref<1x128xi32, #tpu.memory_space<vmem>>
      %dma_wait3A_305 = tpu.memref_squeeze %dma_wait3A_304 : memref<1x128xi32, #tpu.memory_space<vmem>> -> memref<128xi32, #tpu.memory_space<vmem>>
      %dma_wait3A_306 = arith.constant 0 : i32
      %dma_wait3A_307 = arith.constant 0 : i32
      %dma_wait3A_308 = tpu.memref_slice %arg2[%dma_wait3A_306, %dma_wait3A_307] : memref<10240x128xf32, #tpu.memory_space<hbm>> -> memref<10240x128xf32, #tpu.memory_space<hbm>>
      tpu.wait_indirect_dma semaphore(%arg16 : memref<!tpu.dma_semaphore, #tpu.memory_space<semaphore_mem>>) src(%dma_wait3A_308 : memref<10240x128xf32, #tpu.memory_space<hbm>>) dst(%arg13 : memref<128x128xf32, #tpu.memory_space<vmem>>)
      %dma_start3A_309 = arith.constant 9 : i32
      %dma_start3A_310 = arith.constant 0 : i32
      %dma_start3A_311 = tpu.memref_slice %arg11[%dma_start3A_309, %dma_start3A_310] : memref<16x128xi32, #tpu.memory_space<vmem>> -> memref<1x128xi32, #tpu.memory_space<vmem>>
      %dma_start3A_312 = tpu.memref_squeeze %dma_start3A_311 : memref<1x128xi32, #tpu.memory_space<vmem>> -> memref<128xi32, #tpu.memory_space<vmem>>
      %dma_start3A_313 = arith.constant 0 : i32
      %dma_start3A_314 = arith.constant 0 : i32
      %dma_start3A_315 = tpu.memref_slice %arg14[%dma_start3A_313, %dma_start3A_314] : memref<10240x128xf32, #tpu.memory_space<vmem_shared>> -> memref<10240x128xf32, #tpu.memory_space<vmem_shared>>
      tpu.enqueue_indirect_dma source(%arg13 : memref<128x128xf32, #tpu.memory_space<vmem>>) target(%dma_start3A_315 : memref<10240x128xf32, #tpu.memory_space<vmem_shared>>) offsets(%dma_start3A_312 : memref<128xi32, #tpu.memory_space<vmem>>) semaphore(%arg18 : memref<!tpu.dma_semaphore, #tpu.memory_space<semaphore_mem>>) {add = true}
      %dma_wait3A_316 = arith.constant 9 : i32
      %dma_wait3A_317 = arith.constant 0 : i32
      %dma_wait3A_318 = tpu.memref_slice %arg11[%dma_wait3A_316, %dma_wait3A_317] : memref<16x128xi32, #tpu.memory_space<vmem>> -> memref<1x128xi32, #tpu.memory_space<vmem>>
      %dma_wait3A_319 = tpu.memref_squeeze %dma_wait3A_318 : memref<1x128xi32, #tpu.memory_space<vmem>> -> memref<128xi32, #tpu.memory_space<vmem>>
      %dma_wait3A_320 = arith.constant 0 : i32
      %dma_wait3A_321 = arith.constant 0 : i32
      %dma_wait3A_322 = tpu.memref_slice %arg14[%dma_wait3A_320, %dma_wait3A_321] : memref<10240x128xf32, #tpu.memory_space<vmem_shared>> -> memref<10240x128xf32, #tpu.memory_space<vmem_shared>>
      tpu.wait_indirect_dma semaphore(%arg18 : memref<!tpu.dma_semaphore, #tpu.memory_space<semaphore_mem>>) src(%arg13 : memref<128x128xf32, #tpu.memory_space<vmem>>) dst(%dma_wait3A_322 : memref<10240x128xf32, #tpu.memory_space<vmem_shared>>)
      %dma_start3A_323 = arith.constant 11 : i32
      %dma_start3A_324 = arith.constant 0 : i32
      %dma_start3A_325 = tpu.memref_slice %arg10[%dma_start3A_323, %dma_start3A_324] : memref<16x128xi32, #tpu.memory_space<vmem>> -> memref<1x128xi32, #tpu.memory_space<vmem>>
      %dma_start3A_326 = tpu.memref_squeeze %dma_start3A_325 : memref<1x128xi32, #tpu.memory_space<vmem>> -> memref<128xi32, #tpu.memory_space<vmem>>
      %dma_start3A_327 = arith.constant 0 : i32
      %dma_start3A_328 = arith.constant 0 : i32
      %dma_start3A_329 = tpu.memref_slice %arg2[%dma_start3A_327, %dma_start3A_328] : memref<10240x128xf32, #tpu.memory_space<hbm>> -> memref<10240x128xf32, #tpu.memory_space<hbm>>
      tpu.enqueue_indirect_dma source(%dma_start3A_329 : memref<10240x128xf32, #tpu.memory_space<hbm>>) target(%arg13 : memref<128x128xf32, #tpu.memory_space<vmem>>) offsets(%dma_start3A_326 : memref<128xi32, #tpu.memory_space<vmem>>) semaphore(%arg16 : memref<!tpu.dma_semaphore, #tpu.memory_space<semaphore_mem>>)
      %dma_wait3A_330 = arith.constant 10 : i32
      %dma_wait3A_331 = arith.constant 0 : i32
      %dma_wait3A_332 = tpu.memref_slice %arg10[%dma_wait3A_330, %dma_wait3A_331] : memref<16x128xi32, #tpu.memory_space<vmem>> -> memref<1x128xi32, #tpu.memory_space<vmem>>
      %dma_wait3A_333 = tpu.memref_squeeze %dma_wait3A_332 : memref<1x128xi32, #tpu.memory_space<vmem>> -> memref<128xi32, #tpu.memory_space<vmem>>
      %dma_wait3A_334 = arith.constant 0 : i32
      %dma_wait3A_335 = arith.constant 0 : i32
      %dma_wait3A_336 = tpu.memref_slice %arg2[%dma_wait3A_334, %dma_wait3A_335] : memref<10240x128xf32, #tpu.memory_space<hbm>> -> memref<10240x128xf32, #tpu.memory_space<hbm>>
      tpu.wait_indirect_dma semaphore(%arg15 : memref<!tpu.dma_semaphore, #tpu.memory_space<semaphore_mem>>) src(%dma_wait3A_336 : memref<10240x128xf32, #tpu.memory_space<hbm>>) dst(%arg12 : memref<128x128xf32, #tpu.memory_space<vmem>>)
      %dma_start3A_337 = arith.constant 10 : i32
      %dma_start3A_338 = arith.constant 0 : i32
      %dma_start3A_339 = tpu.memref_slice %arg11[%dma_start3A_337, %dma_start3A_338] : memref<16x128xi32, #tpu.memory_space<vmem>> -> memref<1x128xi32, #tpu.memory_space<vmem>>
      %dma_start3A_340 = tpu.memref_squeeze %dma_start3A_339 : memref<1x128xi32, #tpu.memory_space<vmem>> -> memref<128xi32, #tpu.memory_space<vmem>>
      %dma_start3A_341 = arith.constant 0 : i32
      %dma_start3A_342 = arith.constant 0 : i32
      %dma_start3A_343 = tpu.memref_slice %arg14[%dma_start3A_341, %dma_start3A_342] : memref<10240x128xf32, #tpu.memory_space<vmem_shared>> -> memref<10240x128xf32, #tpu.memory_space<vmem_shared>>
      tpu.enqueue_indirect_dma source(%arg12 : memref<128x128xf32, #tpu.memory_space<vmem>>) target(%dma_start3A_343 : memref<10240x128xf32, #tpu.memory_space<vmem_shared>>) offsets(%dma_start3A_340 : memref<128xi32, #tpu.memory_space<vmem>>) semaphore(%arg17 : memref<!tpu.dma_semaphore, #tpu.memory_space<semaphore_mem>>) {add = true}
      %dma_wait3A_344 = arith.constant 10 : i32
      %dma_wait3A_345 = arith.constant 0 : i32
      %dma_wait3A_346 = tpu.memref_slice %arg11[%dma_wait3A_344, %dma_wait3A_345] : memref<16x128xi32, #tpu.memory_space<vmem>> -> memref<1x128xi32, #tpu.memory_space<vmem>>
      %dma_wait3A_347 = tpu.memref_squeeze %dma_wait3A_346 : memref<1x128xi32, #tpu.memory_space<vmem>> -> memref<128xi32, #tpu.memory_space<vmem>>
      %dma_wait3A_348 = arith.constant 0 : i32
      %dma_wait3A_349 = arith.constant 0 : i32
      %dma_wait3A_350 = tpu.memref_slice %arg14[%dma_wait3A_348, %dma_wait3A_349] : memref<10240x128xf32, #tpu.memory_space<vmem_shared>> -> memref<10240x128xf32, #tpu.memory_space<vmem_shared>>
      tpu.wait_indirect_dma semaphore(%arg17 : memref<!tpu.dma_semaphore, #tpu.memory_space<semaphore_mem>>) src(%arg12 : memref<128x128xf32, #tpu.memory_space<vmem>>) dst(%dma_wait3A_350 : memref<10240x128xf32, #tpu.memory_space<vmem_shared>>)
      %dma_start3A_351 = arith.constant 12 : i32
      %dma_start3A_352 = arith.constant 0 : i32
      %dma_start3A_353 = tpu.memref_slice %arg10[%dma_start3A_351, %dma_start3A_352] : memref<16x128xi32, #tpu.memory_space<vmem>> -> memref<1x128xi32, #tpu.memory_space<vmem>>
      %dma_start3A_354 = tpu.memref_squeeze %dma_start3A_353 : memref<1x128xi32, #tpu.memory_space<vmem>> -> memref<128xi32, #tpu.memory_space<vmem>>
      %dma_start3A_355 = arith.constant 0 : i32
      %dma_start3A_356 = arith.constant 0 : i32
      %dma_start3A_357 = tpu.memref_slice %arg2[%dma_start3A_355, %dma_start3A_356] : memref<10240x128xf32, #tpu.memory_space<hbm>> -> memref<10240x128xf32, #tpu.memory_space<hbm>>
      tpu.enqueue_indirect_dma source(%dma_start3A_357 : memref<10240x128xf32, #tpu.memory_space<hbm>>) target(%arg12 : memref<128x128xf32, #tpu.memory_space<vmem>>) offsets(%dma_start3A_354 : memref<128xi32, #tpu.memory_space<vmem>>) semaphore(%arg15 : memref<!tpu.dma_semaphore, #tpu.memory_space<semaphore_mem>>)
      %dma_wait3A_358 = arith.constant 11 : i32
      %dma_wait3A_359 = arith.constant 0 : i32
      %dma_wait3A_360 = tpu.memref_slice %arg10[%dma_wait3A_358, %dma_wait3A_359] : memref<16x128xi32, #tpu.memory_space<vmem>> -> memref<1x128xi32, #tpu.memory_space<vmem>>
      %dma_wait3A_361 = tpu.memref_squeeze %dma_wait3A_360 : memref<1x128xi32, #tpu.memory_space<vmem>> -> memref<128xi32, #tpu.memory_space<vmem>>
      %dma_wait3A_362 = arith.constant 0 : i32
      %dma_wait3A_363 = arith.constant 0 : i32
      %dma_wait3A_364 = tpu.memref_slice %arg2[%dma_wait3A_362, %dma_wait3A_363] : memref<10240x128xf32, #tpu.memory_space<hbm>> -> memref<10240x128xf32, #tpu.memory_space<hbm>>
      tpu.wait_indirect_dma semaphore(%arg16 : memref<!tpu.dma_semaphore, #tpu.memory_space<semaphore_mem>>) src(%dma_wait3A_364 : memref<10240x128xf32, #tpu.memory_space<hbm>>) dst(%arg13 : memref<128x128xf32, #tpu.memory_space<vmem>>)
      %dma_start3A_365 = arith.constant 11 : i32
      %dma_start3A_366 = arith.constant 0 : i32
      %dma_start3A_367 = tpu.memref_slice %arg11[%dma_start3A_365, %dma_start3A_366] : memref<16x128xi32, #tpu.memory_space<vmem>> -> memref<1x128xi32, #tpu.memory_space<vmem>>
      %dma_start3A_368 = tpu.memref_squeeze %dma_start3A_367 : memref<1x128xi32, #tpu.memory_space<vmem>> -> memref<128xi32, #tpu.memory_space<vmem>>
      %dma_start3A_369 = arith.constant 0 : i32
      %dma_start3A_370 = arith.constant 0 : i32
      %dma_start3A_371 = tpu.memref_slice %arg14[%dma_start3A_369, %dma_start3A_370] : memref<10240x128xf32, #tpu.memory_space<vmem_shared>> -> memref<10240x128xf32, #tpu.memory_space<vmem_shared>>
      tpu.enqueue_indirect_dma source(%arg13 : memref<128x128xf32, #tpu.memory_space<vmem>>) target(%dma_start3A_371 : memref<10240x128xf32, #tpu.memory_space<vmem_shared>>) offsets(%dma_start3A_368 : memref<128xi32, #tpu.memory_space<vmem>>) semaphore(%arg18 : memref<!tpu.dma_semaphore, #tpu.memory_space<semaphore_mem>>) {add = true}
      %dma_wait3A_372 = arith.constant 11 : i32
      %dma_wait3A_373 = arith.constant 0 : i32
      %dma_wait3A_374 = tpu.memref_slice %arg11[%dma_wait3A_372, %dma_wait3A_373] : memref<16x128xi32, #tpu.memory_space<vmem>> -> memref<1x128xi32, #tpu.memory_space<vmem>>
      %dma_wait3A_375 = tpu.memref_squeeze %dma_wait3A_374 : memref<1x128xi32, #tpu.memory_space<vmem>> -> memref<128xi32, #tpu.memory_space<vmem>>
      %dma_wait3A_376 = arith.constant 0 : i32
      %dma_wait3A_377 = arith.constant 0 : i32
      %dma_wait3A_378 = tpu.memref_slice %arg14[%dma_wait3A_376, %dma_wait3A_377] : memref<10240x128xf32, #tpu.memory_space<vmem_shared>> -> memref<10240x128xf32, #tpu.memory_space<vmem_shared>>
      tpu.wait_indirect_dma semaphore(%arg18 : memref<!tpu.dma_semaphore, #tpu.memory_space<semaphore_mem>>) src(%arg13 : memref<128x128xf32, #tpu.memory_space<vmem>>) dst(%dma_wait3A_378 : memref<10240x128xf32, #tpu.memory_space<vmem_shared>>)
      %dma_start3A_379 = arith.constant 13 : i32
      %dma_start3A_380 = arith.constant 0 : i32
      %dma_start3A_381 = tpu.memref_slice %arg10[%dma_start3A_379, %dma_start3A_380] : memref<16x128xi32, #tpu.memory_space<vmem>> -> memref<1x128xi32, #tpu.memory_space<vmem>>
      %dma_start3A_382 = tpu.memref_squeeze %dma_start3A_381 : memref<1x128xi32, #tpu.memory_space<vmem>> -> memref<128xi32, #tpu.memory_space<vmem>>
      %dma_start3A_383 = arith.constant 0 : i32
      %dma_start3A_384 = arith.constant 0 : i32
      %dma_start3A_385 = tpu.memref_slice %arg2[%dma_start3A_383, %dma_start3A_384] : memref<10240x128xf32, #tpu.memory_space<hbm>> -> memref<10240x128xf32, #tpu.memory_space<hbm>>
      tpu.enqueue_indirect_dma source(%dma_start3A_385 : memref<10240x128xf32, #tpu.memory_space<hbm>>) target(%arg13 : memref<128x128xf32, #tpu.memory_space<vmem>>) offsets(%dma_start3A_382 : memref<128xi32, #tpu.memory_space<vmem>>) semaphore(%arg16 : memref<!tpu.dma_semaphore, #tpu.memory_space<semaphore_mem>>)
      %dma_wait3A_386 = arith.constant 12 : i32
      %dma_wait3A_387 = arith.constant 0 : i32
      %dma_wait3A_388 = tpu.memref_slice %arg10[%dma_wait3A_386, %dma_wait3A_387] : memref<16x128xi32, #tpu.memory_space<vmem>> -> memref<1x128xi32, #tpu.memory_space<vmem>>
      %dma_wait3A_389 = tpu.memref_squeeze %dma_wait3A_388 : memref<1x128xi32, #tpu.memory_space<vmem>> -> memref<128xi32, #tpu.memory_space<vmem>>
      %dma_wait3A_390 = arith.constant 0 : i32
      %dma_wait3A_391 = arith.constant 0 : i32
      %dma_wait3A_392 = tpu.memref_slice %arg2[%dma_wait3A_390, %dma_wait3A_391] : memref<10240x128xf32, #tpu.memory_space<hbm>> -> memref<10240x128xf32, #tpu.memory_space<hbm>>
      tpu.wait_indirect_dma semaphore(%arg15 : memref<!tpu.dma_semaphore, #tpu.memory_space<semaphore_mem>>) src(%dma_wait3A_392 : memref<10240x128xf32, #tpu.memory_space<hbm>>) dst(%arg12 : memref<128x128xf32, #tpu.memory_space<vmem>>)
      %dma_start3A_393 = arith.constant 12 : i32
      %dma_start3A_394 = arith.constant 0 : i32
      %dma_start3A_395 = tpu.memref_slice %arg11[%dma_start3A_393, %dma_start3A_394] : memref<16x128xi32, #tpu.memory_space<vmem>> -> memref<1x128xi32, #tpu.memory_space<vmem>>
      %dma_start3A_396 = tpu.memref_squeeze %dma_start3A_395 : memref<1x128xi32, #tpu.memory_space<vmem>> -> memref<128xi32, #tpu.memory_space<vmem>>
      %dma_start3A_397 = arith.constant 0 : i32
      %dma_start3A_398 = arith.constant 0 : i32
      %dma_start3A_399 = tpu.memref_slice %arg14[%dma_start3A_397, %dma_start3A_398] : memref<10240x128xf32, #tpu.memory_space<vmem_shared>> -> memref<10240x128xf32, #tpu.memory_space<vmem_shared>>
      tpu.enqueue_indirect_dma source(%arg12 : memref<128x128xf32, #tpu.memory_space<vmem>>) target(%dma_start3A_399 : memref<10240x128xf32, #tpu.memory_space<vmem_shared>>) offsets(%dma_start3A_396 : memref<128xi32, #tpu.memory_space<vmem>>) semaphore(%arg17 : memref<!tpu.dma_semaphore, #tpu.memory_space<semaphore_mem>>) {add = true}
      %dma_wait3A_400 = arith.constant 12 : i32
      %dma_wait3A_401 = arith.constant 0 : i32
      %dma_wait3A_402 = tpu.memref_slice %arg11[%dma_wait3A_400, %dma_wait3A_401] : memref<16x128xi32, #tpu.memory_space<vmem>> -> memref<1x128xi32, #tpu.memory_space<vmem>>
      %dma_wait3A_403 = tpu.memref_squeeze %dma_wait3A_402 : memref<1x128xi32, #tpu.memory_space<vmem>> -> memref<128xi32, #tpu.memory_space<vmem>>
      %dma_wait3A_404 = arith.constant 0 : i32
      %dma_wait3A_405 = arith.constant 0 : i32
      %dma_wait3A_406 = tpu.memref_slice %arg14[%dma_wait3A_404, %dma_wait3A_405] : memref<10240x128xf32, #tpu.memory_space<vmem_shared>> -> memref<10240x128xf32, #tpu.memory_space<vmem_shared>>
      tpu.wait_indirect_dma semaphore(%arg17 : memref<!tpu.dma_semaphore, #tpu.memory_space<semaphore_mem>>) src(%arg12 : memref<128x128xf32, #tpu.memory_space<vmem>>) dst(%dma_wait3A_406 : memref<10240x128xf32, #tpu.memory_space<vmem_shared>>)
      %dma_start3A_407 = arith.constant 14 : i32
      %dma_start3A_408 = arith.constant 0 : i32
      %dma_start3A_409 = tpu.memref_slice %arg10[%dma_start3A_407, %dma_start3A_408] : memref<16x128xi32, #tpu.memory_space<vmem>> -> memref<1x128xi32, #tpu.memory_space<vmem>>
      %dma_start3A_410 = tpu.memref_squeeze %dma_start3A_409 : memref<1x128xi32, #tpu.memory_space<vmem>> -> memref<128xi32, #tpu.memory_space<vmem>>
      %dma_start3A_411 = arith.constant 0 : i32
      %dma_start3A_412 = arith.constant 0 : i32
      %dma_start3A_413 = tpu.memref_slice %arg2[%dma_start3A_411, %dma_start3A_412] : memref<10240x128xf32, #tpu.memory_space<hbm>> -> memref<10240x128xf32, #tpu.memory_space<hbm>>
      tpu.enqueue_indirect_dma source(%dma_start3A_413 : memref<10240x128xf32, #tpu.memory_space<hbm>>) target(%arg12 : memref<128x128xf32, #tpu.memory_space<vmem>>) offsets(%dma_start3A_410 : memref<128xi32, #tpu.memory_space<vmem>>) semaphore(%arg15 : memref<!tpu.dma_semaphore, #tpu.memory_space<semaphore_mem>>)
      %dma_wait3A_414 = arith.constant 13 : i32
      %dma_wait3A_415 = arith.constant 0 : i32
      %dma_wait3A_416 = tpu.memref_slice %arg10[%dma_wait3A_414, %dma_wait3A_415] : memref<16x128xi32, #tpu.memory_space<vmem>> -> memref<1x128xi32, #tpu.memory_space<vmem>>
      %dma_wait3A_417 = tpu.memref_squeeze %dma_wait3A_416 : memref<1x128xi32, #tpu.memory_space<vmem>> -> memref<128xi32, #tpu.memory_space<vmem>>
      %dma_wait3A_418 = arith.constant 0 : i32
      %dma_wait3A_419 = arith.constant 0 : i32
      %dma_wait3A_420 = tpu.memref_slice %arg2[%dma_wait3A_418, %dma_wait3A_419] : memref<10240x128xf32, #tpu.memory_space<hbm>> -> memref<10240x128xf32, #tpu.memory_space<hbm>>
      tpu.wait_indirect_dma semaphore(%arg16 : memref<!tpu.dma_semaphore, #tpu.memory_space<semaphore_mem>>) src(%dma_wait3A_420 : memref<10240x128xf32, #tpu.memory_space<hbm>>) dst(%arg13 : memref<128x128xf32, #tpu.memory_space<vmem>>)
      %dma_start3A_421 = arith.constant 13 : i32
      %dma_start3A_422 = arith.constant 0 : i32
      %dma_start3A_423 = tpu.memref_slice %arg11[%dma_start3A_421, %dma_start3A_422] : memref<16x128xi32, #tpu.memory_space<vmem>> -> memref<1x128xi32, #tpu.memory_space<vmem>>
      %dma_start3A_424 = tpu.memref_squeeze %dma_start3A_423 : memref<1x128xi32, #tpu.memory_space<vmem>> -> memref<128xi32, #tpu.memory_space<vmem>>
      %dma_start3A_425 = arith.constant 0 : i32
      %dma_start3A_426 = arith.constant 0 : i32
      %dma_start3A_427 = tpu.memref_slice %arg14[%dma_start3A_425, %dma_start3A_426] : memref<10240x128xf32, #tpu.memory_space<vmem_shared>> -> memref<10240x128xf32, #tpu.memory_space<vmem_shared>>
      tpu.enqueue_indirect_dma source(%arg13 : memref<128x128xf32, #tpu.memory_space<vmem>>) target(%dma_start3A_427 : memref<10240x128xf32, #tpu.memory_space<vmem_shared>>) offsets(%dma_start3A_424 : memref<128xi32, #tpu.memory_space<vmem>>) semaphore(%arg18 : memref<!tpu.dma_semaphore, #tpu.memory_space<semaphore_mem>>) {add = true}
      %dma_wait3A_428 = arith.constant 13 : i32
      %dma_wait3A_429 = arith.constant 0 : i32
      %dma_wait3A_430 = tpu.memref_slice %arg11[%dma_wait3A_428, %dma_wait3A_429] : memref<16x128xi32, #tpu.memory_space<vmem>> -> memref<1x128xi32, #tpu.memory_space<vmem>>
      %dma_wait3A_431 = tpu.memref_squeeze %dma_wait3A_430 : memref<1x128xi32, #tpu.memory_space<vmem>> -> memref<128xi32, #tpu.memory_space<vmem>>
      %dma_wait3A_432 = arith.constant 0 : i32
      %dma_wait3A_433 = arith.constant 0 : i32
      %dma_wait3A_434 = tpu.memref_slice %arg14[%dma_wait3A_432, %dma_wait3A_433] : memref<10240x128xf32, #tpu.memory_space<vmem_shared>> -> memref<10240x128xf32, #tpu.memory_space<vmem_shared>>
      tpu.wait_indirect_dma semaphore(%arg18 : memref<!tpu.dma_semaphore, #tpu.memory_space<semaphore_mem>>) src(%arg13 : memref<128x128xf32, #tpu.memory_space<vmem>>) dst(%dma_wait3A_434 : memref<10240x128xf32, #tpu.memory_space<vmem_shared>>)
      %dma_start3A_435 = arith.constant 15 : i32
      %dma_start3A_436 = arith.constant 0 : i32
      %dma_start3A_437 = tpu.memref_slice %arg10[%dma_start3A_435, %dma_start3A_436] : memref<16x128xi32, #tpu.memory_space<vmem>> -> memref<1x128xi32, #tpu.memory_space<vmem>>
      %dma_start3A_438 = tpu.memref_squeeze %dma_start3A_437 : memref<1x128xi32, #tpu.memory_space<vmem>> -> memref<128xi32, #tpu.memory_space<vmem>>
      %dma_start3A_439 = arith.constant 0 : i32
      %dma_start3A_440 = arith.constant 0 : i32
      %dma_start3A_441 = tpu.memref_slice %arg2[%dma_start3A_439, %dma_start3A_440] : memref<10240x128xf32, #tpu.memory_space<hbm>> -> memref<10240x128xf32, #tpu.memory_space<hbm>>
      tpu.enqueue_indirect_dma source(%dma_start3A_441 : memref<10240x128xf32, #tpu.memory_space<hbm>>) target(%arg13 : memref<128x128xf32, #tpu.memory_space<vmem>>) offsets(%dma_start3A_438 : memref<128xi32, #tpu.memory_space<vmem>>) semaphore(%arg16 : memref<!tpu.dma_semaphore, #tpu.memory_space<semaphore_mem>>)
      %dma_wait3A_442 = arith.constant 14 : i32
      %dma_wait3A_443 = arith.constant 0 : i32
      %dma_wait3A_444 = tpu.memref_slice %arg10[%dma_wait3A_442, %dma_wait3A_443] : memref<16x128xi32, #tpu.memory_space<vmem>> -> memref<1x128xi32, #tpu.memory_space<vmem>>
      %dma_wait3A_445 = tpu.memref_squeeze %dma_wait3A_444 : memref<1x128xi32, #tpu.memory_space<vmem>> -> memref<128xi32, #tpu.memory_space<vmem>>
      %dma_wait3A_446 = arith.constant 0 : i32
      %dma_wait3A_447 = arith.constant 0 : i32
      %dma_wait3A_448 = tpu.memref_slice %arg2[%dma_wait3A_446, %dma_wait3A_447] : memref<10240x128xf32, #tpu.memory_space<hbm>> -> memref<10240x128xf32, #tpu.memory_space<hbm>>
      tpu.wait_indirect_dma semaphore(%arg15 : memref<!tpu.dma_semaphore, #tpu.memory_space<semaphore_mem>>) src(%dma_wait3A_448 : memref<10240x128xf32, #tpu.memory_space<hbm>>) dst(%arg12 : memref<128x128xf32, #tpu.memory_space<vmem>>)
      %dma_start3A_449 = arith.constant 14 : i32
      %dma_start3A_450 = arith.constant 0 : i32
      %dma_start3A_451 = tpu.memref_slice %arg11[%dma_start3A_449, %dma_start3A_450] : memref<16x128xi32, #tpu.memory_space<vmem>> -> memref<1x128xi32, #tpu.memory_space<vmem>>
      %dma_start3A_452 = tpu.memref_squeeze %dma_start3A_451 : memref<1x128xi32, #tpu.memory_space<vmem>> -> memref<128xi32, #tpu.memory_space<vmem>>
      %dma_start3A_453 = arith.constant 0 : i32
      %dma_start3A_454 = arith.constant 0 : i32
      %dma_start3A_455 = tpu.memref_slice %arg14[%dma_start3A_453, %dma_start3A_454] : memref<10240x128xf32, #tpu.memory_space<vmem_shared>> -> memref<10240x128xf32, #tpu.memory_space<vmem_shared>>
      tpu.enqueue_indirect_dma source(%arg12 : memref<128x128xf32, #tpu.memory_space<vmem>>) target(%dma_start3A_455 : memref<10240x128xf32, #tpu.memory_space<vmem_shared>>) offsets(%dma_start3A_452 : memref<128xi32, #tpu.memory_space<vmem>>) semaphore(%arg17 : memref<!tpu.dma_semaphore, #tpu.memory_space<semaphore_mem>>) {add = true}
      %dma_wait3A_456 = arith.constant 15 : i32
      %dma_wait3A_457 = arith.constant 0 : i32
      %dma_wait3A_458 = tpu.memref_slice %arg10[%dma_wait3A_456, %dma_wait3A_457] : memref<16x128xi32, #tpu.memory_space<vmem>> -> memref<1x128xi32, #tpu.memory_space<vmem>>
      %dma_wait3A_459 = tpu.memref_squeeze %dma_wait3A_458 : memref<1x128xi32, #tpu.memory_space<vmem>> -> memref<128xi32, #tpu.memory_space<vmem>>
      %dma_wait3A_460 = arith.constant 0 : i32
      %dma_wait3A_461 = arith.constant 0 : i32
      %dma_wait3A_462 = tpu.memref_slice %arg2[%dma_wait3A_460, %dma_wait3A_461] : memref<10240x128xf32, #tpu.memory_space<hbm>> -> memref<10240x128xf32, #tpu.memory_space<hbm>>
      tpu.wait_indirect_dma semaphore(%arg16 : memref<!tpu.dma_semaphore, #tpu.memory_space<semaphore_mem>>) src(%dma_wait3A_462 : memref<10240x128xf32, #tpu.memory_space<hbm>>) dst(%arg13 : memref<128x128xf32, #tpu.memory_space<vmem>>)
      %dma_start3A_463 = arith.constant 15 : i32
      %dma_start3A_464 = arith.constant 0 : i32
      %dma_start3A_465 = tpu.memref_slice %arg11[%dma_start3A_463, %dma_start3A_464] : memref<16x128xi32, #tpu.memory_space<vmem>> -> memref<1x128xi32, #tpu.memory_space<vmem>>
      %dma_start3A_466 = tpu.memref_squeeze %dma_start3A_465 : memref<1x128xi32, #tpu.memory_space<vmem>> -> memref<128xi32, #tpu.memory_space<vmem>>
      %dma_start3A_467 = arith.constant 0 : i32
      %dma_start3A_468 = arith.constant 0 : i32
      %dma_start3A_469 = tpu.memref_slice %arg14[%dma_start3A_467, %dma_start3A_468] : memref<10240x128xf32, #tpu.memory_space<vmem_shared>> -> memref<10240x128xf32, #tpu.memory_space<vmem_shared>>
      tpu.enqueue_indirect_dma source(%arg13 : memref<128x128xf32, #tpu.memory_space<vmem>>) target(%dma_start3A_469 : memref<10240x128xf32, #tpu.memory_space<vmem_shared>>) offsets(%dma_start3A_466 : memref<128xi32, #tpu.memory_space<vmem>>) semaphore(%arg18 : memref<!tpu.dma_semaphore, #tpu.memory_space<semaphore_mem>>) {add = true}
      %dma_wait3A_470 = arith.constant 14 : i32
      %dma_wait3A_471 = arith.constant 0 : i32
      %dma_wait3A_472 = tpu.memref_slice %arg11[%dma_wait3A_470, %dma_wait3A_471] : memref<16x128xi32, #tpu.memory_space<vmem>> -> memref<1x128xi32, #tpu.memory_space<vmem>>
      %dma_wait3A_473 = tpu.memref_squeeze %dma_wait3A_472 : memref<1x128xi32, #tpu.memory_space<vmem>> -> memref<128xi32, #tpu.memory_space<vmem>>
      %dma_wait3A_474 = arith.constant 0 : i32
      %dma_wait3A_475 = arith.constant 0 : i32
      %dma_wait3A_476 = tpu.memref_slice %arg14[%dma_wait3A_474, %dma_wait3A_475] : memref<10240x128xf32, #tpu.memory_space<vmem_shared>> -> memref<10240x128xf32, #tpu.memory_space<vmem_shared>>
      tpu.wait_indirect_dma semaphore(%arg17 : memref<!tpu.dma_semaphore, #tpu.memory_space<semaphore_mem>>) src(%arg12 : memref<128x128xf32, #tpu.memory_space<vmem>>) dst(%dma_wait3A_476 : memref<10240x128xf32, #tpu.memory_space<vmem_shared>>)
      %dma_wait3A_477 = arith.constant 15 : i32
      %dma_wait3A_478 = arith.constant 0 : i32
      %dma_wait3A_479 = tpu.memref_slice %arg11[%dma_wait3A_477, %dma_wait3A_478] : memref<16x128xi32, #tpu.memory_space<vmem>> -> memref<1x128xi32, #tpu.memory_space<vmem>>
      %dma_wait3A_480 = tpu.memref_squeeze %dma_wait3A_479 : memref<1x128xi32, #tpu.memory_space<vmem>> -> memref<128xi32, #tpu.memory_space<vmem>>
      %dma_wait3A_481 = arith.constant 0 : i32
      %dma_wait3A_482 = arith.constant 0 : i32
      %dma_wait3A_483 = tpu.memref_slice %arg14[%dma_wait3A_481, %dma_wait3A_482] : memref<10240x128xf32, #tpu.memory_space<vmem_shared>> -> memref<10240x128xf32, #tpu.memory_space<vmem_shared>>
      tpu.wait_indirect_dma semaphore(%arg18 : memref<!tpu.dma_semaphore, #tpu.memory_space<semaphore_mem>>) src(%arg13 : memref<128x128xf32, #tpu.memory_space<vmem>>) dst(%dma_wait3A_483 : memref<10240x128xf32, #tpu.memory_space<vmem_shared>>)
      %scan3A_484 = arith.constant 0 : i32
      scf.yield %scan3A_484 : i32
    }
    %scan3A_8 = arith.constant 5 : i32
    %barrier3A_9 = arith.constant 0 : index
    tpu.barrier barrier_id(%barrier3A_9)
    %mul3A_10 = arith.constant 640 : i32
    %mul3A_11 = arith.muli %arg1, %mul3A_10 : i32
    %mul3A_12 = arith.constant 640 : i32
    %mul3A_13 = arith.muli %arg1, %mul3A_12 : i32
    %run_scoped3A = arith.constant 0 : i32
    "tpu.region"() ({
      %run_scoped3A_32 = tpu.sem_alloc : memref<!tpu.dma_semaphore, #tpu.memory_space<semaphore_mem>>
      %dma_start3A = arith.constant 0 : i32
      %dma_start3A_33 = tpu.memref_slice %arg9[%run_scoped3A, %arg0, %mul3A_13, %dma_start3A] : memref<2x2x10240x128xf32, #tpu.memory_space<hbm>> -> memref<1x1x640x128xf32, #tpu.memory_space<hbm>>
      %dma_start3A_34 = tpu.memref_squeeze %dma_start3A_33 : memref<1x1x640x128xf32, #tpu.memory_space<hbm>> -> memref<640x128xf32, #tpu.memory_space<hbm>>
      %dma_start3A_35 = arith.constant 0 : i32
      %dma_start3A_36 = tpu.memref_slice %arg14[%mul3A_11, %dma_start3A_35] : memref<10240x128xf32, #tpu.memory_space<vmem_shared>> -> memref<640x128xf32, #tpu.memory_space<vmem_shared>>
      tpu.enqueue_dma source(%dma_start3A_36 : memref<640x128xf32, #tpu.memory_space<vmem_shared>>) target(%dma_start3A_34 : memref<640x128xf32, #tpu.memory_space<hbm>>) target_semaphore(%run_scoped3A_32 : memref<!tpu.dma_semaphore, #tpu.memory_space<semaphore_mem>>)
      %dma_wait3A = arith.constant 0 : i32
      %dma_wait3A_37 = tpu.memref_slice %arg9[%run_scoped3A, %arg0, %mul3A_13, %dma_wait3A] : memref<2x2x10240x128xf32, #tpu.memory_space<hbm>> -> memref<1x1x640x128xf32, #tpu.memory_space<hbm>>
      %dma_wait3A_38 = tpu.memref_squeeze %dma_wait3A_37 : memref<1x1x640x128xf32, #tpu.memory_space<hbm>> -> memref<640x128xf32, #tpu.memory_space<hbm>>
      %dma_wait3A_39 = arith.constant 0 : i32
      %dma_wait3A_40 = tpu.memref_slice %arg14[%mul3A_11, %dma_wait3A_39] : memref<10240x128xf32, #tpu.memory_space<vmem_shared>> -> memref<640x128xf32, #tpu.memory_space<vmem_shared>>
      tpu.wait_dma2 semaphore(%run_scoped3A_32 : memref<!tpu.dma_semaphore, #tpu.memory_space<semaphore_mem>>) src(%dma_wait3A_40 : memref<640x128xf32, #tpu.memory_space<vmem_shared>>) dst(%dma_wait3A_38 : memref<640x128xf32, #tpu.memory_space<hbm>>)
      tpu.yield
    }) : () -> ()
    %barrier3A_14 = arith.constant 0 : index
    tpu.barrier barrier_id(%barrier3A_14)
    %mul3A_15 = arith.constant 640 : i32
    %mul3A_16 = arith.muli %arg1, %mul3A_15 : i32
    "tpu.region"() ({
      %run_scoped3A_32 = tpu.sem_alloc : memref<!tpu.dma_semaphore, #tpu.memory_space<semaphore_mem>>
      %dma_start3A = arith.constant 0 : i32
      %dma_start3A_33 = tpu.memref_slice %arg14[%mul3A_16, %dma_start3A] : memref<10240x128xf32, #tpu.memory_space<vmem_shared>> -> memref<640x128xf32, #tpu.memory_space<vmem_shared>>
      tpu.enqueue_dma source(%arg8 : memref<640x128xf32, #tpu.memory_space<hbm>>) target(%dma_start3A_33 : memref<640x128xf32, #tpu.memory_space<vmem_shared>>) target_semaphore(%run_scoped3A_32 : memref<!tpu.dma_semaphore, #tpu.memory_space<semaphore_mem>>)
      %dma_wait3A = arith.constant 0 : i32
      %dma_wait3A_34 = tpu.memref_slice %arg14[%mul3A_16, %dma_wait3A] : memref<10240x128xf32, #tpu.memory_space<vmem_shared>> -> memref<640x128xf32, #tpu.memory_space<vmem_shared>>
      tpu.wait_dma2 semaphore(%run_scoped3A_32 : memref<!tpu.dma_semaphore, #tpu.memory_space<semaphore_mem>>) src(%arg8 : memref<640x128xf32, #tpu.memory_space<hbm>>) dst(%dma_wait3A_34 : memref<640x128xf32, #tpu.memory_space<vmem_shared>>)
      tpu.yield
    }) : () -> ()
    %barrier3A_17 = arith.constant 0 : index
    tpu.barrier barrier_id(%barrier3A_17)
    %scan3A_18 = arith.constant 0 : i32
    %scan3A_19 = arith.constant 0 : i32
    %scan3A_20 = arith.constant 5 : i32
    %scan3A_21 = arith.addi %scan3A_19, %scan3A_20 : i32
    %scan3A_22 = arith.constant 1 : i32
    %scan3A_23 = scf.for %scan3A_32 = %scan3A_19 to %scan3A_21 step %scan3A_22 iter_args(%scan3A_33 = %scan3A_18) -> (i32)  : i32 {
      %mul3A_34 = arith.constant 16 : i32
      %mul3A_35 = arith.muli %scan3A_32, %mul3A_34 : i32
      "tpu.region"() ({
        %run_scoped3A_485 = tpu.sem_alloc : memref<!tpu.dma_semaphore, #tpu.memory_space<semaphore_mem>>
        %dma_start3A_486 = arith.constant 0 : i32
        %dma_start3A_487 = tpu.memref_slice %arg6[%add3A, %mul3A_35, %dma_start3A_486] : memref<32x80x128xi32, #tpu.memory_space<hbm>> -> memref<1x16x128xi32, #tpu.memory_space<hbm>>
        %dma_start3A_488 = tpu.memref_squeeze %dma_start3A_487 : memref<1x16x128xi32, #tpu.memory_space<hbm>> -> memref<16x128xi32, #tpu.memory_space<hbm>>
        %dma_start3A_489 = arith.constant 0 : i32
        %dma_start3A_490 = tpu.memref_slice %arg6[%add3A, %mul3A_35, %dma_start3A_489] : memref<32x80x128xi32, #tpu.memory_space<hbm>> -> memref<1x16x128xi32, #tpu.memory_space<hbm>>
        %dma_start3A_491 = tpu.memref_squeeze %dma_start3A_490 : memref<1x16x128xi32, #tpu.memory_space<hbm>> -> memref<16x128xi32, #tpu.memory_space<hbm>>
        tpu.enqueue_dma source(%dma_start3A_491 : memref<16x128xi32, #tpu.memory_space<hbm>>) target(%arg10 : memref<16x128xi32, #tpu.memory_space<vmem>>) target_semaphore(%run_scoped3A_485 : memref<!tpu.dma_semaphore, #tpu.memory_space<semaphore_mem>>)
        %dma_wait3A_492 = arith.constant 0 : i32
        %dma_wait3A_493 = tpu.memref_slice %arg6[%add3A, %mul3A_35, %dma_wait3A_492] : memref<32x80x128xi32, #tpu.memory_space<hbm>> -> memref<1x16x128xi32, #tpu.memory_space<hbm>>
        %dma_wait3A_494 = tpu.memref_squeeze %dma_wait3A_493 : memref<1x16x128xi32, #tpu.memory_space<hbm>> -> memref<16x128xi32, #tpu.memory_space<hbm>>
        %dma_wait3A_495 = arith.constant 0 : i32
        %dma_wait3A_496 = tpu.memref_slice %arg6[%add3A, %mul3A_35, %dma_wait3A_495] : memref<32x80x128xi32, #tpu.memory_space<hbm>> -> memref<1x16x128xi32, #tpu.memory_space<hbm>>
        %dma_wait3A_497 = tpu.memref_squeeze %dma_wait3A_496 : memref<1x16x128xi32, #tpu.memory_space<hbm>> -> memref<16x128xi32, #tpu.memory_space<hbm>>
        tpu.wait_dma2 semaphore(%run_scoped3A_485 : memref<!tpu.dma_semaphore, #tpu.memory_space<semaphore_mem>>) src(%dma_wait3A_497 : memref<16x128xi32, #tpu.memory_space<hbm>>) dst(%arg10 : memref<16x128xi32, #tpu.memory_space<vmem>>)
        tpu.yield
      }) : () -> ()
      %mul3A_36 = arith.constant 16 : i32
      %mul3A_37 = arith.muli %scan3A_32, %mul3A_36 : i32
      "tpu.region"() ({
        %run_scoped3A_485 = tpu.sem_alloc : memref<!tpu.dma_semaphore, #tpu.memory_space<semaphore_mem>>
        %dma_start3A_486 = arith.constant 0 : i32
        %dma_start3A_487 = tpu.memref_slice %arg7[%add3A, %mul3A_37, %dma_start3A_486] : memref<32x80x128xi32, #tpu.memory_space<hbm>> -> memref<1x16x128xi32, #tpu.memory_space<hbm>>
        %dma_start3A_488 = tpu.memref_squeeze %dma_start3A_487 : memref<1x16x128xi32, #tpu.memory_space<hbm>> -> memref<16x128xi32, #tpu.memory_space<hbm>>
        %dma_start3A_489 = arith.constant 0 : i32
        %dma_start3A_490 = tpu.memref_slice %arg7[%add3A, %mul3A_37, %dma_start3A_489] : memref<32x80x128xi32, #tpu.memory_space<hbm>> -> memref<1x16x128xi32, #tpu.memory_space<hbm>>
        %dma_start3A_491 = tpu.memref_squeeze %dma_start3A_490 : memref<1x16x128xi32, #tpu.memory_space<hbm>> -> memref<16x128xi32, #tpu.memory_space<hbm>>
        tpu.enqueue_dma source(%dma_start3A_491 : memref<16x128xi32, #tpu.memory_space<hbm>>) target(%arg11 : memref<16x128xi32, #tpu.memory_space<vmem>>) target_semaphore(%run_scoped3A_485 : memref<!tpu.dma_semaphore, #tpu.memory_space<semaphore_mem>>)
        %dma_wait3A_492 = arith.constant 0 : i32
        %dma_wait3A_493 = tpu.memref_slice %arg7[%add3A, %mul3A_37, %dma_wait3A_492] : memref<32x80x128xi32, #tpu.memory_space<hbm>> -> memref<1x16x128xi32, #tpu.memory_space<hbm>>
        %dma_wait3A_494 = tpu.memref_squeeze %dma_wait3A_493 : memref<1x16x128xi32, #tpu.memory_space<hbm>> -> memref<16x128xi32, #tpu.memory_space<hbm>>
        %dma_wait3A_495 = arith.constant 0 : i32
        %dma_wait3A_496 = tpu.memref_slice %arg7[%add3A, %mul3A_37, %dma_wait3A_495] : memref<32x80x128xi32, #tpu.memory_space<hbm>> -> memref<1x16x128xi32, #tpu.memory_space<hbm>>
        %dma_wait3A_497 = tpu.memref_squeeze %dma_wait3A_496 : memref<1x16x128xi32, #tpu.memory_space<hbm>> -> memref<16x128xi32, #tpu.memory_space<hbm>>
        tpu.wait_dma2 semaphore(%run_scoped3A_485 : memref<!tpu.dma_semaphore, #tpu.memory_space<semaphore_mem>>) src(%dma_wait3A_497 : memref<16x128xi32, #tpu.memory_space<hbm>>) dst(%arg11 : memref<16x128xi32, #tpu.memory_space<vmem>>)
        tpu.yield
      }) : () -> ()
      %dma_start3A = arith.constant 0 : i32
      %dma_start3A_38 = arith.constant 0 : i32
      %dma_start3A_39 = tpu.memref_slice %arg10[%dma_start3A, %dma_start3A_38] : memref<16x128xi32, #tpu.memory_space<vmem>> -> memref<1x128xi32, #tpu.memory_space<vmem>>
      %dma_start3A_40 = tpu.memref_squeeze %dma_start3A_39 : memref<1x128xi32, #tpu.memory_space<vmem>> -> memref<128xi32, #tpu.memory_space<vmem>>
      %dma_start3A_41 = arith.constant 0 : i32
      %dma_start3A_42 = arith.constant 0 : i32
      %dma_start3A_43 = tpu.memref_slice %arg5[%dma_start3A_41, %dma_start3A_42] : memref<10240x128xf32, #tpu.memory_space<hbm>> -> memref<10240x128xf32, #tpu.memory_space<hbm>>
      tpu.enqueue_indirect_dma source(%dma_start3A_43 : memref<10240x128xf32, #tpu.memory_space<hbm>>) target(%arg12 : memref<128x128xf32, #tpu.memory_space<vmem>>) offsets(%dma_start3A_40 : memref<128xi32, #tpu.memory_space<vmem>>) semaphore(%arg15 : memref<!tpu.dma_semaphore, #tpu.memory_space<semaphore_mem>>)
      %dma_start3A_44 = arith.constant 1 : i32
      %dma_start3A_45 = arith.constant 0 : i32
      %dma_start3A_46 = tpu.memref_slice %arg10[%dma_start3A_44, %dma_start3A_45] : memref<16x128xi32, #tpu.memory_space<vmem>> -> memref<1x128xi32, #tpu.memory_space<vmem>>
      %dma_start3A_47 = tpu.memref_squeeze %dma_start3A_46 : memref<1x128xi32, #tpu.memory_space<vmem>> -> memref<128xi32, #tpu.memory_space<vmem>>
      %dma_start3A_48 = arith.constant 0 : i32
      %dma_start3A_49 = arith.constant 0 : i32
      %dma_start3A_50 = tpu.memref_slice %arg5[%dma_start3A_48, %dma_start3A_49] : memref<10240x128xf32, #tpu.memory_space<hbm>> -> memref<10240x128xf32, #tpu.memory_space<hbm>>
      tpu.enqueue_indirect_dma source(%dma_start3A_50 : memref<10240x128xf32, #tpu.memory_space<hbm>>) target(%arg13 : memref<128x128xf32, #tpu.memory_space<vmem>>) offsets(%dma_start3A_47 : memref<128xi32, #tpu.memory_space<vmem>>) semaphore(%arg16 : memref<!tpu.dma_semaphore, #tpu.memory_space<semaphore_mem>>)
      %dma_wait3A = arith.constant 0 : i32
      %dma_wait3A_51 = arith.constant 0 : i32
      %dma_wait3A_52 = tpu.memref_slice %arg10[%dma_wait3A, %dma_wait3A_51] : memref<16x128xi32, #tpu.memory_space<vmem>> -> memref<1x128xi32, #tpu.memory_space<vmem>>
      %dma_wait3A_53 = tpu.memref_squeeze %dma_wait3A_52 : memref<1x128xi32, #tpu.memory_space<vmem>> -> memref<128xi32, #tpu.memory_space<vmem>>
      %dma_wait3A_54 = arith.constant 0 : i32
      %dma_wait3A_55 = arith.constant 0 : i32
      %dma_wait3A_56 = tpu.memref_slice %arg5[%dma_wait3A_54, %dma_wait3A_55] : memref<10240x128xf32, #tpu.memory_space<hbm>> -> memref<10240x128xf32, #tpu.memory_space<hbm>>
      tpu.wait_indirect_dma semaphore(%arg15 : memref<!tpu.dma_semaphore, #tpu.memory_space<semaphore_mem>>) src(%dma_wait3A_56 : memref<10240x128xf32, #tpu.memory_space<hbm>>) dst(%arg12 : memref<128x128xf32, #tpu.memory_space<vmem>>)
      %dma_start3A_57 = arith.constant 0 : i32
      %dma_start3A_58 = arith.constant 0 : i32
      %dma_start3A_59 = tpu.memref_slice %arg11[%dma_start3A_57, %dma_start3A_58] : memref<16x128xi32, #tpu.memory_space<vmem>> -> memref<1x128xi32, #tpu.memory_space<vmem>>
      %dma_start3A_60 = tpu.memref_squeeze %dma_start3A_59 : memref<1x128xi32, #tpu.memory_space<vmem>> -> memref<128xi32, #tpu.memory_space<vmem>>
      %dma_start3A_61 = arith.constant 0 : i32
      %dma_start3A_62 = arith.constant 0 : i32
      %dma_start3A_63 = tpu.memref_slice %arg14[%dma_start3A_61, %dma_start3A_62] : memref<10240x128xf32, #tpu.memory_space<vmem_shared>> -> memref<10240x128xf32, #tpu.memory_space<vmem_shared>>
      tpu.enqueue_indirect_dma source(%arg12 : memref<128x128xf32, #tpu.memory_space<vmem>>) target(%dma_start3A_63 : memref<10240x128xf32, #tpu.memory_space<vmem_shared>>) offsets(%dma_start3A_60 : memref<128xi32, #tpu.memory_space<vmem>>) semaphore(%arg17 : memref<!tpu.dma_semaphore, #tpu.memory_space<semaphore_mem>>) {add = true}
      %dma_wait3A_64 = arith.constant 0 : i32
      %dma_wait3A_65 = arith.constant 0 : i32
      %dma_wait3A_66 = tpu.memref_slice %arg11[%dma_wait3A_64, %dma_wait3A_65] : memref<16x128xi32, #tpu.memory_space<vmem>> -> memref<1x128xi32, #tpu.memory_space<vmem>>
      %dma_wait3A_67 = tpu.memref_squeeze %dma_wait3A_66 : memref<1x128xi32, #tpu.memory_space<vmem>> -> memref<128xi32, #tpu.memory_space<vmem>>
      %dma_wait3A_68 = arith.constant 0 : i32
      %dma_wait3A_69 = arith.constant 0 : i32
      %dma_wait3A_70 = tpu.memref_slice %arg14[%dma_wait3A_68, %dma_wait3A_69] : memref<10240x128xf32, #tpu.memory_space<vmem_shared>> -> memref<10240x128xf32, #tpu.memory_space<vmem_shared>>
      tpu.wait_indirect_dma semaphore(%arg17 : memref<!tpu.dma_semaphore, #tpu.memory_space<semaphore_mem>>) src(%arg12 : memref<128x128xf32, #tpu.memory_space<vmem>>) dst(%dma_wait3A_70 : memref<10240x128xf32, #tpu.memory_space<vmem_shared>>)
      %dma_start3A_71 = arith.constant 2 : i32
      %dma_start3A_72 = arith.constant 0 : i32
      %dma_start3A_73 = tpu.memref_slice %arg10[%dma_start3A_71, %dma_start3A_72] : memref<16x128xi32, #tpu.memory_space<vmem>> -> memref<1x128xi32, #tpu.memory_space<vmem>>
      %dma_start3A_74 = tpu.memref_squeeze %dma_start3A_73 : memref<1x128xi32, #tpu.memory_space<vmem>> -> memref<128xi32, #tpu.memory_space<vmem>>
      %dma_start3A_75 = arith.constant 0 : i32
      %dma_start3A_76 = arith.constant 0 : i32
      %dma_start3A_77 = tpu.memref_slice %arg5[%dma_start3A_75, %dma_start3A_76] : memref<10240x128xf32, #tpu.memory_space<hbm>> -> memref<10240x128xf32, #tpu.memory_space<hbm>>
      tpu.enqueue_indirect_dma source(%dma_start3A_77 : memref<10240x128xf32, #tpu.memory_space<hbm>>) target(%arg12 : memref<128x128xf32, #tpu.memory_space<vmem>>) offsets(%dma_start3A_74 : memref<128xi32, #tpu.memory_space<vmem>>) semaphore(%arg15 : memref<!tpu.dma_semaphore, #tpu.memory_space<semaphore_mem>>)
      %dma_wait3A_78 = arith.constant 1 : i32
      %dma_wait3A_79 = arith.constant 0 : i32
      %dma_wait3A_80 = tpu.memref_slice %arg10[%dma_wait3A_78, %dma_wait3A_79] : memref<16x128xi32, #tpu.memory_space<vmem>> -> memref<1x128xi32, #tpu.memory_space<vmem>>
      %dma_wait3A_81 = tpu.memref_squeeze %dma_wait3A_80 : memref<1x128xi32, #tpu.memory_space<vmem>> -> memref<128xi32, #tpu.memory_space<vmem>>
      %dma_wait3A_82 = arith.constant 0 : i32
      %dma_wait3A_83 = arith.constant 0 : i32
      %dma_wait3A_84 = tpu.memref_slice %arg5[%dma_wait3A_82, %dma_wait3A_83] : memref<10240x128xf32, #tpu.memory_space<hbm>> -> memref<10240x128xf32, #tpu.memory_space<hbm>>
      tpu.wait_indirect_dma semaphore(%arg16 : memref<!tpu.dma_semaphore, #tpu.memory_space<semaphore_mem>>) src(%dma_wait3A_84 : memref<10240x128xf32, #tpu.memory_space<hbm>>) dst(%arg13 : memref<128x128xf32, #tpu.memory_space<vmem>>)
      %dma_start3A_85 = arith.constant 1 : i32
      %dma_start3A_86 = arith.constant 0 : i32
      %dma_start3A_87 = tpu.memref_slice %arg11[%dma_start3A_85, %dma_start3A_86] : memref<16x128xi32, #tpu.memory_space<vmem>> -> memref<1x128xi32, #tpu.memory_space<vmem>>
      %dma_start3A_88 = tpu.memref_squeeze %dma_start3A_87 : memref<1x128xi32, #tpu.memory_space<vmem>> -> memref<128xi32, #tpu.memory_space<vmem>>
      %dma_start3A_89 = arith.constant 0 : i32
      %dma_start3A_90 = arith.constant 0 : i32
      %dma_start3A_91 = tpu.memref_slice %arg14[%dma_start3A_89, %dma_start3A_90] : memref<10240x128xf32, #tpu.memory_space<vmem_shared>> -> memref<10240x128xf32, #tpu.memory_space<vmem_shared>>
      tpu.enqueue_indirect_dma source(%arg13 : memref<128x128xf32, #tpu.memory_space<vmem>>) target(%dma_start3A_91 : memref<10240x128xf32, #tpu.memory_space<vmem_shared>>) offsets(%dma_start3A_88 : memref<128xi32, #tpu.memory_space<vmem>>) semaphore(%arg18 : memref<!tpu.dma_semaphore, #tpu.memory_space<semaphore_mem>>) {add = true}
      %dma_wait3A_92 = arith.constant 1 : i32
      %dma_wait3A_93 = arith.constant 0 : i32
      %dma_wait3A_94 = tpu.memref_slice %arg11[%dma_wait3A_92, %dma_wait3A_93] : memref<16x128xi32, #tpu.memory_space<vmem>> -> memref<1x128xi32, #tpu.memory_space<vmem>>
      %dma_wait3A_95 = tpu.memref_squeeze %dma_wait3A_94 : memref<1x128xi32, #tpu.memory_space<vmem>> -> memref<128xi32, #tpu.memory_space<vmem>>
      %dma_wait3A_96 = arith.constant 0 : i32
      %dma_wait3A_97 = arith.constant 0 : i32
      %dma_wait3A_98 = tpu.memref_slice %arg14[%dma_wait3A_96, %dma_wait3A_97] : memref<10240x128xf32, #tpu.memory_space<vmem_shared>> -> memref<10240x128xf32, #tpu.memory_space<vmem_shared>>
      tpu.wait_indirect_dma semaphore(%arg18 : memref<!tpu.dma_semaphore, #tpu.memory_space<semaphore_mem>>) src(%arg13 : memref<128x128xf32, #tpu.memory_space<vmem>>) dst(%dma_wait3A_98 : memref<10240x128xf32, #tpu.memory_space<vmem_shared>>)
      %dma_start3A_99 = arith.constant 3 : i32
      %dma_start3A_100 = arith.constant 0 : i32
      %dma_start3A_101 = tpu.memref_slice %arg10[%dma_start3A_99, %dma_start3A_100] : memref<16x128xi32, #tpu.memory_space<vmem>> -> memref<1x128xi32, #tpu.memory_space<vmem>>
      %dma_start3A_102 = tpu.memref_squeeze %dma_start3A_101 : memref<1x128xi32, #tpu.memory_space<vmem>> -> memref<128xi32, #tpu.memory_space<vmem>>
      %dma_start3A_103 = arith.constant 0 : i32
      %dma_start3A_104 = arith.constant 0 : i32
      %dma_start3A_105 = tpu.memref_slice %arg5[%dma_start3A_103, %dma_start3A_104] : memref<10240x128xf32, #tpu.memory_space<hbm>> -> memref<10240x128xf32, #tpu.memory_space<hbm>>
      tpu.enqueue_indirect_dma source(%dma_start3A_105 : memref<10240x128xf32, #tpu.memory_space<hbm>>) target(%arg13 : memref<128x128xf32, #tpu.memory_space<vmem>>) offsets(%dma_start3A_102 : memref<128xi32, #tpu.memory_space<vmem>>) semaphore(%arg16 : memref<!tpu.dma_semaphore, #tpu.memory_space<semaphore_mem>>)
      %dma_wait3A_106 = arith.constant 2 : i32
      %dma_wait3A_107 = arith.constant 0 : i32
      %dma_wait3A_108 = tpu.memref_slice %arg10[%dma_wait3A_106, %dma_wait3A_107] : memref<16x128xi32, #tpu.memory_space<vmem>> -> memref<1x128xi32, #tpu.memory_space<vmem>>
      %dma_wait3A_109 = tpu.memref_squeeze %dma_wait3A_108 : memref<1x128xi32, #tpu.memory_space<vmem>> -> memref<128xi32, #tpu.memory_space<vmem>>
      %dma_wait3A_110 = arith.constant 0 : i32
      %dma_wait3A_111 = arith.constant 0 : i32
      %dma_wait3A_112 = tpu.memref_slice %arg5[%dma_wait3A_110, %dma_wait3A_111] : memref<10240x128xf32, #tpu.memory_space<hbm>> -> memref<10240x128xf32, #tpu.memory_space<hbm>>
      tpu.wait_indirect_dma semaphore(%arg15 : memref<!tpu.dma_semaphore, #tpu.memory_space<semaphore_mem>>) src(%dma_wait3A_112 : memref<10240x128xf32, #tpu.memory_space<hbm>>) dst(%arg12 : memref<128x128xf32, #tpu.memory_space<vmem>>)
      %dma_start3A_113 = arith.constant 2 : i32
      %dma_start3A_114 = arith.constant 0 : i32
      %dma_start3A_115 = tpu.memref_slice %arg11[%dma_start3A_113, %dma_start3A_114] : memref<16x128xi32, #tpu.memory_space<vmem>> -> memref<1x128xi32, #tpu.memory_space<vmem>>
      %dma_start3A_116 = tpu.memref_squeeze %dma_start3A_115 : memref<1x128xi32, #tpu.memory_space<vmem>> -> memref<128xi32, #tpu.memory_space<vmem>>
      %dma_start3A_117 = arith.constant 0 : i32
      %dma_start3A_118 = arith.constant 0 : i32
      %dma_start3A_119 = tpu.memref_slice %arg14[%dma_start3A_117, %dma_start3A_118] : memref<10240x128xf32, #tpu.memory_space<vmem_shared>> -> memref<10240x128xf32, #tpu.memory_space<vmem_shared>>
      tpu.enqueue_indirect_dma source(%arg12 : memref<128x128xf32, #tpu.memory_space<vmem>>) target(%dma_start3A_119 : memref<10240x128xf32, #tpu.memory_space<vmem_shared>>) offsets(%dma_start3A_116 : memref<128xi32, #tpu.memory_space<vmem>>) semaphore(%arg17 : memref<!tpu.dma_semaphore, #tpu.memory_space<semaphore_mem>>) {add = true}
      %dma_wait3A_120 = arith.constant 2 : i32
      %dma_wait3A_121 = arith.constant 0 : i32
      %dma_wait3A_122 = tpu.memref_slice %arg11[%dma_wait3A_120, %dma_wait3A_121] : memref<16x128xi32, #tpu.memory_space<vmem>> -> memref<1x128xi32, #tpu.memory_space<vmem>>
      %dma_wait3A_123 = tpu.memref_squeeze %dma_wait3A_122 : memref<1x128xi32, #tpu.memory_space<vmem>> -> memref<128xi32, #tpu.memory_space<vmem>>
      %dma_wait3A_124 = arith.constant 0 : i32
      %dma_wait3A_125 = arith.constant 0 : i32
      %dma_wait3A_126 = tpu.memref_slice %arg14[%dma_wait3A_124, %dma_wait3A_125] : memref<10240x128xf32, #tpu.memory_space<vmem_shared>> -> memref<10240x128xf32, #tpu.memory_space<vmem_shared>>
      tpu.wait_indirect_dma semaphore(%arg17 : memref<!tpu.dma_semaphore, #tpu.memory_space<semaphore_mem>>) src(%arg12 : memref<128x128xf32, #tpu.memory_space<vmem>>) dst(%dma_wait3A_126 : memref<10240x128xf32, #tpu.memory_space<vmem_shared>>)
      %dma_start3A_127 = arith.constant 4 : i32
      %dma_start3A_128 = arith.constant 0 : i32
      %dma_start3A_129 = tpu.memref_slice %arg10[%dma_start3A_127, %dma_start3A_128] : memref<16x128xi32, #tpu.memory_space<vmem>> -> memref<1x128xi32, #tpu.memory_space<vmem>>
      %dma_start3A_130 = tpu.memref_squeeze %dma_start3A_129 : memref<1x128xi32, #tpu.memory_space<vmem>> -> memref<128xi32, #tpu.memory_space<vmem>>
      %dma_start3A_131 = arith.constant 0 : i32
      %dma_start3A_132 = arith.constant 0 : i32
      %dma_start3A_133 = tpu.memref_slice %arg5[%dma_start3A_131, %dma_start3A_132] : memref<10240x128xf32, #tpu.memory_space<hbm>> -> memref<10240x128xf32, #tpu.memory_space<hbm>>
      tpu.enqueue_indirect_dma source(%dma_start3A_133 : memref<10240x128xf32, #tpu.memory_space<hbm>>) target(%arg12 : memref<128x128xf32, #tpu.memory_space<vmem>>) offsets(%dma_start3A_130 : memref<128xi32, #tpu.memory_space<vmem>>) semaphore(%arg15 : memref<!tpu.dma_semaphore, #tpu.memory_space<semaphore_mem>>)
      %dma_wait3A_134 = arith.constant 3 : i32
      %dma_wait3A_135 = arith.constant 0 : i32
      %dma_wait3A_136 = tpu.memref_slice %arg10[%dma_wait3A_134, %dma_wait3A_135] : memref<16x128xi32, #tpu.memory_space<vmem>> -> memref<1x128xi32, #tpu.memory_space<vmem>>
      %dma_wait3A_137 = tpu.memref_squeeze %dma_wait3A_136 : memref<1x128xi32, #tpu.memory_space<vmem>> -> memref<128xi32, #tpu.memory_space<vmem>>
      %dma_wait3A_138 = arith.constant 0 : i32
      %dma_wait3A_139 = arith.constant 0 : i32
      %dma_wait3A_140 = tpu.memref_slice %arg5[%dma_wait3A_138, %dma_wait3A_139] : memref<10240x128xf32, #tpu.memory_space<hbm>> -> memref<10240x128xf32, #tpu.memory_space<hbm>>
      tpu.wait_indirect_dma semaphore(%arg16 : memref<!tpu.dma_semaphore, #tpu.memory_space<semaphore_mem>>) src(%dma_wait3A_140 : memref<10240x128xf32, #tpu.memory_space<hbm>>) dst(%arg13 : memref<128x128xf32, #tpu.memory_space<vmem>>)
      %dma_start3A_141 = arith.constant 3 : i32
      %dma_start3A_142 = arith.constant 0 : i32
      %dma_start3A_143 = tpu.memref_slice %arg11[%dma_start3A_141, %dma_start3A_142] : memref<16x128xi32, #tpu.memory_space<vmem>> -> memref<1x128xi32, #tpu.memory_space<vmem>>
      %dma_start3A_144 = tpu.memref_squeeze %dma_start3A_143 : memref<1x128xi32, #tpu.memory_space<vmem>> -> memref<128xi32, #tpu.memory_space<vmem>>
      %dma_start3A_145 = arith.constant 0 : i32
      %dma_start3A_146 = arith.constant 0 : i32
      %dma_start3A_147 = tpu.memref_slice %arg14[%dma_start3A_145, %dma_start3A_146] : memref<10240x128xf32, #tpu.memory_space<vmem_shared>> -> memref<10240x128xf32, #tpu.memory_space<vmem_shared>>
      tpu.enqueue_indirect_dma source(%arg13 : memref<128x128xf32, #tpu.memory_space<vmem>>) target(%dma_start3A_147 : memref<10240x128xf32, #tpu.memory_space<vmem_shared>>) offsets(%dma_start3A_144 : memref<128xi32, #tpu.memory_space<vmem>>) semaphore(%arg18 : memref<!tpu.dma_semaphore, #tpu.memory_space<semaphore_mem>>) {add = true}
      %dma_wait3A_148 = arith.constant 3 : i32
      %dma_wait3A_149 = arith.constant 0 : i32
      %dma_wait3A_150 = tpu.memref_slice %arg11[%dma_wait3A_148, %dma_wait3A_149] : memref<16x128xi32, #tpu.memory_space<vmem>> -> memref<1x128xi32, #tpu.memory_space<vmem>>
      %dma_wait3A_151 = tpu.memref_squeeze %dma_wait3A_150 : memref<1x128xi32, #tpu.memory_space<vmem>> -> memref<128xi32, #tpu.memory_space<vmem>>
      %dma_wait3A_152 = arith.constant 0 : i32
      %dma_wait3A_153 = arith.constant 0 : i32
      %dma_wait3A_154 = tpu.memref_slice %arg14[%dma_wait3A_152, %dma_wait3A_153] : memref<10240x128xf32, #tpu.memory_space<vmem_shared>> -> memref<10240x128xf32, #tpu.memory_space<vmem_shared>>
      tpu.wait_indirect_dma semaphore(%arg18 : memref<!tpu.dma_semaphore, #tpu.memory_space<semaphore_mem>>) src(%arg13 : memref<128x128xf32, #tpu.memory_space<vmem>>) dst(%dma_wait3A_154 : memref<10240x128xf32, #tpu.memory_space<vmem_shared>>)
      %dma_start3A_155 = arith.constant 5 : i32
      %dma_start3A_156 = arith.constant 0 : i32
      %dma_start3A_157 = tpu.memref_slice %arg10[%dma_start3A_155, %dma_start3A_156] : memref<16x128xi32, #tpu.memory_space<vmem>> -> memref<1x128xi32, #tpu.memory_space<vmem>>
      %dma_start3A_158 = tpu.memref_squeeze %dma_start3A_157 : memref<1x128xi32, #tpu.memory_space<vmem>> -> memref<128xi32, #tpu.memory_space<vmem>>
      %dma_start3A_159 = arith.constant 0 : i32
      %dma_start3A_160 = arith.constant 0 : i32
      %dma_start3A_161 = tpu.memref_slice %arg5[%dma_start3A_159, %dma_start3A_160] : memref<10240x128xf32, #tpu.memory_space<hbm>> -> memref<10240x128xf32, #tpu.memory_space<hbm>>
      tpu.enqueue_indirect_dma source(%dma_start3A_161 : memref<10240x128xf32, #tpu.memory_space<hbm>>) target(%arg13 : memref<128x128xf32, #tpu.memory_space<vmem>>) offsets(%dma_start3A_158 : memref<128xi32, #tpu.memory_space<vmem>>) semaphore(%arg16 : memref<!tpu.dma_semaphore, #tpu.memory_space<semaphore_mem>>)
      %dma_wait3A_162 = arith.constant 4 : i32
      %dma_wait3A_163 = arith.constant 0 : i32
      %dma_wait3A_164 = tpu.memref_slice %arg10[%dma_wait3A_162, %dma_wait3A_163] : memref<16x128xi32, #tpu.memory_space<vmem>> -> memref<1x128xi32, #tpu.memory_space<vmem>>
      %dma_wait3A_165 = tpu.memref_squeeze %dma_wait3A_164 : memref<1x128xi32, #tpu.memory_space<vmem>> -> memref<128xi32, #tpu.memory_space<vmem>>
      %dma_wait3A_166 = arith.constant 0 : i32
      %dma_wait3A_167 = arith.constant 0 : i32
      %dma_wait3A_168 = tpu.memref_slice %arg5[%dma_wait3A_166, %dma_wait3A_167] : memref<10240x128xf32, #tpu.memory_space<hbm>> -> memref<10240x128xf32, #tpu.memory_space<hbm>>
      tpu.wait_indirect_dma semaphore(%arg15 : memref<!tpu.dma_semaphore, #tpu.memory_space<semaphore_mem>>) src(%dma_wait3A_168 : memref<10240x128xf32, #tpu.memory_space<hbm>>) dst(%arg12 : memref<128x128xf32, #tpu.memory_space<vmem>>)
      %dma_start3A_169 = arith.constant 4 : i32
      %dma_start3A_170 = arith.constant 0 : i32
      %dma_start3A_171 = tpu.memref_slice %arg11[%dma_start3A_169, %dma_start3A_170] : memref<16x128xi32, #tpu.memory_space<vmem>> -> memref<1x128xi32, #tpu.memory_space<vmem>>
      %dma_start3A_172 = tpu.memref_squeeze %dma_start3A_171 : memref<1x128xi32, #tpu.memory_space<vmem>> -> memref<128xi32, #tpu.memory_space<vmem>>
      %dma_start3A_173 = arith.constant 0 : i32
      %dma_start3A_174 = arith.constant 0 : i32
      %dma_start3A_175 = tpu.memref_slice %arg14[%dma_start3A_173, %dma_start3A_174] : memref<10240x128xf32, #tpu.memory_space<vmem_shared>> -> memref<10240x128xf32, #tpu.memory_space<vmem_shared>>
      tpu.enqueue_indirect_dma source(%arg12 : memref<128x128xf32, #tpu.memory_space<vmem>>) target(%dma_start3A_175 : memref<10240x128xf32, #tpu.memory_space<vmem_shared>>) offsets(%dma_start3A_172 : memref<128xi32, #tpu.memory_space<vmem>>) semaphore(%arg17 : memref<!tpu.dma_semaphore, #tpu.memory_space<semaphore_mem>>) {add = true}
      %dma_wait3A_176 = arith.constant 4 : i32
      %dma_wait3A_177 = arith.constant 0 : i32
      %dma_wait3A_178 = tpu.memref_slice %arg11[%dma_wait3A_176, %dma_wait3A_177] : memref<16x128xi32, #tpu.memory_space<vmem>> -> memref<1x128xi32, #tpu.memory_space<vmem>>
      %dma_wait3A_179 = tpu.memref_squeeze %dma_wait3A_178 : memref<1x128xi32, #tpu.memory_space<vmem>> -> memref<128xi32, #tpu.memory_space<vmem>>
      %dma_wait3A_180 = arith.constant 0 : i32
      %dma_wait3A_181 = arith.constant 0 : i32
      %dma_wait3A_182 = tpu.memref_slice %arg14[%dma_wait3A_180, %dma_wait3A_181] : memref<10240x128xf32, #tpu.memory_space<vmem_shared>> -> memref<10240x128xf32, #tpu.memory_space<vmem_shared>>
      tpu.wait_indirect_dma semaphore(%arg17 : memref<!tpu.dma_semaphore, #tpu.memory_space<semaphore_mem>>) src(%arg12 : memref<128x128xf32, #tpu.memory_space<vmem>>) dst(%dma_wait3A_182 : memref<10240x128xf32, #tpu.memory_space<vmem_shared>>)
      %dma_start3A_183 = arith.constant 6 : i32
      %dma_start3A_184 = arith.constant 0 : i32
      %dma_start3A_185 = tpu.memref_slice %arg10[%dma_start3A_183, %dma_start3A_184] : memref<16x128xi32, #tpu.memory_space<vmem>> -> memref<1x128xi32, #tpu.memory_space<vmem>>
      %dma_start3A_186 = tpu.memref_squeeze %dma_start3A_185 : memref<1x128xi32, #tpu.memory_space<vmem>> -> memref<128xi32, #tpu.memory_space<vmem>>
      %dma_start3A_187 = arith.constant 0 : i32
      %dma_start3A_188 = arith.constant 0 : i32
      %dma_start3A_189 = tpu.memref_slice %arg5[%dma_start3A_187, %dma_start3A_188] : memref<10240x128xf32, #tpu.memory_space<hbm>> -> memref<10240x128xf32, #tpu.memory_space<hbm>>
      tpu.enqueue_indirect_dma source(%dma_start3A_189 : memref<10240x128xf32, #tpu.memory_space<hbm>>) target(%arg12 : memref<128x128xf32, #tpu.memory_space<vmem>>) offsets(%dma_start3A_186 : memref<128xi32, #tpu.memory_space<vmem>>) semaphore(%arg15 : memref<!tpu.dma_semaphore, #tpu.memory_space<semaphore_mem>>)
      %dma_wait3A_190 = arith.constant 5 : i32
      %dma_wait3A_191 = arith.constant 0 : i32
      %dma_wait3A_192 = tpu.memref_slice %arg10[%dma_wait3A_190, %dma_wait3A_191] : memref<16x128xi32, #tpu.memory_space<vmem>> -> memref<1x128xi32, #tpu.memory_space<vmem>>
      %dma_wait3A_193 = tpu.memref_squeeze %dma_wait3A_192 : memref<1x128xi32, #tpu.memory_space<vmem>> -> memref<128xi32, #tpu.memory_space<vmem>>
      %dma_wait3A_194 = arith.constant 0 : i32
      %dma_wait3A_195 = arith.constant 0 : i32
      %dma_wait3A_196 = tpu.memref_slice %arg5[%dma_wait3A_194, %dma_wait3A_195] : memref<10240x128xf32, #tpu.memory_space<hbm>> -> memref<10240x128xf32, #tpu.memory_space<hbm>>
      tpu.wait_indirect_dma semaphore(%arg16 : memref<!tpu.dma_semaphore, #tpu.memory_space<semaphore_mem>>) src(%dma_wait3A_196 : memref<10240x128xf32, #tpu.memory_space<hbm>>) dst(%arg13 : memref<128x128xf32, #tpu.memory_space<vmem>>)
      %dma_start3A_197 = arith.constant 5 : i32
      %dma_start3A_198 = arith.constant 0 : i32
      %dma_start3A_199 = tpu.memref_slice %arg11[%dma_start3A_197, %dma_start3A_198] : memref<16x128xi32, #tpu.memory_space<vmem>> -> memref<1x128xi32, #tpu.memory_space<vmem>>
      %dma_start3A_200 = tpu.memref_squeeze %dma_start3A_199 : memref<1x128xi32, #tpu.memory_space<vmem>> -> memref<128xi32, #tpu.memory_space<vmem>>
      %dma_start3A_201 = arith.constant 0 : i32
      %dma_start3A_202 = arith.constant 0 : i32
      %dma_start3A_203 = tpu.memref_slice %arg14[%dma_start3A_201, %dma_start3A_202] : memref<10240x128xf32, #tpu.memory_space<vmem_shared>> -> memref<10240x128xf32, #tpu.memory_space<vmem_shared>>
      tpu.enqueue_indirect_dma source(%arg13 : memref<128x128xf32, #tpu.memory_space<vmem>>) target(%dma_start3A_203 : memref<10240x128xf32, #tpu.memory_space<vmem_shared>>) offsets(%dma_start3A_200 : memref<128xi32, #tpu.memory_space<vmem>>) semaphore(%arg18 : memref<!tpu.dma_semaphore, #tpu.memory_space<semaphore_mem>>) {add = true}
      %dma_wait3A_204 = arith.constant 5 : i32
      %dma_wait3A_205 = arith.constant 0 : i32
      %dma_wait3A_206 = tpu.memref_slice %arg11[%dma_wait3A_204, %dma_wait3A_205] : memref<16x128xi32, #tpu.memory_space<vmem>> -> memref<1x128xi32, #tpu.memory_space<vmem>>
      %dma_wait3A_207 = tpu.memref_squeeze %dma_wait3A_206 : memref<1x128xi32, #tpu.memory_space<vmem>> -> memref<128xi32, #tpu.memory_space<vmem>>
      %dma_wait3A_208 = arith.constant 0 : i32
      %dma_wait3A_209 = arith.constant 0 : i32
      %dma_wait3A_210 = tpu.memref_slice %arg14[%dma_wait3A_208, %dma_wait3A_209] : memref<10240x128xf32, #tpu.memory_space<vmem_shared>> -> memref<10240x128xf32, #tpu.memory_space<vmem_shared>>
      tpu.wait_indirect_dma semaphore(%arg18 : memref<!tpu.dma_semaphore, #tpu.memory_space<semaphore_mem>>) src(%arg13 : memref<128x128xf32, #tpu.memory_space<vmem>>) dst(%dma_wait3A_210 : memref<10240x128xf32, #tpu.memory_space<vmem_shared>>)
      %dma_start3A_211 = arith.constant 7 : i32
      %dma_start3A_212 = arith.constant 0 : i32
      %dma_start3A_213 = tpu.memref_slice %arg10[%dma_start3A_211, %dma_start3A_212] : memref<16x128xi32, #tpu.memory_space<vmem>> -> memref<1x128xi32, #tpu.memory_space<vmem>>
      %dma_start3A_214 = tpu.memref_squeeze %dma_start3A_213 : memref<1x128xi32, #tpu.memory_space<vmem>> -> memref<128xi32, #tpu.memory_space<vmem>>
      %dma_start3A_215 = arith.constant 0 : i32
      %dma_start3A_216 = arith.constant 0 : i32
      %dma_start3A_217 = tpu.memref_slice %arg5[%dma_start3A_215, %dma_start3A_216] : memref<10240x128xf32, #tpu.memory_space<hbm>> -> memref<10240x128xf32, #tpu.memory_space<hbm>>
      tpu.enqueue_indirect_dma source(%dma_start3A_217 : memref<10240x128xf32, #tpu.memory_space<hbm>>) target(%arg13 : memref<128x128xf32, #tpu.memory_space<vmem>>) offsets(%dma_start3A_214 : memref<128xi32, #tpu.memory_space<vmem>>) semaphore(%arg16 : memref<!tpu.dma_semaphore, #tpu.memory_space<semaphore_mem>>)
      %dma_wait3A_218 = arith.constant 6 : i32
      %dma_wait3A_219 = arith.constant 0 : i32
      %dma_wait3A_220 = tpu.memref_slice %arg10[%dma_wait3A_218, %dma_wait3A_219] : memref<16x128xi32, #tpu.memory_space<vmem>> -> memref<1x128xi32, #tpu.memory_space<vmem>>
      %dma_wait3A_221 = tpu.memref_squeeze %dma_wait3A_220 : memref<1x128xi32, #tpu.memory_space<vmem>> -> memref<128xi32, #tpu.memory_space<vmem>>
      %dma_wait3A_222 = arith.constant 0 : i32
      %dma_wait3A_223 = arith.constant 0 : i32
      %dma_wait3A_224 = tpu.memref_slice %arg5[%dma_wait3A_222, %dma_wait3A_223] : memref<10240x128xf32, #tpu.memory_space<hbm>> -> memref<10240x128xf32, #tpu.memory_space<hbm>>
      tpu.wait_indirect_dma semaphore(%arg15 : memref<!tpu.dma_semaphore, #tpu.memory_space<semaphore_mem>>) src(%dma_wait3A_224 : memref<10240x128xf32, #tpu.memory_space<hbm>>) dst(%arg12 : memref<128x128xf32, #tpu.memory_space<vmem>>)
      %dma_start3A_225 = arith.constant 6 : i32
      %dma_start3A_226 = arith.constant 0 : i32
      %dma_start3A_227 = tpu.memref_slice %arg11[%dma_start3A_225, %dma_start3A_226] : memref<16x128xi32, #tpu.memory_space<vmem>> -> memref<1x128xi32, #tpu.memory_space<vmem>>
      %dma_start3A_228 = tpu.memref_squeeze %dma_start3A_227 : memref<1x128xi32, #tpu.memory_space<vmem>> -> memref<128xi32, #tpu.memory_space<vmem>>
      %dma_start3A_229 = arith.constant 0 : i32
      %dma_start3A_230 = arith.constant 0 : i32
      %dma_start3A_231 = tpu.memref_slice %arg14[%dma_start3A_229, %dma_start3A_230] : memref<10240x128xf32, #tpu.memory_space<vmem_shared>> -> memref<10240x128xf32, #tpu.memory_space<vmem_shared>>
      tpu.enqueue_indirect_dma source(%arg12 : memref<128x128xf32, #tpu.memory_space<vmem>>) target(%dma_start3A_231 : memref<10240x128xf32, #tpu.memory_space<vmem_shared>>) offsets(%dma_start3A_228 : memref<128xi32, #tpu.memory_space<vmem>>) semaphore(%arg17 : memref<!tpu.dma_semaphore, #tpu.memory_space<semaphore_mem>>) {add = true}
      %dma_wait3A_232 = arith.constant 6 : i32
      %dma_wait3A_233 = arith.constant 0 : i32
      %dma_wait3A_234 = tpu.memref_slice %arg11[%dma_wait3A_232, %dma_wait3A_233] : memref<16x128xi32, #tpu.memory_space<vmem>> -> memref<1x128xi32, #tpu.memory_space<vmem>>
      %dma_wait3A_235 = tpu.memref_squeeze %dma_wait3A_234 : memref<1x128xi32, #tpu.memory_space<vmem>> -> memref<128xi32, #tpu.memory_space<vmem>>
      %dma_wait3A_236 = arith.constant 0 : i32
      %dma_wait3A_237 = arith.constant 0 : i32
      %dma_wait3A_238 = tpu.memref_slice %arg14[%dma_wait3A_236, %dma_wait3A_237] : memref<10240x128xf32, #tpu.memory_space<vmem_shared>> -> memref<10240x128xf32, #tpu.memory_space<vmem_shared>>
      tpu.wait_indirect_dma semaphore(%arg17 : memref<!tpu.dma_semaphore, #tpu.memory_space<semaphore_mem>>) src(%arg12 : memref<128x128xf32, #tpu.memory_space<vmem>>) dst(%dma_wait3A_238 : memref<10240x128xf32, #tpu.memory_space<vmem_shared>>)
      %dma_start3A_239 = arith.constant 8 : i32
      %dma_start3A_240 = arith.constant 0 : i32
      %dma_start3A_241 = tpu.memref_slice %arg10[%dma_start3A_239, %dma_start3A_240] : memref<16x128xi32, #tpu.memory_space<vmem>> -> memref<1x128xi32, #tpu.memory_space<vmem>>
      %dma_start3A_242 = tpu.memref_squeeze %dma_start3A_241 : memref<1x128xi32, #tpu.memory_space<vmem>> -> memref<128xi32, #tpu.memory_space<vmem>>
      %dma_start3A_243 = arith.constant 0 : i32
      %dma_start3A_244 = arith.constant 0 : i32
      %dma_start3A_245 = tpu.memref_slice %arg5[%dma_start3A_243, %dma_start3A_244] : memref<10240x128xf32, #tpu.memory_space<hbm>> -> memref<10240x128xf32, #tpu.memory_space<hbm>>
      tpu.enqueue_indirect_dma source(%dma_start3A_245 : memref<10240x128xf32, #tpu.memory_space<hbm>>) target(%arg12 : memref<128x128xf32, #tpu.memory_space<vmem>>) offsets(%dma_start3A_242 : memref<128xi32, #tpu.memory_space<vmem>>) semaphore(%arg15 : memref<!tpu.dma_semaphore, #tpu.memory_space<semaphore_mem>>)
      %dma_wait3A_246 = arith.constant 7 : i32
      %dma_wait3A_247 = arith.constant 0 : i32
      %dma_wait3A_248 = tpu.memref_slice %arg10[%dma_wait3A_246, %dma_wait3A_247] : memref<16x128xi32, #tpu.memory_space<vmem>> -> memref<1x128xi32, #tpu.memory_space<vmem>>
      %dma_wait3A_249 = tpu.memref_squeeze %dma_wait3A_248 : memref<1x128xi32, #tpu.memory_space<vmem>> -> memref<128xi32, #tpu.memory_space<vmem>>
      %dma_wait3A_250 = arith.constant 0 : i32
      %dma_wait3A_251 = arith.constant 0 : i32
      %dma_wait3A_252 = tpu.memref_slice %arg5[%dma_wait3A_250, %dma_wait3A_251] : memref<10240x128xf32, #tpu.memory_space<hbm>> -> memref<10240x128xf32, #tpu.memory_space<hbm>>
      tpu.wait_indirect_dma semaphore(%arg16 : memref<!tpu.dma_semaphore, #tpu.memory_space<semaphore_mem>>) src(%dma_wait3A_252 : memref<10240x128xf32, #tpu.memory_space<hbm>>) dst(%arg13 : memref<128x128xf32, #tpu.memory_space<vmem>>)
      %dma_start3A_253 = arith.constant 7 : i32
      %dma_start3A_254 = arith.constant 0 : i32
      %dma_start3A_255 = tpu.memref_slice %arg11[%dma_start3A_253, %dma_start3A_254] : memref<16x128xi32, #tpu.memory_space<vmem>> -> memref<1x128xi32, #tpu.memory_space<vmem>>
      %dma_start3A_256 = tpu.memref_squeeze %dma_start3A_255 : memref<1x128xi32, #tpu.memory_space<vmem>> -> memref<128xi32, #tpu.memory_space<vmem>>
      %dma_start3A_257 = arith.constant 0 : i32
      %dma_start3A_258 = arith.constant 0 : i32
      %dma_start3A_259 = tpu.memref_slice %arg14[%dma_start3A_257, %dma_start3A_258] : memref<10240x128xf32, #tpu.memory_space<vmem_shared>> -> memref<10240x128xf32, #tpu.memory_space<vmem_shared>>
      tpu.enqueue_indirect_dma source(%arg13 : memref<128x128xf32, #tpu.memory_space<vmem>>) target(%dma_start3A_259 : memref<10240x128xf32, #tpu.memory_space<vmem_shared>>) offsets(%dma_start3A_256 : memref<128xi32, #tpu.memory_space<vmem>>) semaphore(%arg18 : memref<!tpu.dma_semaphore, #tpu.memory_space<semaphore_mem>>) {add = true}
      %dma_wait3A_260 = arith.constant 7 : i32
      %dma_wait3A_261 = arith.constant 0 : i32
      %dma_wait3A_262 = tpu.memref_slice %arg11[%dma_wait3A_260, %dma_wait3A_261] : memref<16x128xi32, #tpu.memory_space<vmem>> -> memref<1x128xi32, #tpu.memory_space<vmem>>
      %dma_wait3A_263 = tpu.memref_squeeze %dma_wait3A_262 : memref<1x128xi32, #tpu.memory_space<vmem>> -> memref<128xi32, #tpu.memory_space<vmem>>
      %dma_wait3A_264 = arith.constant 0 : i32
      %dma_wait3A_265 = arith.constant 0 : i32
      %dma_wait3A_266 = tpu.memref_slice %arg14[%dma_wait3A_264, %dma_wait3A_265] : memref<10240x128xf32, #tpu.memory_space<vmem_shared>> -> memref<10240x128xf32, #tpu.memory_space<vmem_shared>>
      tpu.wait_indirect_dma semaphore(%arg18 : memref<!tpu.dma_semaphore, #tpu.memory_space<semaphore_mem>>) src(%arg13 : memref<128x128xf32, #tpu.memory_space<vmem>>) dst(%dma_wait3A_266 : memref<10240x128xf32, #tpu.memory_space<vmem_shared>>)
      %dma_start3A_267 = arith.constant 9 : i32
      %dma_start3A_268 = arith.constant 0 : i32
      %dma_start3A_269 = tpu.memref_slice %arg10[%dma_start3A_267, %dma_start3A_268] : memref<16x128xi32, #tpu.memory_space<vmem>> -> memref<1x128xi32, #tpu.memory_space<vmem>>
      %dma_start3A_270 = tpu.memref_squeeze %dma_start3A_269 : memref<1x128xi32, #tpu.memory_space<vmem>> -> memref<128xi32, #tpu.memory_space<vmem>>
      %dma_start3A_271 = arith.constant 0 : i32
      %dma_start3A_272 = arith.constant 0 : i32
      %dma_start3A_273 = tpu.memref_slice %arg5[%dma_start3A_271, %dma_start3A_272] : memref<10240x128xf32, #tpu.memory_space<hbm>> -> memref<10240x128xf32, #tpu.memory_space<hbm>>
      tpu.enqueue_indirect_dma source(%dma_start3A_273 : memref<10240x128xf32, #tpu.memory_space<hbm>>) target(%arg13 : memref<128x128xf32, #tpu.memory_space<vmem>>) offsets(%dma_start3A_270 : memref<128xi32, #tpu.memory_space<vmem>>) semaphore(%arg16 : memref<!tpu.dma_semaphore, #tpu.memory_space<semaphore_mem>>)
      %dma_wait3A_274 = arith.constant 8 : i32
      %dma_wait3A_275 = arith.constant 0 : i32
      %dma_wait3A_276 = tpu.memref_slice %arg10[%dma_wait3A_274, %dma_wait3A_275] : memref<16x128xi32, #tpu.memory_space<vmem>> -> memref<1x128xi32, #tpu.memory_space<vmem>>
      %dma_wait3A_277 = tpu.memref_squeeze %dma_wait3A_276 : memref<1x128xi32, #tpu.memory_space<vmem>> -> memref<128xi32, #tpu.memory_space<vmem>>
      %dma_wait3A_278 = arith.constant 0 : i32
      %dma_wait3A_279 = arith.constant 0 : i32
      %dma_wait3A_280 = tpu.memref_slice %arg5[%dma_wait3A_278, %dma_wait3A_279] : memref<10240x128xf32, #tpu.memory_space<hbm>> -> memref<10240x128xf32, #tpu.memory_space<hbm>>
      tpu.wait_indirect_dma semaphore(%arg15 : memref<!tpu.dma_semaphore, #tpu.memory_space<semaphore_mem>>) src(%dma_wait3A_280 : memref<10240x128xf32, #tpu.memory_space<hbm>>) dst(%arg12 : memref<128x128xf32, #tpu.memory_space<vmem>>)
      %dma_start3A_281 = arith.constant 8 : i32
      %dma_start3A_282 = arith.constant 0 : i32
      %dma_start3A_283 = tpu.memref_slice %arg11[%dma_start3A_281, %dma_start3A_282] : memref<16x128xi32, #tpu.memory_space<vmem>> -> memref<1x128xi32, #tpu.memory_space<vmem>>
      %dma_start3A_284 = tpu.memref_squeeze %dma_start3A_283 : memref<1x128xi32, #tpu.memory_space<vmem>> -> memref<128xi32, #tpu.memory_space<vmem>>
      %dma_start3A_285 = arith.constant 0 : i32
      %dma_start3A_286 = arith.constant 0 : i32
      %dma_start3A_287 = tpu.memref_slice %arg14[%dma_start3A_285, %dma_start3A_286] : memref<10240x128xf32, #tpu.memory_space<vmem_shared>> -> memref<10240x128xf32, #tpu.memory_space<vmem_shared>>
      tpu.enqueue_indirect_dma source(%arg12 : memref<128x128xf32, #tpu.memory_space<vmem>>) target(%dma_start3A_287 : memref<10240x128xf32, #tpu.memory_space<vmem_shared>>) offsets(%dma_start3A_284 : memref<128xi32, #tpu.memory_space<vmem>>) semaphore(%arg17 : memref<!tpu.dma_semaphore, #tpu.memory_space<semaphore_mem>>) {add = true}
      %dma_wait3A_288 = arith.constant 8 : i32
      %dma_wait3A_289 = arith.constant 0 : i32
      %dma_wait3A_290 = tpu.memref_slice %arg11[%dma_wait3A_288, %dma_wait3A_289] : memref<16x128xi32, #tpu.memory_space<vmem>> -> memref<1x128xi32, #tpu.memory_space<vmem>>
      %dma_wait3A_291 = tpu.memref_squeeze %dma_wait3A_290 : memref<1x128xi32, #tpu.memory_space<vmem>> -> memref<128xi32, #tpu.memory_space<vmem>>
      %dma_wait3A_292 = arith.constant 0 : i32
      %dma_wait3A_293 = arith.constant 0 : i32
      %dma_wait3A_294 = tpu.memref_slice %arg14[%dma_wait3A_292, %dma_wait3A_293] : memref<10240x128xf32, #tpu.memory_space<vmem_shared>> -> memref<10240x128xf32, #tpu.memory_space<vmem_shared>>
      tpu.wait_indirect_dma semaphore(%arg17 : memref<!tpu.dma_semaphore, #tpu.memory_space<semaphore_mem>>) src(%arg12 : memref<128x128xf32, #tpu.memory_space<vmem>>) dst(%dma_wait3A_294 : memref<10240x128xf32, #tpu.memory_space<vmem_shared>>)
      %dma_start3A_295 = arith.constant 10 : i32
      %dma_start3A_296 = arith.constant 0 : i32
      %dma_start3A_297 = tpu.memref_slice %arg10[%dma_start3A_295, %dma_start3A_296] : memref<16x128xi32, #tpu.memory_space<vmem>> -> memref<1x128xi32, #tpu.memory_space<vmem>>
      %dma_start3A_298 = tpu.memref_squeeze %dma_start3A_297 : memref<1x128xi32, #tpu.memory_space<vmem>> -> memref<128xi32, #tpu.memory_space<vmem>>
      %dma_start3A_299 = arith.constant 0 : i32
      %dma_start3A_300 = arith.constant 0 : i32
      %dma_start3A_301 = tpu.memref_slice %arg5[%dma_start3A_299, %dma_start3A_300] : memref<10240x128xf32, #tpu.memory_space<hbm>> -> memref<10240x128xf32, #tpu.memory_space<hbm>>
      tpu.enqueue_indirect_dma source(%dma_start3A_301 : memref<10240x128xf32, #tpu.memory_space<hbm>>) target(%arg12 : memref<128x128xf32, #tpu.memory_space<vmem>>) offsets(%dma_start3A_298 : memref<128xi32, #tpu.memory_space<vmem>>) semaphore(%arg15 : memref<!tpu.dma_semaphore, #tpu.memory_space<semaphore_mem>>)
      %dma_wait3A_302 = arith.constant 9 : i32
      %dma_wait3A_303 = arith.constant 0 : i32
      %dma_wait3A_304 = tpu.memref_slice %arg10[%dma_wait3A_302, %dma_wait3A_303] : memref<16x128xi32, #tpu.memory_space<vmem>> -> memref<1x128xi32, #tpu.memory_space<vmem>>
      %dma_wait3A_305 = tpu.memref_squeeze %dma_wait3A_304 : memref<1x128xi32, #tpu.memory_space<vmem>> -> memref<128xi32, #tpu.memory_space<vmem>>
      %dma_wait3A_306 = arith.constant 0 : i32
      %dma_wait3A_307 = arith.constant 0 : i32
      %dma_wait3A_308 = tpu.memref_slice %arg5[%dma_wait3A_306, %dma_wait3A_307] : memref<10240x128xf32, #tpu.memory_space<hbm>> -> memref<10240x128xf32, #tpu.memory_space<hbm>>
      tpu.wait_indirect_dma semaphore(%arg16 : memref<!tpu.dma_semaphore, #tpu.memory_space<semaphore_mem>>) src(%dma_wait3A_308 : memref<10240x128xf32, #tpu.memory_space<hbm>>) dst(%arg13 : memref<128x128xf32, #tpu.memory_space<vmem>>)
      %dma_start3A_309 = arith.constant 9 : i32
      %dma_start3A_310 = arith.constant 0 : i32
      %dma_start3A_311 = tpu.memref_slice %arg11[%dma_start3A_309, %dma_start3A_310] : memref<16x128xi32, #tpu.memory_space<vmem>> -> memref<1x128xi32, #tpu.memory_space<vmem>>
      %dma_start3A_312 = tpu.memref_squeeze %dma_start3A_311 : memref<1x128xi32, #tpu.memory_space<vmem>> -> memref<128xi32, #tpu.memory_space<vmem>>
      %dma_start3A_313 = arith.constant 0 : i32
      %dma_start3A_314 = arith.constant 0 : i32
      %dma_start3A_315 = tpu.memref_slice %arg14[%dma_start3A_313, %dma_start3A_314] : memref<10240x128xf32, #tpu.memory_space<vmem_shared>> -> memref<10240x128xf32, #tpu.memory_space<vmem_shared>>
      tpu.enqueue_indirect_dma source(%arg13 : memref<128x128xf32, #tpu.memory_space<vmem>>) target(%dma_start3A_315 : memref<10240x128xf32, #tpu.memory_space<vmem_shared>>) offsets(%dma_start3A_312 : memref<128xi32, #tpu.memory_space<vmem>>) semaphore(%arg18 : memref<!tpu.dma_semaphore, #tpu.memory_space<semaphore_mem>>) {add = true}
      %dma_wait3A_316 = arith.constant 9 : i32
      %dma_wait3A_317 = arith.constant 0 : i32
      %dma_wait3A_318 = tpu.memref_slice %arg11[%dma_wait3A_316, %dma_wait3A_317] : memref<16x128xi32, #tpu.memory_space<vmem>> -> memref<1x128xi32, #tpu.memory_space<vmem>>
      %dma_wait3A_319 = tpu.memref_squeeze %dma_wait3A_318 : memref<1x128xi32, #tpu.memory_space<vmem>> -> memref<128xi32, #tpu.memory_space<vmem>>
      %dma_wait3A_320 = arith.constant 0 : i32
      %dma_wait3A_321 = arith.constant 0 : i32
      %dma_wait3A_322 = tpu.memref_slice %arg14[%dma_wait3A_320, %dma_wait3A_321] : memref<10240x128xf32, #tpu.memory_space<vmem_shared>> -> memref<10240x128xf32, #tpu.memory_space<vmem_shared>>
      tpu.wait_indirect_dma semaphore(%arg18 : memref<!tpu.dma_semaphore, #tpu.memory_space<semaphore_mem>>) src(%arg13 : memref<128x128xf32, #tpu.memory_space<vmem>>) dst(%dma_wait3A_322 : memref<10240x128xf32, #tpu.memory_space<vmem_shared>>)
      %dma_start3A_323 = arith.constant 11 : i32
      %dma_start3A_324 = arith.constant 0 : i32
      %dma_start3A_325 = tpu.memref_slice %arg10[%dma_start3A_323, %dma_start3A_324] : memref<16x128xi32, #tpu.memory_space<vmem>> -> memref<1x128xi32, #tpu.memory_space<vmem>>
      %dma_start3A_326 = tpu.memref_squeeze %dma_start3A_325 : memref<1x128xi32, #tpu.memory_space<vmem>> -> memref<128xi32, #tpu.memory_space<vmem>>
      %dma_start3A_327 = arith.constant 0 : i32
      %dma_start3A_328 = arith.constant 0 : i32
      %dma_start3A_329 = tpu.memref_slice %arg5[%dma_start3A_327, %dma_start3A_328] : memref<10240x128xf32, #tpu.memory_space<hbm>> -> memref<10240x128xf32, #tpu.memory_space<hbm>>
      tpu.enqueue_indirect_dma source(%dma_start3A_329 : memref<10240x128xf32, #tpu.memory_space<hbm>>) target(%arg13 : memref<128x128xf32, #tpu.memory_space<vmem>>) offsets(%dma_start3A_326 : memref<128xi32, #tpu.memory_space<vmem>>) semaphore(%arg16 : memref<!tpu.dma_semaphore, #tpu.memory_space<semaphore_mem>>)
      %dma_wait3A_330 = arith.constant 10 : i32
      %dma_wait3A_331 = arith.constant 0 : i32
      %dma_wait3A_332 = tpu.memref_slice %arg10[%dma_wait3A_330, %dma_wait3A_331] : memref<16x128xi32, #tpu.memory_space<vmem>> -> memref<1x128xi32, #tpu.memory_space<vmem>>
      %dma_wait3A_333 = tpu.memref_squeeze %dma_wait3A_332 : memref<1x128xi32, #tpu.memory_space<vmem>> -> memref<128xi32, #tpu.memory_space<vmem>>
      %dma_wait3A_334 = arith.constant 0 : i32
      %dma_wait3A_335 = arith.constant 0 : i32
      %dma_wait3A_336 = tpu.memref_slice %arg5[%dma_wait3A_334, %dma_wait3A_335] : memref<10240x128xf32, #tpu.memory_space<hbm>> -> memref<10240x128xf32, #tpu.memory_space<hbm>>
      tpu.wait_indirect_dma semaphore(%arg15 : memref<!tpu.dma_semaphore, #tpu.memory_space<semaphore_mem>>) src(%dma_wait3A_336 : memref<10240x128xf32, #tpu.memory_space<hbm>>) dst(%arg12 : memref<128x128xf32, #tpu.memory_space<vmem>>)
      %dma_start3A_337 = arith.constant 10 : i32
      %dma_start3A_338 = arith.constant 0 : i32
      %dma_start3A_339 = tpu.memref_slice %arg11[%dma_start3A_337, %dma_start3A_338] : memref<16x128xi32, #tpu.memory_space<vmem>> -> memref<1x128xi32, #tpu.memory_space<vmem>>
      %dma_start3A_340 = tpu.memref_squeeze %dma_start3A_339 : memref<1x128xi32, #tpu.memory_space<vmem>> -> memref<128xi32, #tpu.memory_space<vmem>>
      %dma_start3A_341 = arith.constant 0 : i32
      %dma_start3A_342 = arith.constant 0 : i32
      %dma_start3A_343 = tpu.memref_slice %arg14[%dma_start3A_341, %dma_start3A_342] : memref<10240x128xf32, #tpu.memory_space<vmem_shared>> -> memref<10240x128xf32, #tpu.memory_space<vmem_shared>>
      tpu.enqueue_indirect_dma source(%arg12 : memref<128x128xf32, #tpu.memory_space<vmem>>) target(%dma_start3A_343 : memref<10240x128xf32, #tpu.memory_space<vmem_shared>>) offsets(%dma_start3A_340 : memref<128xi32, #tpu.memory_space<vmem>>) semaphore(%arg17 : memref<!tpu.dma_semaphore, #tpu.memory_space<semaphore_mem>>) {add = true}
      %dma_wait3A_344 = arith.constant 10 : i32
      %dma_wait3A_345 = arith.constant 0 : i32
      %dma_wait3A_346 = tpu.memref_slice %arg11[%dma_wait3A_344, %dma_wait3A_345] : memref<16x128xi32, #tpu.memory_space<vmem>> -> memref<1x128xi32, #tpu.memory_space<vmem>>
      %dma_wait3A_347 = tpu.memref_squeeze %dma_wait3A_346 : memref<1x128xi32, #tpu.memory_space<vmem>> -> memref<128xi32, #tpu.memory_space<vmem>>
      %dma_wait3A_348 = arith.constant 0 : i32
      %dma_wait3A_349 = arith.constant 0 : i32
      %dma_wait3A_350 = tpu.memref_slice %arg14[%dma_wait3A_348, %dma_wait3A_349] : memref<10240x128xf32, #tpu.memory_space<vmem_shared>> -> memref<10240x128xf32, #tpu.memory_space<vmem_shared>>
      tpu.wait_indirect_dma semaphore(%arg17 : memref<!tpu.dma_semaphore, #tpu.memory_space<semaphore_mem>>) src(%arg12 : memref<128x128xf32, #tpu.memory_space<vmem>>) dst(%dma_wait3A_350 : memref<10240x128xf32, #tpu.memory_space<vmem_shared>>)
      %dma_start3A_351 = arith.constant 12 : i32
      %dma_start3A_352 = arith.constant 0 : i32
      %dma_start3A_353 = tpu.memref_slice %arg10[%dma_start3A_351, %dma_start3A_352] : memref<16x128xi32, #tpu.memory_space<vmem>> -> memref<1x128xi32, #tpu.memory_space<vmem>>
      %dma_start3A_354 = tpu.memref_squeeze %dma_start3A_353 : memref<1x128xi32, #tpu.memory_space<vmem>> -> memref<128xi32, #tpu.memory_space<vmem>>
      %dma_start3A_355 = arith.constant 0 : i32
      %dma_start3A_356 = arith.constant 0 : i32
      %dma_start3A_357 = tpu.memref_slice %arg5[%dma_start3A_355, %dma_start3A_356] : memref<10240x128xf32, #tpu.memory_space<hbm>> -> memref<10240x128xf32, #tpu.memory_space<hbm>>
      tpu.enqueue_indirect_dma source(%dma_start3A_357 : memref<10240x128xf32, #tpu.memory_space<hbm>>) target(%arg12 : memref<128x128xf32, #tpu.memory_space<vmem>>) offsets(%dma_start3A_354 : memref<128xi32, #tpu.memory_space<vmem>>) semaphore(%arg15 : memref<!tpu.dma_semaphore, #tpu.memory_space<semaphore_mem>>)
      %dma_wait3A_358 = arith.constant 11 : i32
      %dma_wait3A_359 = arith.constant 0 : i32
      %dma_wait3A_360 = tpu.memref_slice %arg10[%dma_wait3A_358, %dma_wait3A_359] : memref<16x128xi32, #tpu.memory_space<vmem>> -> memref<1x128xi32, #tpu.memory_space<vmem>>
      %dma_wait3A_361 = tpu.memref_squeeze %dma_wait3A_360 : memref<1x128xi32, #tpu.memory_space<vmem>> -> memref<128xi32, #tpu.memory_space<vmem>>
      %dma_wait3A_362 = arith.constant 0 : i32
      %dma_wait3A_363 = arith.constant 0 : i32
      %dma_wait3A_364 = tpu.memref_slice %arg5[%dma_wait3A_362, %dma_wait3A_363] : memref<10240x128xf32, #tpu.memory_space<hbm>> -> memref<10240x128xf32, #tpu.memory_space<hbm>>
      tpu.wait_indirect_dma semaphore(%arg16 : memref<!tpu.dma_semaphore, #tpu.memory_space<semaphore_mem>>) src(%dma_wait3A_364 : memref<10240x128xf32, #tpu.memory_space<hbm>>) dst(%arg13 : memref<128x128xf32, #tpu.memory_space<vmem>>)
      %dma_start3A_365 = arith.constant 11 : i32
      %dma_start3A_366 = arith.constant 0 : i32
      %dma_start3A_367 = tpu.memref_slice %arg11[%dma_start3A_365, %dma_start3A_366] : memref<16x128xi32, #tpu.memory_space<vmem>> -> memref<1x128xi32, #tpu.memory_space<vmem>>
      %dma_start3A_368 = tpu.memref_squeeze %dma_start3A_367 : memref<1x128xi32, #tpu.memory_space<vmem>> -> memref<128xi32, #tpu.memory_space<vmem>>
      %dma_start3A_369 = arith.constant 0 : i32
      %dma_start3A_370 = arith.constant 0 : i32
      %dma_start3A_371 = tpu.memref_slice %arg14[%dma_start3A_369, %dma_start3A_370] : memref<10240x128xf32, #tpu.memory_space<vmem_shared>> -> memref<10240x128xf32, #tpu.memory_space<vmem_shared>>
      tpu.enqueue_indirect_dma source(%arg13 : memref<128x128xf32, #tpu.memory_space<vmem>>) target(%dma_start3A_371 : memref<10240x128xf32, #tpu.memory_space<vmem_shared>>) offsets(%dma_start3A_368 : memref<128xi32, #tpu.memory_space<vmem>>) semaphore(%arg18 : memref<!tpu.dma_semaphore, #tpu.memory_space<semaphore_mem>>) {add = true}
      %dma_wait3A_372 = arith.constant 11 : i32
      %dma_wait3A_373 = arith.constant 0 : i32
      %dma_wait3A_374 = tpu.memref_slice %arg11[%dma_wait3A_372, %dma_wait3A_373] : memref<16x128xi32, #tpu.memory_space<vmem>> -> memref<1x128xi32, #tpu.memory_space<vmem>>
      %dma_wait3A_375 = tpu.memref_squeeze %dma_wait3A_374 : memref<1x128xi32, #tpu.memory_space<vmem>> -> memref<128xi32, #tpu.memory_space<vmem>>
      %dma_wait3A_376 = arith.constant 0 : i32
      %dma_wait3A_377 = arith.constant 0 : i32
      %dma_wait3A_378 = tpu.memref_slice %arg14[%dma_wait3A_376, %dma_wait3A_377] : memref<10240x128xf32, #tpu.memory_space<vmem_shared>> -> memref<10240x128xf32, #tpu.memory_space<vmem_shared>>
      tpu.wait_indirect_dma semaphore(%arg18 : memref<!tpu.dma_semaphore, #tpu.memory_space<semaphore_mem>>) src(%arg13 : memref<128x128xf32, #tpu.memory_space<vmem>>) dst(%dma_wait3A_378 : memref<10240x128xf32, #tpu.memory_space<vmem_shared>>)
      %dma_start3A_379 = arith.constant 13 : i32
      %dma_start3A_380 = arith.constant 0 : i32
      %dma_start3A_381 = tpu.memref_slice %arg10[%dma_start3A_379, %dma_start3A_380] : memref<16x128xi32, #tpu.memory_space<vmem>> -> memref<1x128xi32, #tpu.memory_space<vmem>>
      %dma_start3A_382 = tpu.memref_squeeze %dma_start3A_381 : memref<1x128xi32, #tpu.memory_space<vmem>> -> memref<128xi32, #tpu.memory_space<vmem>>
      %dma_start3A_383 = arith.constant 0 : i32
      %dma_start3A_384 = arith.constant 0 : i32
      %dma_start3A_385 = tpu.memref_slice %arg5[%dma_start3A_383, %dma_start3A_384] : memref<10240x128xf32, #tpu.memory_space<hbm>> -> memref<10240x128xf32, #tpu.memory_space<hbm>>
      tpu.enqueue_indirect_dma source(%dma_start3A_385 : memref<10240x128xf32, #tpu.memory_space<hbm>>) target(%arg13 : memref<128x128xf32, #tpu.memory_space<vmem>>) offsets(%dma_start3A_382 : memref<128xi32, #tpu.memory_space<vmem>>) semaphore(%arg16 : memref<!tpu.dma_semaphore, #tpu.memory_space<semaphore_mem>>)
      %dma_wait3A_386 = arith.constant 12 : i32
      %dma_wait3A_387 = arith.constant 0 : i32
      %dma_wait3A_388 = tpu.memref_slice %arg10[%dma_wait3A_386, %dma_wait3A_387] : memref<16x128xi32, #tpu.memory_space<vmem>> -> memref<1x128xi32, #tpu.memory_space<vmem>>
      %dma_wait3A_389 = tpu.memref_squeeze %dma_wait3A_388 : memref<1x128xi32, #tpu.memory_space<vmem>> -> memref<128xi32, #tpu.memory_space<vmem>>
      %dma_wait3A_390 = arith.constant 0 : i32
      %dma_wait3A_391 = arith.constant 0 : i32
      %dma_wait3A_392 = tpu.memref_slice %arg5[%dma_wait3A_390, %dma_wait3A_391] : memref<10240x128xf32, #tpu.memory_space<hbm>> -> memref<10240x128xf32, #tpu.memory_space<hbm>>
      tpu.wait_indirect_dma semaphore(%arg15 : memref<!tpu.dma_semaphore, #tpu.memory_space<semaphore_mem>>) src(%dma_wait3A_392 : memref<10240x128xf32, #tpu.memory_space<hbm>>) dst(%arg12 : memref<128x128xf32, #tpu.memory_space<vmem>>)
      %dma_start3A_393 = arith.constant 12 : i32
      %dma_start3A_394 = arith.constant 0 : i32
      %dma_start3A_395 = tpu.memref_slice %arg11[%dma_start3A_393, %dma_start3A_394] : memref<16x128xi32, #tpu.memory_space<vmem>> -> memref<1x128xi32, #tpu.memory_space<vmem>>
      %dma_start3A_396 = tpu.memref_squeeze %dma_start3A_395 : memref<1x128xi32, #tpu.memory_space<vmem>> -> memref<128xi32, #tpu.memory_space<vmem>>
      %dma_start3A_397 = arith.constant 0 : i32
      %dma_start3A_398 = arith.constant 0 : i32
      %dma_start3A_399 = tpu.memref_slice %arg14[%dma_start3A_397, %dma_start3A_398] : memref<10240x128xf32, #tpu.memory_space<vmem_shared>> -> memref<10240x128xf32, #tpu.memory_space<vmem_shared>>
      tpu.enqueue_indirect_dma source(%arg12 : memref<128x128xf32, #tpu.memory_space<vmem>>) target(%dma_start3A_399 : memref<10240x128xf32, #tpu.memory_space<vmem_shared>>) offsets(%dma_start3A_396 : memref<128xi32, #tpu.memory_space<vmem>>) semaphore(%arg17 : memref<!tpu.dma_semaphore, #tpu.memory_space<semaphore_mem>>) {add = true}
      %dma_wait3A_400 = arith.constant 12 : i32
      %dma_wait3A_401 = arith.constant 0 : i32
      %dma_wait3A_402 = tpu.memref_slice %arg11[%dma_wait3A_400, %dma_wait3A_401] : memref<16x128xi32, #tpu.memory_space<vmem>> -> memref<1x128xi32, #tpu.memory_space<vmem>>
      %dma_wait3A_403 = tpu.memref_squeeze %dma_wait3A_402 : memref<1x128xi32, #tpu.memory_space<vmem>> -> memref<128xi32, #tpu.memory_space<vmem>>
      %dma_wait3A_404 = arith.constant 0 : i32
      %dma_wait3A_405 = arith.constant 0 : i32
      %dma_wait3A_406 = tpu.memref_slice %arg14[%dma_wait3A_404, %dma_wait3A_405] : memref<10240x128xf32, #tpu.memory_space<vmem_shared>> -> memref<10240x128xf32, #tpu.memory_space<vmem_shared>>
      tpu.wait_indirect_dma semaphore(%arg17 : memref<!tpu.dma_semaphore, #tpu.memory_space<semaphore_mem>>) src(%arg12 : memref<128x128xf32, #tpu.memory_space<vmem>>) dst(%dma_wait3A_406 : memref<10240x128xf32, #tpu.memory_space<vmem_shared>>)
      %dma_start3A_407 = arith.constant 14 : i32
      %dma_start3A_408 = arith.constant 0 : i32
      %dma_start3A_409 = tpu.memref_slice %arg10[%dma_start3A_407, %dma_start3A_408] : memref<16x128xi32, #tpu.memory_space<vmem>> -> memref<1x128xi32, #tpu.memory_space<vmem>>
      %dma_start3A_410 = tpu.memref_squeeze %dma_start3A_409 : memref<1x128xi32, #tpu.memory_space<vmem>> -> memref<128xi32, #tpu.memory_space<vmem>>
      %dma_start3A_411 = arith.constant 0 : i32
      %dma_start3A_412 = arith.constant 0 : i32
      %dma_start3A_413 = tpu.memref_slice %arg5[%dma_start3A_411, %dma_start3A_412] : memref<10240x128xf32, #tpu.memory_space<hbm>> -> memref<10240x128xf32, #tpu.memory_space<hbm>>
      tpu.enqueue_indirect_dma source(%dma_start3A_413 : memref<10240x128xf32, #tpu.memory_space<hbm>>) target(%arg12 : memref<128x128xf32, #tpu.memory_space<vmem>>) offsets(%dma_start3A_410 : memref<128xi32, #tpu.memory_space<vmem>>) semaphore(%arg15 : memref<!tpu.dma_semaphore, #tpu.memory_space<semaphore_mem>>)
      %dma_wait3A_414 = arith.constant 13 : i32
      %dma_wait3A_415 = arith.constant 0 : i32
      %dma_wait3A_416 = tpu.memref_slice %arg10[%dma_wait3A_414, %dma_wait3A_415] : memref<16x128xi32, #tpu.memory_space<vmem>> -> memref<1x128xi32, #tpu.memory_space<vmem>>
      %dma_wait3A_417 = tpu.memref_squeeze %dma_wait3A_416 : memref<1x128xi32, #tpu.memory_space<vmem>> -> memref<128xi32, #tpu.memory_space<vmem>>
      %dma_wait3A_418 = arith.constant 0 : i32
      %dma_wait3A_419 = arith.constant 0 : i32
      %dma_wait3A_420 = tpu.memref_slice %arg5[%dma_wait3A_418, %dma_wait3A_419] : memref<10240x128xf32, #tpu.memory_space<hbm>> -> memref<10240x128xf32, #tpu.memory_space<hbm>>
      tpu.wait_indirect_dma semaphore(%arg16 : memref<!tpu.dma_semaphore, #tpu.memory_space<semaphore_mem>>) src(%dma_wait3A_420 : memref<10240x128xf32, #tpu.memory_space<hbm>>) dst(%arg13 : memref<128x128xf32, #tpu.memory_space<vmem>>)
      %dma_start3A_421 = arith.constant 13 : i32
      %dma_start3A_422 = arith.constant 0 : i32
      %dma_start3A_423 = tpu.memref_slice %arg11[%dma_start3A_421, %dma_start3A_422] : memref<16x128xi32, #tpu.memory_space<vmem>> -> memref<1x128xi32, #tpu.memory_space<vmem>>
      %dma_start3A_424 = tpu.memref_squeeze %dma_start3A_423 : memref<1x128xi32, #tpu.memory_space<vmem>> -> memref<128xi32, #tpu.memory_space<vmem>>
      %dma_start3A_425 = arith.constant 0 : i32
      %dma_start3A_426 = arith.constant 0 : i32
      %dma_start3A_427 = tpu.memref_slice %arg14[%dma_start3A_425, %dma_start3A_426] : memref<10240x128xf32, #tpu.memory_space<vmem_shared>> -> memref<10240x128xf32, #tpu.memory_space<vmem_shared>>
      tpu.enqueue_indirect_dma source(%arg13 : memref<128x128xf32, #tpu.memory_space<vmem>>) target(%dma_start3A_427 : memref<10240x128xf32, #tpu.memory_space<vmem_shared>>) offsets(%dma_start3A_424 : memref<128xi32, #tpu.memory_space<vmem>>) semaphore(%arg18 : memref<!tpu.dma_semaphore, #tpu.memory_space<semaphore_mem>>) {add = true}
      %dma_wait3A_428 = arith.constant 13 : i32
      %dma_wait3A_429 = arith.constant 0 : i32
      %dma_wait3A_430 = tpu.memref_slice %arg11[%dma_wait3A_428, %dma_wait3A_429] : memref<16x128xi32, #tpu.memory_space<vmem>> -> memref<1x128xi32, #tpu.memory_space<vmem>>
      %dma_wait3A_431 = tpu.memref_squeeze %dma_wait3A_430 : memref<1x128xi32, #tpu.memory_space<vmem>> -> memref<128xi32, #tpu.memory_space<vmem>>
      %dma_wait3A_432 = arith.constant 0 : i32
      %dma_wait3A_433 = arith.constant 0 : i32
      %dma_wait3A_434 = tpu.memref_slice %arg14[%dma_wait3A_432, %dma_wait3A_433] : memref<10240x128xf32, #tpu.memory_space<vmem_shared>> -> memref<10240x128xf32, #tpu.memory_space<vmem_shared>>
      tpu.wait_indirect_dma semaphore(%arg18 : memref<!tpu.dma_semaphore, #tpu.memory_space<semaphore_mem>>) src(%arg13 : memref<128x128xf32, #tpu.memory_space<vmem>>) dst(%dma_wait3A_434 : memref<10240x128xf32, #tpu.memory_space<vmem_shared>>)
      %dma_start3A_435 = arith.constant 15 : i32
      %dma_start3A_436 = arith.constant 0 : i32
      %dma_start3A_437 = tpu.memref_slice %arg10[%dma_start3A_435, %dma_start3A_436] : memref<16x128xi32, #tpu.memory_space<vmem>> -> memref<1x128xi32, #tpu.memory_space<vmem>>
      %dma_start3A_438 = tpu.memref_squeeze %dma_start3A_437 : memref<1x128xi32, #tpu.memory_space<vmem>> -> memref<128xi32, #tpu.memory_space<vmem>>
      %dma_start3A_439 = arith.constant 0 : i32
      %dma_start3A_440 = arith.constant 0 : i32
      %dma_start3A_441 = tpu.memref_slice %arg5[%dma_start3A_439, %dma_start3A_440] : memref<10240x128xf32, #tpu.memory_space<hbm>> -> memref<10240x128xf32, #tpu.memory_space<hbm>>
      tpu.enqueue_indirect_dma source(%dma_start3A_441 : memref<10240x128xf32, #tpu.memory_space<hbm>>) target(%arg13 : memref<128x128xf32, #tpu.memory_space<vmem>>) offsets(%dma_start3A_438 : memref<128xi32, #tpu.memory_space<vmem>>) semaphore(%arg16 : memref<!tpu.dma_semaphore, #tpu.memory_space<semaphore_mem>>)
      %dma_wait3A_442 = arith.constant 14 : i32
      %dma_wait3A_443 = arith.constant 0 : i32
      %dma_wait3A_444 = tpu.memref_slice %arg10[%dma_wait3A_442, %dma_wait3A_443] : memref<16x128xi32, #tpu.memory_space<vmem>> -> memref<1x128xi32, #tpu.memory_space<vmem>>
      %dma_wait3A_445 = tpu.memref_squeeze %dma_wait3A_444 : memref<1x128xi32, #tpu.memory_space<vmem>> -> memref<128xi32, #tpu.memory_space<vmem>>
      %dma_wait3A_446 = arith.constant 0 : i32
      %dma_wait3A_447 = arith.constant 0 : i32
      %dma_wait3A_448 = tpu.memref_slice %arg5[%dma_wait3A_446, %dma_wait3A_447] : memref<10240x128xf32, #tpu.memory_space<hbm>> -> memref<10240x128xf32, #tpu.memory_space<hbm>>
      tpu.wait_indirect_dma semaphore(%arg15 : memref<!tpu.dma_semaphore, #tpu.memory_space<semaphore_mem>>) src(%dma_wait3A_448 : memref<10240x128xf32, #tpu.memory_space<hbm>>) dst(%arg12 : memref<128x128xf32, #tpu.memory_space<vmem>>)
      %dma_start3A_449 = arith.constant 14 : i32
      %dma_start3A_450 = arith.constant 0 : i32
      %dma_start3A_451 = tpu.memref_slice %arg11[%dma_start3A_449, %dma_start3A_450] : memref<16x128xi32, #tpu.memory_space<vmem>> -> memref<1x128xi32, #tpu.memory_space<vmem>>
      %dma_start3A_452 = tpu.memref_squeeze %dma_start3A_451 : memref<1x128xi32, #tpu.memory_space<vmem>> -> memref<128xi32, #tpu.memory_space<vmem>>
      %dma_start3A_453 = arith.constant 0 : i32
      %dma_start3A_454 = arith.constant 0 : i32
      %dma_start3A_455 = tpu.memref_slice %arg14[%dma_start3A_453, %dma_start3A_454] : memref<10240x128xf32, #tpu.memory_space<vmem_shared>> -> memref<10240x128xf32, #tpu.memory_space<vmem_shared>>
      tpu.enqueue_indirect_dma source(%arg12 : memref<128x128xf32, #tpu.memory_space<vmem>>) target(%dma_start3A_455 : memref<10240x128xf32, #tpu.memory_space<vmem_shared>>) offsets(%dma_start3A_452 : memref<128xi32, #tpu.memory_space<vmem>>) semaphore(%arg17 : memref<!tpu.dma_semaphore, #tpu.memory_space<semaphore_mem>>) {add = true}
      %dma_wait3A_456 = arith.constant 15 : i32
      %dma_wait3A_457 = arith.constant 0 : i32
      %dma_wait3A_458 = tpu.memref_slice %arg10[%dma_wait3A_456, %dma_wait3A_457] : memref<16x128xi32, #tpu.memory_space<vmem>> -> memref<1x128xi32, #tpu.memory_space<vmem>>
      %dma_wait3A_459 = tpu.memref_squeeze %dma_wait3A_458 : memref<1x128xi32, #tpu.memory_space<vmem>> -> memref<128xi32, #tpu.memory_space<vmem>>
      %dma_wait3A_460 = arith.constant 0 : i32
      %dma_wait3A_461 = arith.constant 0 : i32
      %dma_wait3A_462 = tpu.memref_slice %arg5[%dma_wait3A_460, %dma_wait3A_461] : memref<10240x128xf32, #tpu.memory_space<hbm>> -> memref<10240x128xf32, #tpu.memory_space<hbm>>
      tpu.wait_indirect_dma semaphore(%arg16 : memref<!tpu.dma_semaphore, #tpu.memory_space<semaphore_mem>>) src(%dma_wait3A_462 : memref<10240x128xf32, #tpu.memory_space<hbm>>) dst(%arg13 : memref<128x128xf32, #tpu.memory_space<vmem>>)
      %dma_start3A_463 = arith.constant 15 : i32
      %dma_start3A_464 = arith.constant 0 : i32
      %dma_start3A_465 = tpu.memref_slice %arg11[%dma_start3A_463, %dma_start3A_464] : memref<16x128xi32, #tpu.memory_space<vmem>> -> memref<1x128xi32, #tpu.memory_space<vmem>>
      %dma_start3A_466 = tpu.memref_squeeze %dma_start3A_465 : memref<1x128xi32, #tpu.memory_space<vmem>> -> memref<128xi32, #tpu.memory_space<vmem>>
      %dma_start3A_467 = arith.constant 0 : i32
      %dma_start3A_468 = arith.constant 0 : i32
      %dma_start3A_469 = tpu.memref_slice %arg14[%dma_start3A_467, %dma_start3A_468] : memref<10240x128xf32, #tpu.memory_space<vmem_shared>> -> memref<10240x128xf32, #tpu.memory_space<vmem_shared>>
      tpu.enqueue_indirect_dma source(%arg13 : memref<128x128xf32, #tpu.memory_space<vmem>>) target(%dma_start3A_469 : memref<10240x128xf32, #tpu.memory_space<vmem_shared>>) offsets(%dma_start3A_466 : memref<128xi32, #tpu.memory_space<vmem>>) semaphore(%arg18 : memref<!tpu.dma_semaphore, #tpu.memory_space<semaphore_mem>>) {add = true}
      %dma_wait3A_470 = arith.constant 14 : i32
      %dma_wait3A_471 = arith.constant 0 : i32
      %dma_wait3A_472 = tpu.memref_slice %arg11[%dma_wait3A_470, %dma_wait3A_471] : memref<16x128xi32, #tpu.memory_space<vmem>> -> memref<1x128xi32, #tpu.memory_space<vmem>>
      %dma_wait3A_473 = tpu.memref_squeeze %dma_wait3A_472 : memref<1x128xi32, #tpu.memory_space<vmem>> -> memref<128xi32, #tpu.memory_space<vmem>>
      %dma_wait3A_474 = arith.constant 0 : i32
      %dma_wait3A_475 = arith.constant 0 : i32
      %dma_wait3A_476 = tpu.memref_slice %arg14[%dma_wait3A_474, %dma_wait3A_475] : memref<10240x128xf32, #tpu.memory_space<vmem_shared>> -> memref<10240x128xf32, #tpu.memory_space<vmem_shared>>
      tpu.wait_indirect_dma semaphore(%arg17 : memref<!tpu.dma_semaphore, #tpu.memory_space<semaphore_mem>>) src(%arg12 : memref<128x128xf32, #tpu.memory_space<vmem>>) dst(%dma_wait3A_476 : memref<10240x128xf32, #tpu.memory_space<vmem_shared>>)
      %dma_wait3A_477 = arith.constant 15 : i32
      %dma_wait3A_478 = arith.constant 0 : i32
      %dma_wait3A_479 = tpu.memref_slice %arg11[%dma_wait3A_477, %dma_wait3A_478] : memref<16x128xi32, #tpu.memory_space<vmem>> -> memref<1x128xi32, #tpu.memory_space<vmem>>
      %dma_wait3A_480 = tpu.memref_squeeze %dma_wait3A_479 : memref<1x128xi32, #tpu.memory_space<vmem>> -> memref<128xi32, #tpu.memory_space<vmem>>
      %dma_wait3A_481 = arith.constant 0 : i32
      %dma_wait3A_482 = arith.constant 0 : i32
      %dma_wait3A_483 = tpu.memref_slice %arg14[%dma_wait3A_481, %dma_wait3A_482] : memref<10240x128xf32, #tpu.memory_space<vmem_shared>> -> memref<10240x128xf32, #tpu.memory_space<vmem_shared>>
      tpu.wait_indirect_dma semaphore(%arg18 : memref<!tpu.dma_semaphore, #tpu.memory_space<semaphore_mem>>) src(%arg13 : memref<128x128xf32, #tpu.memory_space<vmem>>) dst(%dma_wait3A_483 : memref<10240x128xf32, #tpu.memory_space<vmem_shared>>)
      %scan3A_484 = arith.constant 0 : i32
      scf.yield %scan3A_484 : i32
    }
    %scan3A_24 = arith.constant 5 : i32
    %barrier3A_25 = arith.constant 0 : index
    tpu.barrier barrier_id(%barrier3A_25)
    %mul3A_26 = arith.constant 640 : i32
    %mul3A_27 = arith.muli %arg1, %mul3A_26 : i32
    %mul3A_28 = arith.constant 640 : i32
    %mul3A_29 = arith.muli %arg1, %mul3A_28 : i32
    %run_scoped3A_30 = arith.constant 1 : i32
    "tpu.region"() ({
      %run_scoped3A_32 = tpu.sem_alloc : memref<!tpu.dma_semaphore, #tpu.memory_space<semaphore_mem>>
      %dma_start3A = arith.constant 0 : i32
      %dma_start3A_33 = tpu.memref_slice %arg9[%run_scoped3A_30, %arg0, %mul3A_29, %dma_start3A] : memref<2x2x10240x128xf32, #tpu.memory_space<hbm>> -> memref<1x1x640x128xf32, #tpu.memory_space<hbm>>
      %dma_start3A_34 = tpu.memref_squeeze %dma_start3A_33 : memref<1x1x640x128xf32, #tpu.memory_space<hbm>> -> memref<640x128xf32, #tpu.memory_space<hbm>>
      %dma_start3A_35 = arith.constant 0 : i32
      %dma_start3A_36 = tpu.memref_slice %arg14[%mul3A_27, %dma_start3A_35] : memref<10240x128xf32, #tpu.memory_space<vmem_shared>> -> memref<640x128xf32, #tpu.memory_space<vmem_shared>>
      tpu.enqueue_dma source(%dma_start3A_36 : memref<640x128xf32, #tpu.memory_space<vmem_shared>>) target(%dma_start3A_34 : memref<640x128xf32, #tpu.memory_space<hbm>>) target_semaphore(%run_scoped3A_32 : memref<!tpu.dma_semaphore, #tpu.memory_space<semaphore_mem>>)
      %dma_wait3A = arith.constant 0 : i32
      %dma_wait3A_37 = tpu.memref_slice %arg9[%run_scoped3A_30, %arg0, %mul3A_29, %dma_wait3A] : memref<2x2x10240x128xf32, #tpu.memory_space<hbm>> -> memref<1x1x640x128xf32, #tpu.memory_space<hbm>>
      %dma_wait3A_38 = tpu.memref_squeeze %dma_wait3A_37 : memref<1x1x640x128xf32, #tpu.memory_space<hbm>> -> memref<640x128xf32, #tpu.memory_space<hbm>>
      %dma_wait3A_39 = arith.constant 0 : i32
      %dma_wait3A_40 = tpu.memref_slice %arg14[%mul3A_27, %dma_wait3A_39] : memref<10240x128xf32, #tpu.memory_space<vmem_shared>> -> memref<640x128xf32, #tpu.memory_space<vmem_shared>>
      tpu.wait_dma2 semaphore(%run_scoped3A_32 : memref<!tpu.dma_semaphore, #tpu.memory_space<semaphore_mem>>) src(%dma_wait3A_40 : memref<640x128xf32, #tpu.memory_space<vmem_shared>>) dst(%dma_wait3A_38 : memref<640x128xf32, #tpu.memory_space<hbm>>)
      tpu.yield
    }) : () -> ()
    %barrier3A_31 = arith.constant 0 : index
    tpu.barrier barrier_id(%barrier3A_31)
    return
  }
}

#map = affine_map<(d0, d1) -> (0, 0)>
#map1 = affine_map<(d0, d1) -> (0, 0, 0)>
#map2 = affine_map<(d0, d1) -> (0, 0, 0, 0)>
module attributes {stable_mosaic.version = 14 : i64} {
  func.func @_spmv_kernel(%arg0: i32, %arg1: i32, %arg2: memref<10240x128xf32, #tpu.memory_space<hbm>>, %arg3: memref<32x80x128xi32, #tpu.memory_space<hbm>>, %arg4: memref<32x80x128xi32, #tpu.memory_space<hbm>>, %arg5: memref<10240x128xf32, #tpu.memory_space<hbm>>, %arg6: memref<32x80x128xi32, #tpu.memory_space<hbm>>, %arg7: memref<32x80x128xi32, #tpu.memory_space<hbm>>, %arg8: memref<640x128xf32, #tpu.memory_space<hbm>>, %arg9: memref<2x2x10240x128xf32, #tpu.memory_space<hbm>>, %arg10: memref<16x128xi32, #tpu.memory_space<vmem>>, %arg11: memref<16x128xi32, #tpu.memory_space<vmem>>, %arg12: memref<128x128xf32, #tpu.memory_space<vmem>>, %arg13: memref<128x128xf32, #tpu.memory_space<vmem>>, %arg14: memref<10240x128xf32, #tpu.memory_space<vmem_shared>>, %arg15: memref<!tpu.dma_semaphore, #tpu.memory_space<semaphore_mem>>, %arg16: memref<!tpu.dma_semaphore, #tpu.memory_space<semaphore_mem>>, %arg17: memref<!tpu.dma_semaphore, #tpu.memory_space<semaphore_mem>>, %arg18: memref<!tpu.dma_semaphore, #tpu.memory_space<semaphore_mem>>) attributes {dimension_semantics = [#tpu.dimension_semantics<core_parallel>, #tpu.dimension_semantics<subcore_parallel>], iteration_bounds = array<i64: 2, 16>, scalar_prefetch = 0 : i64, scratch_operands = 9 : i64, tpu.core_type = #tpu.core_type<sc_vector_subcore>, window_params = [{transform_indices = #map}, {transform_indices = #map1}, {transform_indices = #map1}, {transform_indices = #map}, {transform_indices = #map1}, {transform_indices = #map1}, {transform_indices = #map}, {transform_indices = #map2}]} {
    %mul3A = arith.constant 16 : i32
    %mul3A_0 = arith.muli %arg0, %mul3A : i32
    %add3A = arith.addi %mul3A_0, %arg1 : i32
    %mul3A_1 = arith.constant 640 : i32
    %mul3A_2 = arith.muli %arg1, %mul3A_1 : i32
    "tpu.region"() ({
      %run_scoped3A_32 = tpu.sem_alloc : memref<!tpu.dma_semaphore, #tpu.memory_space<semaphore_mem>>
      %dma_start3A = arith.constant 0 : i32
      %dma_start3A_33 = tpu.memref_slice %arg14[%mul3A_2, %dma_start3A] : memref<10240x128xf32, #tpu.memory_space<vmem_shared>> -> memref<640x128xf32, #tpu.memory_space<vmem_shared>>
      tpu.enqueue_dma source(%arg8 : memref<640x128xf32, #tpu.memory_space<hbm>>) target(%dma_start3A_33 : memref<640x128xf32, #tpu.memory_space<vmem_shared>>) target_semaphore(%run_scoped3A_32 : memref<!tpu.dma_semaphore, #tpu.memory_space<semaphore_mem>>)
      %dma_wait3A = arith.constant 0 : i32
      %dma_wait3A_34 = tpu.memref_slice %arg14[%mul3A_2, %dma_wait3A] : memref<10240x128xf32, #tpu.memory_space<vmem_shared>> -> memref<640x128xf32, #tpu.memory_space<vmem_shared>>
      tpu.wait_dma2 semaphore(%run_scoped3A_32 : memref<!tpu.dma_semaphore, #tpu.memory_space<semaphore_mem>>) src(%arg8 : memref<640x128xf32, #tpu.memory_space<hbm>>) dst(%dma_wait3A_34 : memref<640x128xf32, #tpu.memory_space<vmem_shared>>)
      tpu.yield
    }) : () -> ()
    %barrier3A = arith.constant 0 : index
    tpu.barrier barrier_id(%barrier3A)
    %scan3A = arith.constant 0 : i32
    %scan3A_3 = arith.constant 0 : i32
    %scan3A_4 = arith.constant 5 : i32
    %scan3A_5 = arith.addi %scan3A_3, %scan3A_4 : i32
    %scan3A_6 = arith.constant 1 : i32
    %scan3A_7 = scf.for %scan3A_32 = %scan3A_3 to %scan3A_5 step %scan3A_6 iter_args(%scan3A_33 = %scan3A) -> (i32)  : i32 {
      %mul3A_34 = arith.constant 16 : i32
      %mul3A_35 = arith.muli %scan3A_32, %mul3A_34 : i32
      "tpu.region"() ({
        %run_scoped3A_485 = tpu.sem_alloc : memref<!tpu.dma_semaphore, #tpu.memory_space<semaphore_mem>>
        %dma_start3A_486 = arith.constant 0 : i32
        %dma_start3A_487 = tpu.memref_slice %arg3[%add3A, %mul3A_35, %dma_start3A_486] : memref<32x80x128xi32, #tpu.memory_space<hbm>> -> memref<1x16x128xi32, #tpu.memory_space<hbm>>
        %dma_start3A_488 = tpu.memref_squeeze %dma_start3A_487 : memref<1x16x128xi32, #tpu.memory_space<hbm>> -> memref<16x128xi32, #tpu.memory_space<hbm>>
        %dma_start3A_489 = arith.constant 0 : i32
        %dma_start3A_490 = tpu.memref_slice %arg3[%add3A, %mul3A_35, %dma_start3A_489] : memref<32x80x128xi32, #tpu.memory_space<hbm>> -> memref<1x16x128xi32, #tpu.memory_space<hbm>>
        %dma_start3A_491 = tpu.memref_squeeze %dma_start3A_490 : memref<1x16x128xi32, #tpu.memory_space<hbm>> -> memref<16x128xi32, #tpu.memory_space<hbm>>
        tpu.enqueue_dma source(%dma_start3A_491 : memref<16x128xi32, #tpu.memory_space<hbm>>) target(%arg10 : memref<16x128xi32, #tpu.memory_space<vmem>>) target_semaphore(%run_scoped3A_485 : memref<!tpu.dma_semaphore, #tpu.memory_space<semaphore_mem>>)
        %dma_wait3A_492 = arith.constant 0 : i32
        %dma_wait3A_493 = tpu.memref_slice %arg3[%add3A, %mul3A_35, %dma_wait3A_492] : memref<32x80x128xi32, #tpu.memory_space<hbm>> -> memref<1x16x128xi32, #tpu.memory_space<hbm>>
        %dma_wait3A_494 = tpu.memref_squeeze %dma_wait3A_493 : memref<1x16x128xi32, #tpu.memory_space<hbm>> -> memref<16x128xi32, #tpu.memory_space<hbm>>
        %dma_wait3A_495 = arith.constant 0 : i32
        %dma_wait3A_496 = tpu.memref_slice %arg3[%add3A, %mul3A_35, %dma_wait3A_495] : memref<32x80x128xi32, #tpu.memory_space<hbm>> -> memref<1x16x128xi32, #tpu.memory_space<hbm>>
        %dma_wait3A_497 = tpu.memref_squeeze %dma_wait3A_496 : memref<1x16x128xi32, #tpu.memory_space<hbm>> -> memref<16x128xi32, #tpu.memory_space<hbm>>
        tpu.wait_dma2 semaphore(%run_scoped3A_485 : memref<!tpu.dma_semaphore, #tpu.memory_space<semaphore_mem>>) src(%dma_wait3A_497 : memref<16x128xi32, #tpu.memory_space<hbm>>) dst(%arg10 : memref<16x128xi32, #tpu.memory_space<vmem>>)
        tpu.yield
      }) : () -> ()
      %mul3A_36 = arith.constant 16 : i32
      %mul3A_37 = arith.muli %scan3A_32, %mul3A_36 : i32
      "tpu.region"() ({
        %run_scoped3A_485 = tpu.sem_alloc : memref<!tpu.dma_semaphore, #tpu.memory_space<semaphore_mem>>
        %dma_start3A_486 = arith.constant 0 : i32
        %dma_start3A_487 = tpu.memref_slice %arg4[%add3A, %mul3A_37, %dma_start3A_486] : memref<32x80x128xi32, #tpu.memory_space<hbm>> -> memref<1x16x128xi32, #tpu.memory_space<hbm>>
        %dma_start3A_488 = tpu.memref_squeeze %dma_start3A_487 : memref<1x16x128xi32, #tpu.memory_space<hbm>> -> memref<16x128xi32, #tpu.memory_space<hbm>>
        %dma_start3A_489 = arith.constant 0 : i32
        %dma_start3A_490 = tpu.memref_slice %arg4[%add3A, %mul3A_37, %dma_start3A_489] : memref<32x80x128xi32, #tpu.memory_space<hbm>> -> memref<1x16x128xi32, #tpu.memory_space<hbm>>
        %dma_start3A_491 = tpu.memref_squeeze %dma_start3A_490 : memref<1x16x128xi32, #tpu.memory_space<hbm>> -> memref<16x128xi32, #tpu.memory_space<hbm>>
        tpu.enqueue_dma source(%dma_start3A_491 : memref<16x128xi32, #tpu.memory_space<hbm>>) target(%arg11 : memref<16x128xi32, #tpu.memory_space<vmem>>) target_semaphore(%run_scoped3A_485 : memref<!tpu.dma_semaphore, #tpu.memory_space<semaphore_mem>>)
        %dma_wait3A_492 = arith.constant 0 : i32
        %dma_wait3A_493 = tpu.memref_slice %arg4[%add3A, %mul3A_37, %dma_wait3A_492] : memref<32x80x128xi32, #tpu.memory_space<hbm>> -> memref<1x16x128xi32, #tpu.memory_space<hbm>>
        %dma_wait3A_494 = tpu.memref_squeeze %dma_wait3A_493 : memref<1x16x128xi32, #tpu.memory_space<hbm>> -> memref<16x128xi32, #tpu.memory_space<hbm>>
        %dma_wait3A_495 = arith.constant 0 : i32
        %dma_wait3A_496 = tpu.memref_slice %arg4[%add3A, %mul3A_37, %dma_wait3A_495] : memref<32x80x128xi32, #tpu.memory_space<hbm>> -> memref<1x16x128xi32, #tpu.memory_space<hbm>>
        %dma_wait3A_497 = tpu.memref_squeeze %dma_wait3A_496 : memref<1x16x128xi32, #tpu.memory_space<hbm>> -> memref<16x128xi32, #tpu.memory_space<hbm>>
        tpu.wait_dma2 semaphore(%run_scoped3A_485 : memref<!tpu.dma_semaphore, #tpu.memory_space<semaphore_mem>>) src(%dma_wait3A_497 : memref<16x128xi32, #tpu.memory_space<hbm>>) dst(%arg11 : memref<16x128xi32, #tpu.memory_space<vmem>>)
        tpu.yield
      }) : () -> ()
      %dma_start3A = arith.constant 0 : i32
      %dma_start3A_38 = arith.constant 0 : i32
      %dma_start3A_39 = tpu.memref_slice %arg10[%dma_start3A, %dma_start3A_38] : memref<16x128xi32, #tpu.memory_space<vmem>> -> memref<1x128xi32, #tpu.memory_space<vmem>>
      %dma_start3A_40 = tpu.memref_squeeze %dma_start3A_39 : memref<1x128xi32, #tpu.memory_space<vmem>> -> memref<128xi32, #tpu.memory_space<vmem>>
      %dma_start3A_41 = arith.constant 0 : i32
      %dma_start3A_42 = arith.constant 0 : i32
      %dma_start3A_43 = tpu.memref_slice %arg2[%dma_start3A_41, %dma_start3A_42] : memref<10240x128xf32, #tpu.memory_space<hbm>> -> memref<10240x128xf32, #tpu.memory_space<hbm>>
      tpu.enqueue_indirect_dma source(%dma_start3A_43 : memref<10240x128xf32, #tpu.memory_space<hbm>>) target(%arg12 : memref<128x128xf32, #tpu.memory_space<vmem>>) offsets(%dma_start3A_40 : memref<128xi32, #tpu.memory_space<vmem>>) semaphore(%arg15 : memref<!tpu.dma_semaphore, #tpu.memory_space<semaphore_mem>>)
      %dma_start3A_44 = arith.constant 1 : i32
      %dma_start3A_45 = arith.constant 0 : i32
      %dma_start3A_46 = tpu.memref_slice %arg10[%dma_start3A_44, %dma_start3A_45] : memref<16x128xi32, #tpu.memory_space<vmem>> -> memref<1x128xi32, #tpu.memory_space<vmem>>
      %dma_start3A_47 = tpu.memref_squeeze %dma_start3A_46 : memref<1x128xi32, #tpu.memory_space<vmem>> -> memref<128xi32, #tpu.memory_space<vmem>>
      %dma_start3A_48 = arith.constant 0 : i32
      %dma_start3A_49 = arith.constant 0 : i32
      %dma_start3A_50 = tpu.memref_slice %arg2[%dma_start3A_48, %dma_start3A_49] : memref<10240x128xf32, #tpu.memory_space<hbm>> -> memref<10240x128xf32, #tpu.memory_space<hbm>>
      tpu.enqueue_indirect_dma source(%dma_start3A_50 : memref<10240x128xf32, #tpu.memory_space<hbm>>) target(%arg13 : memref<128x128xf32, #tpu.memory_space<vmem>>) offsets(%dma_start3A_47 : memref<128xi32, #tpu.memory_space<vmem>>) semaphore(%arg16 : memref<!tpu.dma_semaphore, #tpu.memory_space<semaphore_mem>>)
      %dma_wait3A = arith.constant 0 : i32
      %dma_wait3A_51 = arith.constant 0 : i32
      %dma_wait3A_52 = tpu.memref_slice %arg10[%dma_wait3A, %dma_wait3A_51] : memref<16x128xi32, #tpu.memory_space<vmem>> -> memref<1x128xi32, #tpu.memory_space<vmem>>
      %dma_wait3A_53 = tpu.memref_squeeze %dma_wait3A_52 : memref<1x128xi32, #tpu.memory_space<vmem>> -> memref<128xi32, #tpu.memory_space<vmem>>
      %dma_wait3A_54 = arith.constant 0 : i32
      %dma_wait3A_55 = arith.constant 0 : i32
      %dma_wait3A_56 = tpu.memref_slice %arg2[%dma_wait3A_54, %dma_wait3A_55] : memref<10240x128xf32, #tpu.memory_space<hbm>> -> memref<10240x128xf32, #tpu.memory_space<hbm>>
      tpu.wait_indirect_dma semaphore(%arg15 : memref<!tpu.dma_semaphore, #tpu.memory_space<semaphore_mem>>) src(%dma_wait3A_56 : memref<10240x128xf32, #tpu.memory_space<hbm>>) dst(%arg12 : memref<128x128xf32, #tpu.memory_space<vmem>>)
      %dma_start3A_57 = arith.constant 0 : i32
      %dma_start3A_58 = arith.constant 0 : i32
      %dma_start3A_59 = tpu.memref_slice %arg11[%dma_start3A_57, %dma_start3A_58] : memref<16x128xi32, #tpu.memory_space<vmem>> -> memref<1x128xi32, #tpu.memory_space<vmem>>
      %dma_start3A_60 = tpu.memref_squeeze %dma_start3A_59 : memref<1x128xi32, #tpu.memory_space<vmem>> -> memref<128xi32, #tpu.memory_space<vmem>>
      %dma_start3A_61 = arith.constant 0 : i32
      %dma_start3A_62 = arith.constant 0 : i32
      %dma_start3A_63 = tpu.memref_slice %arg14[%dma_start3A_61, %dma_start3A_62] : memref<10240x128xf32, #tpu.memory_space<vmem_shared>> -> memref<10240x128xf32, #tpu.memory_space<vmem_shared>>
      tpu.enqueue_indirect_dma source(%arg12 : memref<128x128xf32, #tpu.memory_space<vmem>>) target(%dma_start3A_63 : memref<10240x128xf32, #tpu.memory_space<vmem_shared>>) offsets(%dma_start3A_60 : memref<128xi32, #tpu.memory_space<vmem>>) semaphore(%arg17 : memref<!tpu.dma_semaphore, #tpu.memory_space<semaphore_mem>>) {add = true}
      %dma_wait3A_64 = arith.constant 0 : i32
      %dma_wait3A_65 = arith.constant 0 : i32
      %dma_wait3A_66 = tpu.memref_slice %arg11[%dma_wait3A_64, %dma_wait3A_65] : memref<16x128xi32, #tpu.memory_space<vmem>> -> memref<1x128xi32, #tpu.memory_space<vmem>>
      %dma_wait3A_67 = tpu.memref_squeeze %dma_wait3A_66 : memref<1x128xi32, #tpu.memory_space<vmem>> -> memref<128xi32, #tpu.memory_space<vmem>>
      %dma_wait3A_68 = arith.constant 0 : i32
      %dma_wait3A_69 = arith.constant 0 : i32
      %dma_wait3A_70 = tpu.memref_slice %arg14[%dma_wait3A_68, %dma_wait3A_69] : memref<10240x128xf32, #tpu.memory_space<vmem_shared>> -> memref<10240x128xf32, #tpu.memory_space<vmem_shared>>
      tpu.wait_indirect_dma semaphore(%arg17 : memref<!tpu.dma_semaphore, #tpu.memory_space<semaphore_mem>>) src(%arg12 : memref<128x128xf32, #tpu.memory_space<vmem>>) dst(%dma_wait3A_70 : memref<10240x128xf32, #tpu.memory_space<vmem_shared>>)
      %dma_start3A_71 = arith.constant 2 : i32
      %dma_start3A_72 = arith.constant 0 : i32
      %dma_start3A_73 = tpu.memref_slice %arg10[%dma_start3A_71, %dma_start3A_72] : memref<16x128xi32, #tpu.memory_space<vmem>> -> memref<1x128xi32, #tpu.memory_space<vmem>>
      %dma_start3A_74 = tpu.memref_squeeze %dma_start3A_73 : memref<1x128xi32, #tpu.memory_space<vmem>> -> memref<128xi32, #tpu.memory_space<vmem>>
      %dma_start3A_75 = arith.constant 0 : i32
      %dma_start3A_76 = arith.constant 0 : i32
      %dma_start3A_77 = tpu.memref_slice %arg2[%dma_start3A_75, %dma_start3A_76] : memref<10240x128xf32, #tpu.memory_space<hbm>> -> memref<10240x128xf32, #tpu.memory_space<hbm>>
      tpu.enqueue_indirect_dma source(%dma_start3A_77 : memref<10240x128xf32, #tpu.memory_space<hbm>>) target(%arg12 : memref<128x128xf32, #tpu.memory_space<vmem>>) offsets(%dma_start3A_74 : memref<128xi32, #tpu.memory_space<vmem>>) semaphore(%arg15 : memref<!tpu.dma_semaphore, #tpu.memory_space<semaphore_mem>>)
      %dma_wait3A_78 = arith.constant 1 : i32
      %dma_wait3A_79 = arith.constant 0 : i32
      %dma_wait3A_80 = tpu.memref_slice %arg10[%dma_wait3A_78, %dma_wait3A_79] : memref<16x128xi32, #tpu.memory_space<vmem>> -> memref<1x128xi32, #tpu.memory_space<vmem>>
      %dma_wait3A_81 = tpu.memref_squeeze %dma_wait3A_80 : memref<1x128xi32, #tpu.memory_space<vmem>> -> memref<128xi32, #tpu.memory_space<vmem>>
      %dma_wait3A_82 = arith.constant 0 : i32
      %dma_wait3A_83 = arith.constant 0 : i32
      %dma_wait3A_84 = tpu.memref_slice %arg2[%dma_wait3A_82, %dma_wait3A_83] : memref<10240x128xf32, #tpu.memory_space<hbm>> -> memref<10240x128xf32, #tpu.memory_space<hbm>>
      tpu.wait_indirect_dma semaphore(%arg16 : memref<!tpu.dma_semaphore, #tpu.memory_space<semaphore_mem>>) src(%dma_wait3A_84 : memref<10240x128xf32, #tpu.memory_space<hbm>>) dst(%arg13 : memref<128x128xf32, #tpu.memory_space<vmem>>)
      %dma_start3A_85 = arith.constant 1 : i32
      %dma_start3A_86 = arith.constant 0 : i32
      %dma_start3A_87 = tpu.memref_slice %arg11[%dma_start3A_85, %dma_start3A_86] : memref<16x128xi32, #tpu.memory_space<vmem>> -> memref<1x128xi32, #tpu.memory_space<vmem>>
      %dma_start3A_88 = tpu.memref_squeeze %dma_start3A_87 : memref<1x128xi32, #tpu.memory_space<vmem>> -> memref<128xi32, #tpu.memory_space<vmem>>
      %dma_start3A_89 = arith.constant 0 : i32
      %dma_start3A_90 = arith.constant 0 : i32
      %dma_start3A_91 = tpu.memref_slice %arg14[%dma_start3A_89, %dma_start3A_90] : memref<10240x128xf32, #tpu.memory_space<vmem_shared>> -> memref<10240x128xf32, #tpu.memory_space<vmem_shared>>
      tpu.enqueue_indirect_dma source(%arg13 : memref<128x128xf32, #tpu.memory_space<vmem>>) target(%dma_start3A_91 : memref<10240x128xf32, #tpu.memory_space<vmem_shared>>) offsets(%dma_start3A_88 : memref<128xi32, #tpu.memory_space<vmem>>) semaphore(%arg18 : memref<!tpu.dma_semaphore, #tpu.memory_space<semaphore_mem>>) {add = true}
      %dma_wait3A_92 = arith.constant 1 : i32
      %dma_wait3A_93 = arith.constant 0 : i32
      %dma_wait3A_94 = tpu.memref_slice %arg11[%dma_wait3A_92, %dma_wait3A_93] : memref<16x128xi32, #tpu.memory_space<vmem>> -> memref<1x128xi32, #tpu.memory_space<vmem>>
      %dma_wait3A_95 = tpu.memref_squeeze %dma_wait3A_94 : memref<1x128xi32, #tpu.memory_space<vmem>> -> memref<128xi32, #tpu.memory_space<vmem>>
      %dma_wait3A_96 = arith.constant 0 : i32
      %dma_wait3A_97 = arith.constant 0 : i32
      %dma_wait3A_98 = tpu.memref_slice %arg14[%dma_wait3A_96, %dma_wait3A_97] : memref<10240x128xf32, #tpu.memory_space<vmem_shared>> -> memref<10240x128xf32, #tpu.memory_space<vmem_shared>>
      tpu.wait_indirect_dma semaphore(%arg18 : memref<!tpu.dma_semaphore, #tpu.memory_space<semaphore_mem>>) src(%arg13 : memref<128x128xf32, #tpu.memory_space<vmem>>) dst(%dma_wait3A_98 : memref<10240x128xf32, #tpu.memory_space<vmem_shared>>)
      %dma_start3A_99 = arith.constant 3 : i32
      %dma_start3A_100 = arith.constant 0 : i32
      %dma_start3A_101 = tpu.memref_slice %arg10[%dma_start3A_99, %dma_start3A_100] : memref<16x128xi32, #tpu.memory_space<vmem>> -> memref<1x128xi32, #tpu.memory_space<vmem>>
      %dma_start3A_102 = tpu.memref_squeeze %dma_start3A_101 : memref<1x128xi32, #tpu.memory_space<vmem>> -> memref<128xi32, #tpu.memory_space<vmem>>
      %dma_start3A_103 = arith.constant 0 : i32
      %dma_start3A_104 = arith.constant 0 : i32
      %dma_start3A_105 = tpu.memref_slice %arg2[%dma_start3A_103, %dma_start3A_104] : memref<10240x128xf32, #tpu.memory_space<hbm>> -> memref<10240x128xf32, #tpu.memory_space<hbm>>
      tpu.enqueue_indirect_dma source(%dma_start3A_105 : memref<10240x128xf32, #tpu.memory_space<hbm>>) target(%arg13 : memref<128x128xf32, #tpu.memory_space<vmem>>) offsets(%dma_start3A_102 : memref<128xi32, #tpu.memory_space<vmem>>) semaphore(%arg16 : memref<!tpu.dma_semaphore, #tpu.memory_space<semaphore_mem>>)
      %dma_wait3A_106 = arith.constant 2 : i32
      %dma_wait3A_107 = arith.constant 0 : i32
      %dma_wait3A_108 = tpu.memref_slice %arg10[%dma_wait3A_106, %dma_wait3A_107] : memref<16x128xi32, #tpu.memory_space<vmem>> -> memref<1x128xi32, #tpu.memory_space<vmem>>
      %dma_wait3A_109 = tpu.memref_squeeze %dma_wait3A_108 : memref<1x128xi32, #tpu.memory_space<vmem>> -> memref<128xi32, #tpu.memory_space<vmem>>
      %dma_wait3A_110 = arith.constant 0 : i32
      %dma_wait3A_111 = arith.constant 0 : i32
      %dma_wait3A_112 = tpu.memref_slice %arg2[%dma_wait3A_110, %dma_wait3A_111] : memref<10240x128xf32, #tpu.memory_space<hbm>> -> memref<10240x128xf32, #tpu.memory_space<hbm>>
      tpu.wait_indirect_dma semaphore(%arg15 : memref<!tpu.dma_semaphore, #tpu.memory_space<semaphore_mem>>) src(%dma_wait3A_112 : memref<10240x128xf32, #tpu.memory_space<hbm>>) dst(%arg12 : memref<128x128xf32, #tpu.memory_space<vmem>>)
      %dma_start3A_113 = arith.constant 2 : i32
      %dma_start3A_114 = arith.constant 0 : i32
      %dma_start3A_115 = tpu.memref_slice %arg11[%dma_start3A_113, %dma_start3A_114] : memref<16x128xi32, #tpu.memory_space<vmem>> -> memref<1x128xi32, #tpu.memory_space<vmem>>
      %dma_start3A_116 = tpu.memref_squeeze %dma_start3A_115 : memref<1x128xi32, #tpu.memory_space<vmem>> -> memref<128xi32, #tpu.memory_space<vmem>>
      %dma_start3A_117 = arith.constant 0 : i32
      %dma_start3A_118 = arith.constant 0 : i32
      %dma_start3A_119 = tpu.memref_slice %arg14[%dma_start3A_117, %dma_start3A_118] : memref<10240x128xf32, #tpu.memory_space<vmem_shared>> -> memref<10240x128xf32, #tpu.memory_space<vmem_shared>>
      tpu.enqueue_indirect_dma source(%arg12 : memref<128x128xf32, #tpu.memory_space<vmem>>) target(%dma_start3A_119 : memref<10240x128xf32, #tpu.memory_space<vmem_shared>>) offsets(%dma_start3A_116 : memref<128xi32, #tpu.memory_space<vmem>>) semaphore(%arg17 : memref<!tpu.dma_semaphore, #tpu.memory_space<semaphore_mem>>) {add = true}
      %dma_wait3A_120 = arith.constant 2 : i32
      %dma_wait3A_121 = arith.constant 0 : i32
      %dma_wait3A_122 = tpu.memref_slice %arg11[%dma_wait3A_120, %dma_wait3A_121] : memref<16x128xi32, #tpu.memory_space<vmem>> -> memref<1x128xi32, #tpu.memory_space<vmem>>
      %dma_wait3A_123 = tpu.memref_squeeze %dma_wait3A_122 : memref<1x128xi32, #tpu.memory_space<vmem>> -> memref<128xi32, #tpu.memory_space<vmem>>
      %dma_wait3A_124 = arith.constant 0 : i32
      %dma_wait3A_125 = arith.constant 0 : i32
      %dma_wait3A_126 = tpu.memref_slice %arg14[%dma_wait3A_124, %dma_wait3A_125] : memref<10240x128xf32, #tpu.memory_space<vmem_shared>> -> memref<10240x128xf32, #tpu.memory_space<vmem_shared>>
      tpu.wait_indirect_dma semaphore(%arg17 : memref<!tpu.dma_semaphore, #tpu.memory_space<semaphore_mem>>) src(%arg12 : memref<128x128xf32, #tpu.memory_space<vmem>>) dst(%dma_wait3A_126 : memref<10240x128xf32, #tpu.memory_space<vmem_shared>>)
      %dma_start3A_127 = arith.constant 4 : i32
      %dma_start3A_128 = arith.constant 0 : i32
      %dma_start3A_129 = tpu.memref_slice %arg10[%dma_start3A_127, %dma_start3A_128] : memref<16x128xi32, #tpu.memory_space<vmem>> -> memref<1x128xi32, #tpu.memory_space<vmem>>
      %dma_start3A_130 = tpu.memref_squeeze %dma_start3A_129 : memref<1x128xi32, #tpu.memory_space<vmem>> -> memref<128xi32, #tpu.memory_space<vmem>>
      %dma_start3A_131 = arith.constant 0 : i32
      %dma_start3A_132 = arith.constant 0 : i32
      %dma_start3A_133 = tpu.memref_slice %arg2[%dma_start3A_131, %dma_start3A_132] : memref<10240x128xf32, #tpu.memory_space<hbm>> -> memref<10240x128xf32, #tpu.memory_space<hbm>>
      tpu.enqueue_indirect_dma source(%dma_start3A_133 : memref<10240x128xf32, #tpu.memory_space<hbm>>) target(%arg12 : memref<128x128xf32, #tpu.memory_space<vmem>>) offsets(%dma_start3A_130 : memref<128xi32, #tpu.memory_space<vmem>>) semaphore(%arg15 : memref<!tpu.dma_semaphore, #tpu.memory_space<semaphore_mem>>)
      %dma_wait3A_134 = arith.constant 3 : i32
      %dma_wait3A_135 = arith.constant 0 : i32
      %dma_wait3A_136 = tpu.memref_slice %arg10[%dma_wait3A_134, %dma_wait3A_135] : memref<16x128xi32, #tpu.memory_space<vmem>> -> memref<1x128xi32, #tpu.memory_space<vmem>>
      %dma_wait3A_137 = tpu.memref_squeeze %dma_wait3A_136 : memref<1x128xi32, #tpu.memory_space<vmem>> -> memref<128xi32, #tpu.memory_space<vmem>>
      %dma_wait3A_138 = arith.constant 0 : i32
      %dma_wait3A_139 = arith.constant 0 : i32
      %dma_wait3A_140 = tpu.memref_slice %arg2[%dma_wait3A_138, %dma_wait3A_139] : memref<10240x128xf32, #tpu.memory_space<hbm>> -> memref<10240x128xf32, #tpu.memory_space<hbm>>
      tpu.wait_indirect_dma semaphore(%arg16 : memref<!tpu.dma_semaphore, #tpu.memory_space<semaphore_mem>>) src(%dma_wait3A_140 : memref<10240x128xf32, #tpu.memory_space<hbm>>) dst(%arg13 : memref<128x128xf32, #tpu.memory_space<vmem>>)
      %dma_start3A_141 = arith.constant 3 : i32
      %dma_start3A_142 = arith.constant 0 : i32
      %dma_start3A_143 = tpu.memref_slice %arg11[%dma_start3A_141, %dma_start3A_142] : memref<16x128xi32, #tpu.memory_space<vmem>> -> memref<1x128xi32, #tpu.memory_space<vmem>>
      %dma_start3A_144 = tpu.memref_squeeze %dma_start3A_143 : memref<1x128xi32, #tpu.memory_space<vmem>> -> memref<128xi32, #tpu.memory_space<vmem>>
      %dma_start3A_145 = arith.constant 0 : i32
      %dma_start3A_146 = arith.constant 0 : i32
      %dma_start3A_147 = tpu.memref_slice %arg14[%dma_start3A_145, %dma_start3A_146] : memref<10240x128xf32, #tpu.memory_space<vmem_shared>> -> memref<10240x128xf32, #tpu.memory_space<vmem_shared>>
      tpu.enqueue_indirect_dma source(%arg13 : memref<128x128xf32, #tpu.memory_space<vmem>>) target(%dma_start3A_147 : memref<10240x128xf32, #tpu.memory_space<vmem_shared>>) offsets(%dma_start3A_144 : memref<128xi32, #tpu.memory_space<vmem>>) semaphore(%arg18 : memref<!tpu.dma_semaphore, #tpu.memory_space<semaphore_mem>>) {add = true}
      %dma_wait3A_148 = arith.constant 3 : i32
      %dma_wait3A_149 = arith.constant 0 : i32
      %dma_wait3A_150 = tpu.memref_slice %arg11[%dma_wait3A_148, %dma_wait3A_149] : memref<16x128xi32, #tpu.memory_space<vmem>> -> memref<1x128xi32, #tpu.memory_space<vmem>>
      %dma_wait3A_151 = tpu.memref_squeeze %dma_wait3A_150 : memref<1x128xi32, #tpu.memory_space<vmem>> -> memref<128xi32, #tpu.memory_space<vmem>>
      %dma_wait3A_152 = arith.constant 0 : i32
      %dma_wait3A_153 = arith.constant 0 : i32
      %dma_wait3A_154 = tpu.memref_slice %arg14[%dma_wait3A_152, %dma_wait3A_153] : memref<10240x128xf32, #tpu.memory_space<vmem_shared>> -> memref<10240x128xf32, #tpu.memory_space<vmem_shared>>
      tpu.wait_indirect_dma semaphore(%arg18 : memref<!tpu.dma_semaphore, #tpu.memory_space<semaphore_mem>>) src(%arg13 : memref<128x128xf32, #tpu.memory_space<vmem>>) dst(%dma_wait3A_154 : memref<10240x128xf32, #tpu.memory_space<vmem_shared>>)
      %dma_start3A_155 = arith.constant 5 : i32
      %dma_start3A_156 = arith.constant 0 : i32
      %dma_start3A_157 = tpu.memref_slice %arg10[%dma_start3A_155, %dma_start3A_156] : memref<16x128xi32, #tpu.memory_space<vmem>> -> memref<1x128xi32, #tpu.memory_space<vmem>>
      %dma_start3A_158 = tpu.memref_squeeze %dma_start3A_157 : memref<1x128xi32, #tpu.memory_space<vmem>> -> memref<128xi32, #tpu.memory_space<vmem>>
      %dma_start3A_159 = arith.constant 0 : i32
      %dma_start3A_160 = arith.constant 0 : i32
      %dma_start3A_161 = tpu.memref_slice %arg2[%dma_start3A_159, %dma_start3A_160] : memref<10240x128xf32, #tpu.memory_space<hbm>> -> memref<10240x128xf32, #tpu.memory_space<hbm>>
      tpu.enqueue_indirect_dma source(%dma_start3A_161 : memref<10240x128xf32, #tpu.memory_space<hbm>>) target(%arg13 : memref<128x128xf32, #tpu.memory_space<vmem>>) offsets(%dma_start3A_158 : memref<128xi32, #tpu.memory_space<vmem>>) semaphore(%arg16 : memref<!tpu.dma_semaphore, #tpu.memory_space<semaphore_mem>>)
      %dma_wait3A_162 = arith.constant 4 : i32
      %dma_wait3A_163 = arith.constant 0 : i32
      %dma_wait3A_164 = tpu.memref_slice %arg10[%dma_wait3A_162, %dma_wait3A_163] : memref<16x128xi32, #tpu.memory_space<vmem>> -> memref<1x128xi32, #tpu.memory_space<vmem>>
      %dma_wait3A_165 = tpu.memref_squeeze %dma_wait3A_164 : memref<1x128xi32, #tpu.memory_space<vmem>> -> memref<128xi32, #tpu.memory_space<vmem>>
      %dma_wait3A_166 = arith.constant 0 : i32
      %dma_wait3A_167 = arith.constant 0 : i32
      %dma_wait3A_168 = tpu.memref_slice %arg2[%dma_wait3A_166, %dma_wait3A_167] : memref<10240x128xf32, #tpu.memory_space<hbm>> -> memref<10240x128xf32, #tpu.memory_space<hbm>>
      tpu.wait_indirect_dma semaphore(%arg15 : memref<!tpu.dma_semaphore, #tpu.memory_space<semaphore_mem>>) src(%dma_wait3A_168 : memref<10240x128xf32, #tpu.memory_space<hbm>>) dst(%arg12 : memref<128x128xf32, #tpu.memory_space<vmem>>)
      %dma_start3A_169 = arith.constant 4 : i32
      %dma_start3A_170 = arith.constant 0 : i32
      %dma_start3A_171 = tpu.memref_slice %arg11[%dma_start3A_169, %dma_start3A_170] : memref<16x128xi32, #tpu.memory_space<vmem>> -> memref<1x128xi32, #tpu.memory_space<vmem>>
      %dma_start3A_172 = tpu.memref_squeeze %dma_start3A_171 : memref<1x128xi32, #tpu.memory_space<vmem>> -> memref<128xi32, #tpu.memory_space<vmem>>
      %dma_start3A_173 = arith.constant 0 : i32
      %dma_start3A_174 = arith.constant 0 : i32
      %dma_start3A_175 = tpu.memref_slice %arg14[%dma_start3A_173, %dma_start3A_174] : memref<10240x128xf32, #tpu.memory_space<vmem_shared>> -> memref<10240x128xf32, #tpu.memory_space<vmem_shared>>
      tpu.enqueue_indirect_dma source(%arg12 : memref<128x128xf32, #tpu.memory_space<vmem>>) target(%dma_start3A_175 : memref<10240x128xf32, #tpu.memory_space<vmem_shared>>) offsets(%dma_start3A_172 : memref<128xi32, #tpu.memory_space<vmem>>) semaphore(%arg17 : memref<!tpu.dma_semaphore, #tpu.memory_space<semaphore_mem>>) {add = true}
      %dma_wait3A_176 = arith.constant 4 : i32
      %dma_wait3A_177 = arith.constant 0 : i32
      %dma_wait3A_178 = tpu.memref_slice %arg11[%dma_wait3A_176, %dma_wait3A_177] : memref<16x128xi32, #tpu.memory_space<vmem>> -> memref<1x128xi32, #tpu.memory_space<vmem>>
      %dma_wait3A_179 = tpu.memref_squeeze %dma_wait3A_178 : memref<1x128xi32, #tpu.memory_space<vmem>> -> memref<128xi32, #tpu.memory_space<vmem>>
      %dma_wait3A_180 = arith.constant 0 : i32
      %dma_wait3A_181 = arith.constant 0 : i32
      %dma_wait3A_182 = tpu.memref_slice %arg14[%dma_wait3A_180, %dma_wait3A_181] : memref<10240x128xf32, #tpu.memory_space<vmem_shared>> -> memref<10240x128xf32, #tpu.memory_space<vmem_shared>>
      tpu.wait_indirect_dma semaphore(%arg17 : memref<!tpu.dma_semaphore, #tpu.memory_space<semaphore_mem>>) src(%arg12 : memref<128x128xf32, #tpu.memory_space<vmem>>) dst(%dma_wait3A_182 : memref<10240x128xf32, #tpu.memory_space<vmem_shared>>)
      %dma_start3A_183 = arith.constant 6 : i32
      %dma_start3A_184 = arith.constant 0 : i32
      %dma_start3A_185 = tpu.memref_slice %arg10[%dma_start3A_183, %dma_start3A_184] : memref<16x128xi32, #tpu.memory_space<vmem>> -> memref<1x128xi32, #tpu.memory_space<vmem>>
      %dma_start3A_186 = tpu.memref_squeeze %dma_start3A_185 : memref<1x128xi32, #tpu.memory_space<vmem>> -> memref<128xi32, #tpu.memory_space<vmem>>
      %dma_start3A_187 = arith.constant 0 : i32
      %dma_start3A_188 = arith.constant 0 : i32
      %dma_start3A_189 = tpu.memref_slice %arg2[%dma_start3A_187, %dma_start3A_188] : memref<10240x128xf32, #tpu.memory_space<hbm>> -> memref<10240x128xf32, #tpu.memory_space<hbm>>
      tpu.enqueue_indirect_dma source(%dma_start3A_189 : memref<10240x128xf32, #tpu.memory_space<hbm>>) target(%arg12 : memref<128x128xf32, #tpu.memory_space<vmem>>) offsets(%dma_start3A_186 : memref<128xi32, #tpu.memory_space<vmem>>) semaphore(%arg15 : memref<!tpu.dma_semaphore, #tpu.memory_space<semaphore_mem>>)
      %dma_wait3A_190 = arith.constant 5 : i32
      %dma_wait3A_191 = arith.constant 0 : i32
      %dma_wait3A_192 = tpu.memref_slice %arg10[%dma_wait3A_190, %dma_wait3A_191] : memref<16x128xi32, #tpu.memory_space<vmem>> -> memref<1x128xi32, #tpu.memory_space<vmem>>
      %dma_wait3A_193 = tpu.memref_squeeze %dma_wait3A_192 : memref<1x128xi32, #tpu.memory_space<vmem>> -> memref<128xi32, #tpu.memory_space<vmem>>
      %dma_wait3A_194 = arith.constant 0 : i32
      %dma_wait3A_195 = arith.constant 0 : i32
      %dma_wait3A_196 = tpu.memref_slice %arg2[%dma_wait3A_194, %dma_wait3A_195] : memref<10240x128xf32, #tpu.memory_space<hbm>> -> memref<10240x128xf32, #tpu.memory_space<hbm>>
      tpu.wait_indirect_dma semaphore(%arg16 : memref<!tpu.dma_semaphore, #tpu.memory_space<semaphore_mem>>) src(%dma_wait3A_196 : memref<10240x128xf32, #tpu.memory_space<hbm>>) dst(%arg13 : memref<128x128xf32, #tpu.memory_space<vmem>>)
      %dma_start3A_197 = arith.constant 5 : i32
      %dma_start3A_198 = arith.constant 0 : i32
      %dma_start3A_199 = tpu.memref_slice %arg11[%dma_start3A_197, %dma_start3A_198] : memref<16x128xi32, #tpu.memory_space<vmem>> -> memref<1x128xi32, #tpu.memory_space<vmem>>
      %dma_start3A_200 = tpu.memref_squeeze %dma_start3A_199 : memref<1x128xi32, #tpu.memory_space<vmem>> -> memref<128xi32, #tpu.memory_space<vmem>>
      %dma_start3A_201 = arith.constant 0 : i32
      %dma_start3A_202 = arith.constant 0 : i32
      %dma_start3A_203 = tpu.memref_slice %arg14[%dma_start3A_201, %dma_start3A_202] : memref<10240x128xf32, #tpu.memory_space<vmem_shared>> -> memref<10240x128xf32, #tpu.memory_space<vmem_shared>>
      tpu.enqueue_indirect_dma source(%arg13 : memref<128x128xf32, #tpu.memory_space<vmem>>) target(%dma_start3A_203 : memref<10240x128xf32, #tpu.memory_space<vmem_shared>>) offsets(%dma_start3A_200 : memref<128xi32, #tpu.memory_space<vmem>>) semaphore(%arg18 : memref<!tpu.dma_semaphore, #tpu.memory_space<semaphore_mem>>) {add = true}
      %dma_wait3A_204 = arith.constant 5 : i32
      %dma_wait3A_205 = arith.constant 0 : i32
      %dma_wait3A_206 = tpu.memref_slice %arg11[%dma_wait3A_204, %dma_wait3A_205] : memref<16x128xi32, #tpu.memory_space<vmem>> -> memref<1x128xi32, #tpu.memory_space<vmem>>
      %dma_wait3A_207 = tpu.memref_squeeze %dma_wait3A_206 : memref<1x128xi32, #tpu.memory_space<vmem>> -> memref<128xi32, #tpu.memory_space<vmem>>
      %dma_wait3A_208 = arith.constant 0 : i32
      %dma_wait3A_209 = arith.constant 0 : i32
      %dma_wait3A_210 = tpu.memref_slice %arg14[%dma_wait3A_208, %dma_wait3A_209] : memref<10240x128xf32, #tpu.memory_space<vmem_shared>> -> memref<10240x128xf32, #tpu.memory_space<vmem_shared>>
      tpu.wait_indirect_dma semaphore(%arg18 : memref<!tpu.dma_semaphore, #tpu.memory_space<semaphore_mem>>) src(%arg13 : memref<128x128xf32, #tpu.memory_space<vmem>>) dst(%dma_wait3A_210 : memref<10240x128xf32, #tpu.memory_space<vmem_shared>>)
      %dma_start3A_211 = arith.constant 7 : i32
      %dma_start3A_212 = arith.constant 0 : i32
      %dma_start3A_213 = tpu.memref_slice %arg10[%dma_start3A_211, %dma_start3A_212] : memref<16x128xi32, #tpu.memory_space<vmem>> -> memref<1x128xi32, #tpu.memory_space<vmem>>
      %dma_start3A_214 = tpu.memref_squeeze %dma_start3A_213 : memref<1x128xi32, #tpu.memory_space<vmem>> -> memref<128xi32, #tpu.memory_space<vmem>>
      %dma_start3A_215 = arith.constant 0 : i32
      %dma_start3A_216 = arith.constant 0 : i32
      %dma_start3A_217 = tpu.memref_slice %arg2[%dma_start3A_215, %dma_start3A_216] : memref<10240x128xf32, #tpu.memory_space<hbm>> -> memref<10240x128xf32, #tpu.memory_space<hbm>>
      tpu.enqueue_indirect_dma source(%dma_start3A_217 : memref<10240x128xf32, #tpu.memory_space<hbm>>) target(%arg13 : memref<128x128xf32, #tpu.memory_space<vmem>>) offsets(%dma_start3A_214 : memref<128xi32, #tpu.memory_space<vmem>>) semaphore(%arg16 : memref<!tpu.dma_semaphore, #tpu.memory_space<semaphore_mem>>)
      %dma_wait3A_218 = arith.constant 6 : i32
      %dma_wait3A_219 = arith.constant 0 : i32
      %dma_wait3A_220 = tpu.memref_slice %arg10[%dma_wait3A_218, %dma_wait3A_219] : memref<16x128xi32, #tpu.memory_space<vmem>> -> memref<1x128xi32, #tpu.memory_space<vmem>>
      %dma_wait3A_221 = tpu.memref_squeeze %dma_wait3A_220 : memref<1x128xi32, #tpu.memory_space<vmem>> -> memref<128xi32, #tpu.memory_space<vmem>>
      %dma_wait3A_222 = arith.constant 0 : i32
      %dma_wait3A_223 = arith.constant 0 : i32
      %dma_wait3A_224 = tpu.memref_slice %arg2[%dma_wait3A_222, %dma_wait3A_223] : memref<10240x128xf32, #tpu.memory_space<hbm>> -> memref<10240x128xf32, #tpu.memory_space<hbm>>
      tpu.wait_indirect_dma semaphore(%arg15 : memref<!tpu.dma_semaphore, #tpu.memory_space<semaphore_mem>>) src(%dma_wait3A_224 : memref<10240x128xf32, #tpu.memory_space<hbm>>) dst(%arg12 : memref<128x128xf32, #tpu.memory_space<vmem>>)
      %dma_start3A_225 = arith.constant 6 : i32
      %dma_start3A_226 = arith.constant 0 : i32
      %dma_start3A_227 = tpu.memref_slice %arg11[%dma_start3A_225, %dma_start3A_226] : memref<16x128xi32, #tpu.memory_space<vmem>> -> memref<1x128xi32, #tpu.memory_space<vmem>>
      %dma_start3A_228 = tpu.memref_squeeze %dma_start3A_227 : memref<1x128xi32, #tpu.memory_space<vmem>> -> memref<128xi32, #tpu.memory_space<vmem>>
      %dma_start3A_229 = arith.constant 0 : i32
      %dma_start3A_230 = arith.constant 0 : i32
      %dma_start3A_231 = tpu.memref_slice %arg14[%dma_start3A_229, %dma_start3A_230] : memref<10240x128xf32, #tpu.memory_space<vmem_shared>> -> memref<10240x128xf32, #tpu.memory_space<vmem_shared>>
      tpu.enqueue_indirect_dma source(%arg12 : memref<128x128xf32, #tpu.memory_space<vmem>>) target(%dma_start3A_231 : memref<10240x128xf32, #tpu.memory_space<vmem_shared>>) offsets(%dma_start3A_228 : memref<128xi32, #tpu.memory_space<vmem>>) semaphore(%arg17 : memref<!tpu.dma_semaphore, #tpu.memory_space<semaphore_mem>>) {add = true}
      %dma_wait3A_232 = arith.constant 6 : i32
      %dma_wait3A_233 = arith.constant 0 : i32
      %dma_wait3A_234 = tpu.memref_slice %arg11[%dma_wait3A_232, %dma_wait3A_233] : memref<16x128xi32, #tpu.memory_space<vmem>> -> memref<1x128xi32, #tpu.memory_space<vmem>>
      %dma_wait3A_235 = tpu.memref_squeeze %dma_wait3A_234 : memref<1x128xi32, #tpu.memory_space<vmem>> -> memref<128xi32, #tpu.memory_space<vmem>>
      %dma_wait3A_236 = arith.constant 0 : i32
      %dma_wait3A_237 = arith.constant 0 : i32
      %dma_wait3A_238 = tpu.memref_slice %arg14[%dma_wait3A_236, %dma_wait3A_237] : memref<10240x128xf32, #tpu.memory_space<vmem_shared>> -> memref<10240x128xf32, #tpu.memory_space<vmem_shared>>
      tpu.wait_indirect_dma semaphore(%arg17 : memref<!tpu.dma_semaphore, #tpu.memory_space<semaphore_mem>>) src(%arg12 : memref<128x128xf32, #tpu.memory_space<vmem>>) dst(%dma_wait3A_238 : memref<10240x128xf32, #tpu.memory_space<vmem_shared>>)
      %dma_start3A_239 = arith.constant 8 : i32
      %dma_start3A_240 = arith.constant 0 : i32
      %dma_start3A_241 = tpu.memref_slice %arg10[%dma_start3A_239, %dma_start3A_240] : memref<16x128xi32, #tpu.memory_space<vmem>> -> memref<1x128xi32, #tpu.memory_space<vmem>>
      %dma_start3A_242 = tpu.memref_squeeze %dma_start3A_241 : memref<1x128xi32, #tpu.memory_space<vmem>> -> memref<128xi32, #tpu.memory_space<vmem>>
      %dma_start3A_243 = arith.constant 0 : i32
      %dma_start3A_244 = arith.constant 0 : i32
      %dma_start3A_245 = tpu.memref_slice %arg2[%dma_start3A_243, %dma_start3A_244] : memref<10240x128xf32, #tpu.memory_space<hbm>> -> memref<10240x128xf32, #tpu.memory_space<hbm>>
      tpu.enqueue_indirect_dma source(%dma_start3A_245 : memref<10240x128xf32, #tpu.memory_space<hbm>>) target(%arg12 : memref<128x128xf32, #tpu.memory_space<vmem>>) offsets(%dma_start3A_242 : memref<128xi32, #tpu.memory_space<vmem>>) semaphore(%arg15 : memref<!tpu.dma_semaphore, #tpu.memory_space<semaphore_mem>>)
      %dma_wait3A_246 = arith.constant 7 : i32
      %dma_wait3A_247 = arith.constant 0 : i32
      %dma_wait3A_248 = tpu.memref_slice %arg10[%dma_wait3A_246, %dma_wait3A_247] : memref<16x128xi32, #tpu.memory_space<vmem>> -> memref<1x128xi32, #tpu.memory_space<vmem>>
      %dma_wait3A_249 = tpu.memref_squeeze %dma_wait3A_248 : memref<1x128xi32, #tpu.memory_space<vmem>> -> memref<128xi32, #tpu.memory_space<vmem>>
      %dma_wait3A_250 = arith.constant 0 : i32
      %dma_wait3A_251 = arith.constant 0 : i32
      %dma_wait3A_252 = tpu.memref_slice %arg2[%dma_wait3A_250, %dma_wait3A_251] : memref<10240x128xf32, #tpu.memory_space<hbm>> -> memref<10240x128xf32, #tpu.memory_space<hbm>>
      tpu.wait_indirect_dma semaphore(%arg16 : memref<!tpu.dma_semaphore, #tpu.memory_space<semaphore_mem>>) src(%dma_wait3A_252 : memref<10240x128xf32, #tpu.memory_space<hbm>>) dst(%arg13 : memref<128x128xf32, #tpu.memory_space<vmem>>)
      %dma_start3A_253 = arith.constant 7 : i32
      %dma_start3A_254 = arith.constant 0 : i32
      %dma_start3A_255 = tpu.memref_slice %arg11[%dma_start3A_253, %dma_start3A_254] : memref<16x128xi32, #tpu.memory_space<vmem>> -> memref<1x128xi32, #tpu.memory_space<vmem>>
      %dma_start3A_256 = tpu.memref_squeeze %dma_start3A_255 : memref<1x128xi32, #tpu.memory_space<vmem>> -> memref<128xi32, #tpu.memory_space<vmem>>
      %dma_start3A_257 = arith.constant 0 : i32
      %dma_start3A_258 = arith.constant 0 : i32
      %dma_start3A_259 = tpu.memref_slice %arg14[%dma_start3A_257, %dma_start3A_258] : memref<10240x128xf32, #tpu.memory_space<vmem_shared>> -> memref<10240x128xf32, #tpu.memory_space<vmem_shared>>
      tpu.enqueue_indirect_dma source(%arg13 : memref<128x128xf32, #tpu.memory_space<vmem>>) target(%dma_start3A_259 : memref<10240x128xf32, #tpu.memory_space<vmem_shared>>) offsets(%dma_start3A_256 : memref<128xi32, #tpu.memory_space<vmem>>) semaphore(%arg18 : memref<!tpu.dma_semaphore, #tpu.memory_space<semaphore_mem>>) {add = true}
      %dma_wait3A_260 = arith.constant 7 : i32
      %dma_wait3A_261 = arith.constant 0 : i32
      %dma_wait3A_262 = tpu.memref_slice %arg11[%dma_wait3A_260, %dma_wait3A_261] : memref<16x128xi32, #tpu.memory_space<vmem>> -> memref<1x128xi32, #tpu.memory_space<vmem>>
      %dma_wait3A_263 = tpu.memref_squeeze %dma_wait3A_262 : memref<1x128xi32, #tpu.memory_space<vmem>> -> memref<128xi32, #tpu.memory_space<vmem>>
      %dma_wait3A_264 = arith.constant 0 : i32
      %dma_wait3A_265 = arith.constant 0 : i32
      %dma_wait3A_266 = tpu.memref_slice %arg14[%dma_wait3A_264, %dma_wait3A_265] : memref<10240x128xf32, #tpu.memory_space<vmem_shared>> -> memref<10240x128xf32, #tpu.memory_space<vmem_shared>>
      tpu.wait_indirect_dma semaphore(%arg18 : memref<!tpu.dma_semaphore, #tpu.memory_space<semaphore_mem>>) src(%arg13 : memref<128x128xf32, #tpu.memory_space<vmem>>) dst(%dma_wait3A_266 : memref<10240x128xf32, #tpu.memory_space<vmem_shared>>)
      %dma_start3A_267 = arith.constant 9 : i32
      %dma_start3A_268 = arith.constant 0 : i32
      %dma_start3A_269 = tpu.memref_slice %arg10[%dma_start3A_267, %dma_start3A_268] : memref<16x128xi32, #tpu.memory_space<vmem>> -> memref<1x128xi32, #tpu.memory_space<vmem>>
      %dma_start3A_270 = tpu.memref_squeeze %dma_start3A_269 : memref<1x128xi32, #tpu.memory_space<vmem>> -> memref<128xi32, #tpu.memory_space<vmem>>
      %dma_start3A_271 = arith.constant 0 : i32
      %dma_start3A_272 = arith.constant 0 : i32
      %dma_start3A_273 = tpu.memref_slice %arg2[%dma_start3A_271, %dma_start3A_272] : memref<10240x128xf32, #tpu.memory_space<hbm>> -> memref<10240x128xf32, #tpu.memory_space<hbm>>
      tpu.enqueue_indirect_dma source(%dma_start3A_273 : memref<10240x128xf32, #tpu.memory_space<hbm>>) target(%arg13 : memref<128x128xf32, #tpu.memory_space<vmem>>) offsets(%dma_start3A_270 : memref<128xi32, #tpu.memory_space<vmem>>) semaphore(%arg16 : memref<!tpu.dma_semaphore, #tpu.memory_space<semaphore_mem>>)
      %dma_wait3A_274 = arith.constant 8 : i32
      %dma_wait3A_275 = arith.constant 0 : i32
      %dma_wait3A_276 = tpu.memref_slice %arg10[%dma_wait3A_274, %dma_wait3A_275] : memref<16x128xi32, #tpu.memory_space<vmem>> -> memref<1x128xi32, #tpu.memory_space<vmem>>
      %dma_wait3A_277 = tpu.memref_squeeze %dma_wait3A_276 : memref<1x128xi32, #tpu.memory_space<vmem>> -> memref<128xi32, #tpu.memory_space<vmem>>
      %dma_wait3A_278 = arith.constant 0 : i32
      %dma_wait3A_279 = arith.constant 0 : i32
      %dma_wait3A_280 = tpu.memref_slice %arg2[%dma_wait3A_278, %dma_wait3A_279] : memref<10240x128xf32, #tpu.memory_space<hbm>> -> memref<10240x128xf32, #tpu.memory_space<hbm>>
      tpu.wait_indirect_dma semaphore(%arg15 : memref<!tpu.dma_semaphore, #tpu.memory_space<semaphore_mem>>) src(%dma_wait3A_280 : memref<10240x128xf32, #tpu.memory_space<hbm>>) dst(%arg12 : memref<128x128xf32, #tpu.memory_space<vmem>>)
      %dma_start3A_281 = arith.constant 8 : i32
      %dma_start3A_282 = arith.constant 0 : i32
      %dma_start3A_283 = tpu.memref_slice %arg11[%dma_start3A_281, %dma_start3A_282] : memref<16x128xi32, #tpu.memory_space<vmem>> -> memref<1x128xi32, #tpu.memory_space<vmem>>
      %dma_start3A_284 = tpu.memref_squeeze %dma_start3A_283 : memref<1x128xi32, #tpu.memory_space<vmem>> -> memref<128xi32, #tpu.memory_space<vmem>>
      %dma_start3A_285 = arith.constant 0 : i32
      %dma_start3A_286 = arith.constant 0 : i32
      %dma_start3A_287 = tpu.memref_slice %arg14[%dma_start3A_285, %dma_start3A_286] : memref<10240x128xf32, #tpu.memory_space<vmem_shared>> -> memref<10240x128xf32, #tpu.memory_space<vmem_shared>>
      tpu.enqueue_indirect_dma source(%arg12 : memref<128x128xf32, #tpu.memory_space<vmem>>) target(%dma_start3A_287 : memref<10240x128xf32, #tpu.memory_space<vmem_shared>>) offsets(%dma_start3A_284 : memref<128xi32, #tpu.memory_space<vmem>>) semaphore(%arg17 : memref<!tpu.dma_semaphore, #tpu.memory_space<semaphore_mem>>) {add = true}
      %dma_wait3A_288 = arith.constant 8 : i32
      %dma_wait3A_289 = arith.constant 0 : i32
      %dma_wait3A_290 = tpu.memref_slice %arg11[%dma_wait3A_288, %dma_wait3A_289] : memref<16x128xi32, #tpu.memory_space<vmem>> -> memref<1x128xi32, #tpu.memory_space<vmem>>
      %dma_wait3A_291 = tpu.memref_squeeze %dma_wait3A_290 : memref<1x128xi32, #tpu.memory_space<vmem>> -> memref<128xi32, #tpu.memory_space<vmem>>
      %dma_wait3A_292 = arith.constant 0 : i32
      %dma_wait3A_293 = arith.constant 0 : i32
      %dma_wait3A_294 = tpu.memref_slice %arg14[%dma_wait3A_292, %dma_wait3A_293] : memref<10240x128xf32, #tpu.memory_space<vmem_shared>> -> memref<10240x128xf32, #tpu.memory_space<vmem_shared>>
      tpu.wait_indirect_dma semaphore(%arg17 : memref<!tpu.dma_semaphore, #tpu.memory_space<semaphore_mem>>) src(%arg12 : memref<128x128xf32, #tpu.memory_space<vmem>>) dst(%dma_wait3A_294 : memref<10240x128xf32, #tpu.memory_space<vmem_shared>>)
      %dma_start3A_295 = arith.constant 10 : i32
      %dma_start3A_296 = arith.constant 0 : i32
      %dma_start3A_297 = tpu.memref_slice %arg10[%dma_start3A_295, %dma_start3A_296] : memref<16x128xi32, #tpu.memory_space<vmem>> -> memref<1x128xi32, #tpu.memory_space<vmem>>
      %dma_start3A_298 = tpu.memref_squeeze %dma_start3A_297 : memref<1x128xi32, #tpu.memory_space<vmem>> -> memref<128xi32, #tpu.memory_space<vmem>>
      %dma_start3A_299 = arith.constant 0 : i32
      %dma_start3A_300 = arith.constant 0 : i32
      %dma_start3A_301 = tpu.memref_slice %arg2[%dma_start3A_299, %dma_start3A_300] : memref<10240x128xf32, #tpu.memory_space<hbm>> -> memref<10240x128xf32, #tpu.memory_space<hbm>>
      tpu.enqueue_indirect_dma source(%dma_start3A_301 : memref<10240x128xf32, #tpu.memory_space<hbm>>) target(%arg12 : memref<128x128xf32, #tpu.memory_space<vmem>>) offsets(%dma_start3A_298 : memref<128xi32, #tpu.memory_space<vmem>>) semaphore(%arg15 : memref<!tpu.dma_semaphore, #tpu.memory_space<semaphore_mem>>)
      %dma_wait3A_302 = arith.constant 9 : i32
      %dma_wait3A_303 = arith.constant 0 : i32
      %dma_wait3A_304 = tpu.memref_slice %arg10[%dma_wait3A_302, %dma_wait3A_303] : memref<16x128xi32, #tpu.memory_space<vmem>> -> memref<1x128xi32, #tpu.memory_space<vmem>>
      %dma_wait3A_305 = tpu.memref_squeeze %dma_wait3A_304 : memref<1x128xi32, #tpu.memory_space<vmem>> -> memref<128xi32, #tpu.memory_space<vmem>>
      %dma_wait3A_306 = arith.constant 0 : i32
      %dma_wait3A_307 = arith.constant 0 : i32
      %dma_wait3A_308 = tpu.memref_slice %arg2[%dma_wait3A_306, %dma_wait3A_307] : memref<10240x128xf32, #tpu.memory_space<hbm>> -> memref<10240x128xf32, #tpu.memory_space<hbm>>
      tpu.wait_indirect_dma semaphore(%arg16 : memref<!tpu.dma_semaphore, #tpu.memory_space<semaphore_mem>>) src(%dma_wait3A_308 : memref<10240x128xf32, #tpu.memory_space<hbm>>) dst(%arg13 : memref<128x128xf32, #tpu.memory_space<vmem>>)
      %dma_start3A_309 = arith.constant 9 : i32
      %dma_start3A_310 = arith.constant 0 : i32
      %dma_start3A_311 = tpu.memref_slice %arg11[%dma_start3A_309, %dma_start3A_310] : memref<16x128xi32, #tpu.memory_space<vmem>> -> memref<1x128xi32, #tpu.memory_space<vmem>>
      %dma_start3A_312 = tpu.memref_squeeze %dma_start3A_311 : memref<1x128xi32, #tpu.memory_space<vmem>> -> memref<128xi32, #tpu.memory_space<vmem>>
      %dma_start3A_313 = arith.constant 0 : i32
      %dma_start3A_314 = arith.constant 0 : i32
      %dma_start3A_315 = tpu.memref_slice %arg14[%dma_start3A_313, %dma_start3A_314] : memref<10240x128xf32, #tpu.memory_space<vmem_shared>> -> memref<10240x128xf32, #tpu.memory_space<vmem_shared>>
      tpu.enqueue_indirect_dma source(%arg13 : memref<128x128xf32, #tpu.memory_space<vmem>>) target(%dma_start3A_315 : memref<10240x128xf32, #tpu.memory_space<vmem_shared>>) offsets(%dma_start3A_312 : memref<128xi32, #tpu.memory_space<vmem>>) semaphore(%arg18 : memref<!tpu.dma_semaphore, #tpu.memory_space<semaphore_mem>>) {add = true}
      %dma_wait3A_316 = arith.constant 9 : i32
      %dma_wait3A_317 = arith.constant 0 : i32
      %dma_wait3A_318 = tpu.memref_slice %arg11[%dma_wait3A_316, %dma_wait3A_317] : memref<16x128xi32, #tpu.memory_space<vmem>> -> memref<1x128xi32, #tpu.memory_space<vmem>>
      %dma_wait3A_319 = tpu.memref_squeeze %dma_wait3A_318 : memref<1x128xi32, #tpu.memory_space<vmem>> -> memref<128xi32, #tpu.memory_space<vmem>>
      %dma_wait3A_320 = arith.constant 0 : i32
      %dma_wait3A_321 = arith.constant 0 : i32
      %dma_wait3A_322 = tpu.memref_slice %arg14[%dma_wait3A_320, %dma_wait3A_321] : memref<10240x128xf32, #tpu.memory_space<vmem_shared>> -> memref<10240x128xf32, #tpu.memory_space<vmem_shared>>
      tpu.wait_indirect_dma semaphore(%arg18 : memref<!tpu.dma_semaphore, #tpu.memory_space<semaphore_mem>>) src(%arg13 : memref<128x128xf32, #tpu.memory_space<vmem>>) dst(%dma_wait3A_322 : memref<10240x128xf32, #tpu.memory_space<vmem_shared>>)
      %dma_start3A_323 = arith.constant 11 : i32
      %dma_start3A_324 = arith.constant 0 : i32
      %dma_start3A_325 = tpu.memref_slice %arg10[%dma_start3A_323, %dma_start3A_324] : memref<16x128xi32, #tpu.memory_space<vmem>> -> memref<1x128xi32, #tpu.memory_space<vmem>>
      %dma_start3A_326 = tpu.memref_squeeze %dma_start3A_325 : memref<1x128xi32, #tpu.memory_space<vmem>> -> memref<128xi32, #tpu.memory_space<vmem>>
      %dma_start3A_327 = arith.constant 0 : i32
      %dma_start3A_328 = arith.constant 0 : i32
      %dma_start3A_329 = tpu.memref_slice %arg2[%dma_start3A_327, %dma_start3A_328] : memref<10240x128xf32, #tpu.memory_space<hbm>> -> memref<10240x128xf32, #tpu.memory_space<hbm>>
      tpu.enqueue_indirect_dma source(%dma_start3A_329 : memref<10240x128xf32, #tpu.memory_space<hbm>>) target(%arg13 : memref<128x128xf32, #tpu.memory_space<vmem>>) offsets(%dma_start3A_326 : memref<128xi32, #tpu.memory_space<vmem>>) semaphore(%arg16 : memref<!tpu.dma_semaphore, #tpu.memory_space<semaphore_mem>>)
      %dma_wait3A_330 = arith.constant 10 : i32
      %dma_wait3A_331 = arith.constant 0 : i32
      %dma_wait3A_332 = tpu.memref_slice %arg10[%dma_wait3A_330, %dma_wait3A_331] : memref<16x128xi32, #tpu.memory_space<vmem>> -> memref<1x128xi32, #tpu.memory_space<vmem>>
      %dma_wait3A_333 = tpu.memref_squeeze %dma_wait3A_332 : memref<1x128xi32, #tpu.memory_space<vmem>> -> memref<128xi32, #tpu.memory_space<vmem>>
      %dma_wait3A_334 = arith.constant 0 : i32
      %dma_wait3A_335 = arith.constant 0 : i32
      %dma_wait3A_336 = tpu.memref_slice %arg2[%dma_wait3A_334, %dma_wait3A_335] : memref<10240x128xf32, #tpu.memory_space<hbm>> -> memref<10240x128xf32, #tpu.memory_space<hbm>>
      tpu.wait_indirect_dma semaphore(%arg15 : memref<!tpu.dma_semaphore, #tpu.memory_space<semaphore_mem>>) src(%dma_wait3A_336 : memref<10240x128xf32, #tpu.memory_space<hbm>>) dst(%arg12 : memref<128x128xf32, #tpu.memory_space<vmem>>)
      %dma_start3A_337 = arith.constant 10 : i32
      %dma_start3A_338 = arith.constant 0 : i32
      %dma_start3A_339 = tpu.memref_slice %arg11[%dma_start3A_337, %dma_start3A_338] : memref<16x128xi32, #tpu.memory_space<vmem>> -> memref<1x128xi32, #tpu.memory_space<vmem>>
      %dma_start3A_340 = tpu.memref_squeeze %dma_start3A_339 : memref<1x128xi32, #tpu.memory_space<vmem>> -> memref<128xi32, #tpu.memory_space<vmem>>
      %dma_start3A_341 = arith.constant 0 : i32
      %dma_start3A_342 = arith.constant 0 : i32
      %dma_start3A_343 = tpu.memref_slice %arg14[%dma_start3A_341, %dma_start3A_342] : memref<10240x128xf32, #tpu.memory_space<vmem_shared>> -> memref<10240x128xf32, #tpu.memory_space<vmem_shared>>
      tpu.enqueue_indirect_dma source(%arg12 : memref<128x128xf32, #tpu.memory_space<vmem>>) target(%dma_start3A_343 : memref<10240x128xf32, #tpu.memory_space<vmem_shared>>) offsets(%dma_start3A_340 : memref<128xi32, #tpu.memory_space<vmem>>) semaphore(%arg17 : memref<!tpu.dma_semaphore, #tpu.memory_space<semaphore_mem>>) {add = true}
      %dma_wait3A_344 = arith.constant 10 : i32
      %dma_wait3A_345 = arith.constant 0 : i32
      %dma_wait3A_346 = tpu.memref_slice %arg11[%dma_wait3A_344, %dma_wait3A_345] : memref<16x128xi32, #tpu.memory_space<vmem>> -> memref<1x128xi32, #tpu.memory_space<vmem>>
      %dma_wait3A_347 = tpu.memref_squeeze %dma_wait3A_346 : memref<1x128xi32, #tpu.memory_space<vmem>> -> memref<128xi32, #tpu.memory_space<vmem>>
      %dma_wait3A_348 = arith.constant 0 : i32
      %dma_wait3A_349 = arith.constant 0 : i32
      %dma_wait3A_350 = tpu.memref_slice %arg14[%dma_wait3A_348, %dma_wait3A_349] : memref<10240x128xf32, #tpu.memory_space<vmem_shared>> -> memref<10240x128xf32, #tpu.memory_space<vmem_shared>>
      tpu.wait_indirect_dma semaphore(%arg17 : memref<!tpu.dma_semaphore, #tpu.memory_space<semaphore_mem>>) src(%arg12 : memref<128x128xf32, #tpu.memory_space<vmem>>) dst(%dma_wait3A_350 : memref<10240x128xf32, #tpu.memory_space<vmem_shared>>)
      %dma_start3A_351 = arith.constant 12 : i32
      %dma_start3A_352 = arith.constant 0 : i32
      %dma_start3A_353 = tpu.memref_slice %arg10[%dma_start3A_351, %dma_start3A_352] : memref<16x128xi32, #tpu.memory_space<vmem>> -> memref<1x128xi32, #tpu.memory_space<vmem>>
      %dma_start3A_354 = tpu.memref_squeeze %dma_start3A_353 : memref<1x128xi32, #tpu.memory_space<vmem>> -> memref<128xi32, #tpu.memory_space<vmem>>
      %dma_start3A_355 = arith.constant 0 : i32
      %dma_start3A_356 = arith.constant 0 : i32
      %dma_start3A_357 = tpu.memref_slice %arg2[%dma_start3A_355, %dma_start3A_356] : memref<10240x128xf32, #tpu.memory_space<hbm>> -> memref<10240x128xf32, #tpu.memory_space<hbm>>
      tpu.enqueue_indirect_dma source(%dma_start3A_357 : memref<10240x128xf32, #tpu.memory_space<hbm>>) target(%arg12 : memref<128x128xf32, #tpu.memory_space<vmem>>) offsets(%dma_start3A_354 : memref<128xi32, #tpu.memory_space<vmem>>) semaphore(%arg15 : memref<!tpu.dma_semaphore, #tpu.memory_space<semaphore_mem>>)
      %dma_wait3A_358 = arith.constant 11 : i32
      %dma_wait3A_359 = arith.constant 0 : i32
      %dma_wait3A_360 = tpu.memref_slice %arg10[%dma_wait3A_358, %dma_wait3A_359] : memref<16x128xi32, #tpu.memory_space<vmem>> -> memref<1x128xi32, #tpu.memory_space<vmem>>
      %dma_wait3A_361 = tpu.memref_squeeze %dma_wait3A_360 : memref<1x128xi32, #tpu.memory_space<vmem>> -> memref<128xi32, #tpu.memory_space<vmem>>
      %dma_wait3A_362 = arith.constant 0 : i32
      %dma_wait3A_363 = arith.constant 0 : i32
      %dma_wait3A_364 = tpu.memref_slice %arg2[%dma_wait3A_362, %dma_wait3A_363] : memref<10240x128xf32, #tpu.memory_space<hbm>> -> memref<10240x128xf32, #tpu.memory_space<hbm>>
      tpu.wait_indirect_dma semaphore(%arg16 : memref<!tpu.dma_semaphore, #tpu.memory_space<semaphore_mem>>) src(%dma_wait3A_364 : memref<10240x128xf32, #tpu.memory_space<hbm>>) dst(%arg13 : memref<128x128xf32, #tpu.memory_space<vmem>>)
      %dma_start3A_365 = arith.constant 11 : i32
      %dma_start3A_366 = arith.constant 0 : i32
      %dma_start3A_367 = tpu.memref_slice %arg11[%dma_start3A_365, %dma_start3A_366] : memref<16x128xi32, #tpu.memory_space<vmem>> -> memref<1x128xi32, #tpu.memory_space<vmem>>
      %dma_start3A_368 = tpu.memref_squeeze %dma_start3A_367 : memref<1x128xi32, #tpu.memory_space<vmem>> -> memref<128xi32, #tpu.memory_space<vmem>>
      %dma_start3A_369 = arith.constant 0 : i32
      %dma_start3A_370 = arith.constant 0 : i32
      %dma_start3A_371 = tpu.memref_slice %arg14[%dma_start3A_369, %dma_start3A_370] : memref<10240x128xf32, #tpu.memory_space<vmem_shared>> -> memref<10240x128xf32, #tpu.memory_space<vmem_shared>>
      tpu.enqueue_indirect_dma source(%arg13 : memref<128x128xf32, #tpu.memory_space<vmem>>) target(%dma_start3A_371 : memref<10240x128xf32, #tpu.memory_space<vmem_shared>>) offsets(%dma_start3A_368 : memref<128xi32, #tpu.memory_space<vmem>>) semaphore(%arg18 : memref<!tpu.dma_semaphore, #tpu.memory_space<semaphore_mem>>) {add = true}
      %dma_wait3A_372 = arith.constant 11 : i32
      %dma_wait3A_373 = arith.constant 0 : i32
      %dma_wait3A_374 = tpu.memref_slice %arg11[%dma_wait3A_372, %dma_wait3A_373] : memref<16x128xi32, #tpu.memory_space<vmem>> -> memref<1x128xi32, #tpu.memory_space<vmem>>
      %dma_wait3A_375 = tpu.memref_squeeze %dma_wait3A_374 : memref<1x128xi32, #tpu.memory_space<vmem>> -> memref<128xi32, #tpu.memory_space<vmem>>
      %dma_wait3A_376 = arith.constant 0 : i32
      %dma_wait3A_377 = arith.constant 0 : i32
      %dma_wait3A_378 = tpu.memref_slice %arg14[%dma_wait3A_376, %dma_wait3A_377] : memref<10240x128xf32, #tpu.memory_space<vmem_shared>> -> memref<10240x128xf32, #tpu.memory_space<vmem_shared>>
      tpu.wait_indirect_dma semaphore(%arg18 : memref<!tpu.dma_semaphore, #tpu.memory_space<semaphore_mem>>) src(%arg13 : memref<128x128xf32, #tpu.memory_space<vmem>>) dst(%dma_wait3A_378 : memref<10240x128xf32, #tpu.memory_space<vmem_shared>>)
      %dma_start3A_379 = arith.constant 13 : i32
      %dma_start3A_380 = arith.constant 0 : i32
      %dma_start3A_381 = tpu.memref_slice %arg10[%dma_start3A_379, %dma_start3A_380] : memref<16x128xi32, #tpu.memory_space<vmem>> -> memref<1x128xi32, #tpu.memory_space<vmem>>
      %dma_start3A_382 = tpu.memref_squeeze %dma_start3A_381 : memref<1x128xi32, #tpu.memory_space<vmem>> -> memref<128xi32, #tpu.memory_space<vmem>>
      %dma_start3A_383 = arith.constant 0 : i32
      %dma_start3A_384 = arith.constant 0 : i32
      %dma_start3A_385 = tpu.memref_slice %arg2[%dma_start3A_383, %dma_start3A_384] : memref<10240x128xf32, #tpu.memory_space<hbm>> -> memref<10240x128xf32, #tpu.memory_space<hbm>>
      tpu.enqueue_indirect_dma source(%dma_start3A_385 : memref<10240x128xf32, #tpu.memory_space<hbm>>) target(%arg13 : memref<128x128xf32, #tpu.memory_space<vmem>>) offsets(%dma_start3A_382 : memref<128xi32, #tpu.memory_space<vmem>>) semaphore(%arg16 : memref<!tpu.dma_semaphore, #tpu.memory_space<semaphore_mem>>)
      %dma_wait3A_386 = arith.constant 12 : i32
      %dma_wait3A_387 = arith.constant 0 : i32
      %dma_wait3A_388 = tpu.memref_slice %arg10[%dma_wait3A_386, %dma_wait3A_387] : memref<16x128xi32, #tpu.memory_space<vmem>> -> memref<1x128xi32, #tpu.memory_space<vmem>>
      %dma_wait3A_389 = tpu.memref_squeeze %dma_wait3A_388 : memref<1x128xi32, #tpu.memory_space<vmem>> -> memref<128xi32, #tpu.memory_space<vmem>>
      %dma_wait3A_390 = arith.constant 0 : i32
      %dma_wait3A_391 = arith.constant 0 : i32
      %dma_wait3A_392 = tpu.memref_slice %arg2[%dma_wait3A_390, %dma_wait3A_391] : memref<10240x128xf32, #tpu.memory_space<hbm>> -> memref<10240x128xf32, #tpu.memory_space<hbm>>
      tpu.wait_indirect_dma semaphore(%arg15 : memref<!tpu.dma_semaphore, #tpu.memory_space<semaphore_mem>>) src(%dma_wait3A_392 : memref<10240x128xf32, #tpu.memory_space<hbm>>) dst(%arg12 : memref<128x128xf32, #tpu.memory_space<vmem>>)
      %dma_start3A_393 = arith.constant 12 : i32
      %dma_start3A_394 = arith.constant 0 : i32
      %dma_start3A_395 = tpu.memref_slice %arg11[%dma_start3A_393, %dma_start3A_394] : memref<16x128xi32, #tpu.memory_space<vmem>> -> memref<1x128xi32, #tpu.memory_space<vmem>>
      %dma_start3A_396 = tpu.memref_squeeze %dma_start3A_395 : memref<1x128xi32, #tpu.memory_space<vmem>> -> memref<128xi32, #tpu.memory_space<vmem>>
      %dma_start3A_397 = arith.constant 0 : i32
      %dma_start3A_398 = arith.constant 0 : i32
      %dma_start3A_399 = tpu.memref_slice %arg14[%dma_start3A_397, %dma_start3A_398] : memref<10240x128xf32, #tpu.memory_space<vmem_shared>> -> memref<10240x128xf32, #tpu.memory_space<vmem_shared>>
      tpu.enqueue_indirect_dma source(%arg12 : memref<128x128xf32, #tpu.memory_space<vmem>>) target(%dma_start3A_399 : memref<10240x128xf32, #tpu.memory_space<vmem_shared>>) offsets(%dma_start3A_396 : memref<128xi32, #tpu.memory_space<vmem>>) semaphore(%arg17 : memref<!tpu.dma_semaphore, #tpu.memory_space<semaphore_mem>>) {add = true}
      %dma_wait3A_400 = arith.constant 12 : i32
      %dma_wait3A_401 = arith.constant 0 : i32
      %dma_wait3A_402 = tpu.memref_slice %arg11[%dma_wait3A_400, %dma_wait3A_401] : memref<16x128xi32, #tpu.memory_space<vmem>> -> memref<1x128xi32, #tpu.memory_space<vmem>>
      %dma_wait3A_403 = tpu.memref_squeeze %dma_wait3A_402 : memref<1x128xi32, #tpu.memory_space<vmem>> -> memref<128xi32, #tpu.memory_space<vmem>>
      %dma_wait3A_404 = arith.constant 0 : i32
      %dma_wait3A_405 = arith.constant 0 : i32
      %dma_wait3A_406 = tpu.memref_slice %arg14[%dma_wait3A_404, %dma_wait3A_405] : memref<10240x128xf32, #tpu.memory_space<vmem_shared>> -> memref<10240x128xf32, #tpu.memory_space<vmem_shared>>
      tpu.wait_indirect_dma semaphore(%arg17 : memref<!tpu.dma_semaphore, #tpu.memory_space<semaphore_mem>>) src(%arg12 : memref<128x128xf32, #tpu.memory_space<vmem>>) dst(%dma_wait3A_406 : memref<10240x128xf32, #tpu.memory_space<vmem_shared>>)
      %dma_start3A_407 = arith.constant 14 : i32
      %dma_start3A_408 = arith.constant 0 : i32
      %dma_start3A_409 = tpu.memref_slice %arg10[%dma_start3A_407, %dma_start3A_408] : memref<16x128xi32, #tpu.memory_space<vmem>> -> memref<1x128xi32, #tpu.memory_space<vmem>>
      %dma_start3A_410 = tpu.memref_squeeze %dma_start3A_409 : memref<1x128xi32, #tpu.memory_space<vmem>> -> memref<128xi32, #tpu.memory_space<vmem>>
      %dma_start3A_411 = arith.constant 0 : i32
      %dma_start3A_412 = arith.constant 0 : i32
      %dma_start3A_413 = tpu.memref_slice %arg2[%dma_start3A_411, %dma_start3A_412] : memref<10240x128xf32, #tpu.memory_space<hbm>> -> memref<10240x128xf32, #tpu.memory_space<hbm>>
      tpu.enqueue_indirect_dma source(%dma_start3A_413 : memref<10240x128xf32, #tpu.memory_space<hbm>>) target(%arg12 : memref<128x128xf32, #tpu.memory_space<vmem>>) offsets(%dma_start3A_410 : memref<128xi32, #tpu.memory_space<vmem>>) semaphore(%arg15 : memref<!tpu.dma_semaphore, #tpu.memory_space<semaphore_mem>>)
      %dma_wait3A_414 = arith.constant 13 : i32
      %dma_wait3A_415 = arith.constant 0 : i32
      %dma_wait3A_416 = tpu.memref_slice %arg10[%dma_wait3A_414, %dma_wait3A_415] : memref<16x128xi32, #tpu.memory_space<vmem>> -> memref<1x128xi32, #tpu.memory_space<vmem>>
      %dma_wait3A_417 = tpu.memref_squeeze %dma_wait3A_416 : memref<1x128xi32, #tpu.memory_space<vmem>> -> memref<128xi32, #tpu.memory_space<vmem>>
      %dma_wait3A_418 = arith.constant 0 : i32
      %dma_wait3A_419 = arith.constant 0 : i32
      %dma_wait3A_420 = tpu.memref_slice %arg2[%dma_wait3A_418, %dma_wait3A_419] : memref<10240x128xf32, #tpu.memory_space<hbm>> -> memref<10240x128xf32, #tpu.memory_space<hbm>>
      tpu.wait_indirect_dma semaphore(%arg16 : memref<!tpu.dma_semaphore, #tpu.memory_space<semaphore_mem>>) src(%dma_wait3A_420 : memref<10240x128xf32, #tpu.memory_space<hbm>>) dst(%arg13 : memref<128x128xf32, #tpu.memory_space<vmem>>)
      %dma_start3A_421 = arith.constant 13 : i32
      %dma_start3A_422 = arith.constant 0 : i32
      %dma_start3A_423 = tpu.memref_slice %arg11[%dma_start3A_421, %dma_start3A_422] : memref<16x128xi32, #tpu.memory_space<vmem>> -> memref<1x128xi32, #tpu.memory_space<vmem>>
      %dma_start3A_424 = tpu.memref_squeeze %dma_start3A_423 : memref<1x128xi32, #tpu.memory_space<vmem>> -> memref<128xi32, #tpu.memory_space<vmem>>
      %dma_start3A_425 = arith.constant 0 : i32
      %dma_start3A_426 = arith.constant 0 : i32
      %dma_start3A_427 = tpu.memref_slice %arg14[%dma_start3A_425, %dma_start3A_426] : memref<10240x128xf32, #tpu.memory_space<vmem_shared>> -> memref<10240x128xf32, #tpu.memory_space<vmem_shared>>
      tpu.enqueue_indirect_dma source(%arg13 : memref<128x128xf32, #tpu.memory_space<vmem>>) target(%dma_start3A_427 : memref<10240x128xf32, #tpu.memory_space<vmem_shared>>) offsets(%dma_start3A_424 : memref<128xi32, #tpu.memory_space<vmem>>) semaphore(%arg18 : memref<!tpu.dma_semaphore, #tpu.memory_space<semaphore_mem>>) {add = true}
      %dma_wait3A_428 = arith.constant 13 : i32
      %dma_wait3A_429 = arith.constant 0 : i32
      %dma_wait3A_430 = tpu.memref_slice %arg11[%dma_wait3A_428, %dma_wait3A_429] : memref<16x128xi32, #tpu.memory_space<vmem>> -> memref<1x128xi32, #tpu.memory_space<vmem>>
      %dma_wait3A_431 = tpu.memref_squeeze %dma_wait3A_430 : memref<1x128xi32, #tpu.memory_space<vmem>> -> memref<128xi32, #tpu.memory_space<vmem>>
      %dma_wait3A_432 = arith.constant 0 : i32
      %dma_wait3A_433 = arith.constant 0 : i32
      %dma_wait3A_434 = tpu.memref_slice %arg14[%dma_wait3A_432, %dma_wait3A_433] : memref<10240x128xf32, #tpu.memory_space<vmem_shared>> -> memref<10240x128xf32, #tpu.memory_space<vmem_shared>>
      tpu.wait_indirect_dma semaphore(%arg18 : memref<!tpu.dma_semaphore, #tpu.memory_space<semaphore_mem>>) src(%arg13 : memref<128x128xf32, #tpu.memory_space<vmem>>) dst(%dma_wait3A_434 : memref<10240x128xf32, #tpu.memory_space<vmem_shared>>)
      %dma_start3A_435 = arith.constant 15 : i32
      %dma_start3A_436 = arith.constant 0 : i32
      %dma_start3A_437 = tpu.memref_slice %arg10[%dma_start3A_435, %dma_start3A_436] : memref<16x128xi32, #tpu.memory_space<vmem>> -> memref<1x128xi32, #tpu.memory_space<vmem>>
      %dma_start3A_438 = tpu.memref_squeeze %dma_start3A_437 : memref<1x128xi32, #tpu.memory_space<vmem>> -> memref<128xi32, #tpu.memory_space<vmem>>
      %dma_start3A_439 = arith.constant 0 : i32
      %dma_start3A_440 = arith.constant 0 : i32
      %dma_start3A_441 = tpu.memref_slice %arg2[%dma_start3A_439, %dma_start3A_440] : memref<10240x128xf32, #tpu.memory_space<hbm>> -> memref<10240x128xf32, #tpu.memory_space<hbm>>
      tpu.enqueue_indirect_dma source(%dma_start3A_441 : memref<10240x128xf32, #tpu.memory_space<hbm>>) target(%arg13 : memref<128x128xf32, #tpu.memory_space<vmem>>) offsets(%dma_start3A_438 : memref<128xi32, #tpu.memory_space<vmem>>) semaphore(%arg16 : memref<!tpu.dma_semaphore, #tpu.memory_space<semaphore_mem>>)
      %dma_wait3A_442 = arith.constant 14 : i32
      %dma_wait3A_443 = arith.constant 0 : i32
      %dma_wait3A_444 = tpu.memref_slice %arg10[%dma_wait3A_442, %dma_wait3A_443] : memref<16x128xi32, #tpu.memory_space<vmem>> -> memref<1x128xi32, #tpu.memory_space<vmem>>
      %dma_wait3A_445 = tpu.memref_squeeze %dma_wait3A_444 : memref<1x128xi32, #tpu.memory_space<vmem>> -> memref<128xi32, #tpu.memory_space<vmem>>
      %dma_wait3A_446 = arith.constant 0 : i32
      %dma_wait3A_447 = arith.constant 0 : i32
      %dma_wait3A_448 = tpu.memref_slice %arg2[%dma_wait3A_446, %dma_wait3A_447] : memref<10240x128xf32, #tpu.memory_space<hbm>> -> memref<10240x128xf32, #tpu.memory_space<hbm>>
      tpu.wait_indirect_dma semaphore(%arg15 : memref<!tpu.dma_semaphore, #tpu.memory_space<semaphore_mem>>) src(%dma_wait3A_448 : memref<10240x128xf32, #tpu.memory_space<hbm>>) dst(%arg12 : memref<128x128xf32, #tpu.memory_space<vmem>>)
      %dma_start3A_449 = arith.constant 14 : i32
      %dma_start3A_450 = arith.constant 0 : i32
      %dma_start3A_451 = tpu.memref_slice %arg11[%dma_start3A_449, %dma_start3A_450] : memref<16x128xi32, #tpu.memory_space<vmem>> -> memref<1x128xi32, #tpu.memory_space<vmem>>
      %dma_start3A_452 = tpu.memref_squeeze %dma_start3A_451 : memref<1x128xi32, #tpu.memory_space<vmem>> -> memref<128xi32, #tpu.memory_space<vmem>>
      %dma_start3A_453 = arith.constant 0 : i32
      %dma_start3A_454 = arith.constant 0 : i32
      %dma_start3A_455 = tpu.memref_slice %arg14[%dma_start3A_453, %dma_start3A_454] : memref<10240x128xf32, #tpu.memory_space<vmem_shared>> -> memref<10240x128xf32, #tpu.memory_space<vmem_shared>>
      tpu.enqueue_indirect_dma source(%arg12 : memref<128x128xf32, #tpu.memory_space<vmem>>) target(%dma_start3A_455 : memref<10240x128xf32, #tpu.memory_space<vmem_shared>>) offsets(%dma_start3A_452 : memref<128xi32, #tpu.memory_space<vmem>>) semaphore(%arg17 : memref<!tpu.dma_semaphore, #tpu.memory_space<semaphore_mem>>) {add = true}
      %dma_wait3A_456 = arith.constant 15 : i32
      %dma_wait3A_457 = arith.constant 0 : i32
      %dma_wait3A_458 = tpu.memref_slice %arg10[%dma_wait3A_456, %dma_wait3A_457] : memref<16x128xi32, #tpu.memory_space<vmem>> -> memref<1x128xi32, #tpu.memory_space<vmem>>
      %dma_wait3A_459 = tpu.memref_squeeze %dma_wait3A_458 : memref<1x128xi32, #tpu.memory_space<vmem>> -> memref<128xi32, #tpu.memory_space<vmem>>
      %dma_wait3A_460 = arith.constant 0 : i32
      %dma_wait3A_461 = arith.constant 0 : i32
      %dma_wait3A_462 = tpu.memref_slice %arg2[%dma_wait3A_460, %dma_wait3A_461] : memref<10240x128xf32, #tpu.memory_space<hbm>> -> memref<10240x128xf32, #tpu.memory_space<hbm>>
      tpu.wait_indirect_dma semaphore(%arg16 : memref<!tpu.dma_semaphore, #tpu.memory_space<semaphore_mem>>) src(%dma_wait3A_462 : memref<10240x128xf32, #tpu.memory_space<hbm>>) dst(%arg13 : memref<128x128xf32, #tpu.memory_space<vmem>>)
      %dma_start3A_463 = arith.constant 15 : i32
      %dma_start3A_464 = arith.constant 0 : i32
      %dma_start3A_465 = tpu.memref_slice %arg11[%dma_start3A_463, %dma_start3A_464] : memref<16x128xi32, #tpu.memory_space<vmem>> -> memref<1x128xi32, #tpu.memory_space<vmem>>
      %dma_start3A_466 = tpu.memref_squeeze %dma_start3A_465 : memref<1x128xi32, #tpu.memory_space<vmem>> -> memref<128xi32, #tpu.memory_space<vmem>>
      %dma_start3A_467 = arith.constant 0 : i32
      %dma_start3A_468 = arith.constant 0 : i32
      %dma_start3A_469 = tpu.memref_slice %arg14[%dma_start3A_467, %dma_start3A_468] : memref<10240x128xf32, #tpu.memory_space<vmem_shared>> -> memref<10240x128xf32, #tpu.memory_space<vmem_shared>>
      tpu.enqueue_indirect_dma source(%arg13 : memref<128x128xf32, #tpu.memory_space<vmem>>) target(%dma_start3A_469 : memref<10240x128xf32, #tpu.memory_space<vmem_shared>>) offsets(%dma_start3A_466 : memref<128xi32, #tpu.memory_space<vmem>>) semaphore(%arg18 : memref<!tpu.dma_semaphore, #tpu.memory_space<semaphore_mem>>) {add = true}
      %dma_wait3A_470 = arith.constant 14 : i32
      %dma_wait3A_471 = arith.constant 0 : i32
      %dma_wait3A_472 = tpu.memref_slice %arg11[%dma_wait3A_470, %dma_wait3A_471] : memref<16x128xi32, #tpu.memory_space<vmem>> -> memref<1x128xi32, #tpu.memory_space<vmem>>
      %dma_wait3A_473 = tpu.memref_squeeze %dma_wait3A_472 : memref<1x128xi32, #tpu.memory_space<vmem>> -> memref<128xi32, #tpu.memory_space<vmem>>
      %dma_wait3A_474 = arith.constant 0 : i32
      %dma_wait3A_475 = arith.constant 0 : i32
      %dma_wait3A_476 = tpu.memref_slice %arg14[%dma_wait3A_474, %dma_wait3A_475] : memref<10240x128xf32, #tpu.memory_space<vmem_shared>> -> memref<10240x128xf32, #tpu.memory_space<vmem_shared>>
      tpu.wait_indirect_dma semaphore(%arg17 : memref<!tpu.dma_semaphore, #tpu.memory_space<semaphore_mem>>) src(%arg12 : memref<128x128xf32, #tpu.memory_space<vmem>>) dst(%dma_wait3A_476 : memref<10240x128xf32, #tpu.memory_space<vmem_shared>>)
      %dma_wait3A_477 = arith.constant 15 : i32
      %dma_wait3A_478 = arith.constant 0 : i32
      %dma_wait3A_479 = tpu.memref_slice %arg11[%dma_wait3A_477, %dma_wait3A_478] : memref<16x128xi32, #tpu.memory_space<vmem>> -> memref<1x128xi32, #tpu.memory_space<vmem>>
      %dma_wait3A_480 = tpu.memref_squeeze %dma_wait3A_479 : memref<1x128xi32, #tpu.memory_space<vmem>> -> memref<128xi32, #tpu.memory_space<vmem>>
      %dma_wait3A_481 = arith.constant 0 : i32
      %dma_wait3A_482 = arith.constant 0 : i32
      %dma_wait3A_483 = tpu.memref_slice %arg14[%dma_wait3A_481, %dma_wait3A_482] : memref<10240x128xf32, #tpu.memory_space<vmem_shared>> -> memref<10240x128xf32, #tpu.memory_space<vmem_shared>>
      tpu.wait_indirect_dma semaphore(%arg18 : memref<!tpu.dma_semaphore, #tpu.memory_space<semaphore_mem>>) src(%arg13 : memref<128x128xf32, #tpu.memory_space<vmem>>) dst(%dma_wait3A_483 : memref<10240x128xf32, #tpu.memory_space<vmem_shared>>)
      %scan3A_484 = arith.constant 0 : i32
      scf.yield %scan3A_484 : i32
    }
    %scan3A_8 = arith.constant 5 : i32
    %barrier3A_9 = arith.constant 0 : index
    tpu.barrier barrier_id(%barrier3A_9)
    %mul3A_10 = arith.constant 640 : i32
    %mul3A_11 = arith.muli %arg1, %mul3A_10 : i32
    %mul3A_12 = arith.constant 640 : i32
    %mul3A_13 = arith.muli %arg1, %mul3A_12 : i32
    %run_scoped3A = arith.constant 0 : i32
    "tpu.region"() ({
      %run_scoped3A_32 = tpu.sem_alloc : memref<!tpu.dma_semaphore, #tpu.memory_space<semaphore_mem>>
      %dma_start3A = arith.constant 0 : i32
      %dma_start3A_33 = tpu.memref_slice %arg9[%run_scoped3A, %arg0, %mul3A_13, %dma_start3A] : memref<2x2x10240x128xf32, #tpu.memory_space<hbm>> -> memref<1x1x640x128xf32, #tpu.memory_space<hbm>>
      %dma_start3A_34 = tpu.memref_squeeze %dma_start3A_33 : memref<1x1x640x128xf32, #tpu.memory_space<hbm>> -> memref<640x128xf32, #tpu.memory_space<hbm>>
      %dma_start3A_35 = arith.constant 0 : i32
      %dma_start3A_36 = tpu.memref_slice %arg14[%mul3A_11, %dma_start3A_35] : memref<10240x128xf32, #tpu.memory_space<vmem_shared>> -> memref<640x128xf32, #tpu.memory_space<vmem_shared>>
      tpu.enqueue_dma source(%dma_start3A_36 : memref<640x128xf32, #tpu.memory_space<vmem_shared>>) target(%dma_start3A_34 : memref<640x128xf32, #tpu.memory_space<hbm>>) target_semaphore(%run_scoped3A_32 : memref<!tpu.dma_semaphore, #tpu.memory_space<semaphore_mem>>)
      %dma_wait3A = arith.constant 0 : i32
      %dma_wait3A_37 = tpu.memref_slice %arg9[%run_scoped3A, %arg0, %mul3A_13, %dma_wait3A] : memref<2x2x10240x128xf32, #tpu.memory_space<hbm>> -> memref<1x1x640x128xf32, #tpu.memory_space<hbm>>
      %dma_wait3A_38 = tpu.memref_squeeze %dma_wait3A_37 : memref<1x1x640x128xf32, #tpu.memory_space<hbm>> -> memref<640x128xf32, #tpu.memory_space<hbm>>
      %dma_wait3A_39 = arith.constant 0 : i32
      %dma_wait3A_40 = tpu.memref_slice %arg14[%mul3A_11, %dma_wait3A_39] : memref<10240x128xf32, #tpu.memory_space<vmem_shared>> -> memref<640x128xf32, #tpu.memory_space<vmem_shared>>
      tpu.wait_dma2 semaphore(%run_scoped3A_32 : memref<!tpu.dma_semaphore, #tpu.memory_space<semaphore_mem>>) src(%dma_wait3A_40 : memref<640x128xf32, #tpu.memory_space<vmem_shared>>) dst(%dma_wait3A_38 : memref<640x128xf32, #tpu.memory_space<hbm>>)
      tpu.yield
    }) : () -> ()
    %barrier3A_14 = arith.constant 0 : index
    tpu.barrier barrier_id(%barrier3A_14)
    %mul3A_15 = arith.constant 640 : i32
    %mul3A_16 = arith.muli %arg1, %mul3A_15 : i32
    "tpu.region"() ({
      %run_scoped3A_32 = tpu.sem_alloc : memref<!tpu.dma_semaphore, #tpu.memory_space<semaphore_mem>>
      %dma_start3A = arith.constant 0 : i32
      %dma_start3A_33 = tpu.memref_slice %arg14[%mul3A_16, %dma_start3A] : memref<10240x128xf32, #tpu.memory_space<vmem_shared>> -> memref<640x128xf32, #tpu.memory_space<vmem_shared>>
      tpu.enqueue_dma source(%arg8 : memref<640x128xf32, #tpu.memory_space<hbm>>) target(%dma_start3A_33 : memref<640x128xf32, #tpu.memory_space<vmem_shared>>) target_semaphore(%run_scoped3A_32 : memref<!tpu.dma_semaphore, #tpu.memory_space<semaphore_mem>>)
      %dma_wait3A = arith.constant 0 : i32
      %dma_wait3A_34 = tpu.memref_slice %arg14[%mul3A_16, %dma_wait3A] : memref<10240x128xf32, #tpu.memory_space<vmem_shared>> -> memref<640x128xf32, #tpu.memory_space<vmem_shared>>
      tpu.wait_dma2 semaphore(%run_scoped3A_32 : memref<!tpu.dma_semaphore, #tpu.memory_space<semaphore_mem>>) src(%arg8 : memref<640x128xf32, #tpu.memory_space<hbm>>) dst(%dma_wait3A_34 : memref<640x128xf32, #tpu.memory_space<vmem_shared>>)
      tpu.yield
    }) : () -> ()
    %barrier3A_17 = arith.constant 0 : index
    tpu.barrier barrier_id(%barrier3A_17)
    %scan3A_18 = arith.constant 0 : i32
    %scan3A_19 = arith.constant 0 : i32
    %scan3A_20 = arith.constant 5 : i32
    %scan3A_21 = arith.addi %scan3A_19, %scan3A_20 : i32
    %scan3A_22 = arith.constant 1 : i32
    %scan3A_23 = scf.for %scan3A_32 = %scan3A_19 to %scan3A_21 step %scan3A_22 iter_args(%scan3A_33 = %scan3A_18) -> (i32)  : i32 {
      %mul3A_34 = arith.constant 16 : i32
      %mul3A_35 = arith.muli %scan3A_32, %mul3A_34 : i32
      "tpu.region"() ({
        %run_scoped3A_485 = tpu.sem_alloc : memref<!tpu.dma_semaphore, #tpu.memory_space<semaphore_mem>>
        %dma_start3A_486 = arith.constant 0 : i32
        %dma_start3A_487 = tpu.memref_slice %arg6[%add3A, %mul3A_35, %dma_start3A_486] : memref<32x80x128xi32, #tpu.memory_space<hbm>> -> memref<1x16x128xi32, #tpu.memory_space<hbm>>
        %dma_start3A_488 = tpu.memref_squeeze %dma_start3A_487 : memref<1x16x128xi32, #tpu.memory_space<hbm>> -> memref<16x128xi32, #tpu.memory_space<hbm>>
        %dma_start3A_489 = arith.constant 0 : i32
        %dma_start3A_490 = tpu.memref_slice %arg6[%add3A, %mul3A_35, %dma_start3A_489] : memref<32x80x128xi32, #tpu.memory_space<hbm>> -> memref<1x16x128xi32, #tpu.memory_space<hbm>>
        %dma_start3A_491 = tpu.memref_squeeze %dma_start3A_490 : memref<1x16x128xi32, #tpu.memory_space<hbm>> -> memref<16x128xi32, #tpu.memory_space<hbm>>
        tpu.enqueue_dma source(%dma_start3A_491 : memref<16x128xi32, #tpu.memory_space<hbm>>) target(%arg10 : memref<16x128xi32, #tpu.memory_space<vmem>>) target_semaphore(%run_scoped3A_485 : memref<!tpu.dma_semaphore, #tpu.memory_space<semaphore_mem>>)
        %dma_wait3A_492 = arith.constant 0 : i32
        %dma_wait3A_493 = tpu.memref_slice %arg6[%add3A, %mul3A_35, %dma_wait3A_492] : memref<32x80x128xi32, #tpu.memory_space<hbm>> -> memref<1x16x128xi32, #tpu.memory_space<hbm>>
        %dma_wait3A_494 = tpu.memref_squeeze %dma_wait3A_493 : memref<1x16x128xi32, #tpu.memory_space<hbm>> -> memref<16x128xi32, #tpu.memory_space<hbm>>
        %dma_wait3A_495 = arith.constant 0 : i32
        %dma_wait3A_496 = tpu.memref_slice %arg6[%add3A, %mul3A_35, %dma_wait3A_495] : memref<32x80x128xi32, #tpu.memory_space<hbm>> -> memref<1x16x128xi32, #tpu.memory_space<hbm>>
        %dma_wait3A_497 = tpu.memref_squeeze %dma_wait3A_496 : memref<1x16x128xi32, #tpu.memory_space<hbm>> -> memref<16x128xi32, #tpu.memory_space<hbm>>
        tpu.wait_dma2 semaphore(%run_scoped3A_485 : memref<!tpu.dma_semaphore, #tpu.memory_space<semaphore_mem>>) src(%dma_wait3A_497 : memref<16x128xi32, #tpu.memory_space<hbm>>) dst(%arg10 : memref<16x128xi32, #tpu.memory_space<vmem>>)
        tpu.yield
      }) : () -> ()
      %mul3A_36 = arith.constant 16 : i32
      %mul3A_37 = arith.muli %scan3A_32, %mul3A_36 : i32
      "tpu.region"() ({
        %run_scoped3A_485 = tpu.sem_alloc : memref<!tpu.dma_semaphore, #tpu.memory_space<semaphore_mem>>
        %dma_start3A_486 = arith.constant 0 : i32
        %dma_start3A_487 = tpu.memref_slice %arg7[%add3A, %mul3A_37, %dma_start3A_486] : memref<32x80x128xi32, #tpu.memory_space<hbm>> -> memref<1x16x128xi32, #tpu.memory_space<hbm>>
        %dma_start3A_488 = tpu.memref_squeeze %dma_start3A_487 : memref<1x16x128xi32, #tpu.memory_space<hbm>> -> memref<16x128xi32, #tpu.memory_space<hbm>>
        %dma_start3A_489 = arith.constant 0 : i32
        %dma_start3A_490 = tpu.memref_slice %arg7[%add3A, %mul3A_37, %dma_start3A_489] : memref<32x80x128xi32, #tpu.memory_space<hbm>> -> memref<1x16x128xi32, #tpu.memory_space<hbm>>
        %dma_start3A_491 = tpu.memref_squeeze %dma_start3A_490 : memref<1x16x128xi32, #tpu.memory_space<hbm>> -> memref<16x128xi32, #tpu.memory_space<hbm>>
        tpu.enqueue_dma source(%dma_start3A_491 : memref<16x128xi32, #tpu.memory_space<hbm>>) target(%arg11 : memref<16x128xi32, #tpu.memory_space<vmem>>) target_semaphore(%run_scoped3A_485 : memref<!tpu.dma_semaphore, #tpu.memory_space<semaphore_mem>>)
        %dma_wait3A_492 = arith.constant 0 : i32
        %dma_wait3A_493 = tpu.memref_slice %arg7[%add3A, %mul3A_37, %dma_wait3A_492] : memref<32x80x128xi32, #tpu.memory_space<hbm>> -> memref<1x16x128xi32, #tpu.memory_space<hbm>>
        %dma_wait3A_494 = tpu.memref_squeeze %dma_wait3A_493 : memref<1x16x128xi32, #tpu.memory_space<hbm>> -> memref<16x128xi32, #tpu.memory_space<hbm>>
        %dma_wait3A_495 = arith.constant 0 : i32
        %dma_wait3A_496 = tpu.memref_slice %arg7[%add3A, %mul3A_37, %dma_wait3A_495] : memref<32x80x128xi32, #tpu.memory_space<hbm>> -> memref<1x16x128xi32, #tpu.memory_space<hbm>>
        %dma_wait3A_497 = tpu.memref_squeeze %dma_wait3A_496 : memref<1x16x128xi32, #tpu.memory_space<hbm>> -> memref<16x128xi32, #tpu.memory_space<hbm>>
        tpu.wait_dma2 semaphore(%run_scoped3A_485 : memref<!tpu.dma_semaphore, #tpu.memory_space<semaphore_mem>>) src(%dma_wait3A_497 : memref<16x128xi32, #tpu.memory_space<hbm>>) dst(%arg11 : memref<16x128xi32, #tpu.memory_space<vmem>>)
        tpu.yield
      }) : () -> ()
      %dma_start3A = arith.constant 0 : i32
      %dma_start3A_38 = arith.constant 0 : i32
      %dma_start3A_39 = tpu.memref_slice %arg10[%dma_start3A, %dma_start3A_38] : memref<16x128xi32, #tpu.memory_space<vmem>> -> memref<1x128xi32, #tpu.memory_space<vmem>>
      %dma_start3A_40 = tpu.memref_squeeze %dma_start3A_39 : memref<1x128xi32, #tpu.memory_space<vmem>> -> memref<128xi32, #tpu.memory_space<vmem>>
      %dma_start3A_41 = arith.constant 0 : i32
      %dma_start3A_42 = arith.constant 0 : i32
      %dma_start3A_43 = tpu.memref_slice %arg5[%dma_start3A_41, %dma_start3A_42] : memref<10240x128xf32, #tpu.memory_space<hbm>> -> memref<10240x128xf32, #tpu.memory_space<hbm>>
      tpu.enqueue_indirect_dma source(%dma_start3A_43 : memref<10240x128xf32, #tpu.memory_space<hbm>>) target(%arg12 : memref<128x128xf32, #tpu.memory_space<vmem>>) offsets(%dma_start3A_40 : memref<128xi32, #tpu.memory_space<vmem>>) semaphore(%arg15 : memref<!tpu.dma_semaphore, #tpu.memory_space<semaphore_mem>>)
      %dma_start3A_44 = arith.constant 1 : i32
      %dma_start3A_45 = arith.constant 0 : i32
      %dma_start3A_46 = tpu.memref_slice %arg10[%dma_start3A_44, %dma_start3A_45] : memref<16x128xi32, #tpu.memory_space<vmem>> -> memref<1x128xi32, #tpu.memory_space<vmem>>
      %dma_start3A_47 = tpu.memref_squeeze %dma_start3A_46 : memref<1x128xi32, #tpu.memory_space<vmem>> -> memref<128xi32, #tpu.memory_space<vmem>>
      %dma_start3A_48 = arith.constant 0 : i32
      %dma_start3A_49 = arith.constant 0 : i32
      %dma_start3A_50 = tpu.memref_slice %arg5[%dma_start3A_48, %dma_start3A_49] : memref<10240x128xf32, #tpu.memory_space<hbm>> -> memref<10240x128xf32, #tpu.memory_space<hbm>>
      tpu.enqueue_indirect_dma source(%dma_start3A_50 : memref<10240x128xf32, #tpu.memory_space<hbm>>) target(%arg13 : memref<128x128xf32, #tpu.memory_space<vmem>>) offsets(%dma_start3A_47 : memref<128xi32, #tpu.memory_space<vmem>>) semaphore(%arg16 : memref<!tpu.dma_semaphore, #tpu.memory_space<semaphore_mem>>)
      %dma_wait3A = arith.constant 0 : i32
      %dma_wait3A_51 = arith.constant 0 : i32
      %dma_wait3A_52 = tpu.memref_slice %arg10[%dma_wait3A, %dma_wait3A_51] : memref<16x128xi32, #tpu.memory_space<vmem>> -> memref<1x128xi32, #tpu.memory_space<vmem>>
      %dma_wait3A_53 = tpu.memref_squeeze %dma_wait3A_52 : memref<1x128xi32, #tpu.memory_space<vmem>> -> memref<128xi32, #tpu.memory_space<vmem>>
      %dma_wait3A_54 = arith.constant 0 : i32
      %dma_wait3A_55 = arith.constant 0 : i32
      %dma_wait3A_56 = tpu.memref_slice %arg5[%dma_wait3A_54, %dma_wait3A_55] : memref<10240x128xf32, #tpu.memory_space<hbm>> -> memref<10240x128xf32, #tpu.memory_space<hbm>>
      tpu.wait_indirect_dma semaphore(%arg15 : memref<!tpu.dma_semaphore, #tpu.memory_space<semaphore_mem>>) src(%dma_wait3A_56 : memref<10240x128xf32, #tpu.memory_space<hbm>>) dst(%arg12 : memref<128x128xf32, #tpu.memory_space<vmem>>)
      %dma_start3A_57 = arith.constant 0 : i32
      %dma_start3A_58 = arith.constant 0 : i32
      %dma_start3A_59 = tpu.memref_slice %arg11[%dma_start3A_57, %dma_start3A_58] : memref<16x128xi32, #tpu.memory_space<vmem>> -> memref<1x128xi32, #tpu.memory_space<vmem>>
      %dma_start3A_60 = tpu.memref_squeeze %dma_start3A_59 : memref<1x128xi32, #tpu.memory_space<vmem>> -> memref<128xi32, #tpu.memory_space<vmem>>
      %dma_start3A_61 = arith.constant 0 : i32
      %dma_start3A_62 = arith.constant 0 : i32
      %dma_start3A_63 = tpu.memref_slice %arg14[%dma_start3A_61, %dma_start3A_62] : memref<10240x128xf32, #tpu.memory_space<vmem_shared>> -> memref<10240x128xf32, #tpu.memory_space<vmem_shared>>
      tpu.enqueue_indirect_dma source(%arg12 : memref<128x128xf32, #tpu.memory_space<vmem>>) target(%dma_start3A_63 : memref<10240x128xf32, #tpu.memory_space<vmem_shared>>) offsets(%dma_start3A_60 : memref<128xi32, #tpu.memory_space<vmem>>) semaphore(%arg17 : memref<!tpu.dma_semaphore, #tpu.memory_space<semaphore_mem>>) {add = true}
      %dma_wait3A_64 = arith.constant 0 : i32
      %dma_wait3A_65 = arith.constant 0 : i32
      %dma_wait3A_66 = tpu.memref_slice %arg11[%dma_wait3A_64, %dma_wait3A_65] : memref<16x128xi32, #tpu.memory_space<vmem>> -> memref<1x128xi32, #tpu.memory_space<vmem>>
      %dma_wait3A_67 = tpu.memref_squeeze %dma_wait3A_66 : memref<1x128xi32, #tpu.memory_space<vmem>> -> memref<128xi32, #tpu.memory_space<vmem>>
      %dma_wait3A_68 = arith.constant 0 : i32
      %dma_wait3A_69 = arith.constant 0 : i32
      %dma_wait3A_70 = tpu.memref_slice %arg14[%dma_wait3A_68, %dma_wait3A_69] : memref<10240x128xf32, #tpu.memory_space<vmem_shared>> -> memref<10240x128xf32, #tpu.memory_space<vmem_shared>>
      tpu.wait_indirect_dma semaphore(%arg17 : memref<!tpu.dma_semaphore, #tpu.memory_space<semaphore_mem>>) src(%arg12 : memref<128x128xf32, #tpu.memory_space<vmem>>) dst(%dma_wait3A_70 : memref<10240x128xf32, #tpu.memory_space<vmem_shared>>)
      %dma_start3A_71 = arith.constant 2 : i32
      %dma_start3A_72 = arith.constant 0 : i32
      %dma_start3A_73 = tpu.memref_slice %arg10[%dma_start3A_71, %dma_start3A_72] : memref<16x128xi32, #tpu.memory_space<vmem>> -> memref<1x128xi32, #tpu.memory_space<vmem>>
      %dma_start3A_74 = tpu.memref_squeeze %dma_start3A_73 : memref<1x128xi32, #tpu.memory_space<vmem>> -> memref<128xi32, #tpu.memory_space<vmem>>
      %dma_start3A_75 = arith.constant 0 : i32
      %dma_start3A_76 = arith.constant 0 : i32
      %dma_start3A_77 = tpu.memref_slice %arg5[%dma_start3A_75, %dma_start3A_76] : memref<10240x128xf32, #tpu.memory_space<hbm>> -> memref<10240x128xf32, #tpu.memory_space<hbm>>
      tpu.enqueue_indirect_dma source(%dma_start3A_77 : memref<10240x128xf32, #tpu.memory_space<hbm>>) target(%arg12 : memref<128x128xf32, #tpu.memory_space<vmem>>) offsets(%dma_start3A_74 : memref<128xi32, #tpu.memory_space<vmem>>) semaphore(%arg15 : memref<!tpu.dma_semaphore, #tpu.memory_space<semaphore_mem>>)
      %dma_wait3A_78 = arith.constant 1 : i32
      %dma_wait3A_79 = arith.constant 0 : i32
      %dma_wait3A_80 = tpu.memref_slice %arg10[%dma_wait3A_78, %dma_wait3A_79] : memref<16x128xi32, #tpu.memory_space<vmem>> -> memref<1x128xi32, #tpu.memory_space<vmem>>
      %dma_wait3A_81 = tpu.memref_squeeze %dma_wait3A_80 : memref<1x128xi32, #tpu.memory_space<vmem>> -> memref<128xi32, #tpu.memory_space<vmem>>
      %dma_wait3A_82 = arith.constant 0 : i32
      %dma_wait3A_83 = arith.constant 0 : i32
      %dma_wait3A_84 = tpu.memref_slice %arg5[%dma_wait3A_82, %dma_wait3A_83] : memref<10240x128xf32, #tpu.memory_space<hbm>> -> memref<10240x128xf32, #tpu.memory_space<hbm>>
      tpu.wait_indirect_dma semaphore(%arg16 : memref<!tpu.dma_semaphore, #tpu.memory_space<semaphore_mem>>) src(%dma_wait3A_84 : memref<10240x128xf32, #tpu.memory_space<hbm>>) dst(%arg13 : memref<128x128xf32, #tpu.memory_space<vmem>>)
      %dma_start3A_85 = arith.constant 1 : i32
      %dma_start3A_86 = arith.constant 0 : i32
      %dma_start3A_87 = tpu.memref_slice %arg11[%dma_start3A_85, %dma_start3A_86] : memref<16x128xi32, #tpu.memory_space<vmem>> -> memref<1x128xi32, #tpu.memory_space<vmem>>
      %dma_start3A_88 = tpu.memref_squeeze %dma_start3A_87 : memref<1x128xi32, #tpu.memory_space<vmem>> -> memref<128xi32, #tpu.memory_space<vmem>>
      %dma_start3A_89 = arith.constant 0 : i32
      %dma_start3A_90 = arith.constant 0 : i32
      %dma_start3A_91 = tpu.memref_slice %arg14[%dma_start3A_89, %dma_start3A_90] : memref<10240x128xf32, #tpu.memory_space<vmem_shared>> -> memref<10240x128xf32, #tpu.memory_space<vmem_shared>>
      tpu.enqueue_indirect_dma source(%arg13 : memref<128x128xf32, #tpu.memory_space<vmem>>) target(%dma_start3A_91 : memref<10240x128xf32, #tpu.memory_space<vmem_shared>>) offsets(%dma_start3A_88 : memref<128xi32, #tpu.memory_space<vmem>>) semaphore(%arg18 : memref<!tpu.dma_semaphore, #tpu.memory_space<semaphore_mem>>) {add = true}
      %dma_wait3A_92 = arith.constant 1 : i32
      %dma_wait3A_93 = arith.constant 0 : i32
      %dma_wait3A_94 = tpu.memref_slice %arg11[%dma_wait3A_92, %dma_wait3A_93] : memref<16x128xi32, #tpu.memory_space<vmem>> -> memref<1x128xi32, #tpu.memory_space<vmem>>
      %dma_wait3A_95 = tpu.memref_squeeze %dma_wait3A_94 : memref<1x128xi32, #tpu.memory_space<vmem>> -> memref<128xi32, #tpu.memory_space<vmem>>
      %dma_wait3A_96 = arith.constant 0 : i32
      %dma_wait3A_97 = arith.constant 0 : i32
      %dma_wait3A_98 = tpu.memref_slice %arg14[%dma_wait3A_96, %dma_wait3A_97] : memref<10240x128xf32, #tpu.memory_space<vmem_shared>> -> memref<10240x128xf32, #tpu.memory_space<vmem_shared>>
      tpu.wait_indirect_dma semaphore(%arg18 : memref<!tpu.dma_semaphore, #tpu.memory_space<semaphore_mem>>) src(%arg13 : memref<128x128xf32, #tpu.memory_space<vmem>>) dst(%dma_wait3A_98 : memref<10240x128xf32, #tpu.memory_space<vmem_shared>>)
      %dma_start3A_99 = arith.constant 3 : i32
      %dma_start3A_100 = arith.constant 0 : i32
      %dma_start3A_101 = tpu.memref_slice %arg10[%dma_start3A_99, %dma_start3A_100] : memref<16x128xi32, #tpu.memory_space<vmem>> -> memref<1x128xi32, #tpu.memory_space<vmem>>
      %dma_start3A_102 = tpu.memref_squeeze %dma_start3A_101 : memref<1x128xi32, #tpu.memory_space<vmem>> -> memref<128xi32, #tpu.memory_space<vmem>>
      %dma_start3A_103 = arith.constant 0 : i32
      %dma_start3A_104 = arith.constant 0 : i32
      %dma_start3A_105 = tpu.memref_slice %arg5[%dma_start3A_103, %dma_start3A_104] : memref<10240x128xf32, #tpu.memory_space<hbm>> -> memref<10240x128xf32, #tpu.memory_space<hbm>>
      tpu.enqueue_indirect_dma source(%dma_start3A_105 : memref<10240x128xf32, #tpu.memory_space<hbm>>) target(%arg13 : memref<128x128xf32, #tpu.memory_space<vmem>>) offsets(%dma_start3A_102 : memref<128xi32, #tpu.memory_space<vmem>>) semaphore(%arg16 : memref<!tpu.dma_semaphore, #tpu.memory_space<semaphore_mem>>)
      %dma_wait3A_106 = arith.constant 2 : i32
      %dma_wait3A_107 = arith.constant 0 : i32
      %dma_wait3A_108 = tpu.memref_slice %arg10[%dma_wait3A_106, %dma_wait3A_107] : memref<16x128xi32, #tpu.memory_space<vmem>> -> memref<1x128xi32, #tpu.memory_space<vmem>>
      %dma_wait3A_109 = tpu.memref_squeeze %dma_wait3A_108 : memref<1x128xi32, #tpu.memory_space<vmem>> -> memref<128xi32, #tpu.memory_space<vmem>>
      %dma_wait3A_110 = arith.constant 0 : i32
      %dma_wait3A_111 = arith.constant 0 : i32
      %dma_wait3A_112 = tpu.memref_slice %arg5[%dma_wait3A_110, %dma_wait3A_111] : memref<10240x128xf32, #tpu.memory_space<hbm>> -> memref<10240x128xf32, #tpu.memory_space<hbm>>
      tpu.wait_indirect_dma semaphore(%arg15 : memref<!tpu.dma_semaphore, #tpu.memory_space<semaphore_mem>>) src(%dma_wait3A_112 : memref<10240x128xf32, #tpu.memory_space<hbm>>) dst(%arg12 : memref<128x128xf32, #tpu.memory_space<vmem>>)
      %dma_start3A_113 = arith.constant 2 : i32
      %dma_start3A_114 = arith.constant 0 : i32
      %dma_start3A_115 = tpu.memref_slice %arg11[%dma_start3A_113, %dma_start3A_114] : memref<16x128xi32, #tpu.memory_space<vmem>> -> memref<1x128xi32, #tpu.memory_space<vmem>>
      %dma_start3A_116 = tpu.memref_squeeze %dma_start3A_115 : memref<1x128xi32, #tpu.memory_space<vmem>> -> memref<128xi32, #tpu.memory_space<vmem>>
      %dma_start3A_117 = arith.constant 0 : i32
      %dma_start3A_118 = arith.constant 0 : i32
      %dma_start3A_119 = tpu.memref_slice %arg14[%dma_start3A_117, %dma_start3A_118] : memref<10240x128xf32, #tpu.memory_space<vmem_shared>> -> memref<10240x128xf32, #tpu.memory_space<vmem_shared>>
      tpu.enqueue_indirect_dma source(%arg12 : memref<128x128xf32, #tpu.memory_space<vmem>>) target(%dma_start3A_119 : memref<10240x128xf32, #tpu.memory_space<vmem_shared>>) offsets(%dma_start3A_116 : memref<128xi32, #tpu.memory_space<vmem>>) semaphore(%arg17 : memref<!tpu.dma_semaphore, #tpu.memory_space<semaphore_mem>>) {add = true}
      %dma_wait3A_120 = arith.constant 2 : i32
      %dma_wait3A_121 = arith.constant 0 : i32
      %dma_wait3A_122 = tpu.memref_slice %arg11[%dma_wait3A_120, %dma_wait3A_121] : memref<16x128xi32, #tpu.memory_space<vmem>> -> memref<1x128xi32, #tpu.memory_space<vmem>>
      %dma_wait3A_123 = tpu.memref_squeeze %dma_wait3A_122 : memref<1x128xi32, #tpu.memory_space<vmem>> -> memref<128xi32, #tpu.memory_space<vmem>>
      %dma_wait3A_124 = arith.constant 0 : i32
      %dma_wait3A_125 = arith.constant 0 : i32
      %dma_wait3A_126 = tpu.memref_slice %arg14[%dma_wait3A_124, %dma_wait3A_125] : memref<10240x128xf32, #tpu.memory_space<vmem_shared>> -> memref<10240x128xf32, #tpu.memory_space<vmem_shared>>
      tpu.wait_indirect_dma semaphore(%arg17 : memref<!tpu.dma_semaphore, #tpu.memory_space<semaphore_mem>>) src(%arg12 : memref<128x128xf32, #tpu.memory_space<vmem>>) dst(%dma_wait3A_126 : memref<10240x128xf32, #tpu.memory_space<vmem_shared>>)
      %dma_start3A_127 = arith.constant 4 : i32
      %dma_start3A_128 = arith.constant 0 : i32
      %dma_start3A_129 = tpu.memref_slice %arg10[%dma_start3A_127, %dma_start3A_128] : memref<16x128xi32, #tpu.memory_space<vmem>> -> memref<1x128xi32, #tpu.memory_space<vmem>>
      %dma_start3A_130 = tpu.memref_squeeze %dma_start3A_129 : memref<1x128xi32, #tpu.memory_space<vmem>> -> memref<128xi32, #tpu.memory_space<vmem>>
      %dma_start3A_131 = arith.constant 0 : i32
      %dma_start3A_132 = arith.constant 0 : i32
      %dma_start3A_133 = tpu.memref_slice %arg5[%dma_start3A_131, %dma_start3A_132] : memref<10240x128xf32, #tpu.memory_space<hbm>> -> memref<10240x128xf32, #tpu.memory_space<hbm>>
      tpu.enqueue_indirect_dma source(%dma_start3A_133 : memref<10240x128xf32, #tpu.memory_space<hbm>>) target(%arg12 : memref<128x128xf32, #tpu.memory_space<vmem>>) offsets(%dma_start3A_130 : memref<128xi32, #tpu.memory_space<vmem>>) semaphore(%arg15 : memref<!tpu.dma_semaphore, #tpu.memory_space<semaphore_mem>>)
      %dma_wait3A_134 = arith.constant 3 : i32
      %dma_wait3A_135 = arith.constant 0 : i32
      %dma_wait3A_136 = tpu.memref_slice %arg10[%dma_wait3A_134, %dma_wait3A_135] : memref<16x128xi32, #tpu.memory_space<vmem>> -> memref<1x128xi32, #tpu.memory_space<vmem>>
      %dma_wait3A_137 = tpu.memref_squeeze %dma_wait3A_136 : memref<1x128xi32, #tpu.memory_space<vmem>> -> memref<128xi32, #tpu.memory_space<vmem>>
      %dma_wait3A_138 = arith.constant 0 : i32
      %dma_wait3A_139 = arith.constant 0 : i32
      %dma_wait3A_140 = tpu.memref_slice %arg5[%dma_wait3A_138, %dma_wait3A_139] : memref<10240x128xf32, #tpu.memory_space<hbm>> -> memref<10240x128xf32, #tpu.memory_space<hbm>>
      tpu.wait_indirect_dma semaphore(%arg16 : memref<!tpu.dma_semaphore, #tpu.memory_space<semaphore_mem>>) src(%dma_wait3A_140 : memref<10240x128xf32, #tpu.memory_space<hbm>>) dst(%arg13 : memref<128x128xf32, #tpu.memory_space<vmem>>)
      %dma_start3A_141 = arith.constant 3 : i32
      %dma_start3A_142 = arith.constant 0 : i32
      %dma_start3A_143 = tpu.memref_slice %arg11[%dma_start3A_141, %dma_start3A_142] : memref<16x128xi32, #tpu.memory_space<vmem>> -> memref<1x128xi32, #tpu.memory_space<vmem>>
      %dma_start3A_144 = tpu.memref_squeeze %dma_start3A_143 : memref<1x128xi32, #tpu.memory_space<vmem>> -> memref<128xi32, #tpu.memory_space<vmem>>
      %dma_start3A_145 = arith.constant 0 : i32
      %dma_start3A_146 = arith.constant 0 : i32
      %dma_start3A_147 = tpu.memref_slice %arg14[%dma_start3A_145, %dma_start3A_146] : memref<10240x128xf32, #tpu.memory_space<vmem_shared>> -> memref<10240x128xf32, #tpu.memory_space<vmem_shared>>
      tpu.enqueue_indirect_dma source(%arg13 : memref<128x128xf32, #tpu.memory_space<vmem>>) target(%dma_start3A_147 : memref<10240x128xf32, #tpu.memory_space<vmem_shared>>) offsets(%dma_start3A_144 : memref<128xi32, #tpu.memory_space<vmem>>) semaphore(%arg18 : memref<!tpu.dma_semaphore, #tpu.memory_space<semaphore_mem>>) {add = true}
      %dma_wait3A_148 = arith.constant 3 : i32
      %dma_wait3A_149 = arith.constant 0 : i32
      %dma_wait3A_150 = tpu.memref_slice %arg11[%dma_wait3A_148, %dma_wait3A_149] : memref<16x128xi32, #tpu.memory_space<vmem>> -> memref<1x128xi32, #tpu.memory_space<vmem>>
      %dma_wait3A_151 = tpu.memref_squeeze %dma_wait3A_150 : memref<1x128xi32, #tpu.memory_space<vmem>> -> memref<128xi32, #tpu.memory_space<vmem>>
      %dma_wait3A_152 = arith.constant 0 : i32
      %dma_wait3A_153 = arith.constant 0 : i32
      %dma_wait3A_154 = tpu.memref_slice %arg14[%dma_wait3A_152, %dma_wait3A_153] : memref<10240x128xf32, #tpu.memory_space<vmem_shared>> -> memref<10240x128xf32, #tpu.memory_space<vmem_shared>>
      tpu.wait_indirect_dma semaphore(%arg18 : memref<!tpu.dma_semaphore, #tpu.memory_space<semaphore_mem>>) src(%arg13 : memref<128x128xf32, #tpu.memory_space<vmem>>) dst(%dma_wait3A_154 : memref<10240x128xf32, #tpu.memory_space<vmem_shared>>)
      %dma_start3A_155 = arith.constant 5 : i32
      %dma_start3A_156 = arith.constant 0 : i32
      %dma_start3A_157 = tpu.memref_slice %arg10[%dma_start3A_155, %dma_start3A_156] : memref<16x128xi32, #tpu.memory_space<vmem>> -> memref<1x128xi32, #tpu.memory_space<vmem>>
      %dma_start3A_158 = tpu.memref_squeeze %dma_start3A_157 : memref<1x128xi32, #tpu.memory_space<vmem>> -> memref<128xi32, #tpu.memory_space<vmem>>
      %dma_start3A_159 = arith.constant 0 : i32
      %dma_start3A_160 = arith.constant 0 : i32
      %dma_start3A_161 = tpu.memref_slice %arg5[%dma_start3A_159, %dma_start3A_160] : memref<10240x128xf32, #tpu.memory_space<hbm>> -> memref<10240x128xf32, #tpu.memory_space<hbm>>
      tpu.enqueue_indirect_dma source(%dma_start3A_161 : memref<10240x128xf32, #tpu.memory_space<hbm>>) target(%arg13 : memref<128x128xf32, #tpu.memory_space<vmem>>) offsets(%dma_start3A_158 : memref<128xi32, #tpu.memory_space<vmem>>) semaphore(%arg16 : memref<!tpu.dma_semaphore, #tpu.memory_space<semaphore_mem>>)
      %dma_wait3A_162 = arith.constant 4 : i32
      %dma_wait3A_163 = arith.constant 0 : i32
      %dma_wait3A_164 = tpu.memref_slice %arg10[%dma_wait3A_162, %dma_wait3A_163] : memref<16x128xi32, #tpu.memory_space<vmem>> -> memref<1x128xi32, #tpu.memory_space<vmem>>
      %dma_wait3A_165 = tpu.memref_squeeze %dma_wait3A_164 : memref<1x128xi32, #tpu.memory_space<vmem>> -> memref<128xi32, #tpu.memory_space<vmem>>
      %dma_wait3A_166 = arith.constant 0 : i32
      %dma_wait3A_167 = arith.constant 0 : i32
      %dma_wait3A_168 = tpu.memref_slice %arg5[%dma_wait3A_166, %dma_wait3A_167] : memref<10240x128xf32, #tpu.memory_space<hbm>> -> memref<10240x128xf32, #tpu.memory_space<hbm>>
      tpu.wait_indirect_dma semaphore(%arg15 : memref<!tpu.dma_semaphore, #tpu.memory_space<semaphore_mem>>) src(%dma_wait3A_168 : memref<10240x128xf32, #tpu.memory_space<hbm>>) dst(%arg12 : memref<128x128xf32, #tpu.memory_space<vmem>>)
      %dma_start3A_169 = arith.constant 4 : i32
      %dma_start3A_170 = arith.constant 0 : i32
      %dma_start3A_171 = tpu.memref_slice %arg11[%dma_start3A_169, %dma_start3A_170] : memref<16x128xi32, #tpu.memory_space<vmem>> -> memref<1x128xi32, #tpu.memory_space<vmem>>
      %dma_start3A_172 = tpu.memref_squeeze %dma_start3A_171 : memref<1x128xi32, #tpu.memory_space<vmem>> -> memref<128xi32, #tpu.memory_space<vmem>>
      %dma_start3A_173 = arith.constant 0 : i32
      %dma_start3A_174 = arith.constant 0 : i32
      %dma_start3A_175 = tpu.memref_slice %arg14[%dma_start3A_173, %dma_start3A_174] : memref<10240x128xf32, #tpu.memory_space<vmem_shared>> -> memref<10240x128xf32, #tpu.memory_space<vmem_shared>>
      tpu.enqueue_indirect_dma source(%arg12 : memref<128x128xf32, #tpu.memory_space<vmem>>) target(%dma_start3A_175 : memref<10240x128xf32, #tpu.memory_space<vmem_shared>>) offsets(%dma_start3A_172 : memref<128xi32, #tpu.memory_space<vmem>>) semaphore(%arg17 : memref<!tpu.dma_semaphore, #tpu.memory_space<semaphore_mem>>) {add = true}
      %dma_wait3A_176 = arith.constant 4 : i32
      %dma_wait3A_177 = arith.constant 0 : i32
      %dma_wait3A_178 = tpu.memref_slice %arg11[%dma_wait3A_176, %dma_wait3A_177] : memref<16x128xi32, #tpu.memory_space<vmem>> -> memref<1x128xi32, #tpu.memory_space<vmem>>
      %dma_wait3A_179 = tpu.memref_squeeze %dma_wait3A_178 : memref<1x128xi32, #tpu.memory_space<vmem>> -> memref<128xi32, #tpu.memory_space<vmem>>
      %dma_wait3A_180 = arith.constant 0 : i32
      %dma_wait3A_181 = arith.constant 0 : i32
      %dma_wait3A_182 = tpu.memref_slice %arg14[%dma_wait3A_180, %dma_wait3A_181] : memref<10240x128xf32, #tpu.memory_space<vmem_shared>> -> memref<10240x128xf32, #tpu.memory_space<vmem_shared>>
      tpu.wait_indirect_dma semaphore(%arg17 : memref<!tpu.dma_semaphore, #tpu.memory_space<semaphore_mem>>) src(%arg12 : memref<128x128xf32, #tpu.memory_space<vmem>>) dst(%dma_wait3A_182 : memref<10240x128xf32, #tpu.memory_space<vmem_shared>>)
      %dma_start3A_183 = arith.constant 6 : i32
      %dma_start3A_184 = arith.constant 0 : i32
      %dma_start3A_185 = tpu.memref_slice %arg10[%dma_start3A_183, %dma_start3A_184] : memref<16x128xi32, #tpu.memory_space<vmem>> -> memref<1x128xi32, #tpu.memory_space<vmem>>
      %dma_start3A_186 = tpu.memref_squeeze %dma_start3A_185 : memref<1x128xi32, #tpu.memory_space<vmem>> -> memref<128xi32, #tpu.memory_space<vmem>>
      %dma_start3A_187 = arith.constant 0 : i32
      %dma_start3A_188 = arith.constant 0 : i32
      %dma_start3A_189 = tpu.memref_slice %arg5[%dma_start3A_187, %dma_start3A_188] : memref<10240x128xf32, #tpu.memory_space<hbm>> -> memref<10240x128xf32, #tpu.memory_space<hbm>>
      tpu.enqueue_indirect_dma source(%dma_start3A_189 : memref<10240x128xf32, #tpu.memory_space<hbm>>) target(%arg12 : memref<128x128xf32, #tpu.memory_space<vmem>>) offsets(%dma_start3A_186 : memref<128xi32, #tpu.memory_space<vmem>>) semaphore(%arg15 : memref<!tpu.dma_semaphore, #tpu.memory_space<semaphore_mem>>)
      %dma_wait3A_190 = arith.constant 5 : i32
      %dma_wait3A_191 = arith.constant 0 : i32
      %dma_wait3A_192 = tpu.memref_slice %arg10[%dma_wait3A_190, %dma_wait3A_191] : memref<16x128xi32, #tpu.memory_space<vmem>> -> memref<1x128xi32, #tpu.memory_space<vmem>>
      %dma_wait3A_193 = tpu.memref_squeeze %dma_wait3A_192 : memref<1x128xi32, #tpu.memory_space<vmem>> -> memref<128xi32, #tpu.memory_space<vmem>>
      %dma_wait3A_194 = arith.constant 0 : i32
      %dma_wait3A_195 = arith.constant 0 : i32
      %dma_wait3A_196 = tpu.memref_slice %arg5[%dma_wait3A_194, %dma_wait3A_195] : memref<10240x128xf32, #tpu.memory_space<hbm>> -> memref<10240x128xf32, #tpu.memory_space<hbm>>
      tpu.wait_indirect_dma semaphore(%arg16 : memref<!tpu.dma_semaphore, #tpu.memory_space<semaphore_mem>>) src(%dma_wait3A_196 : memref<10240x128xf32, #tpu.memory_space<hbm>>) dst(%arg13 : memref<128x128xf32, #tpu.memory_space<vmem>>)
      %dma_start3A_197 = arith.constant 5 : i32
      %dma_start3A_198 = arith.constant 0 : i32
      %dma_start3A_199 = tpu.memref_slice %arg11[%dma_start3A_197, %dma_start3A_198] : memref<16x128xi32, #tpu.memory_space<vmem>> -> memref<1x128xi32, #tpu.memory_space<vmem>>
      %dma_start3A_200 = tpu.memref_squeeze %dma_start3A_199 : memref<1x128xi32, #tpu.memory_space<vmem>> -> memref<128xi32, #tpu.memory_space<vmem>>
      %dma_start3A_201 = arith.constant 0 : i32
      %dma_start3A_202 = arith.constant 0 : i32
      %dma_start3A_203 = tpu.memref_slice %arg14[%dma_start3A_201, %dma_start3A_202] : memref<10240x128xf32, #tpu.memory_space<vmem_shared>> -> memref<10240x128xf32, #tpu.memory_space<vmem_shared>>
      tpu.enqueue_indirect_dma source(%arg13 : memref<128x128xf32, #tpu.memory_space<vmem>>) target(%dma_start3A_203 : memref<10240x128xf32, #tpu.memory_space<vmem_shared>>) offsets(%dma_start3A_200 : memref<128xi32, #tpu.memory_space<vmem>>) semaphore(%arg18 : memref<!tpu.dma_semaphore, #tpu.memory_space<semaphore_mem>>) {add = true}
      %dma_wait3A_204 = arith.constant 5 : i32
      %dma_wait3A_205 = arith.constant 0 : i32
      %dma_wait3A_206 = tpu.memref_slice %arg11[%dma_wait3A_204, %dma_wait3A_205] : memref<16x128xi32, #tpu.memory_space<vmem>> -> memref<1x128xi32, #tpu.memory_space<vmem>>
      %dma_wait3A_207 = tpu.memref_squeeze %dma_wait3A_206 : memref<1x128xi32, #tpu.memory_space<vmem>> -> memref<128xi32, #tpu.memory_space<vmem>>
      %dma_wait3A_208 = arith.constant 0 : i32
      %dma_wait3A_209 = arith.constant 0 : i32
      %dma_wait3A_210 = tpu.memref_slice %arg14[%dma_wait3A_208, %dma_wait3A_209] : memref<10240x128xf32, #tpu.memory_space<vmem_shared>> -> memref<10240x128xf32, #tpu.memory_space<vmem_shared>>
      tpu.wait_indirect_dma semaphore(%arg18 : memref<!tpu.dma_semaphore, #tpu.memory_space<semaphore_mem>>) src(%arg13 : memref<128x128xf32, #tpu.memory_space<vmem>>) dst(%dma_wait3A_210 : memref<10240x128xf32, #tpu.memory_space<vmem_shared>>)
      %dma_start3A_211 = arith.constant 7 : i32
      %dma_start3A_212 = arith.constant 0 : i32
      %dma_start3A_213 = tpu.memref_slice %arg10[%dma_start3A_211, %dma_start3A_212] : memref<16x128xi32, #tpu.memory_space<vmem>> -> memref<1x128xi32, #tpu.memory_space<vmem>>
      %dma_start3A_214 = tpu.memref_squeeze %dma_start3A_213 : memref<1x128xi32, #tpu.memory_space<vmem>> -> memref<128xi32, #tpu.memory_space<vmem>>
      %dma_start3A_215 = arith.constant 0 : i32
      %dma_start3A_216 = arith.constant 0 : i32
      %dma_start3A_217 = tpu.memref_slice %arg5[%dma_start3A_215, %dma_start3A_216] : memref<10240x128xf32, #tpu.memory_space<hbm>> -> memref<10240x128xf32, #tpu.memory_space<hbm>>
      tpu.enqueue_indirect_dma source(%dma_start3A_217 : memref<10240x128xf32, #tpu.memory_space<hbm>>) target(%arg13 : memref<128x128xf32, #tpu.memory_space<vmem>>) offsets(%dma_start3A_214 : memref<128xi32, #tpu.memory_space<vmem>>) semaphore(%arg16 : memref<!tpu.dma_semaphore, #tpu.memory_space<semaphore_mem>>)
      %dma_wait3A_218 = arith.constant 6 : i32
      %dma_wait3A_219 = arith.constant 0 : i32
      %dma_wait3A_220 = tpu.memref_slice %arg10[%dma_wait3A_218, %dma_wait3A_219] : memref<16x128xi32, #tpu.memory_space<vmem>> -> memref<1x128xi32, #tpu.memory_space<vmem>>
      %dma_wait3A_221 = tpu.memref_squeeze %dma_wait3A_220 : memref<1x128xi32, #tpu.memory_space<vmem>> -> memref<128xi32, #tpu.memory_space<vmem>>
      %dma_wait3A_222 = arith.constant 0 : i32
      %dma_wait3A_223 = arith.constant 0 : i32
      %dma_wait3A_224 = tpu.memref_slice %arg5[%dma_wait3A_222, %dma_wait3A_223] : memref<10240x128xf32, #tpu.memory_space<hbm>> -> memref<10240x128xf32, #tpu.memory_space<hbm>>
      tpu.wait_indirect_dma semaphore(%arg15 : memref<!tpu.dma_semaphore, #tpu.memory_space<semaphore_mem>>) src(%dma_wait3A_224 : memref<10240x128xf32, #tpu.memory_space<hbm>>) dst(%arg12 : memref<128x128xf32, #tpu.memory_space<vmem>>)
      %dma_start3A_225 = arith.constant 6 : i32
      %dma_start3A_226 = arith.constant 0 : i32
      %dma_start3A_227 = tpu.memref_slice %arg11[%dma_start3A_225, %dma_start3A_226] : memref<16x128xi32, #tpu.memory_space<vmem>> -> memref<1x128xi32, #tpu.memory_space<vmem>>
      %dma_start3A_228 = tpu.memref_squeeze %dma_start3A_227 : memref<1x128xi32, #tpu.memory_space<vmem>> -> memref<128xi32, #tpu.memory_space<vmem>>
      %dma_start3A_229 = arith.constant 0 : i32
      %dma_start3A_230 = arith.constant 0 : i32
      %dma_start3A_231 = tpu.memref_slice %arg14[%dma_start3A_229, %dma_start3A_230] : memref<10240x128xf32, #tpu.memory_space<vmem_shared>> -> memref<10240x128xf32, #tpu.memory_space<vmem_shared>>
      tpu.enqueue_indirect_dma source(%arg12 : memref<128x128xf32, #tpu.memory_space<vmem>>) target(%dma_start3A_231 : memref<10240x128xf32, #tpu.memory_space<vmem_shared>>) offsets(%dma_start3A_228 : memref<128xi32, #tpu.memory_space<vmem>>) semaphore(%arg17 : memref<!tpu.dma_semaphore, #tpu.memory_space<semaphore_mem>>) {add = true}
      %dma_wait3A_232 = arith.constant 6 : i32
      %dma_wait3A_233 = arith.constant 0 : i32
      %dma_wait3A_234 = tpu.memref_slice %arg11[%dma_wait3A_232, %dma_wait3A_233] : memref<16x128xi32, #tpu.memory_space<vmem>> -> memref<1x128xi32, #tpu.memory_space<vmem>>
      %dma_wait3A_235 = tpu.memref_squeeze %dma_wait3A_234 : memref<1x128xi32, #tpu.memory_space<vmem>> -> memref<128xi32, #tpu.memory_space<vmem>>
      %dma_wait3A_236 = arith.constant 0 : i32
      %dma_wait3A_237 = arith.constant 0 : i32
      %dma_wait3A_238 = tpu.memref_slice %arg14[%dma_wait3A_236, %dma_wait3A_237] : memref<10240x128xf32, #tpu.memory_space<vmem_shared>> -> memref<10240x128xf32, #tpu.memory_space<vmem_shared>>
      tpu.wait_indirect_dma semaphore(%arg17 : memref<!tpu.dma_semaphore, #tpu.memory_space<semaphore_mem>>) src(%arg12 : memref<128x128xf32, #tpu.memory_space<vmem>>) dst(%dma_wait3A_238 : memref<10240x128xf32, #tpu.memory_space<vmem_shared>>)
      %dma_start3A_239 = arith.constant 8 : i32
      %dma_start3A_240 = arith.constant 0 : i32
      %dma_start3A_241 = tpu.memref_slice %arg10[%dma_start3A_239, %dma_start3A_240] : memref<16x128xi32, #tpu.memory_space<vmem>> -> memref<1x128xi32, #tpu.memory_space<vmem>>
      %dma_start3A_242 = tpu.memref_squeeze %dma_start3A_241 : memref<1x128xi32, #tpu.memory_space<vmem>> -> memref<128xi32, #tpu.memory_space<vmem>>
      %dma_start3A_243 = arith.constant 0 : i32
      %dma_start3A_244 = arith.constant 0 : i32
      %dma_start3A_245 = tpu.memref_slice %arg5[%dma_start3A_243, %dma_start3A_244] : memref<10240x128xf32, #tpu.memory_space<hbm>> -> memref<10240x128xf32, #tpu.memory_space<hbm>>
      tpu.enqueue_indirect_dma source(%dma_start3A_245 : memref<10240x128xf32, #tpu.memory_space<hbm>>) target(%arg12 : memref<128x128xf32, #tpu.memory_space<vmem>>) offsets(%dma_start3A_242 : memref<128xi32, #tpu.memory_space<vmem>>) semaphore(%arg15 : memref<!tpu.dma_semaphore, #tpu.memory_space<semaphore_mem>>)
      %dma_wait3A_246 = arith.constant 7 : i32
      %dma_wait3A_247 = arith.constant 0 : i32
      %dma_wait3A_248 = tpu.memref_slice %arg10[%dma_wait3A_246, %dma_wait3A_247] : memref<16x128xi32, #tpu.memory_space<vmem>> -> memref<1x128xi32, #tpu.memory_space<vmem>>
      %dma_wait3A_249 = tpu.memref_squeeze %dma_wait3A_248 : memref<1x128xi32, #tpu.memory_space<vmem>> -> memref<128xi32, #tpu.memory_space<vmem>>
      %dma_wait3A_250 = arith.constant 0 : i32
      %dma_wait3A_251 = arith.constant 0 : i32
      %dma_wait3A_252 = tpu.memref_slice %arg5[%dma_wait3A_250, %dma_wait3A_251] : memref<10240x128xf32, #tpu.memory_space<hbm>> -> memref<10240x128xf32, #tpu.memory_space<hbm>>
      tpu.wait_indirect_dma semaphore(%arg16 : memref<!tpu.dma_semaphore, #tpu.memory_space<semaphore_mem>>) src(%dma_wait3A_252 : memref<10240x128xf32, #tpu.memory_space<hbm>>) dst(%arg13 : memref<128x128xf32, #tpu.memory_space<vmem>>)
      %dma_start3A_253 = arith.constant 7 : i32
      %dma_start3A_254 = arith.constant 0 : i32
      %dma_start3A_255 = tpu.memref_slice %arg11[%dma_start3A_253, %dma_start3A_254] : memref<16x128xi32, #tpu.memory_space<vmem>> -> memref<1x128xi32, #tpu.memory_space<vmem>>
      %dma_start3A_256 = tpu.memref_squeeze %dma_start3A_255 : memref<1x128xi32, #tpu.memory_space<vmem>> -> memref<128xi32, #tpu.memory_space<vmem>>
      %dma_start3A_257 = arith.constant 0 : i32
      %dma_start3A_258 = arith.constant 0 : i32
      %dma_start3A_259 = tpu.memref_slice %arg14[%dma_start3A_257, %dma_start3A_258] : memref<10240x128xf32, #tpu.memory_space<vmem_shared>> -> memref<10240x128xf32, #tpu.memory_space<vmem_shared>>
      tpu.enqueue_indirect_dma source(%arg13 : memref<128x128xf32, #tpu.memory_space<vmem>>) target(%dma_start3A_259 : memref<10240x128xf32, #tpu.memory_space<vmem_shared>>) offsets(%dma_start3A_256 : memref<128xi32, #tpu.memory_space<vmem>>) semaphore(%arg18 : memref<!tpu.dma_semaphore, #tpu.memory_space<semaphore_mem>>) {add = true}
      %dma_wait3A_260 = arith.constant 7 : i32
      %dma_wait3A_261 = arith.constant 0 : i32
      %dma_wait3A_262 = tpu.memref_slice %arg11[%dma_wait3A_260, %dma_wait3A_261] : memref<16x128xi32, #tpu.memory_space<vmem>> -> memref<1x128xi32, #tpu.memory_space<vmem>>
      %dma_wait3A_263 = tpu.memref_squeeze %dma_wait3A_262 : memref<1x128xi32, #tpu.memory_space<vmem>> -> memref<128xi32, #tpu.memory_space<vmem>>
      %dma_wait3A_264 = arith.constant 0 : i32
      %dma_wait3A_265 = arith.constant 0 : i32
      %dma_wait3A_266 = tpu.memref_slice %arg14[%dma_wait3A_264, %dma_wait3A_265] : memref<10240x128xf32, #tpu.memory_space<vmem_shared>> -> memref<10240x128xf32, #tpu.memory_space<vmem_shared>>
      tpu.wait_indirect_dma semaphore(%arg18 : memref<!tpu.dma_semaphore, #tpu.memory_space<semaphore_mem>>) src(%arg13 : memref<128x128xf32, #tpu.memory_space<vmem>>) dst(%dma_wait3A_266 : memref<10240x128xf32, #tpu.memory_space<vmem_shared>>)
      %dma_start3A_267 = arith.constant 9 : i32
      %dma_start3A_268 = arith.constant 0 : i32
      %dma_start3A_269 = tpu.memref_slice %arg10[%dma_start3A_267, %dma_start3A_268] : memref<16x128xi32, #tpu.memory_space<vmem>> -> memref<1x128xi32, #tpu.memory_space<vmem>>
      %dma_start3A_270 = tpu.memref_squeeze %dma_start3A_269 : memref<1x128xi32, #tpu.memory_space<vmem>> -> memref<128xi32, #tpu.memory_space<vmem>>
      %dma_start3A_271 = arith.constant 0 : i32
      %dma_start3A_272 = arith.constant 0 : i32
      %dma_start3A_273 = tpu.memref_slice %arg5[%dma_start3A_271, %dma_start3A_272] : memref<10240x128xf32, #tpu.memory_space<hbm>> -> memref<10240x128xf32, #tpu.memory_space<hbm>>
      tpu.enqueue_indirect_dma source(%dma_start3A_273 : memref<10240x128xf32, #tpu.memory_space<hbm>>) target(%arg13 : memref<128x128xf32, #tpu.memory_space<vmem>>) offsets(%dma_start3A_270 : memref<128xi32, #tpu.memory_space<vmem>>) semaphore(%arg16 : memref<!tpu.dma_semaphore, #tpu.memory_space<semaphore_mem>>)
      %dma_wait3A_274 = arith.constant 8 : i32
      %dma_wait3A_275 = arith.constant 0 : i32
      %dma_wait3A_276 = tpu.memref_slice %arg10[%dma_wait3A_274, %dma_wait3A_275] : memref<16x128xi32, #tpu.memory_space<vmem>> -> memref<1x128xi32, #tpu.memory_space<vmem>>
      %dma_wait3A_277 = tpu.memref_squeeze %dma_wait3A_276 : memref<1x128xi32, #tpu.memory_space<vmem>> -> memref<128xi32, #tpu.memory_space<vmem>>
      %dma_wait3A_278 = arith.constant 0 : i32
      %dma_wait3A_279 = arith.constant 0 : i32
      %dma_wait3A_280 = tpu.memref_slice %arg5[%dma_wait3A_278, %dma_wait3A_279] : memref<10240x128xf32, #tpu.memory_space<hbm>> -> memref<10240x128xf32, #tpu.memory_space<hbm>>
      tpu.wait_indirect_dma semaphore(%arg15 : memref<!tpu.dma_semaphore, #tpu.memory_space<semaphore_mem>>) src(%dma_wait3A_280 : memref<10240x128xf32, #tpu.memory_space<hbm>>) dst(%arg12 : memref<128x128xf32, #tpu.memory_space<vmem>>)
      %dma_start3A_281 = arith.constant 8 : i32
      %dma_start3A_282 = arith.constant 0 : i32
      %dma_start3A_283 = tpu.memref_slice %arg11[%dma_start3A_281, %dma_start3A_282] : memref<16x128xi32, #tpu.memory_space<vmem>> -> memref<1x128xi32, #tpu.memory_space<vmem>>
      %dma_start3A_284 = tpu.memref_squeeze %dma_start3A_283 : memref<1x128xi32, #tpu.memory_space<vmem>> -> memref<128xi32, #tpu.memory_space<vmem>>
      %dma_start3A_285 = arith.constant 0 : i32
      %dma_start3A_286 = arith.constant 0 : i32
      %dma_start3A_287 = tpu.memref_slice %arg14[%dma_start3A_285, %dma_start3A_286] : memref<10240x128xf32, #tpu.memory_space<vmem_shared>> -> memref<10240x128xf32, #tpu.memory_space<vmem_shared>>
      tpu.enqueue_indirect_dma source(%arg12 : memref<128x128xf32, #tpu.memory_space<vmem>>) target(%dma_start3A_287 : memref<10240x128xf32, #tpu.memory_space<vmem_shared>>) offsets(%dma_start3A_284 : memref<128xi32, #tpu.memory_space<vmem>>) semaphore(%arg17 : memref<!tpu.dma_semaphore, #tpu.memory_space<semaphore_mem>>) {add = true}
      %dma_wait3A_288 = arith.constant 8 : i32
      %dma_wait3A_289 = arith.constant 0 : i32
      %dma_wait3A_290 = tpu.memref_slice %arg11[%dma_wait3A_288, %dma_wait3A_289] : memref<16x128xi32, #tpu.memory_space<vmem>> -> memref<1x128xi32, #tpu.memory_space<vmem>>
      %dma_wait3A_291 = tpu.memref_squeeze %dma_wait3A_290 : memref<1x128xi32, #tpu.memory_space<vmem>> -> memref<128xi32, #tpu.memory_space<vmem>>
      %dma_wait3A_292 = arith.constant 0 : i32
      %dma_wait3A_293 = arith.constant 0 : i32
      %dma_wait3A_294 = tpu.memref_slice %arg14[%dma_wait3A_292, %dma_wait3A_293] : memref<10240x128xf32, #tpu.memory_space<vmem_shared>> -> memref<10240x128xf32, #tpu.memory_space<vmem_shared>>
      tpu.wait_indirect_dma semaphore(%arg17 : memref<!tpu.dma_semaphore, #tpu.memory_space<semaphore_mem>>) src(%arg12 : memref<128x128xf32, #tpu.memory_space<vmem>>) dst(%dma_wait3A_294 : memref<10240x128xf32, #tpu.memory_space<vmem_shared>>)
      %dma_start3A_295 = arith.constant 10 : i32
      %dma_start3A_296 = arith.constant 0 : i32
      %dma_start3A_297 = tpu.memref_slice %arg10[%dma_start3A_295, %dma_start3A_296] : memref<16x128xi32, #tpu.memory_space<vmem>> -> memref<1x128xi32, #tpu.memory_space<vmem>>
      %dma_start3A_298 = tpu.memref_squeeze %dma_start3A_297 : memref<1x128xi32, #tpu.memory_space<vmem>> -> memref<128xi32, #tpu.memory_space<vmem>>
      %dma_start3A_299 = arith.constant 0 : i32
      %dma_start3A_300 = arith.constant 0 : i32
      %dma_start3A_301 = tpu.memref_slice %arg5[%dma_start3A_299, %dma_start3A_300] : memref<10240x128xf32, #tpu.memory_space<hbm>> -> memref<10240x128xf32, #tpu.memory_space<hbm>>
      tpu.enqueue_indirect_dma source(%dma_start3A_301 : memref<10240x128xf32, #tpu.memory_space<hbm>>) target(%arg12 : memref<128x128xf32, #tpu.memory_space<vmem>>) offsets(%dma_start3A_298 : memref<128xi32, #tpu.memory_space<vmem>>) semaphore(%arg15 : memref<!tpu.dma_semaphore, #tpu.memory_space<semaphore_mem>>)
      %dma_wait3A_302 = arith.constant 9 : i32
      %dma_wait3A_303 = arith.constant 0 : i32
      %dma_wait3A_304 = tpu.memref_slice %arg10[%dma_wait3A_302, %dma_wait3A_303] : memref<16x128xi32, #tpu.memory_space<vmem>> -> memref<1x128xi32, #tpu.memory_space<vmem>>
      %dma_wait3A_305 = tpu.memref_squeeze %dma_wait3A_304 : memref<1x128xi32, #tpu.memory_space<vmem>> -> memref<128xi32, #tpu.memory_space<vmem>>
      %dma_wait3A_306 = arith.constant 0 : i32
      %dma_wait3A_307 = arith.constant 0 : i32
      %dma_wait3A_308 = tpu.memref_slice %arg5[%dma_wait3A_306, %dma_wait3A_307] : memref<10240x128xf32, #tpu.memory_space<hbm>> -> memref<10240x128xf32, #tpu.memory_space<hbm>>
      tpu.wait_indirect_dma semaphore(%arg16 : memref<!tpu.dma_semaphore, #tpu.memory_space<semaphore_mem>>) src(%dma_wait3A_308 : memref<10240x128xf32, #tpu.memory_space<hbm>>) dst(%arg13 : memref<128x128xf32, #tpu.memory_space<vmem>>)
      %dma_start3A_309 = arith.constant 9 : i32
      %dma_start3A_310 = arith.constant 0 : i32
      %dma_start3A_311 = tpu.memref_slice %arg11[%dma_start3A_309, %dma_start3A_310] : memref<16x128xi32, #tpu.memory_space<vmem>> -> memref<1x128xi32, #tpu.memory_space<vmem>>
      %dma_start3A_312 = tpu.memref_squeeze %dma_start3A_311 : memref<1x128xi32, #tpu.memory_space<vmem>> -> memref<128xi32, #tpu.memory_space<vmem>>
      %dma_start3A_313 = arith.constant 0 : i32
      %dma_start3A_314 = arith.constant 0 : i32
      %dma_start3A_315 = tpu.memref_slice %arg14[%dma_start3A_313, %dma_start3A_314] : memref<10240x128xf32, #tpu.memory_space<vmem_shared>> -> memref<10240x128xf32, #tpu.memory_space<vmem_shared>>
      tpu.enqueue_indirect_dma source(%arg13 : memref<128x128xf32, #tpu.memory_space<vmem>>) target(%dma_start3A_315 : memref<10240x128xf32, #tpu.memory_space<vmem_shared>>) offsets(%dma_start3A_312 : memref<128xi32, #tpu.memory_space<vmem>>) semaphore(%arg18 : memref<!tpu.dma_semaphore, #tpu.memory_space<semaphore_mem>>) {add = true}
      %dma_wait3A_316 = arith.constant 9 : i32
      %dma_wait3A_317 = arith.constant 0 : i32
      %dma_wait3A_318 = tpu.memref_slice %arg11[%dma_wait3A_316, %dma_wait3A_317] : memref<16x128xi32, #tpu.memory_space<vmem>> -> memref<1x128xi32, #tpu.memory_space<vmem>>
      %dma_wait3A_319 = tpu.memref_squeeze %dma_wait3A_318 : memref<1x128xi32, #tpu.memory_space<vmem>> -> memref<128xi32, #tpu.memory_space<vmem>>
      %dma_wait3A_320 = arith.constant 0 : i32
      %dma_wait3A_321 = arith.constant 0 : i32
      %dma_wait3A_322 = tpu.memref_slice %arg14[%dma_wait3A_320, %dma_wait3A_321] : memref<10240x128xf32, #tpu.memory_space<vmem_shared>> -> memref<10240x128xf32, #tpu.memory_space<vmem_shared>>
      tpu.wait_indirect_dma semaphore(%arg18 : memref<!tpu.dma_semaphore, #tpu.memory_space<semaphore_mem>>) src(%arg13 : memref<128x128xf32, #tpu.memory_space<vmem>>) dst(%dma_wait3A_322 : memref<10240x128xf32, #tpu.memory_space<vmem_shared>>)
      %dma_start3A_323 = arith.constant 11 : i32
      %dma_start3A_324 = arith.constant 0 : i32
      %dma_start3A_325 = tpu.memref_slice %arg10[%dma_start3A_323, %dma_start3A_324] : memref<16x128xi32, #tpu.memory_space<vmem>> -> memref<1x128xi32, #tpu.memory_space<vmem>>
      %dma_start3A_326 = tpu.memref_squeeze %dma_start3A_325 : memref<1x128xi32, #tpu.memory_space<vmem>> -> memref<128xi32, #tpu.memory_space<vmem>>
      %dma_start3A_327 = arith.constant 0 : i32
      %dma_start3A_328 = arith.constant 0 : i32
      %dma_start3A_329 = tpu.memref_slice %arg5[%dma_start3A_327, %dma_start3A_328] : memref<10240x128xf32, #tpu.memory_space<hbm>> -> memref<10240x128xf32, #tpu.memory_space<hbm>>
      tpu.enqueue_indirect_dma source(%dma_start3A_329 : memref<10240x128xf32, #tpu.memory_space<hbm>>) target(%arg13 : memref<128x128xf32, #tpu.memory_space<vmem>>) offsets(%dma_start3A_326 : memref<128xi32, #tpu.memory_space<vmem>>) semaphore(%arg16 : memref<!tpu.dma_semaphore, #tpu.memory_space<semaphore_mem>>)
      %dma_wait3A_330 = arith.constant 10 : i32
      %dma_wait3A_331 = arith.constant 0 : i32
      %dma_wait3A_332 = tpu.memref_slice %arg10[%dma_wait3A_330, %dma_wait3A_331] : memref<16x128xi32, #tpu.memory_space<vmem>> -> memref<1x128xi32, #tpu.memory_space<vmem>>
      %dma_wait3A_333 = tpu.memref_squeeze %dma_wait3A_332 : memref<1x128xi32, #tpu.memory_space<vmem>> -> memref<128xi32, #tpu.memory_space<vmem>>
      %dma_wait3A_334 = arith.constant 0 : i32
      %dma_wait3A_335 = arith.constant 0 : i32
      %dma_wait3A_336 = tpu.memref_slice %arg5[%dma_wait3A_334, %dma_wait3A_335] : memref<10240x128xf32, #tpu.memory_space<hbm>> -> memref<10240x128xf32, #tpu.memory_space<hbm>>
      tpu.wait_indirect_dma semaphore(%arg15 : memref<!tpu.dma_semaphore, #tpu.memory_space<semaphore_mem>>) src(%dma_wait3A_336 : memref<10240x128xf32, #tpu.memory_space<hbm>>) dst(%arg12 : memref<128x128xf32, #tpu.memory_space<vmem>>)
      %dma_start3A_337 = arith.constant 10 : i32
      %dma_start3A_338 = arith.constant 0 : i32
      %dma_start3A_339 = tpu.memref_slice %arg11[%dma_start3A_337, %dma_start3A_338] : memref<16x128xi32, #tpu.memory_space<vmem>> -> memref<1x128xi32, #tpu.memory_space<vmem>>
      %dma_start3A_340 = tpu.memref_squeeze %dma_start3A_339 : memref<1x128xi32, #tpu.memory_space<vmem>> -> memref<128xi32, #tpu.memory_space<vmem>>
      %dma_start3A_341 = arith.constant 0 : i32
      %dma_start3A_342 = arith.constant 0 : i32
      %dma_start3A_343 = tpu.memref_slice %arg14[%dma_start3A_341, %dma_start3A_342] : memref<10240x128xf32, #tpu.memory_space<vmem_shared>> -> memref<10240x128xf32, #tpu.memory_space<vmem_shared>>
      tpu.enqueue_indirect_dma source(%arg12 : memref<128x128xf32, #tpu.memory_space<vmem>>) target(%dma_start3A_343 : memref<10240x128xf32, #tpu.memory_space<vmem_shared>>) offsets(%dma_start3A_340 : memref<128xi32, #tpu.memory_space<vmem>>) semaphore(%arg17 : memref<!tpu.dma_semaphore, #tpu.memory_space<semaphore_mem>>) {add = true}
      %dma_wait3A_344 = arith.constant 10 : i32
      %dma_wait3A_345 = arith.constant 0 : i32
      %dma_wait3A_346 = tpu.memref_slice %arg11[%dma_wait3A_344, %dma_wait3A_345] : memref<16x128xi32, #tpu.memory_space<vmem>> -> memref<1x128xi32, #tpu.memory_space<vmem>>
      %dma_wait3A_347 = tpu.memref_squeeze %dma_wait3A_346 : memref<1x128xi32, #tpu.memory_space<vmem>> -> memref<128xi32, #tpu.memory_space<vmem>>
      %dma_wait3A_348 = arith.constant 0 : i32
      %dma_wait3A_349 = arith.constant 0 : i32
      %dma_wait3A_350 = tpu.memref_slice %arg14[%dma_wait3A_348, %dma_wait3A_349] : memref<10240x128xf32, #tpu.memory_space<vmem_shared>> -> memref<10240x128xf32, #tpu.memory_space<vmem_shared>>
      tpu.wait_indirect_dma semaphore(%arg17 : memref<!tpu.dma_semaphore, #tpu.memory_space<semaphore_mem>>) src(%arg12 : memref<128x128xf32, #tpu.memory_space<vmem>>) dst(%dma_wait3A_350 : memref<10240x128xf32, #tpu.memory_space<vmem_shared>>)
      %dma_start3A_351 = arith.constant 12 : i32
      %dma_start3A_352 = arith.constant 0 : i32
      %dma_start3A_353 = tpu.memref_slice %arg10[%dma_start3A_351, %dma_start3A_352] : memref<16x128xi32, #tpu.memory_space<vmem>> -> memref<1x128xi32, #tpu.memory_space<vmem>>
      %dma_start3A_354 = tpu.memref_squeeze %dma_start3A_353 : memref<1x128xi32, #tpu.memory_space<vmem>> -> memref<128xi32, #tpu.memory_space<vmem>>
      %dma_start3A_355 = arith.constant 0 : i32
      %dma_start3A_356 = arith.constant 0 : i32
      %dma_start3A_357 = tpu.memref_slice %arg5[%dma_start3A_355, %dma_start3A_356] : memref<10240x128xf32, #tpu.memory_space<hbm>> -> memref<10240x128xf32, #tpu.memory_space<hbm>>
      tpu.enqueue_indirect_dma source(%dma_start3A_357 : memref<10240x128xf32, #tpu.memory_space<hbm>>) target(%arg12 : memref<128x128xf32, #tpu.memory_space<vmem>>) offsets(%dma_start3A_354 : memref<128xi32, #tpu.memory_space<vmem>>) semaphore(%arg15 : memref<!tpu.dma_semaphore, #tpu.memory_space<semaphore_mem>>)
      %dma_wait3A_358 = arith.constant 11 : i32
      %dma_wait3A_359 = arith.constant 0 : i32
      %dma_wait3A_360 = tpu.memref_slice %arg10[%dma_wait3A_358, %dma_wait3A_359] : memref<16x128xi32, #tpu.memory_space<vmem>> -> memref<1x128xi32, #tpu.memory_space<vmem>>
      %dma_wait3A_361 = tpu.memref_squeeze %dma_wait3A_360 : memref<1x128xi32, #tpu.memory_space<vmem>> -> memref<128xi32, #tpu.memory_space<vmem>>
      %dma_wait3A_362 = arith.constant 0 : i32
      %dma_wait3A_363 = arith.constant 0 : i32
      %dma_wait3A_364 = tpu.memref_slice %arg5[%dma_wait3A_362, %dma_wait3A_363] : memref<10240x128xf32, #tpu.memory_space<hbm>> -> memref<10240x128xf32, #tpu.memory_space<hbm>>
      tpu.wait_indirect_dma semaphore(%arg16 : memref<!tpu.dma_semaphore, #tpu.memory_space<semaphore_mem>>) src(%dma_wait3A_364 : memref<10240x128xf32, #tpu.memory_space<hbm>>) dst(%arg13 : memref<128x128xf32, #tpu.memory_space<vmem>>)
      %dma_start3A_365 = arith.constant 11 : i32
      %dma_start3A_366 = arith.constant 0 : i32
      %dma_start3A_367 = tpu.memref_slice %arg11[%dma_start3A_365, %dma_start3A_366] : memref<16x128xi32, #tpu.memory_space<vmem>> -> memref<1x128xi32, #tpu.memory_space<vmem>>
      %dma_start3A_368 = tpu.memref_squeeze %dma_start3A_367 : memref<1x128xi32, #tpu.memory_space<vmem>> -> memref<128xi32, #tpu.memory_space<vmem>>
      %dma_start3A_369 = arith.constant 0 : i32
      %dma_start3A_370 = arith.constant 0 : i32
      %dma_start3A_371 = tpu.memref_slice %arg14[%dma_start3A_369, %dma_start3A_370] : memref<10240x128xf32, #tpu.memory_space<vmem_shared>> -> memref<10240x128xf32, #tpu.memory_space<vmem_shared>>
      tpu.enqueue_indirect_dma source(%arg13 : memref<128x128xf32, #tpu.memory_space<vmem>>) target(%dma_start3A_371 : memref<10240x128xf32, #tpu.memory_space<vmem_shared>>) offsets(%dma_start3A_368 : memref<128xi32, #tpu.memory_space<vmem>>) semaphore(%arg18 : memref<!tpu.dma_semaphore, #tpu.memory_space<semaphore_mem>>) {add = true}
      %dma_wait3A_372 = arith.constant 11 : i32
      %dma_wait3A_373 = arith.constant 0 : i32
      %dma_wait3A_374 = tpu.memref_slice %arg11[%dma_wait3A_372, %dma_wait3A_373] : memref<16x128xi32, #tpu.memory_space<vmem>> -> memref<1x128xi32, #tpu.memory_space<vmem>>
      %dma_wait3A_375 = tpu.memref_squeeze %dma_wait3A_374 : memref<1x128xi32, #tpu.memory_space<vmem>> -> memref<128xi32, #tpu.memory_space<vmem>>
      %dma_wait3A_376 = arith.constant 0 : i32
      %dma_wait3A_377 = arith.constant 0 : i32
      %dma_wait3A_378 = tpu.memref_slice %arg14[%dma_wait3A_376, %dma_wait3A_377] : memref<10240x128xf32, #tpu.memory_space<vmem_shared>> -> memref<10240x128xf32, #tpu.memory_space<vmem_shared>>
      tpu.wait_indirect_dma semaphore(%arg18 : memref<!tpu.dma_semaphore, #tpu.memory_space<semaphore_mem>>) src(%arg13 : memref<128x128xf32, #tpu.memory_space<vmem>>) dst(%dma_wait3A_378 : memref<10240x128xf32, #tpu.memory_space<vmem_shared>>)
      %dma_start3A_379 = arith.constant 13 : i32
      %dma_start3A_380 = arith.constant 0 : i32
      %dma_start3A_381 = tpu.memref_slice %arg10[%dma_start3A_379, %dma_start3A_380] : memref<16x128xi32, #tpu.memory_space<vmem>> -> memref<1x128xi32, #tpu.memory_space<vmem>>
      %dma_start3A_382 = tpu.memref_squeeze %dma_start3A_381 : memref<1x128xi32, #tpu.memory_space<vmem>> -> memref<128xi32, #tpu.memory_space<vmem>>
      %dma_start3A_383 = arith.constant 0 : i32
      %dma_start3A_384 = arith.constant 0 : i32
      %dma_start3A_385 = tpu.memref_slice %arg5[%dma_start3A_383, %dma_start3A_384] : memref<10240x128xf32, #tpu.memory_space<hbm>> -> memref<10240x128xf32, #tpu.memory_space<hbm>>
      tpu.enqueue_indirect_dma source(%dma_start3A_385 : memref<10240x128xf32, #tpu.memory_space<hbm>>) target(%arg13 : memref<128x128xf32, #tpu.memory_space<vmem>>) offsets(%dma_start3A_382 : memref<128xi32, #tpu.memory_space<vmem>>) semaphore(%arg16 : memref<!tpu.dma_semaphore, #tpu.memory_space<semaphore_mem>>)
      %dma_wait3A_386 = arith.constant 12 : i32
      %dma_wait3A_387 = arith.constant 0 : i32
      %dma_wait3A_388 = tpu.memref_slice %arg10[%dma_wait3A_386, %dma_wait3A_387] : memref<16x128xi32, #tpu.memory_space<vmem>> -> memref<1x128xi32, #tpu.memory_space<vmem>>
      %dma_wait3A_389 = tpu.memref_squeeze %dma_wait3A_388 : memref<1x128xi32, #tpu.memory_space<vmem>> -> memref<128xi32, #tpu.memory_space<vmem>>
      %dma_wait3A_390 = arith.constant 0 : i32
      %dma_wait3A_391 = arith.constant 0 : i32
      %dma_wait3A_392 = tpu.memref_slice %arg5[%dma_wait3A_390, %dma_wait3A_391] : memref<10240x128xf32, #tpu.memory_space<hbm>> -> memref<10240x128xf32, #tpu.memory_space<hbm>>
      tpu.wait_indirect_dma semaphore(%arg15 : memref<!tpu.dma_semaphore, #tpu.memory_space<semaphore_mem>>) src(%dma_wait3A_392 : memref<10240x128xf32, #tpu.memory_space<hbm>>) dst(%arg12 : memref<128x128xf32, #tpu.memory_space<vmem>>)
      %dma_start3A_393 = arith.constant 12 : i32
      %dma_start3A_394 = arith.constant 0 : i32
      %dma_start3A_395 = tpu.memref_slice %arg11[%dma_start3A_393, %dma_start3A_394] : memref<16x128xi32, #tpu.memory_space<vmem>> -> memref<1x128xi32, #tpu.memory_space<vmem>>
      %dma_start3A_396 = tpu.memref_squeeze %dma_start3A_395 : memref<1x128xi32, #tpu.memory_space<vmem>> -> memref<128xi32, #tpu.memory_space<vmem>>
      %dma_start3A_397 = arith.constant 0 : i32
      %dma_start3A_398 = arith.constant 0 : i32
      %dma_start3A_399 = tpu.memref_slice %arg14[%dma_start3A_397, %dma_start3A_398] : memref<10240x128xf32, #tpu.memory_space<vmem_shared>> -> memref<10240x128xf32, #tpu.memory_space<vmem_shared>>
      tpu.enqueue_indirect_dma source(%arg12 : memref<128x128xf32, #tpu.memory_space<vmem>>) target(%dma_start3A_399 : memref<10240x128xf32, #tpu.memory_space<vmem_shared>>) offsets(%dma_start3A_396 : memref<128xi32, #tpu.memory_space<vmem>>) semaphore(%arg17 : memref<!tpu.dma_semaphore, #tpu.memory_space<semaphore_mem>>) {add = true}
      %dma_wait3A_400 = arith.constant 12 : i32
      %dma_wait3A_401 = arith.constant 0 : i32
      %dma_wait3A_402 = tpu.memref_slice %arg11[%dma_wait3A_400, %dma_wait3A_401] : memref<16x128xi32, #tpu.memory_space<vmem>> -> memref<1x128xi32, #tpu.memory_space<vmem>>
      %dma_wait3A_403 = tpu.memref_squeeze %dma_wait3A_402 : memref<1x128xi32, #tpu.memory_space<vmem>> -> memref<128xi32, #tpu.memory_space<vmem>>
      %dma_wait3A_404 = arith.constant 0 : i32
      %dma_wait3A_405 = arith.constant 0 : i32
      %dma_wait3A_406 = tpu.memref_slice %arg14[%dma_wait3A_404, %dma_wait3A_405] : memref<10240x128xf32, #tpu.memory_space<vmem_shared>> -> memref<10240x128xf32, #tpu.memory_space<vmem_shared>>
      tpu.wait_indirect_dma semaphore(%arg17 : memref<!tpu.dma_semaphore, #tpu.memory_space<semaphore_mem>>) src(%arg12 : memref<128x128xf32, #tpu.memory_space<vmem>>) dst(%dma_wait3A_406 : memref<10240x128xf32, #tpu.memory_space<vmem_shared>>)
      %dma_start3A_407 = arith.constant 14 : i32
      %dma_start3A_408 = arith.constant 0 : i32
      %dma_start3A_409 = tpu.memref_slice %arg10[%dma_start3A_407, %dma_start3A_408] : memref<16x128xi32, #tpu.memory_space<vmem>> -> memref<1x128xi32, #tpu.memory_space<vmem>>
      %dma_start3A_410 = tpu.memref_squeeze %dma_start3A_409 : memref<1x128xi32, #tpu.memory_space<vmem>> -> memref<128xi32, #tpu.memory_space<vmem>>
      %dma_start3A_411 = arith.constant 0 : i32
      %dma_start3A_412 = arith.constant 0 : i32
      %dma_start3A_413 = tpu.memref_slice %arg5[%dma_start3A_411, %dma_start3A_412] : memref<10240x128xf32, #tpu.memory_space<hbm>> -> memref<10240x128xf32, #tpu.memory_space<hbm>>
      tpu.enqueue_indirect_dma source(%dma_start3A_413 : memref<10240x128xf32, #tpu.memory_space<hbm>>) target(%arg12 : memref<128x128xf32, #tpu.memory_space<vmem>>) offsets(%dma_start3A_410 : memref<128xi32, #tpu.memory_space<vmem>>) semaphore(%arg15 : memref<!tpu.dma_semaphore, #tpu.memory_space<semaphore_mem>>)
      %dma_wait3A_414 = arith.constant 13 : i32
      %dma_wait3A_415 = arith.constant 0 : i32
      %dma_wait3A_416 = tpu.memref_slice %arg10[%dma_wait3A_414, %dma_wait3A_415] : memref<16x128xi32, #tpu.memory_space<vmem>> -> memref<1x128xi32, #tpu.memory_space<vmem>>
      %dma_wait3A_417 = tpu.memref_squeeze %dma_wait3A_416 : memref<1x128xi32, #tpu.memory_space<vmem>> -> memref<128xi32, #tpu.memory_space<vmem>>
      %dma_wait3A_418 = arith.constant 0 : i32
      %dma_wait3A_419 = arith.constant 0 : i32
      %dma_wait3A_420 = tpu.memref_slice %arg5[%dma_wait3A_418, %dma_wait3A_419] : memref<10240x128xf32, #tpu.memory_space<hbm>> -> memref<10240x128xf32, #tpu.memory_space<hbm>>
      tpu.wait_indirect_dma semaphore(%arg16 : memref<!tpu.dma_semaphore, #tpu.memory_space<semaphore_mem>>) src(%dma_wait3A_420 : memref<10240x128xf32, #tpu.memory_space<hbm>>) dst(%arg13 : memref<128x128xf32, #tpu.memory_space<vmem>>)
      %dma_start3A_421 = arith.constant 13 : i32
      %dma_start3A_422 = arith.constant 0 : i32
      %dma_start3A_423 = tpu.memref_slice %arg11[%dma_start3A_421, %dma_start3A_422] : memref<16x128xi32, #tpu.memory_space<vmem>> -> memref<1x128xi32, #tpu.memory_space<vmem>>
      %dma_start3A_424 = tpu.memref_squeeze %dma_start3A_423 : memref<1x128xi32, #tpu.memory_space<vmem>> -> memref<128xi32, #tpu.memory_space<vmem>>
      %dma_start3A_425 = arith.constant 0 : i32
      %dma_start3A_426 = arith.constant 0 : i32
      %dma_start3A_427 = tpu.memref_slice %arg14[%dma_start3A_425, %dma_start3A_426] : memref<10240x128xf32, #tpu.memory_space<vmem_shared>> -> memref<10240x128xf32, #tpu.memory_space<vmem_shared>>
      tpu.enqueue_indirect_dma source(%arg13 : memref<128x128xf32, #tpu.memory_space<vmem>>) target(%dma_start3A_427 : memref<10240x128xf32, #tpu.memory_space<vmem_shared>>) offsets(%dma_start3A_424 : memref<128xi32, #tpu.memory_space<vmem>>) semaphore(%arg18 : memref<!tpu.dma_semaphore, #tpu.memory_space<semaphore_mem>>) {add = true}
      %dma_wait3A_428 = arith.constant 13 : i32
      %dma_wait3A_429 = arith.constant 0 : i32
      %dma_wait3A_430 = tpu.memref_slice %arg11[%dma_wait3A_428, %dma_wait3A_429] : memref<16x128xi32, #tpu.memory_space<vmem>> -> memref<1x128xi32, #tpu.memory_space<vmem>>
      %dma_wait3A_431 = tpu.memref_squeeze %dma_wait3A_430 : memref<1x128xi32, #tpu.memory_space<vmem>> -> memref<128xi32, #tpu.memory_space<vmem>>
      %dma_wait3A_432 = arith.constant 0 : i32
      %dma_wait3A_433 = arith.constant 0 : i32
      %dma_wait3A_434 = tpu.memref_slice %arg14[%dma_wait3A_432, %dma_wait3A_433] : memref<10240x128xf32, #tpu.memory_space<vmem_shared>> -> memref<10240x128xf32, #tpu.memory_space<vmem_shared>>
      tpu.wait_indirect_dma semaphore(%arg18 : memref<!tpu.dma_semaphore, #tpu.memory_space<semaphore_mem>>) src(%arg13 : memref<128x128xf32, #tpu.memory_space<vmem>>) dst(%dma_wait3A_434 : memref<10240x128xf32, #tpu.memory_space<vmem_shared>>)
      %dma_start3A_435 = arith.constant 15 : i32
      %dma_start3A_436 = arith.constant 0 : i32
      %dma_start3A_437 = tpu.memref_slice %arg10[%dma_start3A_435, %dma_start3A_436] : memref<16x128xi32, #tpu.memory_space<vmem>> -> memref<1x128xi32, #tpu.memory_space<vmem>>
      %dma_start3A_438 = tpu.memref_squeeze %dma_start3A_437 : memref<1x128xi32, #tpu.memory_space<vmem>> -> memref<128xi32, #tpu.memory_space<vmem>>
      %dma_start3A_439 = arith.constant 0 : i32
      %dma_start3A_440 = arith.constant 0 : i32
      %dma_start3A_441 = tpu.memref_slice %arg5[%dma_start3A_439, %dma_start3A_440] : memref<10240x128xf32, #tpu.memory_space<hbm>> -> memref<10240x128xf32, #tpu.memory_space<hbm>>
      tpu.enqueue_indirect_dma source(%dma_start3A_441 : memref<10240x128xf32, #tpu.memory_space<hbm>>) target(%arg13 : memref<128x128xf32, #tpu.memory_space<vmem>>) offsets(%dma_start3A_438 : memref<128xi32, #tpu.memory_space<vmem>>) semaphore(%arg16 : memref<!tpu.dma_semaphore, #tpu.memory_space<semaphore_mem>>)
      %dma_wait3A_442 = arith.constant 14 : i32
      %dma_wait3A_443 = arith.constant 0 : i32
      %dma_wait3A_444 = tpu.memref_slice %arg10[%dma_wait3A_442, %dma_wait3A_443] : memref<16x128xi32, #tpu.memory_space<vmem>> -> memref<1x128xi32, #tpu.memory_space<vmem>>
      %dma_wait3A_445 = tpu.memref_squeeze %dma_wait3A_444 : memref<1x128xi32, #tpu.memory_space<vmem>> -> memref<128xi32, #tpu.memory_space<vmem>>
      %dma_wait3A_446 = arith.constant 0 : i32
      %dma_wait3A_447 = arith.constant 0 : i32
      %dma_wait3A_448 = tpu.memref_slice %arg5[%dma_wait3A_446, %dma_wait3A_447] : memref<10240x128xf32, #tpu.memory_space<hbm>> -> memref<10240x128xf32, #tpu.memory_space<hbm>>
      tpu.wait_indirect_dma semaphore(%arg15 : memref<!tpu.dma_semaphore, #tpu.memory_space<semaphore_mem>>) src(%dma_wait3A_448 : memref<10240x128xf32, #tpu.memory_space<hbm>>) dst(%arg12 : memref<128x128xf32, #tpu.memory_space<vmem>>)
      %dma_start3A_449 = arith.constant 14 : i32
      %dma_start3A_450 = arith.constant 0 : i32
      %dma_start3A_451 = tpu.memref_slice %arg11[%dma_start3A_449, %dma_start3A_450] : memref<16x128xi32, #tpu.memory_space<vmem>> -> memref<1x128xi32, #tpu.memory_space<vmem>>
      %dma_start3A_452 = tpu.memref_squeeze %dma_start3A_451 : memref<1x128xi32, #tpu.memory_space<vmem>> -> memref<128xi32, #tpu.memory_space<vmem>>
      %dma_start3A_453 = arith.constant 0 : i32
      %dma_start3A_454 = arith.constant 0 : i32
      %dma_start3A_455 = tpu.memref_slice %arg14[%dma_start3A_453, %dma_start3A_454] : memref<10240x128xf32, #tpu.memory_space<vmem_shared>> -> memref<10240x128xf32, #tpu.memory_space<vmem_shared>>
      tpu.enqueue_indirect_dma source(%arg12 : memref<128x128xf32, #tpu.memory_space<vmem>>) target(%dma_start3A_455 : memref<10240x128xf32, #tpu.memory_space<vmem_shared>>) offsets(%dma_start3A_452 : memref<128xi32, #tpu.memory_space<vmem>>) semaphore(%arg17 : memref<!tpu.dma_semaphore, #tpu.memory_space<semaphore_mem>>) {add = true}
      %dma_wait3A_456 = arith.constant 15 : i32
      %dma_wait3A_457 = arith.constant 0 : i32
      %dma_wait3A_458 = tpu.memref_slice %arg10[%dma_wait3A_456, %dma_wait3A_457] : memref<16x128xi32, #tpu.memory_space<vmem>> -> memref<1x128xi32, #tpu.memory_space<vmem>>
      %dma_wait3A_459 = tpu.memref_squeeze %dma_wait3A_458 : memref<1x128xi32, #tpu.memory_space<vmem>> -> memref<128xi32, #tpu.memory_space<vmem>>
      %dma_wait3A_460 = arith.constant 0 : i32
      %dma_wait3A_461 = arith.constant 0 : i32
      %dma_wait3A_462 = tpu.memref_slice %arg5[%dma_wait3A_460, %dma_wait3A_461] : memref<10240x128xf32, #tpu.memory_space<hbm>> -> memref<10240x128xf32, #tpu.memory_space<hbm>>
      tpu.wait_indirect_dma semaphore(%arg16 : memref<!tpu.dma_semaphore, #tpu.memory_space<semaphore_mem>>) src(%dma_wait3A_462 : memref<10240x128xf32, #tpu.memory_space<hbm>>) dst(%arg13 : memref<128x128xf32, #tpu.memory_space<vmem>>)
      %dma_start3A_463 = arith.constant 15 : i32
      %dma_start3A_464 = arith.constant 0 : i32
      %dma_start3A_465 = tpu.memref_slice %arg11[%dma_start3A_463, %dma_start3A_464] : memref<16x128xi32, #tpu.memory_space<vmem>> -> memref<1x128xi32, #tpu.memory_space<vmem>>
      %dma_start3A_466 = tpu.memref_squeeze %dma_start3A_465 : memref<1x128xi32, #tpu.memory_space<vmem>> -> memref<128xi32, #tpu.memory_space<vmem>>
      %dma_start3A_467 = arith.constant 0 : i32
      %dma_start3A_468 = arith.constant 0 : i32
      %dma_start3A_469 = tpu.memref_slice %arg14[%dma_start3A_467, %dma_start3A_468] : memref<10240x128xf32, #tpu.memory_space<vmem_shared>> -> memref<10240x128xf32, #tpu.memory_space<vmem_shared>>
      tpu.enqueue_indirect_dma source(%arg13 : memref<128x128xf32, #tpu.memory_space<vmem>>) target(%dma_start3A_469 : memref<10240x128xf32, #tpu.memory_space<vmem_shared>>) offsets(%dma_start3A_466 : memref<128xi32, #tpu.memory_space<vmem>>) semaphore(%arg18 : memref<!tpu.dma_semaphore, #tpu.memory_space<semaphore_mem>>) {add = true}
      %dma_wait3A_470 = arith.constant 14 : i32
      %dma_wait3A_471 = arith.constant 0 : i32
      %dma_wait3A_472 = tpu.memref_slice %arg11[%dma_wait3A_470, %dma_wait3A_471] : memref<16x128xi32, #tpu.memory_space<vmem>> -> memref<1x128xi32, #tpu.memory_space<vmem>>
      %dma_wait3A_473 = tpu.memref_squeeze %dma_wait3A_472 : memref<1x128xi32, #tpu.memory_space<vmem>> -> memref<128xi32, #tpu.memory_space<vmem>>
      %dma_wait3A_474 = arith.constant 0 : i32
      %dma_wait3A_475 = arith.constant 0 : i32
      %dma_wait3A_476 = tpu.memref_slice %arg14[%dma_wait3A_474, %dma_wait3A_475] : memref<10240x128xf32, #tpu.memory_space<vmem_shared>> -> memref<10240x128xf32, #tpu.memory_space<vmem_shared>>
      tpu.wait_indirect_dma semaphore(%arg17 : memref<!tpu.dma_semaphore, #tpu.memory_space<semaphore_mem>>) src(%arg12 : memref<128x128xf32, #tpu.memory_space<vmem>>) dst(%dma_wait3A_476 : memref<10240x128xf32, #tpu.memory_space<vmem_shared>>)
      %dma_wait3A_477 = arith.constant 15 : i32
      %dma_wait3A_478 = arith.constant 0 : i32
      %dma_wait3A_479 = tpu.memref_slice %arg11[%dma_wait3A_477, %dma_wait3A_478] : memref<16x128xi32, #tpu.memory_space<vmem>> -> memref<1x128xi32, #tpu.memory_space<vmem>>
      %dma_wait3A_480 = tpu.memref_squeeze %dma_wait3A_479 : memref<1x128xi32, #tpu.memory_space<vmem>> -> memref<128xi32, #tpu.memory_space<vmem>>
      %dma_wait3A_481 = arith.constant 0 : i32
      %dma_wait3A_482 = arith.constant 0 : i32
      %dma_wait3A_483 = tpu.memref_slice %arg14[%dma_wait3A_481, %dma_wait3A_482] : memref<10240x128xf32, #tpu.memory_space<vmem_shared>> -> memref<10240x128xf32, #tpu.memory_space<vmem_shared>>
      tpu.wait_indirect_dma semaphore(%arg18 : memref<!tpu.dma_semaphore, #tpu.memory_space<semaphore_mem>>) src(%arg13 : memref<128x128xf32, #tpu.memory_space<vmem>>) dst(%dma_wait3A_483 : memref<10240x128xf32, #tpu.memory_space<vmem_shared>>)
      %scan3A_484 = arith.constant 0 : i32
      scf.yield %scan3A_484 : i32
    }
    %scan3A_24 = arith.constant 5 : i32
    %barrier3A_25 = arith.constant 0 : index
    tpu.barrier barrier_id(%barrier3A_25)
    %mul3A_26 = arith.constant 640 : i32
    %mul3A_27 = arith.muli %arg1, %mul3A_26 : i32
    %mul3A_28 = arith.constant 640 : i32
    %mul3A_29 = arith.muli %arg1, %mul3A_28 : i32
    %run_scoped3A_30 = arith.constant 1 : i32
    "tpu.region"() ({
      %run_scoped3A_32 = tpu.sem_alloc : memref<!tpu.dma_semaphore, #tpu.memory_space<semaphore_mem>>
      %dma_start3A = arith.constant 0 : i32
      %dma_start3A_33 = tpu.memref_slice %arg9[%run_scoped3A_30, %arg0, %mul3A_29, %dma_start3A] : memref<2x2x10240x128xf32, #tpu.memory_space<hbm>> -> memref<1x1x640x128xf32, #tpu.memory_space<hbm>>
      %dma_start3A_34 = tpu.memref_squeeze %dma_start3A_33 : memref<1x1x640x128xf32, #tpu.memory_space<hbm>> -> memref<640x128xf32, #tpu.memory_space<hbm>>
      %dma_start3A_35 = arith.constant 0 : i32
      %dma_start3A_36 = tpu.memref_slice %arg14[%mul3A_27, %dma_start3A_35] : memref<10240x128xf32, #tpu.memory_space<vmem_shared>> -> memref<640x128xf32, #tpu.memory_space<vmem_shared>>
      tpu.enqueue_dma source(%dma_start3A_36 : memref<640x128xf32, #tpu.memory_space<vmem_shared>>) target(%dma_start3A_34 : memref<640x128xf32, #tpu.memory_space<hbm>>) target_semaphore(%run_scoped3A_32 : memref<!tpu.dma_semaphore, #tpu.memory_space<semaphore_mem>>)
      %dma_wait3A = arith.constant 0 : i32
      %dma_wait3A_37 = tpu.memref_slice %arg9[%run_scoped3A_30, %arg0, %mul3A_29, %dma_wait3A] : memref<2x2x10240x128xf32, #tpu.memory_space<hbm>> -> memref<1x1x640x128xf32, #tpu.memory_space<hbm>>
      %dma_wait3A_38 = tpu.memref_squeeze %dma_wait3A_37 : memref<1x1x640x128xf32, #tpu.memory_space<hbm>> -> memref<640x128xf32, #tpu.memory_space<hbm>>
      %dma_wait3A_39 = arith.constant 0 : i32
      %dma_wait3A_40 = tpu.memref_slice %arg14[%mul3A_27, %dma_wait3A_39] : memref<10240x128xf32, #tpu.memory_space<vmem_shared>> -> memref<640x128xf32, #tpu.memory_space<vmem_shared>>
      tpu.wait_dma2 semaphore(%run_scoped3A_32 : memref<!tpu.dma_semaphore, #tpu.memory_space<semaphore_mem>>) src(%dma_wait3A_40 : memref<640x128xf32, #tpu.memory_space<vmem_shared>>) dst(%dma_wait3A_38 : memref<640x128xf32, #tpu.memory_space<hbm>>)
      tpu.yield
    }) : () -> ()
    %barrier3A_31 = arith.constant 0 : index
    tpu.barrier barrier_id(%barrier3A_31)
    return
  }
}

module attributes {stable_mosaic.version = 14 : i64} {
  func.func @_deg_body(%arg0: i32, %arg1: i32, %arg2: memref<1x1x2048xi32, #tpu.memory_space<vmem>>, %arg3: memref<1x80x128xf32, #tpu.memory_space<vmem>>) attributes {dimension_semantics = [#tpu.dimension_semantics<arbitrary>, #tpu.dimension_semantics<arbitrary>], iteration_bounds = array<i64: 4, 160>, scalar_prefetch = 0 : i64, scratch_operands = 0 : i64, tpu.core_type = #tpu.core_type<tc>, window_params = [{transform_indices = @transform_0, window_bounds = array<i64: 1, 1, 2048>}, {transform_indices = @transform_1, window_bounds = array<i64: 1, 80, 128>}]} {
    %get3A = arith.constant 0 : index
    %get3A_0 = arith.constant 0 : index
    %get3A_1 = arith.constant 0 : index
    %get3A_2 = vector.load %arg2[%get3A, %get3A_0, %get3A_1] : memref<1x1x2048xi32, #tpu.memory_space<vmem>>, vector<1x1x2048xi32>
    %get3A_3 = vector.shape_cast %get3A_2 : vector<1x1x2048xi32> to vector<2048xi32>
    %shift_right_logical3A = arith.constant 7 : i32
    %shift_right_logical3A_4 = vector.broadcast %shift_right_logical3A : i32 to vector<2048xi32>
    %shift_right_logical3A_5 = arith.shrui %get3A_3, %shift_right_logical3A_4 : vector<2048xi32>
    %and3A = arith.constant 127 : i32
    %and3A_6 = vector.broadcast %and3A : i32 to vector<2048xi32>
    %and3A_7 = arith.andi %get3A_3, %and3A_6 : vector<2048xi32>
    %iota3A = tpu.iota {dimensions = array<i32: 1>} : vector<2048x80xi32>
    %iota3A_8 = tpu.iota {dimensions = array<i32: 1>} : vector<2048x128xi32>
    %broadcast_in_dim3A = vector.shape_cast %shift_right_logical3A_5 : vector<2048xi32> to vector<2048x1xi32>
    %eq3A = vector.broadcast %broadcast_in_dim3A : vector<2048x1xi32> to vector<2048x80xi32>
    %eq3A_9 = arith.cmpi eq, %eq3A, %iota3A : vector<2048x80xi32>
    %convert_element_type3A = arith.extui %eq3A_9 : vector<2048x80xi1> to vector<2048x80xi32>
    %convert_element_type3A_10 = arith.sitofp %convert_element_type3A : vector<2048x80xi32> to vector<2048x80xf32>
    %convert_element_type3A_11 = arith.truncf %convert_element_type3A_10 : vector<2048x80xf32> to vector<2048x80xbf16>
    %broadcast_in_dim3A_12 = vector.shape_cast %and3A_7 : vector<2048xi32> to vector<2048x1xi32>
    %eq3A_13 = vector.broadcast %broadcast_in_dim3A_12 : vector<2048x1xi32> to vector<2048x128xi32>
    %eq3A_14 = arith.cmpi eq, %eq3A_13, %iota3A_8 : vector<2048x128xi32>
    %convert_element_type3A_15 = arith.extui %eq3A_14 : vector<2048x128xi1> to vector<2048x128xi32>
    %convert_element_type3A_16 = arith.sitofp %convert_element_type3A_15 : vector<2048x128xi32> to vector<2048x128xf32>
    %convert_element_type3A_17 = arith.truncf %convert_element_type3A_16 : vector<2048x128xf32> to vector<2048x128xbf16>
    %dot_general3A = arith.constant dense<0.000000e+00> : vector<80x128xf32>
    %dot_general3A_18 = tpu.matmul %convert_element_type3A_11, %convert_element_type3A_17, %dot_general3A {dimension_numbers = #tpu.dot_dimension_numbers<[0], [0], [1], [1], [0, 1, 1, 1], [], []>, transpose_lhs_hint = false} : vector<2048x80xbf16>, vector<2048x128xbf16>, vector<80x128xf32> -> vector<80x128xf32>
    %eq3A_19 = arith.constant 0 : i32
    %eq3A_20 = arith.cmpi eq, %arg1, %eq3A_19 : i32
    %convert_element_type3A_21 = arith.extui %eq3A_20 : i1 to i32
    %cond3A = arith.constant 0 : i32
    %cond3A_22 = arith.cmpi ne, %convert_element_type3A_21, %cond3A : i32
    scf.if %cond3A_22 {
      %broadcast_in_dim3A_31 = arith.constant 0.000000e+00 : f32
      %broadcast_in_dim3A_32 = vector.broadcast %broadcast_in_dim3A_31 : f32 to vector<1x80x128xf32>
      %swap3A_33 = arith.constant 0 : index
      %swap3A_34 = arith.constant 0 : index
      %swap3A_35 = arith.constant 0 : index
      %swap3A_36 = vector.load %arg3[%swap3A_33, %swap3A_34, %swap3A_35] : memref<1x80x128xf32, #tpu.memory_space<vmem>>, vector<1x80x128xf32>
      tpu.vector_store %arg3[%swap3A_33, %swap3A_34, %swap3A_35], %broadcast_in_dim3A_32 {strides = array<i32>} : memref<1x80x128xf32, #tpu.memory_space<vmem>>, vector<1x80x128xf32>,
    } else {
    }
    %get3A_23 = arith.constant 0 : index
    %get3A_24 = arith.constant 0 : index
    %get3A_25 = arith.constant 0 : index
    %get3A_26 = vector.load %arg3[%get3A_23, %get3A_24, %get3A_25] : memref<1x80x128xf32, #tpu.memory_space<vmem>>, vector<1x80x128xf32>
    %broadcast_in_dim3A_27 = vector.shape_cast %dot_general3A_18 : vector<80x128xf32> to vector<1x80x128xf32>
    %add3A = arith.addf %get3A_26, %broadcast_in_dim3A_27 : vector<1x80x128xf32>
    %swap3A = arith.constant 0 : index
    %swap3A_28 = arith.constant 0 : index
    %swap3A_29 = arith.constant 0 : index
    %swap3A_30 = vector.load %arg3[%swap3A, %swap3A_28, %swap3A_29] : memref<1x80x128xf32, #tpu.memory_space<vmem>>, vector<1x80x128xf32>
    tpu.vector_store %arg3[%swap3A, %swap3A_28, %swap3A_29], %add3A {strides = array<i32>} : memref<1x80x128xf32, #tpu.memory_space<vmem>>, vector<1x80x128xf32>,
    return
  }
  func.func @transform_0(%arg0: i32, %arg1: i32) -> (i32, i32, i32) {
    %c0_i32 = arith.constant 0 : i32
    %c0_i32_0 = arith.constant 0 : i32
    return %arg0, %c0_i32, %arg1 : i32, i32, i32
  }
  func.func @transform_1(%arg0: i32, %arg1: i32) -> (i32, i32, i32) {
    %c0_i32 = arith.constant 0 : i32
    %c0_i32_0 = arith.constant 0 : i32
    %c0_i32_1 = arith.constant 0 : i32
    return %arg0, %c0_i32, %c0_i32_0 : i32, i32, i32
  }
}

module attributes {stable_mosaic.version = 14 : i64} {
  func.func @_prep_body(%arg0: i32, %arg1: memref<1000x128xf32, #tpu.memory_space<vmem>>, %arg2: memref<1000x4xf32, #tpu.memory_space<vmem>>, %arg3: memref<1000x128xf32, #tpu.memory_space<vmem>>, %arg4: memref<1000x128xf32, #tpu.memory_space<vmem>>) attributes {dimension_semantics = [#tpu.dimension_semantics<arbitrary>], iteration_bounds = array<i64: 10>, scalar_prefetch = 0 : i64, scratch_operands = 0 : i64, tpu.core_type = #tpu.core_type<tc>, window_params = [{transform_indices = @transform_0, window_bounds = array<i64: 1000, 128>}, {transform_indices = @transform_1, window_bounds = array<i64: 1000, 4>}, {transform_indices = @transform_2, window_bounds = array<i64: 1000, 128>}, {transform_indices = @transform_3, window_bounds = array<i64: 1000, 128>}]} {
    %get3A = arith.constant 0 : index
    %get3A_0 = arith.constant 0 : index
    %get3A_1 = vector.load %arg2[%get3A, %get3A_0] : memref<1000x4xf32, #tpu.memory_space<vmem>>, vector<1000x1xf32>
    %get3A_2 = vector.shape_cast %get3A_1 : vector<1000x1xf32> to vector<1000xf32>
    %get3A_3 = arith.constant 0 : index
    %get3A_4 = arith.constant 2 : index
    %get3A_5 = vector.load %arg2[%get3A_3, %get3A_4] : memref<1000x4xf32, #tpu.memory_space<vmem>>, vector<1000x1xf32>
    %get3A_6 = vector.shape_cast %get3A_5 : vector<1000x1xf32> to vector<1000xf32>
    %max3A = arith.constant 1.000000e+00 : f32
    %max3A_7 = vector.broadcast %max3A : f32 to vector<1000xf32>
    %max3A_8 = arith.maximumf %get3A_2, %max3A_7 : vector<1000xf32>
    %rsqrt3A = math.rsqrt %max3A_8 : vector<1000xf32>
    %max3A_9 = arith.constant 1.000000e+00 : f32
    %max3A_10 = vector.broadcast %max3A_9 : f32 to vector<1000xf32>
    %max3A_11 = arith.maximumf %get3A_6, %max3A_10 : vector<1000xf32>
    %rsqrt3A_12 = math.rsqrt %max3A_11 : vector<1000xf32>
    %get3A_13 = arith.constant 0 : index
    %get3A_14 = arith.constant 0 : index
    %get3A_15 = vector.load %arg1[%get3A_13, %get3A_14] : memref<1000x128xf32, #tpu.memory_space<vmem>>, vector<1000x128xf32>
    %broadcast_in_dim3A = vector.shape_cast %rsqrt3A : vector<1000xf32> to vector<1000x1xf32>
    %mul3A = vector.broadcast %broadcast_in_dim3A : vector<1000x1xf32> to vector<1000x128xf32>
    %mul3A_16 = arith.mulf %get3A_15, %mul3A : vector<1000x128xf32>
    %swap3A = arith.constant 0 : index
    %swap3A_17 = arith.constant 0 : index
    %swap3A_18 = vector.load %arg3[%swap3A, %swap3A_17] : memref<1000x128xf32, #tpu.memory_space<vmem>>, vector<1000x128xf32>
    tpu.vector_store %arg3[%swap3A, %swap3A_17], %mul3A_16 {strides = array<i32>} : memref<1000x128xf32, #tpu.memory_space<vmem>>, vector<1000x128xf32>,
    %broadcast_in_dim3A_19 = vector.shape_cast %rsqrt3A_12 : vector<1000xf32> to vector<1000x1xf32>
    %mul3A_20 = vector.broadcast %broadcast_in_dim3A_19 : vector<1000x1xf32> to vector<1000x128xf32>
    %mul3A_21 = arith.mulf %get3A_15, %mul3A_20 : vector<1000x128xf32>
    %swap3A_22 = arith.constant 0 : index
    %swap3A_23 = arith.constant 0 : index
    %swap3A_24 = vector.load %arg4[%swap3A_22, %swap3A_23] : memref<1000x128xf32, #tpu.memory_space<vmem>>, vector<1000x128xf32>
    tpu.vector_store %arg4[%swap3A_22, %swap3A_23], %mul3A_21 {strides = array<i32>} : memref<1000x128xf32, #tpu.memory_space<vmem>>, vector<1000x128xf32>,
    return
  }
  func.func @transform_0(%arg0: i32) -> (i32, i32) {
    %c0_i32 = arith.constant 0 : i32
    %c0_i32_0 = arith.constant 0 : i32
    return %arg0, %c0_i32 : i32, i32
  }
  func.func @transform_1(%arg0: i32) -> (i32, i32) {
    %c0_i32 = arith.constant 0 : i32
    %c0_i32_0 = arith.constant 0 : i32
    return %arg0, %c0_i32 : i32, i32
  }
  func.func @transform_2(%arg0: i32) -> (i32, i32) {
    %c0_i32 = arith.constant 0 : i32
    %c0_i32_0 = arith.constant 0 : i32
    return %arg0, %c0_i32 : i32, i32
  }
  func.func @transform_3(%arg0: i32) -> (i32, i32) {
    %c0_i32 = arith.constant 0 : i32
    %c0_i32_0 = arith.constant 0 : i32
    return %arg0, %c0_i32 : i32, i32
  }
}

module attributes {stable_mosaic.version = 14 : i64} {
  func.func @_layer1_body(%arg0: i32, %arg1: memref<4x1000x128xf32, #tpu.memory_space<vmem>>, %arg2: memref<1000x4xf32, #tpu.memory_space<vmem>>, %arg3: memref<128x128xf32, #tpu.memory_space<vmem>>, %arg4: memref<128x128xf32, #tpu.memory_space<vmem>>, %arg5: memref<1x128xf32, #tpu.memory_space<vmem>>, %arg6: memref<1000x128xf32, #tpu.memory_space<vmem>>, %arg7: memref<1000x128xf32, #tpu.memory_space<vmem>>) attributes {dimension_semantics = [#tpu.dimension_semantics<arbitrary>], iteration_bounds = array<i64: 10>, scalar_prefetch = 0 : i64, scratch_operands = 0 : i64, tpu.core_type = #tpu.core_type<tc>, window_params = [{transform_indices = @transform_0, window_bounds = array<i64: 4, 1000, 128>}, {transform_indices = @transform_1, window_bounds = array<i64: 1000, 4>}, {pipeline_mode = #tpu.pipeline_mode<synchronous>, transform_indices = @transform_2, window_bounds = array<i64: 128, 128>}, {pipeline_mode = #tpu.pipeline_mode<synchronous>, transform_indices = @transform_3, window_bounds = array<i64: 128, 128>}, {pipeline_mode = #tpu.pipeline_mode<synchronous>, transform_indices = @transform_4, window_bounds = array<i64: 1, 128>}, {transform_indices = @transform_5, window_bounds = array<i64: 1000, 128>}, {transform_indices = @transform_6, window_bounds = array<i64: 1000, 128>}]} {
    %get3A = arith.constant 0 : index
    %get3A_0 = arith.constant 0 : index
    %get3A_1 = arith.constant 0 : index
    %get3A_2 = vector.load %arg1[%get3A, %get3A_0, %get3A_1] : memref<4x1000x128xf32, #tpu.memory_space<vmem>>, vector<1x1000x128xf32>
    %get3A_3 = vector.shape_cast %get3A_2 : vector<1x1000x128xf32> to vector<1000x128xf32>
    %get3A_4 = arith.constant 1 : index
    %get3A_5 = arith.constant 0 : index
    %get3A_6 = arith.constant 0 : index
    %get3A_7 = vector.load %arg1[%get3A_4, %get3A_5, %get3A_6] : memref<4x1000x128xf32, #tpu.memory_space<vmem>>, vector<1x1000x128xf32>
    %get3A_8 = vector.shape_cast %get3A_7 : vector<1x1000x128xf32> to vector<1000x128xf32>
    %add3A = arith.addf %get3A_3, %get3A_8 : vector<1000x128xf32>
    %get3A_9 = arith.constant 2 : index
    %get3A_10 = arith.constant 0 : index
    %get3A_11 = arith.constant 0 : index
    %get3A_12 = vector.load %arg1[%get3A_9, %get3A_10, %get3A_11] : memref<4x1000x128xf32, #tpu.memory_space<vmem>>, vector<1x1000x128xf32>
    %get3A_13 = vector.shape_cast %get3A_12 : vector<1x1000x128xf32> to vector<1000x128xf32>
    %get3A_14 = arith.constant 3 : index
    %get3A_15 = arith.constant 0 : index
    %get3A_16 = arith.constant 0 : index
    %get3A_17 = vector.load %arg1[%get3A_14, %get3A_15, %get3A_16] : memref<4x1000x128xf32, #tpu.memory_space<vmem>>, vector<1x1000x128xf32>
    %get3A_18 = vector.shape_cast %get3A_17 : vector<1x1000x128xf32> to vector<1000x128xf32>
    %add3A_19 = arith.addf %get3A_13, %get3A_18 : vector<1000x128xf32>
    %get3A_20 = arith.constant 0 : index
    %get3A_21 = arith.constant 1 : index
    %get3A_22 = vector.load %arg2[%get3A_20, %get3A_21] : memref<1000x4xf32, #tpu.memory_space<vmem>>, vector<1000x1xf32>
    %get3A_23 = vector.shape_cast %get3A_22 : vector<1000x1xf32> to vector<1000xf32>
    %max3A = arith.constant 1.000000e+00 : f32
    %max3A_24 = vector.broadcast %max3A : f32 to vector<1000xf32>
    %max3A_25 = arith.maximumf %get3A_23, %max3A_24 : vector<1000xf32>
    %rsqrt3A = math.rsqrt %max3A_25 : vector<1000xf32>
    %get3A_26 = arith.constant 0 : index
    %get3A_27 = arith.constant 3 : index
    %get3A_28 = vector.load %arg2[%get3A_26, %get3A_27] : memref<1000x4xf32, #tpu.memory_space<vmem>>, vector<1000x1xf32>
    %get3A_29 = vector.shape_cast %get3A_28 : vector<1000x1xf32> to vector<1000xf32>
    %max3A_30 = arith.constant 1.000000e+00 : f32
    %max3A_31 = vector.broadcast %max3A_30 : f32 to vector<1000xf32>
    %max3A_32 = arith.maximumf %get3A_29, %max3A_31 : vector<1000xf32>
    %rsqrt3A_33 = math.rsqrt %max3A_32 : vector<1000xf32>
    %broadcast_in_dim3A = vector.shape_cast %rsqrt3A : vector<1000xf32> to vector<1000x1xf32>
    %mul3A = vector.broadcast %broadcast_in_dim3A : vector<1000x1xf32> to vector<1000x128xf32>
    %mul3A_34 = arith.mulf %add3A, %mul3A : vector<1000x128xf32>
    %get3A_35 = arith.constant 0 : index
    %get3A_36 = arith.constant 0 : index
    %get3A_37 = vector.load %arg3[%get3A_35, %get3A_36] : memref<128x128xf32, #tpu.memory_space<vmem>>, vector<128x128xf32>
    %dot_general3A = arith.constant dense<0.000000e+00> : vector<1000x128xf32>
    %dot_general3A_38 = tpu.matmul %mul3A_34, %get3A_37, %dot_general3A {dimension_numbers = #tpu.dot_dimension_numbers<[1], [0], [0], [1], [0, 0, 1, 1], [], []>, transpose_lhs_hint = false} : vector<1000x128xf32>, vector<128x128xf32>, vector<1000x128xf32> -> vector<1000x128xf32>
    %broadcast_in_dim3A_39 = vector.shape_cast %rsqrt3A_33 : vector<1000xf32> to vector<1000x1xf32>
    %mul3A_40 = vector.broadcast %broadcast_in_dim3A_39 : vector<1000x1xf32> to vector<1000x128xf32>
    %mul3A_41 = arith.mulf %add3A_19, %mul3A_40 : vector<1000x128xf32>
    %get3A_42 = arith.constant 0 : index
    %get3A_43 = arith.constant 0 : index
    %get3A_44 = vector.load %arg4[%get3A_42, %get3A_43] : memref<128x128xf32, #tpu.memory_space<vmem>>, vector<128x128xf32>
    %dot_general3A_45 = arith.constant dense<0.000000e+00> : vector<1000x128xf32>
    %dot_general3A_46 = tpu.matmul %mul3A_41, %get3A_44, %dot_general3A_45 {dimension_numbers = #tpu.dot_dimension_numbers<[1], [0], [0], [1], [0, 0, 1, 1], [], []>, transpose_lhs_hint = false} : vector<1000x128xf32>, vector<128x128xf32>, vector<1000x128xf32> -> vector<1000x128xf32>
    %add3A_47 = arith.addf %dot_general3A_38, %dot_general3A_46 : vector<1000x128xf32>
    %get3A_48 = arith.constant 0 : index
    %get3A_49 = arith.constant 0 : index
    %get3A_50 = vector.load %arg5[%get3A_48, %get3A_49] : memref<1x128xf32, #tpu.memory_space<vmem>>, vector<1x128xf32>
    %add3A_51 = vector.broadcast %get3A_50 : vector<1x128xf32> to vector<1000x128xf32>
    %add3A_52 = arith.addf %add3A_47, %add3A_51 : vector<1000x128xf32>
    %max3A_53 = arith.constant 0.000000e+00 : f32
    %max3A_54 = vector.broadcast %max3A_53 : f32 to vector<1000x128xf32>
    %max3A_55 = arith.maximumf %add3A_52, %max3A_54 : vector<1000x128xf32>
    %get3A_56 = arith.constant 0 : index
    %get3A_57 = arith.constant 0 : index
    %get3A_58 = vector.load %arg2[%get3A_56, %get3A_57] : memref<1000x4xf32, #tpu.memory_space<vmem>>, vector<1000x1xf32>
    %get3A_59 = vector.shape_cast %get3A_58 : vector<1000x1xf32> to vector<1000xf32>
    %max3A_60 = arith.constant 1.000000e+00 : f32
    %max3A_61 = vector.broadcast %max3A_60 : f32 to vector<1000xf32>
    %max3A_62 = arith.maximumf %get3A_59, %max3A_61 : vector<1000xf32>
    %rsqrt3A_63 = math.rsqrt %max3A_62 : vector<1000xf32>
    %get3A_64 = arith.constant 0 : index
    %get3A_65 = arith.constant 2 : index
    %get3A_66 = vector.load %arg2[%get3A_64, %get3A_65] : memref<1000x4xf32, #tpu.memory_space<vmem>>, vector<1000x1xf32>
    %get3A_67 = vector.shape_cast %get3A_66 : vector<1000x1xf32> to vector<1000xf32>
    %max3A_68 = arith.constant 1.000000e+00 : f32
    %max3A_69 = vector.broadcast %max3A_68 : f32 to vector<1000xf32>
    %max3A_70 = arith.maximumf %get3A_67, %max3A_69 : vector<1000xf32>
    %rsqrt3A_71 = math.rsqrt %max3A_70 : vector<1000xf32>
    %broadcast_in_dim3A_72 = vector.shape_cast %rsqrt3A_63 : vector<1000xf32> to vector<1000x1xf32>
    %mul3A_73 = vector.broadcast %broadcast_in_dim3A_72 : vector<1000x1xf32> to vector<1000x128xf32>
    %mul3A_74 = arith.mulf %max3A_55, %mul3A_73 : vector<1000x128xf32>
    %swap3A = arith.constant 0 : index
    %swap3A_75 = arith.constant 0 : index
    %swap3A_76 = vector.load %arg6[%swap3A, %swap3A_75] : memref<1000x128xf32, #tpu.memory_space<vmem>>, vector<1000x128xf32>
    tpu.vector_store %arg6[%swap3A, %swap3A_75], %mul3A_74 {strides = array<i32>} : memref<1000x128xf32, #tpu.memory_space<vmem>>, vector<1000x128xf32>,
    %broadcast_in_dim3A_77 = vector.shape_cast %rsqrt3A_71 : vector<1000xf32> to vector<1000x1xf32>
    %mul3A_78 = vector.broadcast %broadcast_in_dim3A_77 : vector<1000x1xf32> to vector<1000x128xf32>
    %mul3A_79 = arith.mulf %max3A_55, %mul3A_78 : vector<1000x128xf32>
    %swap3A_80 = arith.constant 0 : index
    %swap3A_81 = arith.constant 0 : index
    %swap3A_82 = vector.load %arg7[%swap3A_80, %swap3A_81] : memref<1000x128xf32, #tpu.memory_space<vmem>>, vector<1000x128xf32>
    tpu.vector_store %arg7[%swap3A_80, %swap3A_81], %mul3A_79 {strides = array<i32>} : memref<1000x128xf32, #tpu.memory_space<vmem>>, vector<1000x128xf32>,
    return
  }
  func.func @transform_0(%arg0: i32) -> (i32, i32, i32) {
    %c0_i32 = arith.constant 0 : i32
    %c0_i32_0 = arith.constant 0 : i32
    %c0_i32_1 = arith.constant 0 : i32
    return %c0_i32, %arg0, %c0_i32_0 : i32, i32, i32
  }
  func.func @transform_1(%arg0: i32) -> (i32, i32) {
    %c0_i32 = arith.constant 0 : i32
    %c0_i32_0 = arith.constant 0 : i32
    return %arg0, %c0_i32 : i32, i32
  }
  func.func @transform_2(%arg0: i32) -> (i32, i32) {
    %c0_i32 = arith.constant 0 : i32
    %c0_i32_0 = arith.constant 0 : i32
    %c0_i32_1 = arith.constant 0 : i32
    return %c0_i32, %c0_i32_0 : i32, i32
  }
  func.func @transform_3(%arg0: i32) -> (i32, i32) {
    %c0_i32 = arith.constant 0 : i32
    %c0_i32_0 = arith.constant 0 : i32
    %c0_i32_1 = arith.constant 0 : i32
    return %c0_i32, %c0_i32_0 : i32, i32
  }
  func.func @transform_4(%arg0: i32) -> (i32, i32) {
    %c0_i32 = arith.constant 0 : i32
    %c0_i32_0 = arith.constant 0 : i32
    %c0_i32_1 = arith.constant 0 : i32
    return %c0_i32, %c0_i32_0 : i32, i32
  }
  func.func @transform_5(%arg0: i32) -> (i32, i32) {
    %c0_i32 = arith.constant 0 : i32
    %c0_i32_0 = arith.constant 0 : i32
    return %arg0, %c0_i32 : i32, i32
  }
  func.func @transform_6(%arg0: i32) -> (i32, i32) {
    %c0_i32 = arith.constant 0 : i32
    %c0_i32_0 = arith.constant 0 : i32
    return %arg0, %c0_i32 : i32, i32
  }
}

module attributes {stable_mosaic.version = 14 : i64} {
  func.func @_layer2_body(%arg0: i32, %arg1: memref<4x1000x128xf32, #tpu.memory_space<vmem>>, %arg2: memref<1000x4xf32, #tpu.memory_space<vmem>>, %arg3: memref<128x128xf32, #tpu.memory_space<vmem>>, %arg4: memref<128x128xf32, #tpu.memory_space<vmem>>, %arg5: memref<1x128xf32, #tpu.memory_space<vmem>>, %arg6: memref<1000x128xf32, #tpu.memory_space<vmem>>) attributes {dimension_semantics = [#tpu.dimension_semantics<arbitrary>], iteration_bounds = array<i64: 10>, scalar_prefetch = 0 : i64, scratch_operands = 0 : i64, tpu.core_type = #tpu.core_type<tc>, window_params = [{transform_indices = @transform_0, window_bounds = array<i64: 4, 1000, 128>}, {transform_indices = @transform_1, window_bounds = array<i64: 1000, 4>}, {pipeline_mode = #tpu.pipeline_mode<synchronous>, transform_indices = @transform_2, window_bounds = array<i64: 128, 128>}, {pipeline_mode = #tpu.pipeline_mode<synchronous>, transform_indices = @transform_3, window_bounds = array<i64: 128, 128>}, {pipeline_mode = #tpu.pipeline_mode<synchronous>, transform_indices = @transform_4, window_bounds = array<i64: 1, 128>}, {transform_indices = @transform_5, window_bounds = array<i64: 1000, 128>}]} {
    %get3A = arith.constant 0 : index
    %get3A_0 = arith.constant 0 : index
    %get3A_1 = arith.constant 0 : index
    %get3A_2 = vector.load %arg1[%get3A, %get3A_0, %get3A_1] : memref<4x1000x128xf32, #tpu.memory_space<vmem>>, vector<1x1000x128xf32>
    %get3A_3 = vector.shape_cast %get3A_2 : vector<1x1000x128xf32> to vector<1000x128xf32>
    %get3A_4 = arith.constant 1 : index
    %get3A_5 = arith.constant 0 : index
    %get3A_6 = arith.constant 0 : index
    %get3A_7 = vector.load %arg1[%get3A_4, %get3A_5, %get3A_6] : memref<4x1000x128xf32, #tpu.memory_space<vmem>>, vector<1x1000x128xf32>
    %get3A_8 = vector.shape_cast %get3A_7 : vector<1x1000x128xf32> to vector<1000x128xf32>
    %add3A = arith.addf %get3A_3, %get3A_8 : vector<1000x128xf32>
    %get3A_9 = arith.constant 2 : index
    %get3A_10 = arith.constant 0 : index
    %get3A_11 = arith.constant 0 : index
    %get3A_12 = vector.load %arg1[%get3A_9, %get3A_10, %get3A_11] : memref<4x1000x128xf32, #tpu.memory_space<vmem>>, vector<1x1000x128xf32>
    %get3A_13 = vector.shape_cast %get3A_12 : vector<1x1000x128xf32> to vector<1000x128xf32>
    %get3A_14 = arith.constant 3 : index
    %get3A_15 = arith.constant 0 : index
    %get3A_16 = arith.constant 0 : index
    %get3A_17 = vector.load %arg1[%get3A_14, %get3A_15, %get3A_16] : memref<4x1000x128xf32, #tpu.memory_space<vmem>>, vector<1x1000x128xf32>
    %get3A_18 = vector.shape_cast %get3A_17 : vector<1x1000x128xf32> to vector<1000x128xf32>
    %add3A_19 = arith.addf %get3A_13, %get3A_18 : vector<1000x128xf32>
    %get3A_20 = arith.constant 0 : index
    %get3A_21 = arith.constant 1 : index
    %get3A_22 = vector.load %arg2[%get3A_20, %get3A_21] : memref<1000x4xf32, #tpu.memory_space<vmem>>, vector<1000x1xf32>
    %get3A_23 = vector.shape_cast %get3A_22 : vector<1000x1xf32> to vector<1000xf32>
    %max3A = arith.constant 1.000000e+00 : f32
    %max3A_24 = vector.broadcast %max3A : f32 to vector<1000xf32>
    %max3A_25 = arith.maximumf %get3A_23, %max3A_24 : vector<1000xf32>
    %rsqrt3A = math.rsqrt %max3A_25 : vector<1000xf32>
    %get3A_26 = arith.constant 0 : index
    %get3A_27 = arith.constant 3 : index
    %get3A_28 = vector.load %arg2[%get3A_26, %get3A_27] : memref<1000x4xf32, #tpu.memory_space<vmem>>, vector<1000x1xf32>
    %get3A_29 = vector.shape_cast %get3A_28 : vector<1000x1xf32> to vector<1000xf32>
    %max3A_30 = arith.constant 1.000000e+00 : f32
    %max3A_31 = vector.broadcast %max3A_30 : f32 to vector<1000xf32>
    %max3A_32 = arith.maximumf %get3A_29, %max3A_31 : vector<1000xf32>
    %rsqrt3A_33 = math.rsqrt %max3A_32 : vector<1000xf32>
    %broadcast_in_dim3A = vector.shape_cast %rsqrt3A : vector<1000xf32> to vector<1000x1xf32>
    %mul3A = vector.broadcast %broadcast_in_dim3A : vector<1000x1xf32> to vector<1000x128xf32>
    %mul3A_34 = arith.mulf %add3A, %mul3A : vector<1000x128xf32>
    %get3A_35 = arith.constant 0 : index
    %get3A_36 = arith.constant 0 : index
    %get3A_37 = vector.load %arg3[%get3A_35, %get3A_36] : memref<128x128xf32, #tpu.memory_space<vmem>>, vector<128x128xf32>
    %dot_general3A = arith.constant dense<0.000000e+00> : vector<1000x128xf32>
    %dot_general3A_38 = tpu.matmul %mul3A_34, %get3A_37, %dot_general3A {dimension_numbers = #tpu.dot_dimension_numbers<[1], [0], [0], [1], [0, 0, 1, 1], [], []>, transpose_lhs_hint = false} : vector<1000x128xf32>, vector<128x128xf32>, vector<1000x128xf32> -> vector<1000x128xf32>
    %broadcast_in_dim3A_39 = vector.shape_cast %rsqrt3A_33 : vector<1000xf32> to vector<1000x1xf32>
    %mul3A_40 = vector.broadcast %broadcast_in_dim3A_39 : vector<1000x1xf32> to vector<1000x128xf32>
    %mul3A_41 = arith.mulf %add3A_19, %mul3A_40 : vector<1000x128xf32>
    %get3A_42 = arith.constant 0 : index
    %get3A_43 = arith.constant 0 : index
    %get3A_44 = vector.load %arg4[%get3A_42, %get3A_43] : memref<128x128xf32, #tpu.memory_space<vmem>>, vector<128x128xf32>
    %dot_general3A_45 = arith.constant dense<0.000000e+00> : vector<1000x128xf32>
    %dot_general3A_46 = tpu.matmul %mul3A_41, %get3A_44, %dot_general3A_45 {dimension_numbers = #tpu.dot_dimension_numbers<[1], [0], [0], [1], [0, 0, 1, 1], [], []>, transpose_lhs_hint = false} : vector<1000x128xf32>, vector<128x128xf32>, vector<1000x128xf32> -> vector<1000x128xf32>
    %add3A_47 = arith.addf %dot_general3A_38, %dot_general3A_46 : vector<1000x128xf32>
    %get3A_48 = arith.constant 0 : index
    %get3A_49 = arith.constant 0 : index
    %get3A_50 = vector.load %arg5[%get3A_48, %get3A_49] : memref<1x128xf32, #tpu.memory_space<vmem>>, vector<1x128xf32>
    %add3A_51 = vector.broadcast %get3A_50 : vector<1x128xf32> to vector<1000x128xf32>
    %add3A_52 = arith.addf %add3A_47, %add3A_51 : vector<1000x128xf32>
    %swap3A = arith.constant 0 : index
    %swap3A_53 = arith.constant 0 : index
    %swap3A_54 = vector.load %arg6[%swap3A, %swap3A_53] : memref<1000x128xf32, #tpu.memory_space<vmem>>, vector<1000x128xf32>
    tpu.vector_store %arg6[%swap3A, %swap3A_53], %add3A_52 {strides = array<i32>} : memref<1000x128xf32, #tpu.memory_space<vmem>>, vector<1000x128xf32>,
    return
  }
  func.func @transform_0(%arg0: i32) -> (i32, i32, i32) {
    %c0_i32 = arith.constant 0 : i32
    %c0_i32_0 = arith.constant 0 : i32
    %c0_i32_1 = arith.constant 0 : i32
    return %c0_i32, %arg0, %c0_i32_0 : i32, i32, i32
  }
  func.func @transform_1(%arg0: i32) -> (i32, i32) {
    %c0_i32 = arith.constant 0 : i32
    %c0_i32_0 = arith.constant 0 : i32
    return %arg0, %c0_i32 : i32, i32
  }
  func.func @transform_2(%arg0: i32) -> (i32, i32) {
    %c0_i32 = arith.constant 0 : i32
    %c0_i32_0 = arith.constant 0 : i32
    %c0_i32_1 = arith.constant 0 : i32
    return %c0_i32, %c0_i32_0 : i32, i32
  }
  func.func @transform_3(%arg0: i32) -> (i32, i32) {
    %c0_i32 = arith.constant 0 : i32
    %c0_i32_0 = arith.constant 0 : i32
    %c0_i32_1 = arith.constant 0 : i32
    return %c0_i32, %c0_i32_0 : i32, i32
  }
  func.func @transform_4(%arg0: i32) -> (i32, i32) {
    %c0_i32 = arith.constant 0 : i32
    %c0_i32_0 = arith.constant 0 : i32
    %c0_i32_1 = arith.constant 0 : i32
    return %c0_i32, %c0_i32_0 : i32, i32
  }
  func.func @transform_5(%arg0: i32) -> (i32, i32) {
    %c0_i32 = arith.constant 0 : i32
    %c0_i32_0 = arith.constant 0 : i32
    return %arg0, %c0_i32 : i32, i32
  }
}

</mosaic_0001>

<sc_bundles>
// kernel: kernel.11.cloned.1.call-start
scs
__scs_entry_jumppad:
0x0: {  	(pc) =	sbr.rel $0x88, $3  }
0x1: {  	(tag) =	ssettag $0x0;
	lr =	simm.s32 $0x1  }
0x2: {  	[smem:$0x3F96] =	sst lr;
	_ =	strace $0xD0000000  }
0x3: {  	_ = 	snop  }
0x4: {  	_ = 	snop  }
0x5: {  	_ = 	snop  }
0x6: {  	_ = 	snop  }
0x7: {  	_ = 	snop  }
__scs_overlays_trampoline_lowered:
0x8: {  	[smem:$0x3FA5] =	sst s0  }
0x9: {  	[smem:$0x3FA6] =	sst s1  }
0xa: {  	[smem:$0x3FA7] =	sst s2  }
0xb: {  	[smem:$0x3FA8] =	sst s3  }
0xc: {  	[smem:$0x3FA9] =	sst s4  }
0xd: {  	[smem:$0x3FAA] =	sst s5  }
0xe: {  	[smem:$0x3FAB] =	sst s6  }
0xf: {  	[smem:$0x3FAC] =	sst s7  }
0x10: {  	[smem:$0x3FAD] =	sst s8  }
0x11: {  	[smem:$0x3FAE] =	sst s9;
	s0 =	simm.s32 @!p0 $0x0  }
0x12: {  	s1 =	sld [smem:$0x3F94];
	s0 =	simm.s32 @p0 $0x1  }
0x13: {  	[smem:$0x3FAF] =	sst s0;
	s0 =	simm.s32 @!p1 $0x0  }
0x14: {  	s2 =	sld [smem:$0x3F93];
	s0 =	simm.s32 @p1 $0x1  }
0x15: {  	[smem:$0x3FB0] =	sst s0;
	s0 =	simm.s32 @!p2 $0x0  }
0x16: {  	s3 =	sld [smem:$0x3FDB];
	s0 =	simm.s32 @p2 $0x1  }
0x17: {  	s4 =	simm.s32 $0x1BF5;
	[smem:$0x3FB2] =	sst s0  }
0x18: {  	s0 =	sld [smem:$0x3F95];
	_ =	swait.ge [sflag:s4], $0x0  }
0x19: {  	s7 =	sld [smem:$0x3F96]  }
0x1a: {  	s8 =	sadd.s32 $0xFFFFE003, lr  }
0x1b: {  	s9 =	sadd.s32 $0xFFFFFEF7, lr;
	s5 =	simm.s32 $0xFFFFFFFF;
	p2 =	slt.u32 s8, $0xFFFFF086  }
0x1c: {  	p1 =	slt.u32 s9, $0xF7A;
	s5 =	simm.s32 @!p2 $0x0  }
0x1d: {  	s5 =	simm.s32 @p1 $0x1;
	p0 =	seq.s32 s7, s2  }
0x1e: {  	s7 =	smul.u32 @!p0 $0xF7A, s2;
	p2 =	seq.s32 @!p0 s5, $0x0  }
0x1f: {  	s9 =	smul.u32 $0xF7A, s1;
	s8 =	simm.s32 @!p0 $0x1BF5;
	p2 =	por !p2, p0  }
0x20: {  	[sflag:s8] =	ssyncset.s32 @!p0 $0xFFFFF086;
	s6 =	sadd.s32 @!p0 s3, s7;
	s7 =	simm.s32 @!p0 $0x108  }
0x21: {  	s3 =	sadd.s32 s3, s9;
	s6 =	sadd.s32 @!p0 $0x88, s6;
	s7 =	simm.s32 @p2 $0x1082  }
0x22: {  	[simem:s7], [sflag:s8] =	dma.local @!p0 [hbm:s6], $0xF7A  }
0x23: {  	s9 =	sor.u32 $0xD0000000, s2;
	s6 =	simm.s32 $0x108;
	_ =	swait.ge @!p0 [sflag:s8], $0x0  }
0x24: {  	s3 =	sadd.s32 $0x88, s3;
	s6 =	simm.s32 @!p1 $0x1082;
	[sflag:s4] =	ssyncset.s32 $0xFFFFF086  }
0x25: {  	[simem:s6], [sflag:s4] =	dma.local [hbm:s3], $0xF7A  }
0x26: {  	[smem:$0x3F96] =	sst s1;
	(tag) =	ssettag s2;
	_ =	strace s9  }
0x27: {  	s1 =	sld [smem:$0x3FA6]  }
0x28: {  	s2 =	sld [smem:$0x3FA7]  }
0x29: {  	s4 =	sld [smem:$0x3FA9]  }
0x2a: {  	p0 =	seq.s32 s5, $0x0;
	s5 =	sld [smem:$0x3FAA]  }
0x2b: {  	s6 =	sld [smem:$0x3FAB]  }
0x2c: {  	s7 =	sld [smem:$0x3FAC]  }
0x2d: {  	s3 =	simm.s32 $0x108;
	s8 =	sld [smem:$0x3FAD]  }
0x2e: {  	s3 =	simm.s32 @!p0 $0x1082;
	s9 =	sld [smem:$0x3FAE]  }
0x2f: {  	lr =	sadd.s32 s0, s3;
	s0 =	sld [smem:$0x3FA5]  }
0x30: {  	s3 =	sld [smem:$0x3FA8]  }
0x31: {  	[smem:$0x3FB1] =	sst s10  }
0x32: {  	s10 =	sld [smem:$0x3FAF];
	_ =	sdelay $0x3  }
0x33: {  	p0 =	seq.s32 s10, $0x1;
	s10 =	sld [smem:$0x3FB1];
	_ =	sdelay $0x3  }
0x34: {  	[smem:$0x3FB1] =	sst s10  }
0x35: {  	s10 =	sld [smem:$0x3FB0];
	_ =	sdelay $0x3  }
0x36: {  	p1 =	seq.s32 s10, $0x1;
	s10 =	sld [smem:$0x3FB1];
	_ =	sdelay $0x3  }
0x37: {  	[smem:$0x3FB1] =	sst s10  }
0x38: {  	s10 =	sld [smem:$0x3FB2]  }
0x39: {  	_ = 	snop;
	(pc) =	sbr.ind lr, $3  }
0x3a: {  	_ = 	snop  }
0x3b: {  	_ = 	snop  }
0x3c: {  	p2 =	seq.s32 s10, $0x1;
	s10 =	sld [smem:$0x3FB1]  }
0x3d: {  	_ =	shalt  }
0x3e: {  	_ =	shalt  }
0x3f: {  	_ =	shalt  }
0x40: {  	_ =	shalt  }
0x41: {  	_ =	shalt  }
0x42: {  	_ =	shalt  }
0x43: {  	_ =	shalt  }
0x44: {  	_ =	shalt  }
0x45: {  	_ =	shalt  }
0x46: {  	_ =	shalt  }
0x47: {  	_ =	shalt  }
0x48: {  	_ =	shalt  }
0x49: {  	_ =	shalt  }
0x4a: {  	_ =	shalt  }
0x4b: {  	_ =	shalt  }
0x4c: {  	_ =	shalt  }
0x4d: {  	_ =	shalt  }
0x4e: {  	_ =	shalt  }
0x4f: {  	_ =	shalt  }
0x50: {  	_ =	shalt  }
0x51: {  	_ =	shalt  }
0x52: {  	_ =	shalt  }
0x53: {  	_ =	shalt  }
0x54: {  	_ =	shalt  }
0x55: {  	_ =	shalt  }
0x56: {  	_ =	shalt  }
0x57: {  	_ =	shalt  }
0x58: {  	_ =	shalt  }
0x59: {  	_ =	shalt  }
0x5a: {  	_ =	shalt  }
0x5b: {  	_ =	shalt  }
0x5c: {  	_ =	shalt  }
0x5d: {  	_ =	shalt  }
0x5e: {  	_ =	shalt  }
0x5f: {  	_ =	shalt  }
0x60: {  	_ =	shalt  }
0x61: {  	_ =	shalt  }
0x62: {  	_ =	shalt  }
0x63: {  	_ =	shalt  }
0x64: {  	_ =	shalt  }
0x65: {  	_ =	shalt  }
0x66: {  	_ =	shalt  }
0x67: {  	_ =	shalt  }
0x68: {  	_ =	shalt  }
0x69: {  	_ =	shalt  }
0x6a: {  	_ =	shalt  }
0x6b: {  	_ =	shalt  }
0x6c: {  	_ =	shalt  }
0x6d: {  	_ =	shalt  }
0x6e: {  	_ =	shalt  }
0x6f: {  	_ =	shalt  }
0x70: {  	_ =	shalt  }
0x71: {  	_ =	shalt  }
0x72: {  	_ =	shalt  }
0x73: {  	_ =	shalt  }
0x74: {  	_ =	shalt  }
0x75: {  	_ =	shalt  }
0x76: {  	_ =	shalt  }
0x77: {  	_ =	shalt  }
0x78: {  	_ =	shalt  }
0x79: {  	_ =	shalt  }
0x7a: {  	_ =	shalt  }
0x7b: {  	_ =	shalt  }
0x7c: {  	_ =	shalt  }
0x7d: {  	_ =	shalt  }
0x7e: {  	_ =	shalt  }
0x7f: {  	_ =	shalt  }
0x80: {  	_ =	shalt  }
0x81: {  	_ =	shalt  }
0x82: {  	_ =	shalt  }
0x83: {  	_ =	shalt  }
0x84: {  	_ =	shalt  }
0x85: {  	_ =	shalt  }
0x86: {  	_ =	shalt  }
0x87: {  	_ =	shalt  }
.Lfunc_end0:
.L_simem_size_0:
called_computation.1_lowered:
.L_overlay_start_0:
0x88: {  	s2 =	sld [smem:$0x3FD9]  }
0x89: {  	s3 =	sld [smem:$0x3FFE];
	_ =	sdelay $0x1  }
0x8a: {  	s1 =	srdreg.scid  }
0x8b: {  	s0 =	sand.u32 $0x1, s1  }
0x8c: {  	s17 =	sshll.u32 s0, $0xA;
	s2 =	sadd.s32 s3, s2  }
0x8d: {  	s2 =	sadd.s32 s2, s17  }
0x8e: {  	[smem:$0x3FBD] =	sst s2  }
0x8f: {  	_ = 	snop  }
0x90: {  	s2 =	sld [smem:$0x3FD0];
	(tm) =	ssettm $0x1  }
0x91: {  	s18 =	sld [smem:$0x3FFB];
	_ =	sdelay $0x3  }
0x92: {  	_ =	strace s18  }
0x93: {  	s3 =	sld [smem:$0x3FFC];
	_ =	sdelay $0x3  }
0x94: {  	_ =	strace s3  }
0x95: {  	s3 =	sld [smem:$0x3FFD];
	_ =	sdelay $0x3  }
0x96: {  	_ =	strace s3  }
0x97: {  	_ =	strace $0x8FFFFFFF  }
0x98: {  	s19 =	sld [smem:$0x3FDB];
	_ =	sdelay $0x1  }
0x99: {  	s4 =	simm.s32 $_scs_section_size  }
0x9a: {  	s5 =	simm.s32 $_size__tile_overlayer_lowered;
	s6 =	simm.s32 $_tile_overlayer_lowered  }
0x9b: {  	s22 =	simm.s32 $0x1BFF;
	s21 =	sshll.u32 s6, $0x1;
	s3 =	sadd.s32 s4, s19  }
0x9c: {  	s7 =	simm.s32 $0x0;
	s20 =	sshll.u32 s5, $0x1;
	s5 =	sadd.s32 s21, s3  }
0x9d: {  	[timem:s7], [sflag:s22] =	dma.local [hbm:s5], s20  }
0x9e: {  	_ =	swait.ge [sflag:s22], s20  }
0x9f: {  	s4 =	ssub.s32 $0x0, s20;
	[sflag:s22] =	ssyncset.done $0x0  }
0xa0: {  	[sflag:s22] =	ssyncadd.s32 s4;
	_ =	sdelay $0x1  }
0xa1: {  	s23 =	simm.s32 $0x1B8B  }
0xa2: {  	_ =	swait.ge [sflag:s23], $0x1  }
0xa3: {  	[sflag:s23] =	ssyncset.done $0x0  }
0xa4: {  	s25 =	simm.s32 $0x1B8E;
	s24 =	sld [smem:$0x3FFE];
	[sflag:s23] =	ssyncadd.s32 $0xFFFFFFFF  }
0xa5: {  	s26 =	simm.s32 $execute0_lowered;
	[smem:$0x3FD2] =	sst s25  }
0xa6: {  	s5 =	sshll.u32 s26, $0x1;
	_ =	strace $0x80000049;
	[dreg:$0x1] =	wrdreg $0xFFFFFFFF  }
0xa7: {  	s28 =	simm.s32 $_size_execute0_lowered;
	s3 =	sadd.s32 s3, s5;
	[dreg:$0x0] =	wrdreg $0x0  }
0xa8: {  	s5 =	sshll.u32 s28, $0x1;
	[dreg:$0x2] =	wrdreg s3  }
0xa9: {  	[dreg:$0x3] =	wrdreg s5  }
0xaa: {  	[dreg:$0x4] =	wrdreg $0xC0  }
0xab: {  	_ =	task [dreg:s7], $0x5FFFF  }
0xac: {  	[dreg:$0x1] =	wrdreg $0xFFFFFFFF  }
0xad: {  	[dreg:$0x0] =	wrdreg $0x60  }
0xae: {  	[dreg:$0x2] =	wrdreg s24  }
0xaf: {  	[dreg:$0x3] =	wrdreg s2  }
0xb0: {  	[dreg:$0x4] =	wrdreg $0x90000  }
0xb1: {  	[dreg:$0x5] =	wrdreg $0x9  }
0xb2: {  	_ =	task.clear_ibuf [dreg:s7], $0x6FFFF;
	_ =	strace $0x90000049  }
0xb3: {  	s29 =	simm.s32 $0x9;
	_ =	strace $0x8000004B  }
0xb4: {  	_ =	swait.ge [sflag:s29], $0x1  }
0xb5: {  	[sflag:s29] =	ssyncadd.s32 $0xFFFFFFFF  }
0xb6: {  	_ =	strace $0x9000004B  }
0xb7: {  	_ =	sfence  }
0xb8: {  	s30 =	sld [smem:$0x0];
	_ =	sdelay $0x2  }
0xb9: {  	s31 =	sshll.u32 s1, $0xD;
	s1 =	sshrl.u32 s1, $0x2  }
0xba: {  	s3 =	sand.u32 $0x4000, s31;
	s1 =	sadd.s32 s1, s30  }
0xbb: {  	s0 =	sor.u32 s3, s0;
	s1 =	sshll.u32 s1, $0x11  }
0xbc: {  	s0 =	sor.u32 s1, s0  }
0xbd: {  	s0 =	sadd.s32 $0x8F2B, s0  }
0xbe: {  	[sflag:s0] =	ssyncadd.remote.s32 $0x1  }
0xbf: {  	_ =	sfence.sel $0xFFFF  }
0xc0: {  	[dreg:$0x0] =	wrdreg $0xFFFFFFFF;
	(pc) =	sbr.abs _section_cstart, $3  }
0xc1: {  	[dreg:$0x1] =	wrdreg $0xFFFFFFFF  }
0xc2: {  	_ =	task.clear_ibuf [dreg:s7], $0x2FFFF;
	_ =	strace $0x9FFFFFFF  }
0xc3: {  	(tm) =	ssettm $0x7FFFFFFF  }
tec
execute0_lowered:
.L_overlay_start_1:
0x0: {  	(tag) =	ssettag $0x1  }
0x1: {  	s0 =	rddreg [dreg:$0x0]  }
0x2: {  	s1 =	srdreg.scid;
	s6 =	rddreg [dreg:$0x1]  }
0x3: {  	s12 =	stileid.u32;
	s2 =	rddreg [dreg:$0x2];
	s3 =	simm.s32 $0x0  }
0x4: {  	s13 =	simm.s32 $0x800;
	s14 =	simm.s32 $0x80;
	s15 =	simm.s32 $0x1000  }
0x5: {  	s16 =	simm.s32 $0x5000;
	s17 =	simm.s32 $0x1;
	s18 =	simm.s32 $0x3  }
0x6: {  	s28 =	simm.s32 $0xE80;
	s29 =	simm.s32 $0x780;
	s5 =	smul.u32 $0x2800, s12  }
0x7: {  	s30 =	simm.s32 $0xF00;
	s31 =	simm.s32 $0xF80;
	s9 =	smul.u32 $0x14000, s12  }
0x8: {  	s1 =	sand.u32 $0x1, s1;
	[smem:$0x7FF] =	sst s3;
	s19 =	smul.u32 $0x50000, s12  }
0x9: {  	s11 =	sadd.s32 $0x6FC00, s0;
	s22 =	sshll.u32 s12, $0x6;
	s4 =	smul.u32 $0x28000, s1  }
0xa: {  	s12 =	simm.s32 $0x5;
	s7 =	smul.u32 $0x140000, s1;
	_ =	strace $0x8000004A  }
0xb: {  	s1 =	ssub.s32 $0x2, s1;
	[dreg:$0x8] =	wrdreg s11;
	s11 =	simm.s32 $0x580  }
0xc: {  	s20 =	sshrl.u32 s1, $0x1;
	s21 =	sshrl.u32 s19, $0x2;
	s19 =	simm.s32 $0xD00  }
0xd: {  	s4 =	sadd.s32 s5, s4;
	s5 =	sadd.s32 $0x47C00, s0;
	s7 =	sadd.s32 s9, s7  }
0xe: {  	s1 =	ssub.s32 s1, s20;
	s9 =	sor.u32 $0x1C05, s22;
	s20 =	simm.s32 $0x2  }
0xf: {  	s22 =	simm.s32 $0x4;
	s8 =	sshrl.u32 s4, $0x3;
	s4 =	sadd.s32 $0x1FC00, s0  }
0x10: {  	s7 =	sshrl.u32 s7, $0x3;
	s1 =	smax.u32 s1, $0x1;
	[dreg:$0x9] =	wrdreg s9  }
0x11: {  	s10 =	sadd.s32 s8, s0;
	s6 =	sadd.s32 s8, s6;
	[dreg:$0xc] =	wrdreg s1  }
0x12: {  	s0 =	sadd.s32 s7, s0;
	s23 =	sadd.s32 $0x1C00, s10;
	[dreg:$0x5] =	wrdreg s6  }
0x13: {  	s7 =	sadd.s32 s21, s2;
	s24 =	sadd.s32 $0x72400, s0;
	[dreg:$0x4] =	wrdreg s23  }
0x14: {  	s1 =	simm.s32 $0x0;
	s0 =	sadd.s32 $0xC2400, s0;
	[dreg:$0xa] =	wrdreg s24  }
0x15: {  	s21 =	simm.s32 $0x600;
	s25 =	sadd.s32 $0x15C00, s10;
	[dreg:$0xb] =	wrdreg s0  }
0x16: {  	s26 =	sadd.s32 $0xBC00, s10;
	s8 =	sshrl.u32 s7, $0x3;
	[dreg:$0x6] =	wrdreg s25  }
0x17: {  	s10 =	simm.s32 $0xC00;
	s6 =	simm.s32 $0x500;
	[dreg:$0x7] =	wrdreg s26  }
0x18: {  	s7 =	simm.s32 $0xC80;
	[dreg:$0xd] =	wrdreg s8;
	s23 =	simm.s32 $0xD80  }
0x19: {  	s24 =	simm.s32 $0x680;
	s25 =	simm.s32 $0xE00;
	s26 =	simm.s32 $0x700  }
.LBB2_1:
0x1a: {  	[dreg:$0xe] =	wrdreg s1  }
0x1b: {  	s0 =	rddreg [dreg:$0x8]  }
0x1c: {  	[spmem:s8], [sflag:s9] =	dma.local [hbm:s0], $0x2800  }
0x1d: {  	_ =	swait.ge [sflag:s12], $0x2800  }
0x1e: {  	[sflag:s12] =	ssyncset.done $0x0  }
0x1f: {  	[sflag:s12] =	ssyncadd.s32 $0xFFFFD800  }
0x20: {  	[bflag:$0x0] =	sbarrier.arrive $0xFFFF  }
0x21: {  	s9 =	rddreg [dreg:$0x5]  }
0x22: {  	s0 =	sadd.s32 $0x0, s9  }
0x23: {  	[tilespmem:s3], [sflag:$0x5] =	stream.linear.gather [hbm4b:s0+s3], $0x800, $0x38;
	[tilespmem:$0x1D000] =	vst v63  }
0x24: {  	_ =	swait.ge [sflag:s12], $0x800  }
0x25: {  	s1 =	rddreg [dreg:$0x4];
	[sflag:s12] =	ssyncset.done $0x0  }
0x26: {  	[sflag:s12] =	ssyncadd.s32 $0xFFFFF800;
	s0 =	sadd.s32 $0x0, s1  }
0x27: {  	[tilespmem:s13], [sflag:$0x5] =	stream.linear.gather [hbm4b:s0+s3], $0x800, $0x38;
	[tilespmem:$0x1D000] =	vst v63  }
0x28: {  	_ =	swait.ge [sflag:s12], $0x800  }
0x29: {  	[sflag:s12] =	ssyncset.done $0x0  }
0x2a: {  	[sflag:s12] =	ssyncadd.s32 $0xFFFFF800  }
0x2b: {  	[tilespmem:s15], [sflag:$0x1] =	stream.indirect.gather [hbm4b:s4+s14], $0x80, s3, s14, $0xb8;
	[tilespmem:$0x1D000] =	vst v63  }
0x2c: {  	_ = 	snop  }
0x2d: {  	[tilespmem:s16], [sflag:$0x2] =	stream.indirect.gather [hbm4b:s4+s14], $0x80, s14, s14, $0xb8;
	[tilespmem:$0x1D000] =	vst v63  }
0x2e: {  	_ =	swait.ge [sflag:s17], $0x4000  }
0x2f: {  	[sflag:s17] =	ssyncset.done $0x0  }
0x30: {  	[sflag:s17] =	ssyncadd.s32 $0xFFFFC000  }
0x31: {  	[spmem:s2] =	stream.indirect.scatter.add.f32 [tilespmem:s15], [sflag:$0x3], $0x80, s13, s14, $0xb8;
	[tilespmem:$0x1D000] =	vst v63  }
0x32: {  	_ =	swait.ge [sflag:s18], $0x4000  }
0x33: {  	[sflag:s18] =	ssyncset.done $0x0  }
0x34: {  	s8 =	simm.s32 $0x100;
	[sflag:s18] =	ssyncadd.s32 $0xFFFFC000  }
0x35: {  	[tilespmem:s15], [sflag:$0x1] =	stream.indirect.gather [hbm4b:s4+s14], $0x80, s8, s14, $0xb8;
	[tilespmem:$0x1D000] =	vst v63  }
0x36: {  	_ =	swait.ge [sflag:s20], $0x4000  }
0x37: {  	[sflag:s20] =	ssyncset.done $0x0  }
0x38: {  	s9 =	simm.s32 $0x880;
	[sflag:s20] =	ssyncadd.s32 $0xFFFFC000  }
0x39: {  	[spmem:s2] =	stream.indirect.scatter.add.f32 [tilespmem:s16], [sflag:$0x4], $0x80, s9, s14, $0xb8;
	[tilespmem:$0x1D000] =	vst v63  }
0x3a: {  	_ =	swait.ge [sflag:s22], $0x4000  }
0x3b: {  	[sflag:s22] =	ssyncset.done $0x0  }
0x3c: {  	s1 =	simm.s32 $0x180;
	[sflag:s22] =	ssyncadd.s32 $0xFFFFC000  }
0x3d: {  	[tilespmem:s16], [sflag:$0x2] =	stream.indirect.gather [hbm4b:s4+s14], $0x80, s1, s14, $0xb8;
	[tilespmem:$0x1D000] =	vst v63  }
0x3e: {  	_ =	swait.ge [sflag:s17], $0x4000  }
0x3f: {  	[sflag:s17] =	ssyncset.done $0x0  }
0x40: {  	s8 =	simm.s32 $0x900;
	[sflag:s17] =	ssyncadd.s32 $0xFFFFC000  }
0x41: {  	[spmem:s2] =	stream.indirect.scatter.add.f32 [tilespmem:s15], [sflag:$0x3], $0x80, s8, s14, $0xb8;
	[tilespmem:$0x1D000] =	vst v63  }
0x42: {  	_ =	swait.ge [sflag:s18], $0x4000  }
0x43: {  	[sflag:s18] =	ssyncset.done $0x0  }
0x44: {  	s9 =	simm.s32 $0x200;
	[sflag:s18] =	ssyncadd.s32 $0xFFFFC000  }
0x45: {  	[tilespmem:s15], [sflag:$0x1] =	stream.indirect.gather [hbm4b:s4+s14], $0x80, s9, s14, $0xb8;
	[tilespmem:$0x1D000] =	vst v63  }
0x46: {  	_ =	swait.ge [sflag:s20], $0x4000  }
0x47: {  	[sflag:s20] =	ssyncset.done $0x0  }
0x48: {  	s1 =	simm.s32 $0x980;
	[sflag:s20] =	ssyncadd.s32 $0xFFFFC000  }
0x49: {  	[spmem:s2] =	stream.indirect.scatter.add.f32 [tilespmem:s16], [sflag:$0x4], $0x80, s1, s14, $0xb8;
	[tilespmem:$0x1D000] =	vst v63  }
0x4a: {  	_ =	swait.ge [sflag:s22], $0x4000  }
0x4b: {  	[sflag:s22] =	ssyncset.done $0x0  }
0x4c: {  	s8 =	simm.s32 $0x280;
	[sflag:s22] =	ssyncadd.s32 $0xFFFFC000  }
0x4d: {  	[tilespmem:s16], [sflag:$0x2] =	stream.indirect.gather [hbm4b:s4+s14], $0x80, s8, s14, $0xb8;
	[tilespmem:$0x1D000] =	vst v63  }
0x4e: {  	_ =	swait.ge [sflag:s17], $0x4000  }
0x4f: {  	[sflag:s17] =	ssyncset.done $0x0  }
0x50: {  	s9 =	simm.s32 $0xA00;
	[sflag:s17] =	ssyncadd.s32 $0xFFFFC000  }
0x51: {  	[spmem:s2] =	stream.indirect.scatter.add.f32 [tilespmem:s15], [sflag:$0x3], $0x80, s9, s14, $0xb8;
	[tilespmem:$0x1D000] =	vst v63  }
0x52: {  	_ =	swait.ge [sflag:s18], $0x4000  }
0x53: {  	[sflag:s18] =	ssyncset.done $0x0  }
0x54: {  	s1 =	simm.s32 $0x300;
	[sflag:s18] =	ssyncadd.s32 $0xFFFFC000  }
0x55: {  	[tilespmem:s15], [sflag:$0x1] =	stream.indirect.gather [hbm4b:s4+s14], $0x80, s1, s14, $0xb8;
	[tilespmem:$0x1D000] =	vst v63  }
0x56: {  	_ =	swait.ge [sflag:s20], $0x4000  }
0x57: {  	[sflag:s20] =	ssyncset.done $0x0  }
0x58: {  	s8 =	simm.s32 $0xA80;
	[sflag:s20] =	ssyncadd.s32 $0xFFFFC000  }
0x59: {  	[spmem:s2] =	stream.indirect.scatter.add.f32 [tilespmem:s16], [sflag:$0x4], $0x80, s8, s14, $0xb8;
	[tilespmem:$0x1D000] =	vst v63  }
0x5a: {  	_ =	swait.ge [sflag:s22], $0x4000  }
0x5b: {  	[sflag:s22] =	ssyncset.done $0x0  }
0x5c: {  	s9 =	simm.s32 $0x380;
	[sflag:s22] =	ssyncadd.s32 $0xFFFFC000  }
0x5d: {  	[tilespmem:s16], [sflag:$0x2] =	stream.indirect.gather [hbm4b:s4+s14], $0x80, s9, s14, $0xb8;
	[tilespmem:$0x1D000] =	vst v63  }
0x5e: {  	_ =	swait.ge [sflag:s17], $0x4000  }
0x5f: {  	[sflag:s17] =	ssyncset.done $0x0  }
0x60: {  	s1 =	simm.s32 $0xB00;
	[sflag:s17] =	ssyncadd.s32 $0xFFFFC000  }
0x61: {  	[spmem:s2] =	stream.indirect.scatter.add.f32 [tilespmem:s15], [sflag:$0x3], $0x80, s1, s14, $0xb8;
	[tilespmem:$0x1D000] =	vst v63  }
0x62: {  	_ =	swait.ge [sflag:s18], $0x4000  }
0x63: {  	[sflag:s18] =	ssyncset.done $0x0  }
0x64: {  	s8 =	simm.s32 $0x400;
	[sflag:s18] =	ssyncadd.s32 $0xFFFFC000  }
0x65: {  	[tilespmem:s15], [sflag:$0x1] =	stream.indirect.gather [hbm4b:s4+s14], $0x80, s8, s14, $0xb8;
	[tilespmem:$0x1D000] =	vst v63  }
0x66: {  	_ =	swait.ge [sflag:s20], $0x4000  }
0x67: {  	[sflag:s20] =	ssyncset.done $0x0  }
0x68: {  	s9 =	simm.s32 $0xB80;
	[sflag:s20] =	ssyncadd.s32 $0xFFFFC000  }
0x69: {  	[spmem:s2] =	stream.indirect.scatter.add.f32 [tilespmem:s16], [sflag:$0x4], $0x80, s9, s14, $0xb8;
	[tilespmem:$0x1D000] =	vst v63  }
0x6a: {  	_ =	swait.ge [sflag:s22], $0x4000  }
0x6b: {  	[sflag:s22] =	ssyncset.done $0x0  }
0x6c: {  	s1 =	simm.s32 $0x480;
	[sflag:s22] =	ssyncadd.s32 $0xFFFFC000  }
0x6d: {  	[tilespmem:s16], [sflag:$0x2] =	stream.indirect.gather [hbm4b:s4+s14], $0x80, s1, s14, $0xb8;
	[tilespmem:$0x1D000] =	vst v63  }
0x6e: {  	_ =	swait.ge [sflag:s17], $0x4000  }
0x6f: {  	[sflag:s17] =	ssyncset.done $0x0  }
0x70: {  	[sflag:s17] =	ssyncadd.s32 $0xFFFFC000  }
0x71: {  	[spmem:s2] =	stream.indirect.scatter.add.f32 [tilespmem:s15], [sflag:$0x3], $0x80, s10, s14, $0xb8;
	[tilespmem:$0x1D000] =	vst v63  }
0x72: {  	_ =	swait.ge [sflag:s18], $0x4000  }
0x73: {  	[sflag:s18] =	ssyncset.done $0x0  }
0x74: {  	[sflag:s18] =	ssyncadd.s32 $0xFFFFC000  }
0x75: {  	[tilespmem:s15], [sflag:$0x1] =	stream.indirect.gather [hbm4b:s4+s14], $0x80, s6, s14, $0xb8;
	[tilespmem:$0x1D000] =	vst v63  }
0x76: {  	_ =	swait.ge [sflag:s20], $0x4000  }
0x77: {  	[sflag:s20] =	ssyncset.done $0x0  }
0x78: {  	[sflag:s20] =	ssyncadd.s32 $0xFFFFC000  }
0x79: {  	[spmem:s2] =	stream.indirect.scatter.add.f32 [tilespmem:s16], [sflag:$0x4], $0x80, s7, s14, $0xb8;
	[tilespmem:$0x1D000] =	vst v63  }
0x7a: {  	_ =	swait.ge [sflag:s22], $0x4000  }
0x7b: {  	[sflag:s22] =	ssyncset.done $0x0  }
0x7c: {  	[sflag:s22] =	ssyncadd.s32 $0xFFFFC000  }
0x7d: {  	[tilespmem:s16], [sflag:$0x2] =	stream.indirect.gather [hbm4b:s4+s14], $0x80, s11, s14, $0xb8;
	[tilespmem:$0x1D000] =	vst v63  }
0x7e: {  	_ =	swait.ge [sflag:s17], $0x4000  }
0x7f: {  	[sflag:s17] =	ssyncset.done $0x0  }
0x80: {  	[sflag:s17] =	ssyncadd.s32 $0xFFFFC000  }
0x81: {  	[spmem:s2] =	stream.indirect.scatter.add.f32 [tilespmem:s15], [sflag:$0x3], $0x80, s19, s14, $0xb8;
	[tilespmem:$0x1D000] =	vst v63  }
0x82: {  	_ =	swait.ge [sflag:s18], $0x4000  }
0x83: {  	[sflag:s18] =	ssyncset.done $0x0  }
0x84: {  	[sflag:s18] =	ssyncadd.s32 $0xFFFFC000  }
0x85: {  	[tilespmem:s15], [sflag:$0x1] =	stream.indirect.gather [hbm4b:s4+s14], $0x80, s21, s14, $0xb8;
	[tilespmem:$0x1D000] =	vst v63  }
0x86: {  	_ =	swait.ge [sflag:s20], $0x4000  }
0x87: {  	[sflag:s20] =	ssyncset.done $0x0  }
0x88: {  	[sflag:s20] =	ssyncadd.s32 $0xFFFFC000  }
0x89: {  	[spmem:s2] =	stream.indirect.scatter.add.f32 [tilespmem:s16], [sflag:$0x4], $0x80, s23, s14, $0xb8;
	[tilespmem:$0x1D000] =	vst v63  }
0x8a: {  	_ =	swait.ge [sflag:s22], $0x4000  }
0x8b: {  	[sflag:s22] =	ssyncset.done $0x0  }
0x8c: {  	[sflag:s22] =	ssyncadd.s32 $0xFFFFC000  }
0x8d: {  	[tilespmem:s16], [sflag:$0x2] =	stream.indirect.gather [hbm4b:s4+s14], $0x80, s24, s14, $0xb8;
	[tilespmem:$0x1D000] =	vst v63  }
0x8e: {  	_ =	swait.ge [sflag:s17], $0x4000  }
0x8f: {  	[sflag:s17] =	ssyncset.done $0x0  }
0x90: {  	[sflag:s17] =	ssyncadd.s32 $0xFFFFC000  }
0x91: {  	[spmem:s2] =	stream.indirect.scatter.add.f32 [tilespmem:s15], [sflag:$0x3], $0x80, s25, s14, $0xb8;
	[tilespmem:$0x1D000] =	vst v63  }
0x92: {  	_ =	swait.ge [sflag:s18], $0x4000  }
0x93: {  	[sflag:s18] =	ssyncset.done $0x0  }
0x94: {  	[sflag:s18] =	ssyncadd.s32 $0xFFFFC000  }
0x95: {  	[tilespmem:s15], [sflag:$0x1] =	stream.indirect.gather [hbm4b:s4+s14], $0x80, s26, s14, $0xb8;
	[tilespmem:$0x1D000] =	vst v63  }
0x96: {  	_ =	swait.ge [sflag:s20], $0x4000  }
0x97: {  	[sflag:s20] =	ssyncset.done $0x0  }
0x98: {  	[sflag:s20] =	ssyncadd.s32 $0xFFFFC000  }
0x99: {  	[spmem:s2] =	stream.indirect.scatter.add.f32 [tilespmem:s16], [sflag:$0x4], $0x80, s28, s14, $0xb8;
	[tilespmem:$0x1D000] =	vst v63  }
0x9a: {  	_ =	swait.ge [sflag:s22], $0x4000  }
0x9b: {  	[sflag:s22] =	ssyncset.done $0x0  }
0x9c: {  	[sflag:s22] =	ssyncadd.s32 $0xFFFFC000  }
0x9d: {  	[tilespmem:s16], [sflag:$0x2] =	stream.indirect.gather [hbm4b:s4+s14], $0x80, s29, s14, $0xb8;
	[tilespmem:$0x1D000] =	vst v63  }
0x9e: {  	_ =	swait.ge [sflag:s17], $0x4000  }
0x9f: {  	[sflag:s17] =	ssyncset.done $0x0  }
0xa0: {  	[sflag:s17] =	ssyncadd.s32 $0xFFFFC000  }
0xa1: {  	[spmem:s2] =	stream.indirect.scatter.add.f32 [tilespmem:s15], [sflag:$0x3], $0x80, s30, s14, $0xb8;
	[tilespmem:$0x1D000] =	vst v63  }
0xa2: {  	_ =	swait.ge [sflag:s20], $0x4000  }
0xa3: {  	[sflag:s20] =	ssyncset.done $0x0  }
0xa4: {  	[sflag:s20] =	ssyncadd.s32 $0xFFFFC000  }
0xa5: {  	[spmem:s2] =	stream.indirect.scatter.add.f32 [tilespmem:s16], [sflag:$0x4], $0x80, s31, s14, $0xb8;
	[tilespmem:$0x1D000] =	vst v63  }
0xa6: {  	_ =	swait.ge [sflag:s18], $0x4000  }
0xa7: {  	[sflag:s18] =	ssyncset.done $0x0  }
0xa8: {  	[sflag:s18] =	ssyncadd.s32 $0xFFFFC000  }
0xa9: {  	_ =	swait.ge [sflag:s22], $0x4000  }
0xaa: {  	s0 =	simm.s32 $0x100;
	[sflag:s22] =	ssyncset.done $0x0  }
.LBB2_2:
0xab: {  	s8 =	rddreg [dreg:$0x5];
	s9 =	smov.u32 s0  }
0xac: {  	[sflag:s22] =	ssyncadd.s32 $0xFFFFC000;
	s8 =	sadd.s32 s9, s8  }
0xad: {  	[tilespmem:s3], [sflag:$0x5] =	stream.linear.gather [hbm4b:s8+s3], $0x800, $0x38;
	[tilespmem:$0x1D000] =	vst v63  }
0xae: {  	_ =	swait.ge [sflag:s12], $0x800  }
0xaf: {  	s8 =	rddreg [dreg:$0x4];
	[sflag:s12] =	ssyncset.done $0x0  }
0xb0: {  	[sflag:s12] =	ssyncadd.s32 $0xFFFFF800;
	s8 =	sadd.s32 s9, s8  }
0xb1: {  	[tilespmem:s13], [sflag:$0x5] =	stream.linear.gather [hbm4b:s8+s3], $0x800, $0x38;
	[tilespmem:$0x1D000] =	vst v63  }
0xb2: {  	_ =	swait.ge [sflag:s12], $0x800  }
0xb3: {  	[sflag:s12] =	ssyncset.done $0x0  }
0xb4: {  	[sflag:s12] =	ssyncadd.s32 $0xFFFFF800  }
0xb5: {  	[tilespmem:s15], [sflag:$0x1] =	stream.indirect.gather [hbm4b:s4+s14], $0x80, s3, s14, $0xb8;
	[tilespmem:$0x1D000] =	vst v63  }
0xb6: {  	_ = 	snop  }
0xb7: {  	[tilespmem:s16], [sflag:$0x2] =	stream.indirect.gather [hbm4b:s4+s14], $0x80, s14, s14, $0xb8;
	[tilespmem:$0x1D000] =	vst v63  }
0xb8: {  	_ =	swait.ge [sflag:s17], $0x4000  }
0xb9: {  	[sflag:s17] =	ssyncset.done $0x0  }
0xba: {  	[sflag:s17] =	ssyncadd.s32 $0xFFFFC000  }
0xbb: {  	[spmem:s2] =	stream.indirect.scatter.add.f32 [tilespmem:s15], [sflag:$0x3], $0x80, s13, s14, $0xb8;
	[tilespmem:$0x1D000] =	vst v63  }
0xbc: {  	_ =	swait.ge [sflag:s18], $0x4000  }
0xbd: {  	[sflag:s18] =	ssyncset.done $0x0  }
0xbe: {  	s9 =	simm.s32 $0x100;
	[sflag:s18] =	ssyncadd.s32 $0xFFFFC000  }
0xbf: {  	[tilespmem:s15], [sflag:$0x1] =	stream.indirect.gather [hbm4b:s4+s14], $0x80, s9, s14, $0xb8;
	[tilespmem:$0x1D000] =	vst v63  }
0xc0: {  	_ =	swait.ge [sflag:s20], $0x4000  }
0xc1: {  	[sflag:s20] =	ssyncset.done $0x0  }
0xc2: {  	s9 =	simm.s32 $0x880;
	[sflag:s20] =	ssyncadd.s32 $0xFFFFC000  }
0xc3: {  	[spmem:s2] =	stream.indirect.scatter.add.f32 [tilespmem:s16], [sflag:$0x4], $0x80, s9, s14, $0xb8;
	[tilespmem:$0x1D000] =	vst v63  }
0xc4: {  	_ =	swait.ge [sflag:s22], $0x4000  }
0xc5: {  	[sflag:s22] =	ssyncset.done $0x0  }
0xc6: {  	s9 =	simm.s32 $0x180;
	[sflag:s22] =	ssyncadd.s32 $0xFFFFC000  }
0xc7: {  	[tilespmem:s16], [sflag:$0x2] =	stream.indirect.gather [hbm4b:s4+s14], $0x80, s9, s14, $0xb8;
	[tilespmem:$0x1D000] =	vst v63  }
0xc8: {  	_ =	swait.ge [sflag:s17], $0x4000  }
0xc9: {  	[sflag:s17] =	ssyncset.done $0x0  }
0xca: {  	s9 =	simm.s32 $0x900;
	[sflag:s17] =	ssyncadd.s32 $0xFFFFC000  }
0xcb: {  	[spmem:s2] =	stream.indirect.scatter.add.f32 [tilespmem:s15], [sflag:$0x3], $0x80, s9, s14, $0xb8;
	[tilespmem:$0x1D000] =	vst v63  }
0xcc: {  	_ =	swait.ge [sflag:s18], $0x4000  }
0xcd: {  	[sflag:s18] =	ssyncset.done $0x0  }
0xce: {  	s9 =	simm.s32 $0x200;
	[sflag:s18] =	ssyncadd.s32 $0xFFFFC000  }
0xcf: {  	[tilespmem:s15], [sflag:$0x1] =	stream.indirect.gather [hbm4b:s4+s14], $0x80, s9, s14, $0xb8;
	[tilespmem:$0x1D000] =	vst v63  }
0xd0: {  	_ =	swait.ge [sflag:s20], $0x4000  }
0xd1: {  	[sflag:s20] =	ssyncset.done $0x0  }
0xd2: {  	s9 =	simm.s32 $0x980;
	[sflag:s20] =	ssyncadd.s32 $0xFFFFC000  }
0xd3: {  	[spmem:s2] =	stream.indirect.scatter.add.f32 [tilespmem:s16], [sflag:$0x4], $0x80, s9, s14, $0xb8;
	[tilespmem:$0x1D000] =	vst v63  }
0xd4: {  	_ =	swait.ge [sflag:s22], $0x4000  }
0xd5: {  	[sflag:s22] =	ssyncset.done $0x0  }
0xd6: {  	s9 =	simm.s32 $0x280;
	[sflag:s22] =	ssyncadd.s32 $0xFFFFC000  }
0xd7: {  	[tilespmem:s16], [sflag:$0x2] =	stream.indirect.gather [hbm4b:s4+s14], $0x80, s9, s14, $0xb8;
	[tilespmem:$0x1D000] =	vst v63  }
0xd8: {  	_ =	swait.ge [sflag:s17], $0x4000  }
0xd9: {  	[sflag:s17] =	ssyncset.done $0x0  }
0xda: {  	s9 =	simm.s32 $0xA00;
	[sflag:s17] =	ssyncadd.s32 $0xFFFFC000  }
0xdb: {  	[spmem:s2] =	stream.indirect.scatter.add.f32 [tilespmem:s15], [sflag:$0x3], $0x80, s9, s14, $0xb8;
	[tilespmem:$0x1D000] =	vst v63  }
0xdc: {  	_ =	swait.ge [sflag:s18], $0x4000  }
0xdd: {  	[sflag:s18] =	ssyncset.done $0x0  }
0xde: {  	s9 =	simm.s32 $0x300;
	[sflag:s18] =	ssyncadd.s32 $0xFFFFC000  }
0xdf: {  	[tilespmem:s15], [sflag:$0x1] =	stream.indirect.gather [hbm4b:s4+s14], $0x80, s9, s14, $0xb8;
	[tilespmem:$0x1D000] =	vst v63  }
0xe0: {  	_ =	swait.ge [sflag:s20], $0x4000  }
0xe1: {  	[sflag:s20] =	ssyncset.done $0x0  }
0xe2: {  	s9 =	simm.s32 $0xA80;
	[sflag:s20] =	ssyncadd.s32 $0xFFFFC000  }
0xe3: {  	[spmem:s2] =	stream.indirect.scatter.add.f32 [tilespmem:s16], [sflag:$0x4], $0x80, s9, s14, $0xb8;
	[tilespmem:$0x1D000] =	vst v63  }
0xe4: {  	_ =	swait.ge [sflag:s22], $0x4000  }
0xe5: {  	[sflag:s22] =	ssyncset.done $0x0  }
0xe6: {  	s9 =	simm.s32 $0x380;
	[sflag:s22] =	ssyncadd.s32 $0xFFFFC000  }
0xe7: {  	[tilespmem:s16], [sflag:$0x2] =	stream.indirect.gather [hbm4b:s4+s14], $0x80, s9, s14, $0xb8;
	[tilespmem:$0x1D000] =	vst v63  }
0xe8: {  	_ =	swait.ge [sflag:s17], $0x4000  }
0xe9: {  	[sflag:s17] =	ssyncset.done $0x0  }
0xea: {  	s9 =	simm.s32 $0xB00;
	[sflag:s17] =	ssyncadd.s32 $0xFFFFC000  }
0xeb: {  	[spmem:s2] =	stream.indirect.scatter.add.f32 [tilespmem:s15], [sflag:$0x3], $0x80, s9, s14, $0xb8;
	[tilespmem:$0x1D000] =	vst v63  }
0xec: {  	_ =	swait.ge [sflag:s18], $0x4000  }
0xed: {  	[sflag:s18] =	ssyncset.done $0x0  }
0xee: {  	s9 =	simm.s32 $0x400;
	[sflag:s18] =	ssyncadd.s32 $0xFFFFC000  }
0xef: {  	[tilespmem:s15], [sflag:$0x1] =	stream.indirect.gather [hbm4b:s4+s14], $0x80, s9, s14, $0xb8;
	[tilespmem:$0x1D000] =	vst v63  }
0xf0: {  	_ =	swait.ge [sflag:s20], $0x4000  }
0xf1: {  	[sflag:s20] =	ssyncset.done $0x0  }
0xf2: {  	s9 =	simm.s32 $0xB80;
	[sflag:s20] =	ssyncadd.s32 $0xFFFFC000  }
0xf3: {  	[spmem:s2] =	stream.indirect.scatter.add.f32 [tilespmem:s16], [sflag:$0x4], $0x80, s9, s14, $0xb8;
	[tilespmem:$0x1D000] =	vst v63  }
0xf4: {  	_ =	swait.ge [sflag:s22], $0x4000  }
0xf5: {  	[sflag:s22] =	ssyncset.done $0x0  }
0xf6: {  	[sflag:s22] =	ssyncadd.s32 $0xFFFFC000  }
0xf7: {  	[tilespmem:s16], [sflag:$0x2] =	stream.indirect.gather [hbm4b:s4+s14], $0x80, s1, s14, $0xb8;
	[tilespmem:$0x1D000] =	vst v63  }
0xf8: {  	_ =	swait.ge [sflag:s17], $0x4000  }
0xf9: {  	[sflag:s17] =	ssyncset.done $0x0  }
0xfa: {  	[sflag:s17] =	ssyncadd.s32 $0xFFFFC000  }
0xfb: {  	[spmem:s2] =	stream.indirect.scatter.add.f32 [tilespmem:s15], [sflag:$0x3], $0x80, s10, s14, $0xb8;
	[tilespmem:$0x1D000] =	vst v63  }
0xfc: {  	_ =	swait.ge [sflag:s18], $0x4000  }
0xfd: {  	[sflag:s18] =	ssyncset.done $0x0  }
0xfe: {  	[sflag:s18] =	ssyncadd.s32 $0xFFFFC000  }
0xff: {  	[tilespmem:s15], [sflag:$0x1] =	stream.indirect.gather [hbm4b:s4+s14], $0x80, s6, s14, $0xb8;
	[tilespmem:$0x1D000] =	vst v63  }
0x100: {  	_ =	swait.ge [sflag:s20], $0x4000  }
0x101: {  	[sflag:s20] =	ssyncset.done $0x0  }
0x102: {  	[sflag:s20] =	ssyncadd.s32 $0xFFFFC000  }
0x103: {  	[spmem:s2] =	stream.indirect.scatter.add.f32 [tilespmem:s16], [sflag:$0x4], $0x80, s7, s14, $0xb8;
	[tilespmem:$0x1D000] =	vst v63  }
0x104: {  	_ =	swait.ge [sflag:s22], $0x4000  }
0x105: {  	[sflag:s22] =	ssyncset.done $0x0  }
0x106: {  	[sflag:s22] =	ssyncadd.s32 $0xFFFFC000  }
0x107: {  	[tilespmem:s16], [sflag:$0x2] =	stream.indirect.gather [hbm4b:s4+s14], $0x80, s11, s14, $0xb8;
	[tilespmem:$0x1D000] =	vst v63  }
0x108: {  	_ =	swait.ge [sflag:s17], $0x4000  }
0x109: {  	[sflag:s17] =	ssyncset.done $0x0  }
0x10a: {  	[sflag:s17] =	ssyncadd.s32 $0xFFFFC000  }
0x10b: {  	[spmem:s2] =	stream.indirect.scatter.add.f32 [tilespmem:s15], [sflag:$0x3], $0x80, s19, s14, $0xb8;
	[tilespmem:$0x1D000] =	vst v63  }
0x10c: {  	_ =	swait.ge [sflag:s18], $0x4000  }
0x10d: {  	[sflag:s18] =	ssyncset.done $0x0  }
0x10e: {  	[sflag:s18] =	ssyncadd.s32 $0xFFFFC000  }
0x10f: {  	[tilespmem:s15], [sflag:$0x1] =	stream.indirect.gather [hbm4b:s4+s14], $0x80, s21, s14, $0xb8;
	[tilespmem:$0x1D000] =	vst v63  }
0x110: {  	_ =	swait.ge [sflag:s20], $0x4000  }
0x111: {  	[sflag:s20] =	ssyncset.done $0x0  }
0x112: {  	[sflag:s20] =	ssyncadd.s32 $0xFFFFC000  }
0x113: {  	[spmem:s2] =	stream.indirect.scatter.add.f32 [tilespmem:s16], [sflag:$0x4], $0x80, s23, s14, $0xb8;
	[tilespmem:$0x1D000] =	vst v63  }
0x114: {  	_ =	swait.ge [sflag:s22], $0x4000  }
0x115: {  	[sflag:s22] =	ssyncset.done $0x0  }
0x116: {  	[sflag:s22] =	ssyncadd.s32 $0xFFFFC000  }
0x117: {  	[tilespmem:s16], [sflag:$0x2] =	stream.indirect.gather [hbm4b:s4+s14], $0x80, s24, s14, $0xb8;
	[tilespmem:$0x1D000] =	vst v63  }
0x118: {  	_ =	swait.ge [sflag:s17], $0x4000  }
0x119: {  	[sflag:s17] =	ssyncset.done $0x0  }
0x11a: {  	[sflag:s17] =	ssyncadd.s32 $0xFFFFC000  }
0x11b: {  	[spmem:s2] =	stream.indirect.scatter.add.f32 [tilespmem:s15], [sflag:$0x3], $0x80, s25, s14, $0xb8;
	[tilespmem:$0x1D000] =	vst v63  }
0x11c: {  	_ =	swait.ge [sflag:s18], $0x4000  }
0x11d: {  	[sflag:s18] =	ssyncset.done $0x0  }
0x11e: {  	[sflag:s18] =	ssyncadd.s32 $0xFFFFC000  }
0x11f: {  	[tilespmem:s15], [sflag:$0x1] =	stream.indirect.gather [hbm4b:s4+s14], $0x80, s26, s14, $0xb8;
	[tilespmem:$0x1D000] =	vst v63  }
0x120: {  	_ =	swait.ge [sflag:s20], $0x4000  }
0x121: {  	[sflag:s20] =	ssyncset.done $0x0  }
0x122: {  	[sflag:s20] =	ssyncadd.s32 $0xFFFFC000  }
0x123: {  	[spmem:s2] =	stream.indirect.scatter.add.f32 [tilespmem:s16], [sflag:$0x4], $0x80, s28, s14, $0xb8;
	[tilespmem:$0x1D000] =	vst v63  }
0x124: {  	_ =	swait.ge [sflag:s22], $0x4000  }
0x125: {  	[sflag:s22] =	ssyncset.done $0x0  }
0x126: {  	[sflag:s22] =	ssyncadd.s32 $0xFFFFC000  }
0x127: {  	[tilespmem:s16], [sflag:$0x2] =	stream.indirect.gather [hbm4b:s4+s14], $0x80, s29, s14, $0xb8;
	[tilespmem:$0x1D000] =	vst v63  }
0x128: {  	_ =	swait.ge [sflag:s17], $0x4000  }
0x129: {  	[sflag:s17] =	ssyncset.done $0x0  }
0x12a: {  	[sflag:s17] =	ssyncadd.s32 $0xFFFFC000  }
0x12b: {  	[spmem:s2] =	stream.indirect.scatter.add.f32 [tilespmem:s15], [sflag:$0x3], $0x80, s30, s14, $0xb8;
	[tilespmem:$0x1D000] =	vst v63  }
0x12c: {  	_ =	swait.ge [sflag:s20], $0x4000  }
0x12d: {  	[sflag:s20] =	ssyncset.done $0x0  }
0x12e: {  	p0 =	sne.s32 s0, $0x400;
	[sflag:s20] =	ssyncadd.s32 $0xFFFFC000  }
0x12f: {  	[spmem:s2] =	stream.indirect.scatter.add.f32 [tilespmem:s16], [sflag:$0x4], $0x80, s31, s14, $0xb8;
	[tilespmem:$0x1D000] =	vst v63  }
.Ltmp0:
0x130: {  	_ =	swait.ge [sflag:s18], $0x4000;
	(pc) =	sbr.rel @p0 .LBB2_2-.Ltmp0, $4  }
0x131: {  	[sflag:s18] =	ssyncset.done $0x0  }
0x132: {  	[sflag:s18] =	ssyncadd.s32 $0xFFFFC000  }
0x133: {  	_ =	swait.ge [sflag:s22], $0x4000  }
0x134: {  	s0 =	sadd.s32 $0x100, s0;
	[sflag:s22] =	ssyncset.done $0x0  }
0x135: {  	[sflag:s22] =	ssyncadd.s32 $0xFFFFC000  }
0x136: {  	[bflag:$0x0] =	sbarrier.arrive $0xFFFF  }
0x137: {  	s8 =	rddreg [dreg:$0x9]  }
0x138: {  	s0 =	rddreg [dreg:$0xa]  }
0x139: {  	s9 =	rddreg [dreg:$0xd]  }
0x13a: {  	[hbm:s0], [sflag:s8] =	dma.local [spmem:s9], $0x2800  }
0x13b: {  	_ =	swait.ge [sflag:s12], $0x2800  }
0x13c: {  	[sflag:s12] =	ssyncset.done $0x0  }
0x13d: {  	[sflag:s12] =	ssyncadd.s32 $0xFFFFD800  }
0x13e: {  	[bflag:$0x0] =	sbarrier.arrive $0xFFFF  }
0x13f: {  	s0 =	rddreg [dreg:$0x8]  }
0x140: {  	[spmem:s9], [sflag:s8] =	dma.local [hbm:s0], $0x2800  }
0x141: {  	_ =	swait.ge [sflag:s12], $0x2800  }
0x142: {  	[sflag:s12] =	ssyncset.done $0x0  }
0x143: {  	[sflag:s12] =	ssyncadd.s32 $0xFFFFD800  }
0x144: {  	[bflag:$0x0] =	sbarrier.arrive $0xFFFF  }
0x145: {  	s8 =	rddreg [dreg:$0x7]  }
0x146: {  	s0 =	sadd.s32 $0x0, s8  }
0x147: {  	[tilespmem:s3], [sflag:$0x5] =	stream.linear.gather [hbm4b:s0+s3], $0x800, $0x38;
	[tilespmem:$0x1D000] =	vst v63  }
0x148: {  	_ =	swait.ge [sflag:s12], $0x800  }
0x149: {  	s9 =	rddreg [dreg:$0x6];
	[sflag:s12] =	ssyncset.done $0x0  }
0x14a: {  	[sflag:s12] =	ssyncadd.s32 $0xFFFFF800;
	s0 =	sadd.s32 $0x0, s9  }
0x14b: {  	[tilespmem:s13], [sflag:$0x5] =	stream.linear.gather [hbm4b:s0+s3], $0x800, $0x38;
	[tilespmem:$0x1D000] =	vst v63  }
0x14c: {  	_ =	swait.ge [sflag:s12], $0x800  }
0x14d: {  	[sflag:s12] =	ssyncset.done $0x0  }
0x14e: {  	[sflag:s12] =	ssyncadd.s32 $0xFFFFF800  }
0x14f: {  	[tilespmem:s15], [sflag:$0x1] =	stream.indirect.gather [hbm4b:s5+s14], $0x80, s3, s14, $0xb8;
	[tilespmem:$0x1D000] =	vst v63  }
0x150: {  	_ = 	snop  }
0x151: {  	[tilespmem:s16], [sflag:$0x2] =	stream.indirect.gather [hbm4b:s5+s14], $0x80, s14, s14, $0xb8;
	[tilespmem:$0x1D000] =	vst v63  }
0x152: {  	_ =	swait.ge [sflag:s17], $0x4000  }
0x153: {  	[sflag:s17] =	ssyncset.done $0x0  }
0x154: {  	[sflag:s17] =	ssyncadd.s32 $0xFFFFC000  }
0x155: {  	[spmem:s2] =	stream.indirect.scatter.add.f32 [tilespmem:s15], [sflag:$0x3], $0x80, s13, s14, $0xb8;
	[tilespmem:$0x1D000] =	vst v63  }
0x156: {  	_ =	swait.ge [sflag:s18], $0x4000  }
0x157: {  	[sflag:s18] =	ssyncset.done $0x0  }
0x158: {  	s8 =	simm.s32 $0x100;
	[sflag:s18] =	ssyncadd.s32 $0xFFFFC000  }
0x159: {  	[tilespmem:s15], [sflag:$0x1] =	stream.indirect.gather [hbm4b:s5+s14], $0x80, s8, s14, $0xb8;
	[tilespmem:$0x1D000] =	vst v63  }
0x15a: {  	_ =	swait.ge [sflag:s20], $0x4000  }
0x15b: {  	[sflag:s20] =	ssyncset.done $0x0  }
0x15c: {  	s9 =	simm.s32 $0x880;
	[sflag:s20] =	ssyncadd.s32 $0xFFFFC000  }
0x15d: {  	[spmem:s2] =	stream.indirect.scatter.add.f32 [tilespmem:s16], [sflag:$0x4], $0x80, s9, s14, $0xb8;
	[tilespmem:$0x1D000] =	vst v63  }
0x15e: {  	_ =	swait.ge [sflag:s22], $0x4000  }
0x15f: {  	[sflag:s22] =	ssyncset.done $0x0  }
0x160: {  	s8 =	simm.s32 $0x180;
	[sflag:s22] =	ssyncadd.s32 $0xFFFFC000  }
0x161: {  	[tilespmem:s16], [sflag:$0x2] =	stream.indirect.gather [hbm4b:s5+s14], $0x80, s8, s14, $0xb8;
	[tilespmem:$0x1D000] =	vst v63  }
0x162: {  	_ =	swait.ge [sflag:s17], $0x4000  }
0x163: {  	[sflag:s17] =	ssyncset.done $0x0  }
0x164: {  	s9 =	simm.s32 $0x900;
	[sflag:s17] =	ssyncadd.s32 $0xFFFFC000  }
0x165: {  	[spmem:s2] =	stream.indirect.scatter.add.f32 [tilespmem:s15], [sflag:$0x3], $0x80, s9, s14, $0xb8;
	[tilespmem:$0x1D000] =	vst v63  }
0x166: {  	_ =	swait.ge [sflag:s18], $0x4000  }
0x167: {  	[sflag:s18] =	ssyncset.done $0x0  }
0x168: {  	s8 =	simm.s32 $0x200;
	[sflag:s18] =	ssyncadd.s32 $0xFFFFC000  }
0x169: {  	[tilespmem:s15], [sflag:$0x1] =	stream.indirect.gather [hbm4b:s5+s14], $0x80, s8, s14, $0xb8;
	[tilespmem:$0x1D000] =	vst v63  }
0x16a: {  	_ =	swait.ge [sflag:s20], $0x4000  }
0x16b: {  	[sflag:s20] =	ssyncset.done $0x0  }
0x16c: {  	s9 =	simm.s32 $0x980;
	[sflag:s20] =	ssyncadd.s32 $0xFFFFC000  }
0x16d: {  	[spmem:s2] =	stream.indirect.scatter.add.f32 [tilespmem:s16], [sflag:$0x4], $0x80, s9, s14, $0xb8;
	[tilespmem:$0x1D000] =	vst v63  }
0x16e: {  	_ =	swait.ge [sflag:s22], $0x4000  }
0x16f: {  	[sflag:s22] =	ssyncset.done $0x0  }
0x170: {  	s8 =	simm.s32 $0x280;
	[sflag:s22] =	ssyncadd.s32 $0xFFFFC000  }
0x171: {  	[tilespmem:s16], [sflag:$0x2] =	stream.indirect.gather [hbm4b:s5+s14], $0x80, s8, s14, $0xb8;
	[tilespmem:$0x1D000] =	vst v63  }
0x172: {  	_ =	swait.ge [sflag:s17], $0x4000  }
0x173: {  	[sflag:s17] =	ssyncset.done $0x0  }
0x174: {  	s9 =	simm.s32 $0xA00;
	[sflag:s17] =	ssyncadd.s32 $0xFFFFC000  }
0x175: {  	[spmem:s2] =	stream.indirect.scatter.add.f32 [tilespmem:s15], [sflag:$0x3], $0x80, s9, s14, $0xb8;
	[tilespmem:$0x1D000] =	vst v63  }
0x176: {  	_ =	swait.ge [sflag:s18], $0x4000  }
0x177: {  	[sflag:s18] =	ssyncset.done $0x0  }
0x178: {  	s8 =	simm.s32 $0x300;
	[sflag:s18] =	ssyncadd.s32 $0xFFFFC000  }
0x179: {  	[tilespmem:s15], [sflag:$0x1] =	stream.indirect.gather [hbm4b:s5+s14], $0x80, s8, s14, $0xb8;
	[tilespmem:$0x1D000] =	vst v63  }
0x17a: {  	_ =	swait.ge [sflag:s20], $0x4000  }
0x17b: {  	[sflag:s20] =	ssyncset.done $0x0  }
0x17c: {  	s9 =	simm.s32 $0xA80;
	[sflag:s20] =	ssyncadd.s32 $0xFFFFC000  }
0x17d: {  	[spmem:s2] =	stream.indirect.scatter.add.f32 [tilespmem:s16], [sflag:$0x4], $0x80, s9, s14, $0xb8;
	[tilespmem:$0x1D000] =	vst v63  }
0x17e: {  	_ =	swait.ge [sflag:s22], $0x4000  }
0x17f: {  	[sflag:s22] =	ssyncset.done $0x0  }
0x180: {  	s8 =	simm.s32 $0x380;
	[sflag:s22] =	ssyncadd.s32 $0xFFFFC000  }
0x181: {  	[tilespmem:s16], [sflag:$0x2] =	stream.indirect.gather [hbm4b:s5+s14], $0x80, s8, s14, $0xb8;
	[tilespmem:$0x1D000] =	vst v63  }
0x182: {  	_ =	swait.ge [sflag:s17], $0x4000  }
0x183: {  	[sflag:s17] =	ssyncset.done $0x0  }
0x184: {  	s9 =	simm.s32 $0xB00;
	[sflag:s17] =	ssyncadd.s32 $0xFFFFC000  }
0x185: {  	[spmem:s2] =	stream.indirect.scatter.add.f32 [tilespmem:s15], [sflag:$0x3], $0x80, s9, s14, $0xb8;
	[tilespmem:$0x1D000] =	vst v63  }
0x186: {  	_ =	swait.ge [sflag:s18], $0x4000  }
0x187: {  	[sflag:s18] =	ssyncset.done $0x0  }
0x188: {  	s8 =	simm.s32 $0x400;
	[sflag:s18] =	ssyncadd.s32 $0xFFFFC000  }
0x189: {  	[tilespmem:s15], [sflag:$0x1] =	stream.indirect.gather [hbm4b:s5+s14], $0x80, s8, s14, $0xb8;
	[tilespmem:$0x1D000] =	vst v63  }
0x18a: {  	_ =	swait.ge [sflag:s20], $0x4000  }
0x18b: {  	[sflag:s20] =	ssyncset.done $0x0  }
0x18c: {  	s9 =	simm.s32 $0xB80;
	[sflag:s20] =	ssyncadd.s32 $0xFFFFC000  }
0x18d: {  	[spmem:s2] =	stream.indirect.scatter.add.f32 [tilespmem:s16], [sflag:$0x4], $0x80, s9, s14, $0xb8;
	[tilespmem:$0x1D000] =	vst v63  }
0x18e: {  	_ =	swait.ge [sflag:s22], $0x4000  }
0x18f: {  	[sflag:s22] =	ssyncset.done $0x0  }
0x190: {  	[sflag:s22] =	ssyncadd.s32 $0xFFFFC000  }
0x191: {  	[tilespmem:s16], [sflag:$0x2] =	stream.indirect.gather [hbm4b:s5+s14], $0x80, s1, s14, $0xb8;
	[tilespmem:$0x1D000] =	vst v63  }
0x192: {  	_ =	swait.ge [sflag:s17], $0x4000  }
0x193: {  	[sflag:s17] =	ssyncset.done $0x0  }
0x194: {  	[sflag:s17] =	ssyncadd.s32 $0xFFFFC000  }
0x195: {  	[spmem:s2] =	stream.indirect.scatter.add.f32 [tilespmem:s15], [sflag:$0x3], $0x80, s10, s14, $0xb8;
	[tilespmem:$0x1D000] =	vst v63  }
0x196: {  	_ =	swait.ge [sflag:s18], $0x4000  }
0x197: {  	[sflag:s18] =	ssyncset.done $0x0  }
0x198: {  	[sflag:s18] =	ssyncadd.s32 $0xFFFFC000  }
0x199: {  	[tilespmem:s15], [sflag:$0x1] =	stream.indirect.gather [hbm4b:s5+s14], $0x80, s6, s14, $0xb8;
	[tilespmem:$0x1D000] =	vst v63  }
0x19a: {  	_ =	swait.ge [sflag:s20], $0x4000  }
0x19b: {  	[sflag:s20] =	ssyncset.done $0x0  }
0x19c: {  	[sflag:s20] =	ssyncadd.s32 $0xFFFFC000  }
0x19d: {  	[spmem:s2] =	stream.indirect.scatter.add.f32 [tilespmem:s16], [sflag:$0x4], $0x80, s7, s14, $0xb8;
	[tilespmem:$0x1D000] =	vst v63  }
0x19e: {  	_ =	swait.ge [sflag:s22], $0x4000  }
0x19f: {  	[sflag:s22] =	ssyncset.done $0x0  }
0x1a0: {  	[sflag:s22] =	ssyncadd.s32 $0xFFFFC000  }
0x1a1: {  	[tilespmem:s16], [sflag:$0x2] =	stream.indirect.gather [hbm4b:s5+s14], $0x80, s11, s14, $0xb8;
	[tilespmem:$0x1D000] =	vst v63  }
0x1a2: {  	_ =	swait.ge [sflag:s17], $0x4000  }
0x1a3: {  	[sflag:s17] =	ssyncset.done $0x0  }
0x1a4: {  	[sflag:s17] =	ssyncadd.s32 $0xFFFFC000  }
0x1a5: {  	[spmem:s2] =	stream.indirect.scatter.add.f32 [tilespmem:s15], [sflag:$0x3], $0x80, s19, s14, $0xb8;
	[tilespmem:$0x1D000] =	vst v63  }
0x1a6: {  	_ =	swait.ge [sflag:s18], $0x4000  }
0x1a7: {  	[sflag:s18] =	ssyncset.done $0x0  }
0x1a8: {  	[sflag:s18] =	ssyncadd.s32 $0xFFFFC000  }
0x1a9: {  	[tilespmem:s15], [sflag:$0x1] =	stream.indirect.gather [hbm4b:s5+s14], $0x80, s21, s14, $0xb8;
	[tilespmem:$0x1D000] =	vst v63  }
0x1aa: {  	_ =	swait.ge [sflag:s20], $0x4000  }
0x1ab: {  	[sflag:s20] =	ssyncset.done $0x0  }
0x1ac: {  	[sflag:s20] =	ssyncadd.s32 $0xFFFFC000  }
0x1ad: {  	[spmem:s2] =	stream.indirect.scatter.add.f32 [tilespmem:s16], [sflag:$0x4], $0x80, s23, s14, $0xb8;
	[tilespmem:$0x1D000] =	vst v63  }
0x1ae: {  	_ =	swait.ge [sflag:s22], $0x4000  }
0x1af: {  	[sflag:s22] =	ssyncset.done $0x0  }
0x1b0: {  	[sflag:s22] =	ssyncadd.s32 $0xFFFFC000  }
0x1b1: {  	[tilespmem:s16], [sflag:$0x2] =	stream.indirect.gather [hbm4b:s5+s14], $0x80, s24, s14, $0xb8;
	[tilespmem:$0x1D000] =	vst v63  }
0x1b2: {  	_ =	swait.ge [sflag:s17], $0x4000  }
0x1b3: {  	[sflag:s17] =	ssyncset.done $0x0  }
0x1b4: {  	[sflag:s17] =	ssyncadd.s32 $0xFFFFC000  }
0x1b5: {  	[spmem:s2] =	stream.indirect.scatter.add.f32 [tilespmem:s15], [sflag:$0x3], $0x80, s25, s14, $0xb8;
	[tilespmem:$0x1D000] =	vst v63  }
0x1b6: {  	_ =	swait.ge [sflag:s18], $0x4000  }
0x1b7: {  	[sflag:s18] =	ssyncset.done $0x0  }
0x1b8: {  	[sflag:s18] =	ssyncadd.s32 $0xFFFFC000  }
0x1b9: {  	[tilespmem:s15], [sflag:$0x1] =	stream.indirect.gather [hbm4b:s5+s14], $0x80, s26, s14, $0xb8;
	[tilespmem:$0x1D000] =	vst v63  }
0x1ba: {  	_ =	swait.ge [sflag:s20], $0x4000  }
0x1bb: {  	[sflag:s20] =	ssyncset.done $0x0  }
0x1bc: {  	[sflag:s20] =	ssyncadd.s32 $0xFFFFC000  }
0x1bd: {  	[spmem:s2] =	stream.indirect.scatter.add.f32 [tilespmem:s16], [sflag:$0x4], $0x80, s28, s14, $0xb8;
	[tilespmem:$0x1D000] =	vst v63  }
0x1be: {  	_ =	swait.ge [sflag:s22], $0x4000  }
0x1bf: {  	[sflag:s22] =	ssyncset.done $0x0  }
0x1c0: {  	[sflag:s22] =	ssyncadd.s32 $0xFFFFC000  }
0x1c1: {  	[tilespmem:s16], [sflag:$0x2] =	stream.indirect.gather [hbm4b:s5+s14], $0x80, s29, s14, $0xb8;
	[tilespmem:$0x1D000] =	vst v63  }
0x1c2: {  	_ =	swait.ge [sflag:s17], $0x4000  }
0x1c3: {  	[sflag:s17] =	ssyncset.done $0x0  }
0x1c4: {  	[sflag:s17] =	ssyncadd.s32 $0xFFFFC000  }
0x1c5: {  	[spmem:s2] =	stream.indirect.scatter.add.f32 [tilespmem:s15], [sflag:$0x3], $0x80, s30, s14, $0xb8;
	[tilespmem:$0x1D000] =	vst v63  }
0x1c6: {  	_ =	swait.ge [sflag:s20], $0x4000  }
0x1c7: {  	[sflag:s20] =	ssyncset.done $0x0  }
0x1c8: {  	[sflag:s20] =	ssyncadd.s32 $0xFFFFC000  }
0x1c9: {  	[spmem:s2] =	stream.indirect.scatter.add.f32 [tilespmem:s16], [sflag:$0x4], $0x80, s31, s14, $0xb8;
	[tilespmem:$0x1D000] =	vst v63  }
0x1ca: {  	_ =	swait.ge [sflag:s18], $0x4000  }
0x1cb: {  	[sflag:s18] =	ssyncset.done $0x0  }
0x1cc: {  	[sflag:s18] =	ssyncadd.s32 $0xFFFFC000  }
0x1cd: {  	_ =	swait.ge [sflag:s22], $0x4000  }
0x1ce: {  	s0 =	simm.s32 $0x100;
	[sflag:s22] =	ssyncset.done $0x0  }
.LBB2_4:
0x1cf: {  	s8 =	rddreg [dreg:$0x7];
	s9 =	smov.u32 s0  }
0x1d0: {  	[sflag:s22] =	ssyncadd.s32 $0xFFFFC000;
	s8 =	sadd.s32 s9, s8  }
0x1d1: {  	[tilespmem:s3], [sflag:$0x5] =	stream.linear.gather [hbm4b:s8+s3], $0x800, $0x38;
	[tilespmem:$0x1D000] =	vst v63  }
0x1d2: {  	_ =	swait.ge [sflag:s12], $0x800  }
0x1d3: {  	s8 =	rddreg [dreg:$0x6];
	[sflag:s12] =	ssyncset.done $0x0  }
0x1d4: {  	[sflag:s12] =	ssyncadd.s32 $0xFFFFF800;
	s8 =	sadd.s32 s9, s8  }
0x1d5: {  	[tilespmem:s13], [sflag:$0x5] =	stream.linear.gather [hbm4b:s8+s3], $0x800, $0x38;
	[tilespmem:$0x1D000] =	vst v63  }
0x1d6: {  	_ =	swait.ge [sflag:s12], $0x800  }
0x1d7: {  	[sflag:s12] =	ssyncset.done $0x0  }
0x1d8: {  	[sflag:s12] =	ssyncadd.s32 $0xFFFFF800  }
0x1d9: {  	[tilespmem:s15], [sflag:$0x1] =	stream.indirect.gather [hbm4b:s5+s14], $0x80, s3, s14, $0xb8;
	[tilespmem:$0x1D000] =	vst v63  }
0x1da: {  	_ = 	snop  }
0x1db: {  	[tilespmem:s16], [sflag:$0x2] =	stream.indirect.gather [hbm4b:s5+s14], $0x80, s14, s14, $0xb8;
	[tilespmem:$0x1D000] =	vst v63  }
0x1dc: {  	_ =	swait.ge [sflag:s17], $0x4000  }
0x1dd: {  	[sflag:s17] =	ssyncset.done $0x0  }
0x1de: {  	[sflag:s17] =	ssyncadd.s32 $0xFFFFC000  }
0x1df: {  	[spmem:s2] =	stream.indirect.scatter.add.f32 [tilespmem:s15], [sflag:$0x3], $0x80, s13, s14, $0xb8;
	[tilespmem:$0x1D000] =	vst v63  }
0x1e0: {  	_ =	swait.ge [sflag:s18], $0x4000  }
0x1e1: {  	[sflag:s18] =	ssyncset.done $0x0  }
0x1e2: {  	s9 =	simm.s32 $0x100;
	[sflag:s18] =	ssyncadd.s32 $0xFFFFC000  }
0x1e3: {  	[tilespmem:s15], [sflag:$0x1] =	stream.indirect.gather [hbm4b:s5+s14], $0x80, s9, s14, $0xb8;
	[tilespmem:$0x1D000] =	vst v63  }
0x1e4: {  	_ =	swait.ge [sflag:s20], $0x4000  }
0x1e5: {  	[sflag:s20] =	ssyncset.done $0x0  }
0x1e6: {  	s9 =	simm.s32 $0x880;
	[sflag:s20] =	ssyncadd.s32 $0xFFFFC000  }
0x1e7: {  	[spmem:s2] =	stream.indirect.scatter.add.f32 [tilespmem:s16], [sflag:$0x4], $0x80, s9, s14, $0xb8;
	[tilespmem:$0x1D000] =	vst v63  }
0x1e8: {  	_ =	swait.ge [sflag:s22], $0x4000  }
0x1e9: {  	[sflag:s22] =	ssyncset.done $0x0  }
0x1ea: {  	s9 =	simm.s32 $0x180;
	[sflag:s22] =	ssyncadd.s32 $0xFFFFC000  }
0x1eb: {  	[tilespmem:s16], [sflag:$0x2] =	stream.indirect.gather [hbm4b:s5+s14], $0x80, s9, s14, $0xb8;
	[tilespmem:$0x1D000] =	vst v63  }
0x1ec: {  	_ =	swait.ge [sflag:s17], $0x4000  }
0x1ed: {  	[sflag:s17] =	ssyncset.done $0x0  }
0x1ee: {  	s9 =	simm.s32 $0x900;
	[sflag:s17] =	ssyncadd.s32 $0xFFFFC000  }
0x1ef: {  	[spmem:s2] =	stream.indirect.scatter.add.f32 [tilespmem:s15], [sflag:$0x3], $0x80, s9, s14, $0xb8;
	[tilespmem:$0x1D000] =	vst v63  }
0x1f0: {  	_ =	swait.ge [sflag:s18], $0x4000  }
0x1f1: {  	[sflag:s18] =	ssyncset.done $0x0  }
0x1f2: {  	s9 =	simm.s32 $0x200;
	[sflag:s18] =	ssyncadd.s32 $0xFFFFC000  }
0x1f3: {  	[tilespmem:s15], [sflag:$0x1] =	stream.indirect.gather [hbm4b:s5+s14], $0x80, s9, s14, $0xb8;
	[tilespmem:$0x1D000] =	vst v63  }
0x1f4: {  	_ =	swait.ge [sflag:s20], $0x4000  }
0x1f5: {  	[sflag:s20] =	ssyncset.done $0x0  }
0x1f6: {  	s9 =	simm.s32 $0x980;
	[sflag:s20] =	ssyncadd.s32 $0xFFFFC000  }
0x1f7: {  	[spmem:s2] =	stream.indirect.scatter.add.f32 [tilespmem:s16], [sflag:$0x4], $0x80, s9, s14, $0xb8;
	[tilespmem:$0x1D000] =	vst v63  }
0x1f8: {  	_ =	swait.ge [sflag:s22], $0x4000  }
0x1f9: {  	[sflag:s22] =	ssyncset.done $0x0  }
0x1fa: {  	s9 =	simm.s32 $0x280;
	[sflag:s22] =	ssyncadd.s32 $0xFFFFC000  }
0x1fb: {  	[tilespmem:s16], [sflag:$0x2] =	stream.indirect.gather [hbm4b:s5+s14], $0x80, s9, s14, $0xb8;
	[tilespmem:$0x1D000] =	vst v63  }
0x1fc: {  	_ =	swait.ge [sflag:s17], $0x4000  }
0x1fd: {  	[sflag:s17] =	ssyncset.done $0x0  }
0x1fe: {  	s9 =	simm.s32 $0xA00;
	[sflag:s17] =	ssyncadd.s32 $0xFFFFC000  }
0x1ff: {  	[spmem:s2] =	stream.indirect.scatter.add.f32 [tilespmem:s15], [sflag:$0x3], $0x80, s9, s14, $0xb8;
	[tilespmem:$0x1D000] =	vst v63  }
0x200: {  	_ =	swait.ge [sflag:s18], $0x4000  }
0x201: {  	[sflag:s18] =	ssyncset.done $0x0  }
0x202: {  	s9 =	simm.s32 $0x300;
	[sflag:s18] =	ssyncadd.s32 $0xFFFFC000  }
0x203: {  	[tilespmem:s15], [sflag:$0x1] =	stream.indirect.gather [hbm4b:s5+s14], $0x80, s9, s14, $0xb8;
	[tilespmem:$0x1D000] =	vst v63  }
0x204: {  	_ =	swait.ge [sflag:s20], $0x4000  }
0x205: {  	[sflag:s20] =	ssyncset.done $0x0  }
0x206: {  	s9 =	simm.s32 $0xA80;
	[sflag:s20] =	ssyncadd.s32 $0xFFFFC000  }
0x207: {  	[spmem:s2] =	stream.indirect.scatter.add.f32 [tilespmem:s16], [sflag:$0x4], $0x80, s9, s14, $0xb8;
	[tilespmem:$0x1D000] =	vst v63  }
0x208: {  	_ =	swait.ge [sflag:s22], $0x4000  }
0x209: {  	[sflag:s22] =	ssyncset.done $0x0  }
0x20a: {  	s9 =	simm.s32 $0x380;
	[sflag:s22] =	ssyncadd.s32 $0xFFFFC000  }
0x20b: {  	[tilespmem:s16], [sflag:$0x2] =	stream.indirect.gather [hbm4b:s5+s14], $0x80, s9, s14, $0xb8;
	[tilespmem:$0x1D000] =	vst v63  }
0x20c: {  	_ =	swait.ge [sflag:s17], $0x4000  }
0x20d: {  	[sflag:s17] =	ssyncset.done $0x0  }
0x20e: {  	s9 =	simm.s32 $0xB00;
	[sflag:s17] =	ssyncadd.s32 $0xFFFFC000  }
0x20f: {  	[spmem:s2] =	stream.indirect.scatter.add.f32 [tilespmem:s15], [sflag:$0x3], $0x80, s9, s14, $0xb8;
	[tilespmem:$0x1D000] =	vst v63  }
0x210: {  	_ =	swait.ge [sflag:s18], $0x4000  }
0x211: {  	[sflag:s18] =	ssyncset.done $0x0  }
0x212: {  	s9 =	simm.s32 $0x400;
	[sflag:s18] =	ssyncadd.s32 $0xFFFFC000  }
0x213: {  	[tilespmem:s15], [sflag:$0x1] =	stream.indirect.gather [hbm4b:s5+s14], $0x80, s9, s14, $0xb8;
	[tilespmem:$0x1D000] =	vst v63  }
0x214: {  	_ =	swait.ge [sflag:s20], $0x4000  }
0x215: {  	[sflag:s20] =	ssyncset.done $0x0  }
0x216: {  	s9 =	simm.s32 $0xB80;
	[sflag:s20] =	ssyncadd.s32 $0xFFFFC000  }
0x217: {  	[spmem:s2] =	stream.indirect.scatter.add.f32 [tilespmem:s16], [sflag:$0x4], $0x80, s9, s14, $0xb8;
	[tilespmem:$0x1D000] =	vst v63  }
0x218: {  	_ =	swait.ge [sflag:s22], $0x4000  }
0x219: {  	[sflag:s22] =	ssyncset.done $0x0  }
0x21a: {  	[sflag:s22] =	ssyncadd.s32 $0xFFFFC000  }
0x21b: {  	[tilespmem:s16], [sflag:$0x2] =	stream.indirect.gather [hbm4b:s5+s14], $0x80, s1, s14, $0xb8;
	[tilespmem:$0x1D000] =	vst v63  }
0x21c: {  	_ =	swait.ge [sflag:s17], $0x4000  }
0x21d: {  	[sflag:s17] =	ssyncset.done $0x0  }
0x21e: {  	[sflag:s17] =	ssyncadd.s32 $0xFFFFC000  }
0x21f: {  	[spmem:s2] =	stream.indirect.scatter.add.f32 [tilespmem:s15], [sflag:$0x3], $0x80, s10, s14, $0xb8;
	[tilespmem:$0x1D000] =	vst v63  }
0x220: {  	_ =	swait.ge [sflag:s18], $0x4000  }
0x221: {  	[sflag:s18] =	ssyncset.done $0x0  }
0x222: {  	[sflag:s18] =	ssyncadd.s32 $0xFFFFC000  }
0x223: {  	[tilespmem:s15], [sflag:$0x1] =	stream.indirect.gather [hbm4b:s5+s14], $0x80, s6, s14, $0xb8;
	[tilespmem:$0x1D000] =	vst v63  }
0x224: {  	_ =	swait.ge [sflag:s20], $0x4000  }
0x225: {  	[sflag:s20] =	ssyncset.done $0x0  }
0x226: {  	[sflag:s20] =	ssyncadd.s32 $0xFFFFC000  }
0x227: {  	[spmem:s2] =	stream.indirect.scatter.add.f32 [tilespmem:s16], [sflag:$0x4], $0x80, s7, s14, $0xb8;
	[tilespmem:$0x1D000] =	vst v63  }
0x228: {  	_ =	swait.ge [sflag:s22], $0x4000  }
0x229: {  	[sflag:s22] =	ssyncset.done $0x0  }
0x22a: {  	[sflag:s22] =	ssyncadd.s32 $0xFFFFC000  }
0x22b: {  	[tilespmem:s16], [sflag:$0x2] =	stream.indirect.gather [hbm4b:s5+s14], $0x80, s11, s14, $0xb8;
	[tilespmem:$0x1D000] =	vst v63  }
0x22c: {  	_ =	swait.ge [sflag:s17], $0x4000  }
0x22d: {  	[sflag:s17] =	ssyncset.done $0x0  }
0x22e: {  	[sflag:s17] =	ssyncadd.s32 $0xFFFFC000  }
0x22f: {  	[spmem:s2] =	stream.indirect.scatter.add.f32 [tilespmem:s15], [sflag:$0x3], $0x80, s19, s14, $0xb8;
	[tilespmem:$0x1D000] =	vst v63  }
0x230: {  	_ =	swait.ge [sflag:s18], $0x4000  }
0x231: {  	[sflag:s18] =	ssyncset.done $0x0  }
0x232: {  	[sflag:s18] =	ssyncadd.s32 $0xFFFFC000  }
0x233: {  	[tilespmem:s15], [sflag:$0x1] =	stream.indirect.gather [hbm4b:s5+s14], $0x80, s21, s14, $0xb8;
	[tilespmem:$0x1D000] =	vst v63  }
0x234: {  	_ =	swait.ge [sflag:s20], $0x4000  }
0x235: {  	[sflag:s20] =	ssyncset.done $0x0  }
0x236: {  	[sflag:s20] =	ssyncadd.s32 $0xFFFFC000  }
0x237: {  	[spmem:s2] =	stream.indirect.scatter.add.f32 [tilespmem:s16], [sflag:$0x4], $0x80, s23, s14, $0xb8;
	[tilespmem:$0x1D000] =	vst v63  }
0x238: {  	_ =	swait.ge [sflag:s22], $0x4000  }
0x239: {  	[sflag:s22] =	ssyncset.done $0x0  }
0x23a: {  	[sflag:s22] =	ssyncadd.s32 $0xFFFFC000  }
0x23b: {  	[tilespmem:s16], [sflag:$0x2] =	stream.indirect.gather [hbm4b:s5+s14], $0x80, s24, s14, $0xb8;
	[tilespmem:$0x1D000] =	vst v63  }
0x23c: {  	_ =	swait.ge [sflag:s17], $0x4000  }
0x23d: {  	[sflag:s17] =	ssyncset.done $0x0  }
0x23e: {  	[sflag:s17] =	ssyncadd.s32 $0xFFFFC000  }
0x23f: {  	[spmem:s2] =	stream.indirect.scatter.add.f32 [tilespmem:s15], [sflag:$0x3], $0x80, s25, s14, $0xb8;
	[tilespmem:$0x1D000] =	vst v63  }
0x240: {  	_ =	swait.ge [sflag:s18], $0x4000  }
0x241: {  	[sflag:s18] =	ssyncset.done $0x0  }
0x242: {  	[sflag:s18] =	ssyncadd.s32 $0xFFFFC000  }
0x243: {  	[tilespmem:s15], [sflag:$0x1] =	stream.indirect.gather [hbm4b:s5+s14], $0x80, s26, s14, $0xb8;
	[tilespmem:$0x1D000] =	vst v63  }
0x244: {  	_ =	swait.ge [sflag:s20], $0x4000  }
0x245: {  	[sflag:s20] =	ssyncset.done $0x0  }
0x246: {  	[sflag:s20] =	ssyncadd.s32 $0xFFFFC000  }
0x247: {  	[spmem:s2] =	stream.indirect.scatter.add.f32 [tilespmem:s16], [sflag:$0x4], $0x80, s28, s14, $0xb8;
	[tilespmem:$0x1D000] =	vst v63  }
0x248: {  	_ =	swait.ge [sflag:s22], $0x4000  }
0x249: {  	[sflag:s22] =	ssyncset.done $0x0  }
0x24a: {  	[sflag:s22] =	ssyncadd.s32 $0xFFFFC000  }
0x24b: {  	[tilespmem:s16], [sflag:$0x2] =	stream.indirect.gather [hbm4b:s5+s14], $0x80, s29, s14, $0xb8;
	[tilespmem:$0x1D000] =	vst v63  }
0x24c: {  	_ =	swait.ge [sflag:s17], $0x4000  }
0x24d: {  	[sflag:s17] =	ssyncset.done $0x0  }
0x24e: {  	[sflag:s17] =	ssyncadd.s32 $0xFFFFC000  }
0x24f: {  	[spmem:s2] =	stream.indirect.scatter.add.f32 [tilespmem:s15], [sflag:$0x3], $0x80, s30, s14, $0xb8;
	[tilespmem:$0x1D000] =	vst v63  }
0x250: {  	_ =	swait.ge [sflag:s20], $0x4000  }
0x251: {  	[sflag:s20] =	ssyncset.done $0x0  }
0x252: {  	p0 =	sne.s32 s0, $0x400;
	[sflag:s20] =	ssyncadd.s32 $0xFFFFC000  }
0x253: {  	[spmem:s2] =	stream.indirect.scatter.add.f32 [tilespmem:s16], [sflag:$0x4], $0x80, s31, s14, $0xb8;
	[tilespmem:$0x1D000] =	vst v63  }
.Ltmp1:
0x254: {  	_ =	swait.ge [sflag:s18], $0x4000;
	(pc) =	sbr.rel @p0 .LBB2_4-.Ltmp1, $4  }
0x255: {  	[sflag:s18] =	ssyncset.done $0x0  }
0x256: {  	[sflag:s18] =	ssyncadd.s32 $0xFFFFC000  }
0x257: {  	_ =	swait.ge [sflag:s22], $0x4000  }
0x258: {  	s0 =	sadd.s32 $0x100, s0;
	[sflag:s22] =	ssyncset.done $0x0  }
0x259: {  	[sflag:s22] =	ssyncadd.s32 $0xFFFFC000  }
0x25a: {  	[bflag:$0x0] =	sbarrier.arrive $0xFFFF  }
0x25b: {  	s9 =	rddreg [dreg:$0x9]  }
0x25c: {  	s0 =	rddreg [dreg:$0xb]  }
0x25d: {  	s8 =	rddreg [dreg:$0xd]  }
0x25e: {  	[hbm:s0], [sflag:s9] =	dma.local [spmem:s8], $0x2800  }
0x25f: {  	_ =	swait.ge [sflag:s12], $0x2800  }
0x260: {  	s1 =	rddreg [dreg:$0xe]  }
0x261: {  	s0 =	rddreg [dreg:$0xc];
	s1 =	sadd.s32 $0x1, s1  }
0x262: {  	p0 =	sne.s32 s1, s0  }
.Ltmp2:
0x263: {  	_ = 	snop;
	(pc) =	sbr.rel @p0 .LBB2_1-.Ltmp2, $3  }
0x264: {  	[sflag:s12] =	ssyncset.done $0x0  }
0x265: {  	[sflag:s12] =	ssyncadd.s32 $0xFFFFD800  }
0x266: {  	[bflag:$0x0] =	sbarrier.arrive $0xFFFF;
	_ =	sdelay $0x1  }
0x267: {  	_ =	sfence.sel $0x180000  }
0x268: {  	[bflag:$0x0] =	sbarrier.arrive $0xFFFF  }
0x269: {  	_ =	strace $0x9000004A  }
0x26a: {  	s0 =	stileid.u32;
	[bflag:$0x2] =	sbarrier.arrive $0xFFFF  }
0x26b: {  	p0 =	sne.s32 s0, $0x0;
	s0 =	rddreg [dreg:$0x3]  }
0x26c: {  	s0 =	sadd.s32 @!p0 $0x100000, s0  }
0x26d: {  	[sflag:s0] =	ssyncadd.tile.s32 @!p0 $0x1;
	_ =	shalt  }
.Lfunc_end2:
_tile_overlayer_lowered:
.L_overlay_start_2:
0x26e: {  	(tag) =	ssettag $0x2  }
0x26f: {  	s0 =	rddreg [dreg:$0x0];
	s2 =	stileid.u32  }
0x270: {  	s1 =	rddreg [dreg:$0x1];
	p0 =	sne.s32 s2, $0x0  }
0x271: {  	s3 =	rddreg [dreg:$0x2];
	[bflag:$0x3] =	sbarrier.arrive $0xFFFF;
	s2 =	simm.s32 @!p0 $0x1C05  }
0x272: {  	[timem:s3], [sflag:s2] =	dma.local @!p0 [hbm:s0], s1  }
0x273: {  	s0 =	simm.s32 @!p0 $0x5  }
0x274: {  	_ =	swait.ge @!p0 [sflag:s0], s1  }
0x275: {  	s1 =	ssub.s32 @!p0 $0x0, s1;
	[sflag:s0] =	ssyncset.done @!p0 $0x0  }
0x276: {  	[sflag:s0] =	ssyncadd.s32 @!p0 s1  }
0x277: {  	[bflag:$0x3] =	sbarrier.arrive $0xFFFF  }
0x278: {  	_ =	shalt  }

// kernel: kernel.8.cloned.1.call-start
scs
__scs_entry_jumppad:
0x0: {  	(pc) =	sbr.rel $0x88, $3  }
0x1: {  	(tag) =	ssettag $0x0;
	lr =	simm.s32 $0x1  }
0x2: {  	[smem:$0x3F96] =	sst lr;
	_ =	strace $0xD0000000  }
0x3: {  	_ = 	snop  }
0x4: {  	_ = 	snop  }
0x5: {  	_ = 	snop  }
0x6: {  	_ = 	snop  }
0x7: {  	_ = 	snop  }
__scs_overlays_trampoline_lowered:
0x8: {  	[smem:$0x3FA5] =	sst s0  }
0x9: {  	[smem:$0x3FA6] =	sst s1  }
0xa: {  	[smem:$0x3FA7] =	sst s2  }
0xb: {  	[smem:$0x3FA8] =	sst s3  }
0xc: {  	[smem:$0x3FA9] =	sst s4  }
0xd: {  	[smem:$0x3FAA] =	sst s5  }
0xe: {  	[smem:$0x3FAB] =	sst s6  }
0xf: {  	[smem:$0x3FAC] =	sst s7  }
0x10: {  	[smem:$0x3FAD] =	sst s8  }
0x11: {  	[smem:$0x3FAE] =	sst s9;
	s0 =	simm.s32 @!p0 $0x0  }
0x12: {  	s1 =	sld [smem:$0x3F94];
	s0 =	simm.s32 @p0 $0x1  }
0x13: {  	[smem:$0x3FAF] =	sst s0;
	s0 =	simm.s32 @!p1 $0x0  }
0x14: {  	s2 =	sld [smem:$0x3F93];
	s0 =	simm.s32 @p1 $0x1  }
0x15: {  	[smem:$0x3FB0] =	sst s0;
	s0 =	simm.s32 @!p2 $0x0  }
0x16: {  	s3 =	sld [smem:$0x3FDB];
	s0 =	simm.s32 @p2 $0x1  }
0x17: {  	s4 =	simm.s32 $0x1BF5;
	[smem:$0x3FB2] =	sst s0  }
0x18: {  	s0 =	sld [smem:$0x3F95];
	_ =	swait.ge [sflag:s4], $0x0  }
0x19: {  	s7 =	sld [smem:$0x3F96]  }
0x1a: {  	s8 =	sadd.s32 $0xFFFFE003, lr  }
0x1b: {  	s9 =	sadd.s32 $0xFFFFFEF7, lr;
	s5 =	simm.s32 $0xFFFFFFFF;
	p2 =	slt.u32 s8, $0xFFFFF086  }
0x1c: {  	p1 =	slt.u32 s9, $0xF7A;
	s5 =	simm.s32 @!p2 $0x0  }
0x1d: {  	s5 =	simm.s32 @p1 $0x1;
	p0 =	seq.s32 s7, s2  }
0x1e: {  	s7 =	smul.u32 @!p0 $0xF7A, s2;
	p2 =	seq.s32 @!p0 s5, $0x0  }
0x1f: {  	s9 =	smul.u32 $0xF7A, s1;
	s8 =	simm.s32 @!p0 $0x1BF5;
	p2 =	por !p2, p0  }
0x20: {  	[sflag:s8] =	ssyncset.s32 @!p0 $0xFFFFF086;
	s6 =	sadd.s32 @!p0 s3, s7;
	s7 =	simm.s32 @!p0 $0x108  }
0x21: {  	s3 =	sadd.s32 s3, s9;
	s6 =	sadd.s32 @!p0 $0x88, s6;
	s7 =	simm.s32 @p2 $0x1082  }
0x22: {  	[simem:s7], [sflag:s8] =	dma.local @!p0 [hbm:s6], $0xF7A  }
0x23: {  	s9 =	sor.u32 $0xD0000000, s2;
	s6 =	simm.s32 $0x108;
	_ =	swait.ge @!p0 [sflag:s8], $0x0  }
0x24: {  	s3 =	sadd.s32 $0x88, s3;
	s6 =	simm.s32 @!p1 $0x1082;
	[sflag:s4] =	ssyncset.s32 $0xFFFFF086  }
0x25: {  	[simem:s6], [sflag:s4] =	dma.local [hbm:s3], $0xF7A  }
0x26: {  	[smem:$0x3F96] =	sst s1;
	(tag) =	ssettag s2;
	_ =	strace s9  }
0x27: {  	s1 =	sld [smem:$0x3FA6]  }
0x28: {  	s2 =	sld [smem:$0x3FA7]  }
0x29: {  	s4 =	sld [smem:$0x3FA9]  }
0x2a: {  	p0 =	seq.s32 s5, $0x0;
	s5 =	sld [smem:$0x3FAA]  }
0x2b: {  	s6 =	sld [smem:$0x3FAB]  }
0x2c: {  	s7 =	sld [smem:$0x3FAC]  }
0x2d: {  	s3 =	simm.s32 $0x108;
	s8 =	sld [smem:$0x3FAD]  }
0x2e: {  	s3 =	simm.s32 @!p0 $0x1082;
	s9 =	sld [smem:$0x3FAE]  }
0x2f: {  	lr =	sadd.s32 s0, s3;
	s0 =	sld [smem:$0x3FA5]  }
0x30: {  	s3 =	sld [smem:$0x3FA8]  }
0x31: {  	[smem:$0x3FB1] =	sst s10  }
0x32: {  	s10 =	sld [smem:$0x3FAF];
	_ =	sdelay $0x3  }
0x33: {  	p0 =	seq.s32 s10, $0x1;
	s10 =	sld [smem:$0x3FB1];
	_ =	sdelay $0x3  }
0x34: {  	[smem:$0x3FB1] =	sst s10  }
0x35: {  	s10 =	sld [smem:$0x3FB0];
	_ =	sdelay $0x3  }
0x36: {  	p1 =	seq.s32 s10, $0x1;
	s10 =	sld [smem:$0x3FB1];
	_ =	sdelay $0x3  }
0x37: {  	[smem:$0x3FB1] =	sst s10  }
0x38: {  	s10 =	sld [smem:$0x3FB2]  }
0x39: {  	_ = 	snop;
	(pc) =	sbr.ind lr, $3  }
0x3a: {  	_ = 	snop  }
0x3b: {  	_ = 	snop  }
0x3c: {  	p2 =	seq.s32 s10, $0x1;
	s10 =	sld [smem:$0x3FB1]  }
0x3d: {  	_ =	shalt  }
0x3e: {  	_ =	shalt  }
0x3f: {  	_ =	shalt  }
0x40: {  	_ =	shalt  }
0x41: {  	_ =	shalt  }
0x42: {  	_ =	shalt  }
0x43: {  	_ =	shalt  }
0x44: {  	_ =	shalt  }
0x45: {  	_ =	shalt  }
0x46: {  	_ =	shalt  }
0x47: {  	_ =	shalt  }
0x48: {  	_ =	shalt  }
0x49: {  	_ =	shalt  }
0x4a: {  	_ =	shalt  }
0x4b: {  	_ =	shalt  }
0x4c: {  	_ =	shalt  }
0x4d: {  	_ =	shalt  }
0x4e: {  	_ =	shalt  }
0x4f: {  	_ =	shalt  }
0x50: {  	_ =	shalt  }
0x51: {  	_ =	shalt  }
0x52: {  	_ =	shalt  }
0x53: {  	_ =	shalt  }
0x54: {  	_ =	shalt  }
0x55: {  	_ =	shalt  }
0x56: {  	_ =	shalt  }
0x57: {  	_ =	shalt  }
0x58: {  	_ =	shalt  }
0x59: {  	_ =	shalt  }
0x5a: {  	_ =	shalt  }
0x5b: {  	_ =	shalt  }
0x5c: {  	_ =	shalt  }
0x5d: {  	_ =	shalt  }
0x5e: {  	_ =	shalt  }
0x5f: {  	_ =	shalt  }
0x60: {  	_ =	shalt  }
0x61: {  	_ =	shalt  }
0x62: {  	_ =	shalt  }
0x63: {  	_ =	shalt  }
0x64: {  	_ =	shalt  }
0x65: {  	_ =	shalt  }
0x66: {  	_ =	shalt  }
0x67: {  	_ =	shalt  }
0x68: {  	_ =	shalt  }
0x69: {  	_ =	shalt  }
0x6a: {  	_ =	shalt  }
0x6b: {  	_ =	shalt  }
0x6c: {  	_ =	shalt  }
0x6d: {  	_ =	shalt  }
0x6e: {  	_ =	shalt  }
0x6f: {  	_ =	shalt  }
0x70: {  	_ =	shalt  }
0x71: {  	_ =	shalt  }
0x72: {  	_ =	shalt  }
0x73: {  	_ =	shalt  }
0x74: {  	_ =	shalt  }
0x75: {  	_ =	shalt  }
0x76: {  	_ =	shalt  }
0x77: {  	_ =	shalt  }
0x78: {  	_ =	shalt  }
0x79: {  	_ =	shalt  }
0x7a: {  	_ =	shalt  }
0x7b: {  	_ =	shalt  }
0x7c: {  	_ =	shalt  }
0x7d: {  	_ =	shalt  }
0x7e: {  	_ =	shalt  }
0x7f: {  	_ =	shalt  }
0x80: {  	_ =	shalt  }
0x81: {  	_ =	shalt  }
0x82: {  	_ =	shalt  }
0x83: {  	_ =	shalt  }
0x84: {  	_ =	shalt  }
0x85: {  	_ =	shalt  }
0x86: {  	_ =	shalt  }
0x87: {  	_ =	shalt  }
.Lfunc_end0:
.L_simem_size_0:
called_computation_lowered:
.L_overlay_start_0:
0x88: {  	s2 =	sld [smem:$0x3FD9]  }
0x89: {  	s3 =	sld [smem:$0x3FFE];
	_ =	sdelay $0x1  }
0x8a: {  	s1 =	srdreg.scid  }
0x8b: {  	s0 =	sand.u32 $0x1, s1  }
0x8c: {  	s17 =	sshll.u32 s0, $0xA;
	s2 =	sadd.s32 s3, s2  }
0x8d: {  	s2 =	sadd.s32 s2, s17  }
0x8e: {  	[smem:$0x3FBD] =	sst s2  }
0x8f: {  	_ = 	snop  }
0x90: {  	s2 =	sld [smem:$0x3FD0];
	(tm) =	ssettm $0x1  }
0x91: {  	s18 =	sld [smem:$0x3FFB];
	_ =	sdelay $0x3  }
0x92: {  	_ =	strace s18  }
0x93: {  	s3 =	sld [smem:$0x3FFC];
	_ =	sdelay $0x3  }
0x94: {  	_ =	strace s3  }
0x95: {  	s3 =	sld [smem:$0x3FFD];
	_ =	sdelay $0x3  }
0x96: {  	_ =	strace s3  }
0x97: {  	_ =	strace $0x8FFFFFFF  }
0x98: {  	s19 =	sld [smem:$0x3FDB];
	_ =	sdelay $0x1  }
0x99: {  	s4 =	simm.s32 $_scs_section_size  }
0x9a: {  	s5 =	simm.s32 $_size__tile_overlayer_lowered;
	s6 =	simm.s32 $_tile_overlayer_lowered  }
0x9b: {  	s22 =	simm.s32 $0x1BFF;
	s21 =	sshll.u32 s6, $0x1;
	s3 =	sadd.s32 s4, s19  }
0x9c: {  	s7 =	simm.s32 $0x0;
	s20 =	sshll.u32 s5, $0x1;
	s5 =	sadd.s32 s21, s3  }
0x9d: {  	[timem:s7], [sflag:s22] =	dma.local [hbm:s5], s20  }
0x9e: {  	_ =	swait.ge [sflag:s22], s20  }
0x9f: {  	s4 =	ssub.s32 $0x0, s20;
	[sflag:s22] =	ssyncset.done $0x0  }
0xa0: {  	[sflag:s22] =	ssyncadd.s32 s4;
	_ =	sdelay $0x1  }
0xa1: {  	s23 =	simm.s32 $0x1B8B  }
0xa2: {  	_ =	swait.ge [sflag:s23], $0x1  }
0xa3: {  	[sflag:s23] =	ssyncset.done $0x0  }
0xa4: {  	s25 =	simm.s32 $0x1B8E;
	s24 =	sld [smem:$0x3FFE];
	[sflag:s23] =	ssyncadd.s32 $0xFFFFFFFF  }
0xa5: {  	s26 =	simm.s32 $execute0_lowered;
	[smem:$0x3FD2] =	sst s25  }
0xa6: {  	s5 =	sshll.u32 s26, $0x1;
	_ =	strace $0x80000046;
	[dreg:$0x1] =	wrdreg $0xFFFFFFFF  }
0xa7: {  	s28 =	simm.s32 $_size_execute0_lowered;
	s3 =	sadd.s32 s3, s5;
	[dreg:$0x0] =	wrdreg $0x0  }
0xa8: {  	s5 =	sshll.u32 s28, $0x1;
	[dreg:$0x2] =	wrdreg s3  }
0xa9: {  	[dreg:$0x3] =	wrdreg s5  }
0xaa: {  	[dreg:$0x4] =	wrdreg $0xC0  }
0xab: {  	_ =	task [dreg:s7], $0x5FFFF  }
0xac: {  	[dreg:$0x1] =	wrdreg $0xFFFFFFFF  }
0xad: {  	[dreg:$0x0] =	wrdreg $0x60  }
0xae: {  	[dreg:$0x2] =	wrdreg s24  }
0xaf: {  	[dreg:$0x3] =	wrdreg s2  }
0xb0: {  	[dreg:$0x4] =	wrdreg $0x90000  }
0xb1: {  	[dreg:$0x5] =	wrdreg $0x9  }
0xb2: {  	_ =	task.clear_ibuf [dreg:s7], $0x6FFFF;
	_ =	strace $0x90000046  }
0xb3: {  	s29 =	simm.s32 $0x9;
	_ =	strace $0x80000048  }
0xb4: {  	_ =	swait.ge [sflag:s29], $0x1  }
0xb5: {  	[sflag:s29] =	ssyncadd.s32 $0xFFFFFFFF  }
0xb6: {  	_ =	strace $0x90000048  }
0xb7: {  	_ =	sfence  }
0xb8: {  	s30 =	sld [smem:$0x0];
	_ =	sdelay $0x2  }
0xb9: {  	s31 =	sshll.u32 s1, $0xD;
	s1 =	sshrl.u32 s1, $0x2  }
0xba: {  	s3 =	sand.u32 $0x4000, s31;
	s1 =	sadd.s32 s1, s30  }
0xbb: {  	s0 =	sor.u32 s3, s0;
	s1 =	sshll.u32 s1, $0x11  }
0xbc: {  	s0 =	sor.u32 s1, s0  }
0xbd: {  	s0 =	sadd.s32 $0x8F2B, s0  }
0xbe: {  	[sflag:s0] =	ssyncadd.remote.s32 $0x1  }
0xbf: {  	_ =	sfence.sel $0xFFFF  }
0xc0: {  	[dreg:$0x0] =	wrdreg $0xFFFFFFFF;
	(pc) =	sbr.abs _section_cstart, $3  }
0xc1: {  	[dreg:$0x1] =	wrdreg $0xFFFFFFFF  }
0xc2: {  	_ =	task.clear_ibuf [dreg:s7], $0x2FFFF;
	_ =	strace $0x9FFFFFFF  }
0xc3: {  	(tm) =	ssettm $0x7FFFFFFF  }
tec
execute0_lowered:
.L_overlay_start_1:
0x0: {  	(tag) =	ssettag $0x1  }
0x1: {  	s0 =	rddreg [dreg:$0x0]  }
0x2: {  	s1 =	srdreg.scid;
	s6 =	rddreg [dreg:$0x1]  }
0x3: {  	s12 =	stileid.u32;
	s2 =	rddreg [dreg:$0x2];
	s3 =	simm.s32 $0x0  }
0x4: {  	s13 =	simm.s32 $0x800;
	s14 =	simm.s32 $0x80;
	s15 =	simm.s32 $0x1000  }
0x5: {  	s16 =	simm.s32 $0x5000;
	s17 =	simm.s32 $0x1;
	s18 =	simm.s32 $0x3  }
0x6: {  	s28 =	simm.s32 $0xE80;
	s29 =	simm.s32 $0x780;
	s5 =	smul.u32 $0x2800, s12  }
0x7: {  	s30 =	simm.s32 $0xF00;
	s31 =	simm.s32 $0xF80;
	s9 =	smul.u32 $0x14000, s12  }
0x8: {  	s1 =	sand.u32 $0x1, s1;
	[smem:$0x7FF] =	sst s3;
	s19 =	smul.u32 $0x50000, s12  }
0x9: {  	s11 =	sadd.s32 $0x6FC00, s0;
	s22 =	sshll.u32 s12, $0x6;
	s4 =	smul.u32 $0x28000, s1  }
0xa: {  	s12 =	simm.s32 $0x5;
	s7 =	smul.u32 $0x140000, s1;
	_ =	strace $0x80000047  }
0xb: {  	s1 =	ssub.s32 $0x2, s1;
	[dreg:$0x8] =	wrdreg s11;
	s11 =	simm.s32 $0x580  }
0xc: {  	s20 =	sshrl.u32 s1, $0x1;
	s21 =	sshrl.u32 s19, $0x2;
	s19 =	simm.s32 $0xD00  }
0xd: {  	s4 =	sadd.s32 s5, s4;
	s5 =	sadd.s32 $0x47C00, s0;
	s7 =	sadd.s32 s9, s7  }
0xe: {  	s1 =	ssub.s32 s1, s20;
	s9 =	sor.u32 $0x1C05, s22;
	s20 =	simm.s32 $0x2  }
0xf: {  	s22 =	simm.s32 $0x4;
	s8 =	sshrl.u32 s4, $0x3;
	s4 =	sadd.s32 $0x1FC00, s0  }
0x10: {  	s7 =	sshrl.u32 s7, $0x3;
	s1 =	smax.u32 s1, $0x1;
	[dreg:$0x9] =	wrdreg s9  }
0x11: {  	s10 =	sadd.s32 s8, s0;
	s6 =	sadd.s32 s8, s6;
	[dreg:$0xc] =	wrdreg s1  }
0x12: {  	s0 =	sadd.s32 s7, s0;
	s23 =	sadd.s32 $0x1C00, s10;
	[dreg:$0x5] =	wrdreg s6  }
0x13: {  	s7 =	sadd.s32 s21, s2;
	s24 =	sadd.s32 $0x72400, s0;
	[dreg:$0x4] =	wrdreg s23  }
0x14: {  	s1 =	simm.s32 $0x0;
	s0 =	sadd.s32 $0xC2400, s0;
	[dreg:$0xa] =	wrdreg s24  }
0x15: {  	s21 =	simm.s32 $0x600;
	s25 =	sadd.s32 $0x15C00, s10;
	[dreg:$0xb] =	wrdreg s0  }
0x16: {  	s26 =	sadd.s32 $0xBC00, s10;
	s8 =	sshrl.u32 s7, $0x3;
	[dreg:$0x6] =	wrdreg s25  }
0x17: {  	s10 =	simm.s32 $0xC00;
	s6 =	simm.s32 $0x500;
	[dreg:$0x7] =	wrdreg s26  }
0x18: {  	s7 =	simm.s32 $0xC80;
	[dreg:$0xd] =	wrdreg s8;
	s23 =	simm.s32 $0xD80  }
0x19: {  	s24 =	simm.s32 $0x680;
	s25 =	simm.s32 $0xE00;
	s26 =	simm.s32 $0x700  }
.LBB2_1:
0x1a: {  	[dreg:$0xe] =	wrdreg s1  }
0x1b: {  	s0 =	rddreg [dreg:$0x8]  }
0x1c: {  	[spmem:s8], [sflag:s9] =	dma.local [hbm:s0], $0x2800  }
0x1d: {  	_ =	swait.ge [sflag:s12], $0x2800  }
0x1e: {  	[sflag:s12] =	ssyncset.done $0x0  }
0x1f: {  	[sflag:s12] =	ssyncadd.s32 $0xFFFFD800  }
0x20: {  	[bflag:$0x0] =	sbarrier.arrive $0xFFFF  }
0x21: {  	s9 =	rddreg [dreg:$0x5]  }
0x22: {  	s0 =	sadd.s32 $0x0, s9  }
0x23: {  	[tilespmem:s3], [sflag:$0x5] =	stream.linear.gather [hbm4b:s0+s3], $0x800, $0x38;
	[tilespmem:$0x1D000] =	vst v63  }
0x24: {  	_ =	swait.ge [sflag:s12], $0x800  }
0x25: {  	s1 =	rddreg [dreg:$0x4];
	[sflag:s12] =	ssyncset.done $0x0  }
0x26: {  	[sflag:s12] =	ssyncadd.s32 $0xFFFFF800;
	s0 =	sadd.s32 $0x0, s1  }
0x27: {  	[tilespmem:s13], [sflag:$0x5] =	stream.linear.gather [hbm4b:s0+s3], $0x800, $0x38;
	[tilespmem:$0x1D000] =	vst v63  }
0x28: {  	_ =	swait.ge [sflag:s12], $0x800  }
0x29: {  	[sflag:s12] =	ssyncset.done $0x0  }
0x2a: {  	[sflag:s12] =	ssyncadd.s32 $0xFFFFF800  }
0x2b: {  	[tilespmem:s15], [sflag:$0x1] =	stream.indirect.gather [hbm4b:s4+s14], $0x80, s3, s14, $0xb8;
	[tilespmem:$0x1D000] =	vst v63  }
0x2c: {  	_ = 	snop  }
0x2d: {  	[tilespmem:s16], [sflag:$0x2] =	stream.indirect.gather [hbm4b:s4+s14], $0x80, s14, s14, $0xb8;
	[tilespmem:$0x1D000] =	vst v63  }
0x2e: {  	_ =	swait.ge [sflag:s17], $0x4000  }
0x2f: {  	[sflag:s17] =	ssyncset.done $0x0  }
0x30: {  	[sflag:s17] =	ssyncadd.s32 $0xFFFFC000  }
0x31: {  	[spmem:s2] =	stream.indirect.scatter.add.f32 [tilespmem:s15], [sflag:$0x3], $0x80, s13, s14, $0xb8;
	[tilespmem:$0x1D000] =	vst v63  }
0x32: {  	_ =	swait.ge [sflag:s18], $0x4000  }
0x33: {  	[sflag:s18] =	ssyncset.done $0x0  }
0x34: {  	s8 =	simm.s32 $0x100;
	[sflag:s18] =	ssyncadd.s32 $0xFFFFC000  }
0x35: {  	[tilespmem:s15], [sflag:$0x1] =	stream.indirect.gather [hbm4b:s4+s14], $0x80, s8, s14, $0xb8;
	[tilespmem:$0x1D000] =	vst v63  }
0x36: {  	_ =	swait.ge [sflag:s20], $0x4000  }
0x37: {  	[sflag:s20] =	ssyncset.done $0x0  }
0x38: {  	s9 =	simm.s32 $0x880;
	[sflag:s20] =	ssyncadd.s32 $0xFFFFC000  }
0x39: {  	[spmem:s2] =	stream.indirect.scatter.add.f32 [tilespmem:s16], [sflag:$0x4], $0x80, s9, s14, $0xb8;
	[tilespmem:$0x1D000] =	vst v63  }
0x3a: {  	_ =	swait.ge [sflag:s22], $0x4000  }
0x3b: {  	[sflag:s22] =	ssyncset.done $0x0  }
0x3c: {  	s1 =	simm.s32 $0x180;
	[sflag:s22] =	ssyncadd.s32 $0xFFFFC000  }
0x3d: {  	[tilespmem:s16], [sflag:$0x2] =	stream.indirect.gather [hbm4b:s4+s14], $0x80, s1, s14, $0xb8;
	[tilespmem:$0x1D000] =	vst v63  }
0x3e: {  	_ =	swait.ge [sflag:s17], $0x4000  }
0x3f: {  	[sflag:s17] =	ssyncset.done $0x0  }
0x40: {  	s8 =	simm.s32 $0x900;
	[sflag:s17] =	ssyncadd.s32 $0xFFFFC000  }
0x41: {  	[spmem:s2] =	stream.indirect.scatter.add.f32 [tilespmem:s15], [sflag:$0x3], $0x80, s8, s14, $0xb8;
	[tilespmem:$0x1D000] =	vst v63  }
0x42: {  	_ =	swait.ge [sflag:s18], $0x4000  }
0x43: {  	[sflag:s18] =	ssyncset.done $0x0  }
0x44: {  	s9 =	simm.s32 $0x200;
	[sflag:s18] =	ssyncadd.s32 $0xFFFFC000  }
0x45: {  	[tilespmem:s15], [sflag:$0x1] =	stream.indirect.gather [hbm4b:s4+s14], $0x80, s9, s14, $0xb8;
	[tilespmem:$0x1D000] =	vst v63  }
0x46: {  	_ =	swait.ge [sflag:s20], $0x4000  }
0x47: {  	[sflag:s20] =	ssyncset.done $0x0  }
0x48: {  	s1 =	simm.s32 $0x980;
	[sflag:s20] =	ssyncadd.s32 $0xFFFFC000  }
0x49: {  	[spmem:s2] =	stream.indirect.scatter.add.f32 [tilespmem:s16], [sflag:$0x4], $0x80, s1, s14, $0xb8;
	[tilespmem:$0x1D000] =	vst v63  }
0x4a: {  	_ =	swait.ge [sflag:s22], $0x4000  }
0x4b: {  	[sflag:s22] =	ssyncset.done $0x0  }
0x4c: {  	s8 =	simm.s32 $0x280;
	[sflag:s22] =	ssyncadd.s32 $0xFFFFC000  }
0x4d: {  	[tilespmem:s16], [sflag:$0x2] =	stream.indirect.gather [hbm4b:s4+s14], $0x80, s8, s14, $0xb8;
	[tilespmem:$0x1D000] =	vst v63  }
0x4e: {  	_ =	swait.ge [sflag:s17], $0x4000  }
0x4f: {  	[sflag:s17] =	ssyncset.done $0x0  }
0x50: {  	s9 =	simm.s32 $0xA00;
	[sflag:s17] =	ssyncadd.s32 $0xFFFFC000  }
0x51: {  	[spmem:s2] =	stream.indirect.scatter.add.f32 [tilespmem:s15], [sflag:$0x3], $0x80, s9, s14, $0xb8;
	[tilespmem:$0x1D000] =	vst v63  }
0x52: {  	_ =	swait.ge [sflag:s18], $0x4000  }
0x53: {  	[sflag:s18] =	ssyncset.done $0x0  }
0x54: {  	s1 =	simm.s32 $0x300;
	[sflag:s18] =	ssyncadd.s32 $0xFFFFC000  }
0x55: {  	[tilespmem:s15], [sflag:$0x1] =	stream.indirect.gather [hbm4b:s4+s14], $0x80, s1, s14, $0xb8;
	[tilespmem:$0x1D000] =	vst v63  }
0x56: {  	_ =	swait.ge [sflag:s20], $0x4000  }
0x57: {  	[sflag:s20] =	ssyncset.done $0x0  }
0x58: {  	s8 =	simm.s32 $0xA80;
	[sflag:s20] =	ssyncadd.s32 $0xFFFFC000  }
0x59: {  	[spmem:s2] =	stream.indirect.scatter.add.f32 [tilespmem:s16], [sflag:$0x4], $0x80, s8, s14, $0xb8;
	[tilespmem:$0x1D000] =	vst v63  }
0x5a: {  	_ =	swait.ge [sflag:s22], $0x4000  }
0x5b: {  	[sflag:s22] =	ssyncset.done $0x0  }
0x5c: {  	s9 =	simm.s32 $0x380;
	[sflag:s22] =	ssyncadd.s32 $0xFFFFC000  }
0x5d: {  	[tilespmem:s16], [sflag:$0x2] =	stream.indirect.gather [hbm4b:s4+s14], $0x80, s9, s14, $0xb8;
	[tilespmem:$0x1D000] =	vst v63  }
0x5e: {  	_ =	swait.ge [sflag:s17], $0x4000  }
0x5f: {  	[sflag:s17] =	ssyncset.done $0x0  }
0x60: {  	s1 =	simm.s32 $0xB00;
	[sflag:s17] =	ssyncadd.s32 $0xFFFFC000  }
0x61: {  	[spmem:s2] =	stream.indirect.scatter.add.f32 [tilespmem:s15], [sflag:$0x3], $0x80, s1, s14, $0xb8;
	[tilespmem:$0x1D000] =	vst v63  }
0x62: {  	_ =	swait.ge [sflag:s18], $0x4000  }
0x63: {  	[sflag:s18] =	ssyncset.done $0x0  }
0x64: {  	s8 =	simm.s32 $0x400;
	[sflag:s18] =	ssyncadd.s32 $0xFFFFC000  }
0x65: {  	[tilespmem:s15], [sflag:$0x1] =	stream.indirect.gather [hbm4b:s4+s14], $0x80, s8, s14, $0xb8;
	[tilespmem:$0x1D000] =	vst v63  }
0x66: {  	_ =	swait.ge [sflag:s20], $0x4000  }
0x67: {  	[sflag:s20] =	ssyncset.done $0x0  }
0x68: {  	s9 =	simm.s32 $0xB80;
	[sflag:s20] =	ssyncadd.s32 $0xFFFFC000  }
0x69: {  	[spmem:s2] =	stream.indirect.scatter.add.f32 [tilespmem:s16], [sflag:$0x4], $0x80, s9, s14, $0xb8;
	[tilespmem:$0x1D000] =	vst v63  }
0x6a: {  	_ =	swait.ge [sflag:s22], $0x4000  }
0x6b: {  	[sflag:s22] =	ssyncset.done $0x0  }
0x6c: {  	s1 =	simm.s32 $0x480;
	[sflag:s22] =	ssyncadd.s32 $0xFFFFC000  }
0x6d: {  	[tilespmem:s16], [sflag:$0x2] =	stream.indirect.gather [hbm4b:s4+s14], $0x80, s1, s14, $0xb8;
	[tilespmem:$0x1D000] =	vst v63  }
0x6e: {  	_ =	swait.ge [sflag:s17], $0x4000  }
0x6f: {  	[sflag:s17] =	ssyncset.done $0x0  }
0x70: {  	[sflag:s17] =	ssyncadd.s32 $0xFFFFC000  }
0x71: {  	[spmem:s2] =	stream.indirect.scatter.add.f32 [tilespmem:s15], [sflag:$0x3], $0x80, s10, s14, $0xb8;
	[tilespmem:$0x1D000] =	vst v63  }
0x72: {  	_ =	swait.ge [sflag:s18], $0x4000  }
0x73: {  	[sflag:s18] =	ssyncset.done $0x0  }
0x74: {  	[sflag:s18] =	ssyncadd.s32 $0xFFFFC000  }
0x75: {  	[tilespmem:s15], [sflag:$0x1] =	stream.indirect.gather [hbm4b:s4+s14], $0x80, s6, s14, $0xb8;
	[tilespmem:$0x1D000] =	vst v63  }
0x76: {  	_ =	swait.ge [sflag:s20], $0x4000  }
0x77: {  	[sflag:s20] =	ssyncset.done $0x0  }
0x78: {  	[sflag:s20] =	ssyncadd.s32 $0xFFFFC000  }
0x79: {  	[spmem:s2] =	stream.indirect.scatter.add.f32 [tilespmem:s16], [sflag:$0x4], $0x80, s7, s14, $0xb8;
	[tilespmem:$0x1D000] =	vst v63  }
0x7a: {  	_ =	swait.ge [sflag:s22], $0x4000  }
0x7b: {  	[sflag:s22] =	ssyncset.done $0x0  }
0x7c: {  	[sflag:s22] =	ssyncadd.s32 $0xFFFFC000  }
0x7d: {  	[tilespmem:s16], [sflag:$0x2] =	stream.indirect.gather [hbm4b:s4+s14], $0x80, s11, s14, $0xb8;
	[tilespmem:$0x1D000] =	vst v63  }
0x7e: {  	_ =	swait.ge [sflag:s17], $0x4000  }
0x7f: {  	[sflag:s17] =	ssyncset.done $0x0  }
0x80: {  	[sflag:s17] =	ssyncadd.s32 $0xFFFFC000  }
0x81: {  	[spmem:s2] =	stream.indirect.scatter.add.f32 [tilespmem:s15], [sflag:$0x3], $0x80, s19, s14, $0xb8;
	[tilespmem:$0x1D000] =	vst v63  }
0x82: {  	_ =	swait.ge [sflag:s18], $0x4000  }
0x83: {  	[sflag:s18] =	ssyncset.done $0x0  }
0x84: {  	[sflag:s18] =	ssyncadd.s32 $0xFFFFC000  }
0x85: {  	[tilespmem:s15], [sflag:$0x1] =	stream.indirect.gather [hbm4b:s4+s14], $0x80, s21, s14, $0xb8;
	[tilespmem:$0x1D000] =	vst v63  }
0x86: {  	_ =	swait.ge [sflag:s20], $0x4000  }
0x87: {  	[sflag:s20] =	ssyncset.done $0x0  }
0x88: {  	[sflag:s20] =	ssyncadd.s32 $0xFFFFC000  }
0x89: {  	[spmem:s2] =	stream.indirect.scatter.add.f32 [tilespmem:s16], [sflag:$0x4], $0x80, s23, s14, $0xb8;
	[tilespmem:$0x1D000] =	vst v63  }
0x8a: {  	_ =	swait.ge [sflag:s22], $0x4000  }
0x8b: {  	[sflag:s22] =	ssyncset.done $0x0  }
0x8c: {  	[sflag:s22] =	ssyncadd.s32 $0xFFFFC000  }
0x8d: {  	[tilespmem:s16], [sflag:$0x2] =	stream.indirect.gather [hbm4b:s4+s14], $0x80, s24, s14, $0xb8;
	[tilespmem:$0x1D000] =	vst v63  }
0x8e: {  	_ =	swait.ge [sflag:s17], $0x4000  }
0x8f: {  	[sflag:s17] =	ssyncset.done $0x0  }
0x90: {  	[sflag:s17] =	ssyncadd.s32 $0xFFFFC000  }
0x91: {  	[spmem:s2] =	stream.indirect.scatter.add.f32 [tilespmem:s15], [sflag:$0x3], $0x80, s25, s14, $0xb8;
	[tilespmem:$0x1D000] =	vst v63  }
0x92: {  	_ =	swait.ge [sflag:s18], $0x4000  }
0x93: {  	[sflag:s18] =	ssyncset.done $0x0  }
0x94: {  	[sflag:s18] =	ssyncadd.s32 $0xFFFFC000  }
0x95: {  	[tilespmem:s15], [sflag:$0x1] =	stream.indirect.gather [hbm4b:s4+s14], $0x80, s26, s14, $0xb8;
	[tilespmem:$0x1D000] =	vst v63  }
0x96: {  	_ =	swait.ge [sflag:s20], $0x4000  }
0x97: {  	[sflag:s20] =	ssyncset.done $0x0  }
0x98: {  	[sflag:s20] =	ssyncadd.s32 $0xFFFFC000  }
0x99: {  	[spmem:s2] =	stream.indirect.scatter.add.f32 [tilespmem:s16], [sflag:$0x4], $0x80, s28, s14, $0xb8;
	[tilespmem:$0x1D000] =	vst v63  }
0x9a: {  	_ =	swait.ge [sflag:s22], $0x4000  }
0x9b: {  	[sflag:s22] =	ssyncset.done $0x0  }
0x9c: {  	[sflag:s22] =	ssyncadd.s32 $0xFFFFC000  }
0x9d: {  	[tilespmem:s16], [sflag:$0x2] =	stream.indirect.gather [hbm4b:s4+s14], $0x80, s29, s14, $0xb8;
	[tilespmem:$0x1D000] =	vst v63  }
0x9e: {  	_ =	swait.ge [sflag:s17], $0x4000  }
0x9f: {  	[sflag:s17] =	ssyncset.done $0x0  }
0xa0: {  	[sflag:s17] =	ssyncadd.s32 $0xFFFFC000  }
0xa1: {  	[spmem:s2] =	stream.indirect.scatter.add.f32 [tilespmem:s15], [sflag:$0x3], $0x80, s30, s14, $0xb8;
	[tilespmem:$0x1D000] =	vst v63  }
0xa2: {  	_ =	swait.ge [sflag:s20], $0x4000  }
0xa3: {  	[sflag:s20] =	ssyncset.done $0x0  }
0xa4: {  	[sflag:s20] =	ssyncadd.s32 $0xFFFFC000  }
0xa5: {  	[spmem:s2] =	stream.indirect.scatter.add.f32 [tilespmem:s16], [sflag:$0x4], $0x80, s31, s14, $0xb8;
	[tilespmem:$0x1D000] =	vst v63  }
0xa6: {  	_ =	swait.ge [sflag:s18], $0x4000  }
0xa7: {  	[sflag:s18] =	ssyncset.done $0x0  }
0xa8: {  	[sflag:s18] =	ssyncadd.s32 $0xFFFFC000  }
0xa9: {  	_ =	swait.ge [sflag:s22], $0x4000  }
0xaa: {  	s0 =	simm.s32 $0x100;
	[sflag:s22] =	ssyncset.done $0x0  }
.LBB2_2:
0xab: {  	s8 =	rddreg [dreg:$0x5];
	s9 =	smov.u32 s0  }
0xac: {  	[sflag:s22] =	ssyncadd.s32 $0xFFFFC000;
	s8 =	sadd.s32 s9, s8  }
0xad: {  	[tilespmem:s3], [sflag:$0x5] =	stream.linear.gather [hbm4b:s8+s3], $0x800, $0x38;
	[tilespmem:$0x1D000] =	vst v63  }
0xae: {  	_ =	swait.ge [sflag:s12], $0x800  }
0xaf: {  	s8 =	rddreg [dreg:$0x4];
	[sflag:s12] =	ssyncset.done $0x0  }
0xb0: {  	[sflag:s12] =	ssyncadd.s32 $0xFFFFF800;
	s8 =	sadd.s32 s9, s8  }
0xb1: {  	[tilespmem:s13], [sflag:$0x5] =	stream.linear.gather [hbm4b:s8+s3], $0x800, $0x38;
	[tilespmem:$0x1D000] =	vst v63  }
0xb2: {  	_ =	swait.ge [sflag:s12], $0x800  }
0xb3: {  	[sflag:s12] =	ssyncset.done $0x0  }
0xb4: {  	[sflag:s12] =	ssyncadd.s32 $0xFFFFF800  }
0xb5: {  	[tilespmem:s15], [sflag:$0x1] =	stream.indirect.gather [hbm4b:s4+s14], $0x80, s3, s14, $0xb8;
	[tilespmem:$0x1D000] =	vst v63  }
0xb6: {  	_ = 	snop  }
0xb7: {  	[tilespmem:s16], [sflag:$0x2] =	stream.indirect.gather [hbm4b:s4+s14], $0x80, s14, s14, $0xb8;
	[tilespmem:$0x1D000] =	vst v63  }
0xb8: {  	_ =	swait.ge [sflag:s17], $0x4000  }
0xb9: {  	[sflag:s17] =	ssyncset.done $0x0  }
0xba: {  	[sflag:s17] =	ssyncadd.s32 $0xFFFFC000  }
0xbb: {  	[spmem:s2] =	stream.indirect.scatter.add.f32 [tilespmem:s15], [sflag:$0x3], $0x80, s13, s14, $0xb8;
	[tilespmem:$0x1D000] =	vst v63  }
0xbc: {  	_ =	swait.ge [sflag:s18], $0x4000  }
0xbd: {  	[sflag:s18] =	ssyncset.done $0x0  }
0xbe: {  	s9 =	simm.s32 $0x100;
	[sflag:s18] =	ssyncadd.s32 $0xFFFFC000  }
0xbf: {  	[tilespmem:s15], [sflag:$0x1] =	stream.indirect.gather [hbm4b:s4+s14], $0x80, s9, s14, $0xb8;
	[tilespmem:$0x1D000] =	vst v63  }
0xc0: {  	_ =	swait.ge [sflag:s20], $0x4000  }
0xc1: {  	[sflag:s20] =	ssyncset.done $0x0  }
0xc2: {  	s9 =	simm.s32 $0x880;
	[sflag:s20] =	ssyncadd.s32 $0xFFFFC000  }
0xc3: {  	[spmem:s2] =	stream.indirect.scatter.add.f32 [tilespmem:s16], [sflag:$0x4], $0x80, s9, s14, $0xb8;
	[tilespmem:$0x1D000] =	vst v63  }
0xc4: {  	_ =	swait.ge [sflag:s22], $0x4000  }
0xc5: {  	[sflag:s22] =	ssyncset.done $0x0  }
0xc6: {  	s9 =	simm.s32 $0x180;
	[sflag:s22] =	ssyncadd.s32 $0xFFFFC000  }
0xc7: {  	[tilespmem:s16], [sflag:$0x2] =	stream.indirect.gather [hbm4b:s4+s14], $0x80, s9, s14, $0xb8;
	[tilespmem:$0x1D000] =	vst v63  }
0xc8: {  	_ =	swait.ge [sflag:s17], $0x4000  }
0xc9: {  	[sflag:s17] =	ssyncset.done $0x0  }
0xca: {  	s9 =	simm.s32 $0x900;
	[sflag:s17] =	ssyncadd.s32 $0xFFFFC000  }
0xcb: {  	[spmem:s2] =	stream.indirect.scatter.add.f32 [tilespmem:s15], [sflag:$0x3], $0x80, s9, s14, $0xb8;
	[tilespmem:$0x1D000] =	vst v63  }
0xcc: {  	_ =	swait.ge [sflag:s18], $0x4000  }
0xcd: {  	[sflag:s18] =	ssyncset.done $0x0  }
0xce: {  	s9 =	simm.s32 $0x200;
	[sflag:s18] =	ssyncadd.s32 $0xFFFFC000  }
0xcf: {  	[tilespmem:s15], [sflag:$0x1] =	stream.indirect.gather [hbm4b:s4+s14], $0x80, s9, s14, $0xb8;
	[tilespmem:$0x1D000] =	vst v63  }
0xd0: {  	_ =	swait.ge [sflag:s20], $0x4000  }
0xd1: {  	[sflag:s20] =	ssyncset.done $0x0  }
0xd2: {  	s9 =	simm.s32 $0x980;
	[sflag:s20] =	ssyncadd.s32 $0xFFFFC000  }
0xd3: {  	[spmem:s2] =	stream.indirect.scatter.add.f32 [tilespmem:s16], [sflag:$0x4], $0x80, s9, s14, $0xb8;
	[tilespmem:$0x1D000] =	vst v63  }
0xd4: {  	_ =	swait.ge [sflag:s22], $0x4000  }
0xd5: {  	[sflag:s22] =	ssyncset.done $0x0  }
0xd6: {  	s9 =	simm.s32 $0x280;
	[sflag:s22] =	ssyncadd.s32 $0xFFFFC000  }
0xd7: {  	[tilespmem:s16], [sflag:$0x2] =	stream.indirect.gather [hbm4b:s4+s14], $0x80, s9, s14, $0xb8;
	[tilespmem:$0x1D000] =	vst v63  }
0xd8: {  	_ =	swait.ge [sflag:s17], $0x4000  }
0xd9: {  	[sflag:s17] =	ssyncset.done $0x0  }
0xda: {  	s9 =	simm.s32 $0xA00;
	[sflag:s17] =	ssyncadd.s32 $0xFFFFC000  }
0xdb: {  	[spmem:s2] =	stream.indirect.scatter.add.f32 [tilespmem:s15], [sflag:$0x3], $0x80, s9, s14, $0xb8;
	[tilespmem:$0x1D000] =	vst v63  }
0xdc: {  	_ =	swait.ge [sflag:s18], $0x4000  }
0xdd: {  	[sflag:s18] =	ssyncset.done $0x0  }
0xde: {  	s9 =	simm.s32 $0x300;
	[sflag:s18] =	ssyncadd.s32 $0xFFFFC000  }
0xdf: {  	[tilespmem:s15], [sflag:$0x1] =	stream.indirect.gather [hbm4b:s4+s14], $0x80, s9, s14, $0xb8;
	[tilespmem:$0x1D000] =	vst v63  }
0xe0: {  	_ =	swait.ge [sflag:s20], $0x4000  }
0xe1: {  	[sflag:s20] =	ssyncset.done $0x0  }
0xe2: {  	s9 =	simm.s32 $0xA80;
	[sflag:s20] =	ssyncadd.s32 $0xFFFFC000  }
0xe3: {  	[spmem:s2] =	stream.indirect.scatter.add.f32 [tilespmem:s16], [sflag:$0x4], $0x80, s9, s14, $0xb8;
	[tilespmem:$0x1D000] =	vst v63  }
0xe4: {  	_ =	swait.ge [sflag:s22], $0x4000  }
0xe5: {  	[sflag:s22] =	ssyncset.done $0x0  }
0xe6: {  	s9 =	simm.s32 $0x380;
	[sflag:s22] =	ssyncadd.s32 $0xFFFFC000  }
0xe7: {  	[tilespmem:s16], [sflag:$0x2] =	stream.indirect.gather [hbm4b:s4+s14], $0x80, s9, s14, $0xb8;
	[tilespmem:$0x1D000] =	vst v63  }
0xe8: {  	_ =	swait.ge [sflag:s17], $0x4000  }
0xe9: {  	[sflag:s17] =	ssyncset.done $0x0  }
0xea: {  	s9 =	simm.s32 $0xB00;
	[sflag:s17] =	ssyncadd.s32 $0xFFFFC000  }
0xeb: {  	[spmem:s2] =	stream.indirect.scatter.add.f32 [tilespmem:s15], [sflag:$0x3], $0x80, s9, s14, $0xb8;
	[tilespmem:$0x1D000] =	vst v63  }
0xec: {  	_ =	swait.ge [sflag:s18], $0x4000  }
0xed: {  	[sflag:s18] =	ssyncset.done $0x0  }
0xee: {  	s9 =	simm.s32 $0x400;
	[sflag:s18] =	ssyncadd.s32 $0xFFFFC000  }
0xef: {  	[tilespmem:s15], [sflag:$0x1] =	stream.indirect.gather [hbm4b:s4+s14], $0x80, s9, s14, $0xb8;
	[tilespmem:$0x1D000] =	vst v63  }
0xf0: {  	_ =	swait.ge [sflag:s20], $0x4000  }
0xf1: {  	[sflag:s20] =	ssyncset.done $0x0  }
0xf2: {  	s9 =	simm.s32 $0xB80;
	[sflag:s20] =	ssyncadd.s32 $0xFFFFC000  }
0xf3: {  	[spmem:s2] =	stream.indirect.scatter.add.f32 [tilespmem:s16], [sflag:$0x4], $0x80, s9, s14, $0xb8;
	[tilespmem:$0x1D000] =	vst v63  }
0xf4: {  	_ =	swait.ge [sflag:s22], $0x4000  }
0xf5: {  	[sflag:s22] =	ssyncset.done $0x0  }
0xf6: {  	[sflag:s22] =	ssyncadd.s32 $0xFFFFC000  }
0xf7: {  	[tilespmem:s16], [sflag:$0x2] =	stream.indirect.gather [hbm4b:s4+s14], $0x80, s1, s14, $0xb8;
	[tilespmem:$0x1D000] =	vst v63  }
0xf8: {  	_ =	swait.ge [sflag:s17], $0x4000  }
0xf9: {  	[sflag:s17] =	ssyncset.done $0x0  }
0xfa: {  	[sflag:s17] =	ssyncadd.s32 $0xFFFFC000  }
0xfb: {  	[spmem:s2] =	stream.indirect.scatter.add.f32 [tilespmem:s15], [sflag:$0x3], $0x80, s10, s14, $0xb8;
	[tilespmem:$0x1D000] =	vst v63  }
0xfc: {  	_ =	swait.ge [sflag:s18], $0x4000  }
0xfd: {  	[sflag:s18] =	ssyncset.done $0x0  }
0xfe: {  	[sflag:s18] =	ssyncadd.s32 $0xFFFFC000  }
0xff: {  	[tilespmem:s15], [sflag:$0x1] =	stream.indirect.gather [hbm4b:s4+s14], $0x80, s6, s14, $0xb8;
	[tilespmem:$0x1D000] =	vst v63  }
0x100: {  	_ =	swait.ge [sflag:s20], $0x4000  }
0x101: {  	[sflag:s20] =	ssyncset.done $0x0  }
0x102: {  	[sflag:s20] =	ssyncadd.s32 $0xFFFFC000  }
0x103: {  	[spmem:s2] =	stream.indirect.scatter.add.f32 [tilespmem:s16], [sflag:$0x4], $0x80, s7, s14, $0xb8;
	[tilespmem:$0x1D000] =	vst v63  }
0x104: {  	_ =	swait.ge [sflag:s22], $0x4000  }
0x105: {  	[sflag:s22] =	ssyncset.done $0x0  }
0x106: {  	[sflag:s22] =	ssyncadd.s32 $0xFFFFC000  }
0x107: {  	[tilespmem:s16], [sflag:$0x2] =	stream.indirect.gather [hbm4b:s4+s14], $0x80, s11, s14, $0xb8;
	[tilespmem:$0x1D000] =	vst v63  }
0x108: {  	_ =	swait.ge [sflag:s17], $0x4000  }
0x109: {  	[sflag:s17] =	ssyncset.done $0x0  }
0x10a: {  	[sflag:s17] =	ssyncadd.s32 $0xFFFFC000  }
0x10b: {  	[spmem:s2] =	stream.indirect.scatter.add.f32 [tilespmem:s15], [sflag:$0x3], $0x80, s19, s14, $0xb8;
	[tilespmem:$0x1D000] =	vst v63  }
0x10c: {  	_ =	swait.ge [sflag:s18], $0x4000  }
0x10d: {  	[sflag:s18] =	ssyncset.done $0x0  }
0x10e: {  	[sflag:s18] =	ssyncadd.s32 $0xFFFFC000  }
0x10f: {  	[tilespmem:s15], [sflag:$0x1] =	stream.indirect.gather [hbm4b:s4+s14], $0x80, s21, s14, $0xb8;
	[tilespmem:$0x1D000] =	vst v63  }
0x110: {  	_ =	swait.ge [sflag:s20], $0x4000  }
0x111: {  	[sflag:s20] =	ssyncset.done $0x0  }
0x112: {  	[sflag:s20] =	ssyncadd.s32 $0xFFFFC000  }
0x113: {  	[spmem:s2] =	stream.indirect.scatter.add.f32 [tilespmem:s16], [sflag:$0x4], $0x80, s23, s14, $0xb8;
	[tilespmem:$0x1D000] =	vst v63  }
0x114: {  	_ =	swait.ge [sflag:s22], $0x4000  }
0x115: {  	[sflag:s22] =	ssyncset.done $0x0  }
0x116: {  	[sflag:s22] =	ssyncadd.s32 $0xFFFFC000  }
0x117: {  	[tilespmem:s16], [sflag:$0x2] =	stream.indirect.gather [hbm4b:s4+s14], $0x80, s24, s14, $0xb8;
	[tilespmem:$0x1D000] =	vst v63  }
0x118: {  	_ =	swait.ge [sflag:s17], $0x4000  }
0x119: {  	[sflag:s17] =	ssyncset.done $0x0  }
0x11a: {  	[sflag:s17] =	ssyncadd.s32 $0xFFFFC000  }
0x11b: {  	[spmem:s2] =	stream.indirect.scatter.add.f32 [tilespmem:s15], [sflag:$0x3], $0x80, s25, s14, $0xb8;
	[tilespmem:$0x1D000] =	vst v63  }
0x11c: {  	_ =	swait.ge [sflag:s18], $0x4000  }
0x11d: {  	[sflag:s18] =	ssyncset.done $0x0  }
0x11e: {  	[sflag:s18] =	ssyncadd.s32 $0xFFFFC000  }
0x11f: {  	[tilespmem:s15], [sflag:$0x1] =	stream.indirect.gather [hbm4b:s4+s14], $0x80, s26, s14, $0xb8;
	[tilespmem:$0x1D000] =	vst v63  }
0x120: {  	_ =	swait.ge [sflag:s20], $0x4000  }
0x121: {  	[sflag:s20] =	ssyncset.done $0x0  }
0x122: {  	[sflag:s20] =	ssyncadd.s32 $0xFFFFC000  }
0x123: {  	[spmem:s2] =	stream.indirect.scatter.add.f32 [tilespmem:s16], [sflag:$0x4], $0x80, s28, s14, $0xb8;
	[tilespmem:$0x1D000] =	vst v63  }
0x124: {  	_ =	swait.ge [sflag:s22], $0x4000  }
0x125: {  	[sflag:s22] =	ssyncset.done $0x0  }
0x126: {  	[sflag:s22] =	ssyncadd.s32 $0xFFFFC000  }
0x127: {  	[tilespmem:s16], [sflag:$0x2] =	stream.indirect.gather [hbm4b:s4+s14], $0x80, s29, s14, $0xb8;
	[tilespmem:$0x1D000] =	vst v63  }
0x128: {  	_ =	swait.ge [sflag:s17], $0x4000  }
0x129: {  	[sflag:s17] =	ssyncset.done $0x0  }
0x12a: {  	[sflag:s17] =	ssyncadd.s32 $0xFFFFC000  }
0x12b: {  	[spmem:s2] =	stream.indirect.scatter.add.f32 [tilespmem:s15], [sflag:$0x3], $0x80, s30, s14, $0xb8;
	[tilespmem:$0x1D000] =	vst v63  }
0x12c: {  	_ =	swait.ge [sflag:s20], $0x4000  }
0x12d: {  	[sflag:s20] =	ssyncset.done $0x0  }
0x12e: {  	p0 =	sne.s32 s0, $0x400;
	[sflag:s20] =	ssyncadd.s32 $0xFFFFC000  }
0x12f: {  	[spmem:s2] =	stream.indirect.scatter.add.f32 [tilespmem:s16], [sflag:$0x4], $0x80, s31, s14, $0xb8;
	[tilespmem:$0x1D000] =	vst v63  }
.Ltmp0:
0x130: {  	_ =	swait.ge [sflag:s18], $0x4000;
	(pc) =	sbr.rel @p0 .LBB2_2-.Ltmp0, $4  }
0x131: {  	[sflag:s18] =	ssyncset.done $0x0  }
0x132: {  	[sflag:s18] =	ssyncadd.s32 $0xFFFFC000  }
0x133: {  	_ =	swait.ge [sflag:s22], $0x4000  }
0x134: {  	s0 =	sadd.s32 $0x100, s0;
	[sflag:s22] =	ssyncset.done $0x0  }
0x135: {  	[sflag:s22] =	ssyncadd.s32 $0xFFFFC000  }
0x136: {  	[bflag:$0x0] =	sbarrier.arrive $0xFFFF  }
0x137: {  	s8 =	rddreg [dreg:$0x9]  }
0x138: {  	s0 =	rddreg [dreg:$0xa]  }
0x139: {  	s9 =	rddreg [dreg:$0xd]  }
0x13a: {  	[hbm:s0], [sflag:s8] =	dma.local [spmem:s9], $0x2800  }
0x13b: {  	_ =	swait.ge [sflag:s12], $0x2800  }
0x13c: {  	[sflag:s12] =	ssyncset.done $0x0  }
0x13d: {  	[sflag:s12] =	ssyncadd.s32 $0xFFFFD800  }
0x13e: {  	[bflag:$0x0] =	sbarrier.arrive $0xFFFF  }
0x13f: {  	s0 =	rddreg [dreg:$0x8]  }
0x140: {  	[spmem:s9], [sflag:s8] =	dma.local [hbm:s0], $0x2800  }
0x141: {  	_ =	swait.ge [sflag:s12], $0x2800  }
0x142: {  	[sflag:s12] =	ssyncset.done $0x0  }
0x143: {  	[sflag:s12] =	ssyncadd.s32 $0xFFFFD800  }
0x144: {  	[bflag:$0x0] =	sbarrier.arrive $0xFFFF  }
0x145: {  	s8 =	rddreg [dreg:$0x7]  }
0x146: {  	s0 =	sadd.s32 $0x0, s8  }
0x147: {  	[tilespmem:s3], [sflag:$0x5] =	stream.linear.gather [hbm4b:s0+s3], $0x800, $0x38;
	[tilespmem:$0x1D000] =	vst v63  }
0x148: {  	_ =	swait.ge [sflag:s12], $0x800  }
0x149: {  	s9 =	rddreg [dreg:$0x6];
	[sflag:s12] =	ssyncset.done $0x0  }
0x14a: {  	[sflag:s12] =	ssyncadd.s32 $0xFFFFF800;
	s0 =	sadd.s32 $0x0, s9  }
0x14b: {  	[tilespmem:s13], [sflag:$0x5] =	stream.linear.gather [hbm4b:s0+s3], $0x800, $0x38;
	[tilespmem:$0x1D000] =	vst v63  }
0x14c: {  	_ =	swait.ge [sflag:s12], $0x800  }
0x14d: {  	[sflag:s12] =	ssyncset.done $0x0  }
0x14e: {  	[sflag:s12] =	ssyncadd.s32 $0xFFFFF800  }
0x14f: {  	[tilespmem:s15], [sflag:$0x1] =	stream.indirect.gather [hbm4b:s5+s14], $0x80, s3, s14, $0xb8;
	[tilespmem:$0x1D000] =	vst v63  }
0x150: {  	_ = 	snop  }
0x151: {  	[tilespmem:s16], [sflag:$0x2] =	stream.indirect.gather [hbm4b:s5+s14], $0x80, s14, s14, $0xb8;
	[tilespmem:$0x1D000] =	vst v63  }
0x152: {  	_ =	swait.ge [sflag:s17], $0x4000  }
0x153: {  	[sflag:s17] =	ssyncset.done $0x0  }
0x154: {  	[sflag:s17] =	ssyncadd.s32 $0xFFFFC000  }
0x155: {  	[spmem:s2] =	stream.indirect.scatter.add.f32 [tilespmem:s15], [sflag:$0x3], $0x80, s13, s14, $0xb8;
	[tilespmem:$0x1D000] =	vst v63  }
0x156: {  	_ =	swait.ge [sflag:s18], $0x4000  }
0x157: {  	[sflag:s18] =	ssyncset.done $0x0  }
0x158: {  	s8 =	simm.s32 $0x100;
	[sflag:s18] =	ssyncadd.s32 $0xFFFFC000  }
0x159: {  	[tilespmem:s15], [sflag:$0x1] =	stream.indirect.gather [hbm4b:s5+s14], $0x80, s8, s14, $0xb8;
	[tilespmem:$0x1D000] =	vst v63  }
0x15a: {  	_ =	swait.ge [sflag:s20], $0x4000  }
0x15b: {  	[sflag:s20] =	ssyncset.done $0x0  }
0x15c: {  	s9 =	simm.s32 $0x880;
	[sflag:s20] =	ssyncadd.s32 $0xFFFFC000  }
0x15d: {  	[spmem:s2] =	stream.indirect.scatter.add.f32 [tilespmem:s16], [sflag:$0x4], $0x80, s9, s14, $0xb8;
	[tilespmem:$0x1D000] =	vst v63  }
0x15e: {  	_ =	swait.ge [sflag:s22], $0x4000  }
0x15f: {  	[sflag:s22] =	ssyncset.done $0x0  }
0x160: {  	s8 =	simm.s32 $0x180;
	[sflag:s22] =	ssyncadd.s32 $0xFFFFC000  }
0x161: {  	[tilespmem:s16], [sflag:$0x2] =	stream.indirect.gather [hbm4b:s5+s14], $0x80, s8, s14, $0xb8;
	[tilespmem:$0x1D000] =	vst v63  }
0x162: {  	_ =	swait.ge [sflag:s17], $0x4000  }
0x163: {  	[sflag:s17] =	ssyncset.done $0x0  }
0x164: {  	s9 =	simm.s32 $0x900;
	[sflag:s17] =	ssyncadd.s32 $0xFFFFC000  }
0x165: {  	[spmem:s2] =	stream.indirect.scatter.add.f32 [tilespmem:s15], [sflag:$0x3], $0x80, s9, s14, $0xb8;
	[tilespmem:$0x1D000] =	vst v63  }
0x166: {  	_ =	swait.ge [sflag:s18], $0x4000  }
0x167: {  	[sflag:s18] =	ssyncset.done $0x0  }
0x168: {  	s8 =	simm.s32 $0x200;
	[sflag:s18] =	ssyncadd.s32 $0xFFFFC000  }
0x169: {  	[tilespmem:s15], [sflag:$0x1] =	stream.indirect.gather [hbm4b:s5+s14], $0x80, s8, s14, $0xb8;
	[tilespmem:$0x1D000] =	vst v63  }
0x16a: {  	_ =	swait.ge [sflag:s20], $0x4000  }
0x16b: {  	[sflag:s20] =	ssyncset.done $0x0  }
0x16c: {  	s9 =	simm.s32 $0x980;
	[sflag:s20] =	ssyncadd.s32 $0xFFFFC000  }
0x16d: {  	[spmem:s2] =	stream.indirect.scatter.add.f32 [tilespmem:s16], [sflag:$0x4], $0x80, s9, s14, $0xb8;
	[tilespmem:$0x1D000] =	vst v63  }
0x16e: {  	_ =	swait.ge [sflag:s22], $0x4000  }
0x16f: {  	[sflag:s22] =	ssyncset.done $0x0  }
0x170: {  	s8 =	simm.s32 $0x280;
	[sflag:s22] =	ssyncadd.s32 $0xFFFFC000  }
0x171: {  	[tilespmem:s16], [sflag:$0x2] =	stream.indirect.gather [hbm4b:s5+s14], $0x80, s8, s14, $0xb8;
	[tilespmem:$0x1D000] =	vst v63  }
0x172: {  	_ =	swait.ge [sflag:s17], $0x4000  }
0x173: {  	[sflag:s17] =	ssyncset.done $0x0  }
0x174: {  	s9 =	simm.s32 $0xA00;
	[sflag:s17] =	ssyncadd.s32 $0xFFFFC000  }
0x175: {  	[spmem:s2] =	stream.indirect.scatter.add.f32 [tilespmem:s15], [sflag:$0x3], $0x80, s9, s14, $0xb8;
	[tilespmem:$0x1D000] =	vst v63  }
0x176: {  	_ =	swait.ge [sflag:s18], $0x4000  }
0x177: {  	[sflag:s18] =	ssyncset.done $0x0  }
0x178: {  	s8 =	simm.s32 $0x300;
	[sflag:s18] =	ssyncadd.s32 $0xFFFFC000  }
0x179: {  	[tilespmem:s15], [sflag:$0x1] =	stream.indirect.gather [hbm4b:s5+s14], $0x80, s8, s14, $0xb8;
	[tilespmem:$0x1D000] =	vst v63  }
0x17a: {  	_ =	swait.ge [sflag:s20], $0x4000  }
0x17b: {  	[sflag:s20] =	ssyncset.done $0x0  }
0x17c: {  	s9 =	simm.s32 $0xA80;
	[sflag:s20] =	ssyncadd.s32 $0xFFFFC000  }
0x17d: {  	[spmem:s2] =	stream.indirect.scatter.add.f32 [tilespmem:s16], [sflag:$0x4], $0x80, s9, s14, $0xb8;
	[tilespmem:$0x1D000] =	vst v63  }
0x17e: {  	_ =	swait.ge [sflag:s22], $0x4000  }
0x17f: {  	[sflag:s22] =	ssyncset.done $0x0  }
0x180: {  	s8 =	simm.s32 $0x380;
	[sflag:s22] =	ssyncadd.s32 $0xFFFFC000  }
0x181: {  	[tilespmem:s16], [sflag:$0x2] =	stream.indirect.gather [hbm4b:s5+s14], $0x80, s8, s14, $0xb8;
	[tilespmem:$0x1D000] =	vst v63  }
0x182: {  	_ =	swait.ge [sflag:s17], $0x4000  }
0x183: {  	[sflag:s17] =	ssyncset.done $0x0  }
0x184: {  	s9 =	simm.s32 $0xB00;
	[sflag:s17] =	ssyncadd.s32 $0xFFFFC000  }
0x185: {  	[spmem:s2] =	stream.indirect.scatter.add.f32 [tilespmem:s15], [sflag:$0x3], $0x80, s9, s14, $0xb8;
	[tilespmem:$0x1D000] =	vst v63  }
0x186: {  	_ =	swait.ge [sflag:s18], $0x4000  }
0x187: {  	[sflag:s18] =	ssyncset.done $0x0  }
0x188: {  	s8 =	simm.s32 $0x400;
	[sflag:s18] =	ssyncadd.s32 $0xFFFFC000  }
0x189: {  	[tilespmem:s15], [sflag:$0x1] =	stream.indirect.gather [hbm4b:s5+s14], $0x80, s8, s14, $0xb8;
	[tilespmem:$0x1D000] =	vst v63  }
0x18a: {  	_ =	swait.ge [sflag:s20], $0x4000  }
0x18b: {  	[sflag:s20] =	ssyncset.done $0x0  }
0x18c: {  	s9 =	simm.s32 $0xB80;
	[sflag:s20] =	ssyncadd.s32 $0xFFFFC000  }
0x18d: {  	[spmem:s2] =	stream.indirect.scatter.add.f32 [tilespmem:s16], [sflag:$0x4], $0x80, s9, s14, $0xb8;
	[tilespmem:$0x1D000] =	vst v63  }
0x18e: {  	_ =	swait.ge [sflag:s22], $0x4000  }
0x18f: {  	[sflag:s22] =	ssyncset.done $0x0  }
0x190: {  	[sflag:s22] =	ssyncadd.s32 $0xFFFFC000  }
0x191: {  	[tilespmem:s16], [sflag:$0x2] =	stream.indirect.gather [hbm4b:s5+s14], $0x80, s1, s14, $0xb8;
	[tilespmem:$0x1D000] =	vst v63  }
0x192: {  	_ =	swait.ge [sflag:s17], $0x4000  }
0x193: {  	[sflag:s17] =	ssyncset.done $0x0  }
0x194: {  	[sflag:s17] =	ssyncadd.s32 $0xFFFFC000  }
0x195: {  	[spmem:s2] =	stream.indirect.scatter.add.f32 [tilespmem:s15], [sflag:$0x3], $0x80, s10, s14, $0xb8;
	[tilespmem:$0x1D000] =	vst v63  }
0x196: {  	_ =	swait.ge [sflag:s18], $0x4000  }
0x197: {  	[sflag:s18] =	ssyncset.done $0x0  }
0x198: {  	[sflag:s18] =	ssyncadd.s32 $0xFFFFC000  }
0x199: {  	[tilespmem:s15], [sflag:$0x1] =	stream.indirect.gather [hbm4b:s5+s14], $0x80, s6, s14, $0xb8;
	[tilespmem:$0x1D000] =	vst v63  }
0x19a: {  	_ =	swait.ge [sflag:s20], $0x4000  }
0x19b: {  	[sflag:s20] =	ssyncset.done $0x0  }
0x19c: {  	[sflag:s20] =	ssyncadd.s32 $0xFFFFC000  }
0x19d: {  	[spmem:s2] =	stream.indirect.scatter.add.f32 [tilespmem:s16], [sflag:$0x4], $0x80, s7, s14, $0xb8;
	[tilespmem:$0x1D000] =	vst v63  }
0x19e: {  	_ =	swait.ge [sflag:s22], $0x4000  }
0x19f: {  	[sflag:s22] =	ssyncset.done $0x0  }
0x1a0: {  	[sflag:s22] =	ssyncadd.s32 $0xFFFFC000  }
0x1a1: {  	[tilespmem:s16], [sflag:$0x2] =	stream.indirect.gather [hbm4b:s5+s14], $0x80, s11, s14, $0xb8;
	[tilespmem:$0x1D000] =	vst v63  }
0x1a2: {  	_ =	swait.ge [sflag:s17], $0x4000  }
0x1a3: {  	[sflag:s17] =	ssyncset.done $0x0  }
0x1a4: {  	[sflag:s17] =	ssyncadd.s32 $0xFFFFC000  }
0x1a5: {  	[spmem:s2] =	stream.indirect.scatter.add.f32 [tilespmem:s15], [sflag:$0x3], $0x80, s19, s14, $0xb8;
	[tilespmem:$0x1D000] =	vst v63  }
0x1a6: {  	_ =	swait.ge [sflag:s18], $0x4000  }
0x1a7: {  	[sflag:s18] =	ssyncset.done $0x0  }
0x1a8: {  	[sflag:s18] =	ssyncadd.s32 $0xFFFFC000  }
0x1a9: {  	[tilespmem:s15], [sflag:$0x1] =	stream.indirect.gather [hbm4b:s5+s14], $0x80, s21, s14, $0xb8;
	[tilespmem:$0x1D000] =	vst v63  }
0x1aa: {  	_ =	swait.ge [sflag:s20], $0x4000  }
0x1ab: {  	[sflag:s20] =	ssyncset.done $0x0  }
0x1ac: {  	[sflag:s20] =	ssyncadd.s32 $0xFFFFC000  }
0x1ad: {  	[spmem:s2] =	stream.indirect.scatter.add.f32 [tilespmem:s16], [sflag:$0x4], $0x80, s23, s14, $0xb8;
	[tilespmem:$0x1D000] =	vst v63  }
0x1ae: {  	_ =	swait.ge [sflag:s22], $0x4000  }
0x1af: {  	[sflag:s22] =	ssyncset.done $0x0  }
0x1b0: {  	[sflag:s22] =	ssyncadd.s32 $0xFFFFC000  }
0x1b1: {  	[tilespmem:s16], [sflag:$0x2] =	stream.indirect.gather [hbm4b:s5+s14], $0x80, s24, s14, $0xb8;
	[tilespmem:$0x1D000] =	vst v63  }
0x1b2: {  	_ =	swait.ge [sflag:s17], $0x4000  }
0x1b3: {  	[sflag:s17] =	ssyncset.done $0x0  }
0x1b4: {  	[sflag:s17] =	ssyncadd.s32 $0xFFFFC000  }
0x1b5: {  	[spmem:s2] =	stream.indirect.scatter.add.f32 [tilespmem:s15], [sflag:$0x3], $0x80, s25, s14, $0xb8;
	[tilespmem:$0x1D000] =	vst v63  }
0x1b6: {  	_ =	swait.ge [sflag:s18], $0x4000  }
0x1b7: {  	[sflag:s18] =	ssyncset.done $0x0  }
0x1b8: {  	[sflag:s18] =	ssyncadd.s32 $0xFFFFC000  }
0x1b9: {  	[tilespmem:s15], [sflag:$0x1] =	stream.indirect.gather [hbm4b:s5+s14], $0x80, s26, s14, $0xb8;
	[tilespmem:$0x1D000] =	vst v63  }
0x1ba: {  	_ =	swait.ge [sflag:s20], $0x4000  }
0x1bb: {  	[sflag:s20] =	ssyncset.done $0x0  }
0x1bc: {  	[sflag:s20] =	ssyncadd.s32 $0xFFFFC000  }
0x1bd: {  	[spmem:s2] =	stream.indirect.scatter.add.f32 [tilespmem:s16], [sflag:$0x4], $0x80, s28, s14, $0xb8;
	[tilespmem:$0x1D000] =	vst v63  }
0x1be: {  	_ =	swait.ge [sflag:s22], $0x4000  }
0x1bf: {  	[sflag:s22] =	ssyncset.done $0x0  }
0x1c0: {  	[sflag:s22] =	ssyncadd.s32 $0xFFFFC000  }
0x1c1: {  	[tilespmem:s16], [sflag:$0x2] =	stream.indirect.gather [hbm4b:s5+s14], $0x80, s29, s14, $0xb8;
	[tilespmem:$0x1D000] =	vst v63  }
0x1c2: {  	_ =	swait.ge [sflag:s17], $0x4000  }
0x1c3: {  	[sflag:s17] =	ssyncset.done $0x0  }
0x1c4: {  	[sflag:s17] =	ssyncadd.s32 $0xFFFFC000  }
0x1c5: {  	[spmem:s2] =	stream.indirect.scatter.add.f32 [tilespmem:s15], [sflag:$0x3], $0x80, s30, s14, $0xb8;
	[tilespmem:$0x1D000] =	vst v63  }
0x1c6: {  	_ =	swait.ge [sflag:s20], $0x4000  }
0x1c7: {  	[sflag:s20] =	ssyncset.done $0x0  }
0x1c8: {  	[sflag:s20] =	ssyncadd.s32 $0xFFFFC000  }
0x1c9: {  	[spmem:s2] =	stream.indirect.scatter.add.f32 [tilespmem:s16], [sflag:$0x4], $0x80, s31, s14, $0xb8;
	[tilespmem:$0x1D000] =	vst v63  }
0x1ca: {  	_ =	swait.ge [sflag:s18], $0x4000  }
0x1cb: {  	[sflag:s18] =	ssyncset.done $0x0  }
0x1cc: {  	[sflag:s18] =	ssyncadd.s32 $0xFFFFC000  }
0x1cd: {  	_ =	swait.ge [sflag:s22], $0x4000  }
0x1ce: {  	s0 =	simm.s32 $0x100;
	[sflag:s22] =	ssyncset.done $0x0  }
.LBB2_4:
0x1cf: {  	s8 =	rddreg [dreg:$0x7];
	s9 =	smov.u32 s0  }
0x1d0: {  	[sflag:s22] =	ssyncadd.s32 $0xFFFFC000;
	s8 =	sadd.s32 s9, s8  }
0x1d1: {  	[tilespmem:s3], [sflag:$0x5] =	stream.linear.gather [hbm4b:s8+s3], $0x800, $0x38;
	[tilespmem:$0x1D000] =	vst v63  }
0x1d2: {  	_ =	swait.ge [sflag:s12], $0x800  }
0x1d3: {  	s8 =	rddreg [dreg:$0x6];
	[sflag:s12] =	ssyncset.done $0x0  }
0x1d4: {  	[sflag:s12] =	ssyncadd.s32 $0xFFFFF800;
	s8 =	sadd.s32 s9, s8  }
0x1d5: {  	[tilespmem:s13], [sflag:$0x5] =	stream.linear.gather [hbm4b:s8+s3], $0x800, $0x38;
	[tilespmem:$0x1D000] =	vst v63  }
0x1d6: {  	_ =	swait.ge [sflag:s12], $0x800  }
0x1d7: {  	[sflag:s12] =	ssyncset.done $0x0  }
0x1d8: {  	[sflag:s12] =	ssyncadd.s32 $0xFFFFF800  }
0x1d9: {  	[tilespmem:s15], [sflag:$0x1] =	stream.indirect.gather [hbm4b:s5+s14], $0x80, s3, s14, $0xb8;
	[tilespmem:$0x1D000] =	vst v63  }
0x1da: {  	_ = 	snop  }
0x1db: {  	[tilespmem:s16], [sflag:$0x2] =	stream.indirect.gather [hbm4b:s5+s14], $0x80, s14, s14, $0xb8;
	[tilespmem:$0x1D000] =	vst v63  }
0x1dc: {  	_ =	swait.ge [sflag:s17], $0x4000  }
0x1dd: {  	[sflag:s17] =	ssyncset.done $0x0  }
0x1de: {  	[sflag:s17] =	ssyncadd.s32 $0xFFFFC000  }
0x1df: {  	[spmem:s2] =	stream.indirect.scatter.add.f32 [tilespmem:s15], [sflag:$0x3], $0x80, s13, s14, $0xb8;
	[tilespmem:$0x1D000] =	vst v63  }
0x1e0: {  	_ =	swait.ge [sflag:s18], $0x4000  }
0x1e1: {  	[sflag:s18] =	ssyncset.done $0x0  }
0x1e2: {  	s9 =	simm.s32 $0x100;
	[sflag:s18] =	ssyncadd.s32 $0xFFFFC000  }
0x1e3: {  	[tilespmem:s15], [sflag:$0x1] =	stream.indirect.gather [hbm4b:s5+s14], $0x80, s9, s14, $0xb8;
	[tilespmem:$0x1D000] =	vst v63  }
0x1e4: {  	_ =	swait.ge [sflag:s20], $0x4000  }
0x1e5: {  	[sflag:s20] =	ssyncset.done $0x0  }
0x1e6: {  	s9 =	simm.s32 $0x880;
	[sflag:s20] =	ssyncadd.s32 $0xFFFFC000  }
0x1e7: {  	[spmem:s2] =	stream.indirect.scatter.add.f32 [tilespmem:s16], [sflag:$0x4], $0x80, s9, s14, $0xb8;
	[tilespmem:$0x1D000] =	vst v63  }
0x1e8: {  	_ =	swait.ge [sflag:s22], $0x4000  }
0x1e9: {  	[sflag:s22] =	ssyncset.done $0x0  }
0x1ea: {  	s9 =	simm.s32 $0x180;
	[sflag:s22] =	ssyncadd.s32 $0xFFFFC000  }
0x1eb: {  	[tilespmem:s16], [sflag:$0x2] =	stream.indirect.gather [hbm4b:s5+s14], $0x80, s9, s14, $0xb8;
	[tilespmem:$0x1D000] =	vst v63  }
0x1ec: {  	_ =	swait.ge [sflag:s17], $0x4000  }
0x1ed: {  	[sflag:s17] =	ssyncset.done $0x0  }
0x1ee: {  	s9 =	simm.s32 $0x900;
	[sflag:s17] =	ssyncadd.s32 $0xFFFFC000  }
0x1ef: {  	[spmem:s2] =	stream.indirect.scatter.add.f32 [tilespmem:s15], [sflag:$0x3], $0x80, s9, s14, $0xb8;
	[tilespmem:$0x1D000] =	vst v63  }
0x1f0: {  	_ =	swait.ge [sflag:s18], $0x4000  }
0x1f1: {  	[sflag:s18] =	ssyncset.done $0x0  }
0x1f2: {  	s9 =	simm.s32 $0x200;
	[sflag:s18] =	ssyncadd.s32 $0xFFFFC000  }
0x1f3: {  	[tilespmem:s15], [sflag:$0x1] =	stream.indirect.gather [hbm4b:s5+s14], $0x80, s9, s14, $0xb8;
	[tilespmem:$0x1D000] =	vst v63  }
0x1f4: {  	_ =	swait.ge [sflag:s20], $0x4000  }
0x1f5: {  	[sflag:s20] =	ssyncset.done $0x0  }
0x1f6: {  	s9 =	simm.s32 $0x980;
	[sflag:s20] =	ssyncadd.s32 $0xFFFFC000  }
0x1f7: {  	[spmem:s2] =	stream.indirect.scatter.add.f32 [tilespmem:s16], [sflag:$0x4], $0x80, s9, s14, $0xb8;
	[tilespmem:$0x1D000] =	vst v63  }
0x1f8: {  	_ =	swait.ge [sflag:s22], $0x4000  }
0x1f9: {  	[sflag:s22] =	ssyncset.done $0x0  }
0x1fa: {  	s9 =	simm.s32 $0x280;
	[sflag:s22] =	ssyncadd.s32 $0xFFFFC000  }
0x1fb: {  	[tilespmem:s16], [sflag:$0x2] =	stream.indirect.gather [hbm4b:s5+s14], $0x80, s9, s14, $0xb8;
	[tilespmem:$0x1D000] =	vst v63  }
0x1fc: {  	_ =	swait.ge [sflag:s17], $0x4000  }
0x1fd: {  	[sflag:s17] =	ssyncset.done $0x0  }
0x1fe: {  	s9 =	simm.s32 $0xA00;
	[sflag:s17] =	ssyncadd.s32 $0xFFFFC000  }
0x1ff: {  	[spmem:s2] =	stream.indirect.scatter.add.f32 [tilespmem:s15], [sflag:$0x3], $0x80, s9, s14, $0xb8;
	[tilespmem:$0x1D000] =	vst v63  }
0x200: {  	_ =	swait.ge [sflag:s18], $0x4000  }
0x201: {  	[sflag:s18] =	ssyncset.done $0x0  }
0x202: {  	s9 =	simm.s32 $0x300;
	[sflag:s18] =	ssyncadd.s32 $0xFFFFC000  }
0x203: {  	[tilespmem:s15], [sflag:$0x1] =	stream.indirect.gather [hbm4b:s5+s14], $0x80, s9, s14, $0xb8;
	[tilespmem:$0x1D000] =	vst v63  }
0x204: {  	_ =	swait.ge [sflag:s20], $0x4000  }
0x205: {  	[sflag:s20] =	ssyncset.done $0x0  }
0x206: {  	s9 =	simm.s32 $0xA80;
	[sflag:s20] =	ssyncadd.s32 $0xFFFFC000  }
0x207: {  	[spmem:s2] =	stream.indirect.scatter.add.f32 [tilespmem:s16], [sflag:$0x4], $0x80, s9, s14, $0xb8;
	[tilespmem:$0x1D000] =	vst v63  }
0x208: {  	_ =	swait.ge [sflag:s22], $0x4000  }
0x209: {  	[sflag:s22] =	ssyncset.done $0x0  }
0x20a: {  	s9 =	simm.s32 $0x380;
	[sflag:s22] =	ssyncadd.s32 $0xFFFFC000  }
0x20b: {  	[tilespmem:s16], [sflag:$0x2] =	stream.indirect.gather [hbm4b:s5+s14], $0x80, s9, s14, $0xb8;
	[tilespmem:$0x1D000] =	vst v63  }
0x20c: {  	_ =	swait.ge [sflag:s17], $0x4000  }
0x20d: {  	[sflag:s17] =	ssyncset.done $0x0  }
0x20e: {  	s9 =	simm.s32 $0xB00;
	[sflag:s17] =	ssyncadd.s32 $0xFFFFC000  }
0x20f: {  	[spmem:s2] =	stream.indirect.scatter.add.f32 [tilespmem:s15], [sflag:$0x3], $0x80, s9, s14, $0xb8;
	[tilespmem:$0x1D000] =	vst v63  }
0x210: {  	_ =	swait.ge [sflag:s18], $0x4000  }
0x211: {  	[sflag:s18] =	ssyncset.done $0x0  }
0x212: {  	s9 =	simm.s32 $0x400;
	[sflag:s18] =	ssyncadd.s32 $0xFFFFC000  }
0x213: {  	[tilespmem:s15], [sflag:$0x1] =	stream.indirect.gather [hbm4b:s5+s14], $0x80, s9, s14, $0xb8;
	[tilespmem:$0x1D000] =	vst v63  }
0x214: {  	_ =	swait.ge [sflag:s20], $0x4000  }
0x215: {  	[sflag:s20] =	ssyncset.done $0x0  }
0x216: {  	s9 =	simm.s32 $0xB80;
	[sflag:s20] =	ssyncadd.s32 $0xFFFFC000  }
0x217: {  	[spmem:s2] =	stream.indirect.scatter.add.f32 [tilespmem:s16], [sflag:$0x4], $0x80, s9, s14, $0xb8;
	[tilespmem:$0x1D000] =	vst v63  }
0x218: {  	_ =	swait.ge [sflag:s22], $0x4000  }
0x219: {  	[sflag:s22] =	ssyncset.done $0x0  }
0x21a: {  	[sflag:s22] =	ssyncadd.s32 $0xFFFFC000  }
0x21b: {  	[tilespmem:s16], [sflag:$0x2] =	stream.indirect.gather [hbm4b:s5+s14], $0x80, s1, s14, $0xb8;
	[tilespmem:$0x1D000] =	vst v63  }
0x21c: {  	_ =	swait.ge [sflag:s17], $0x4000  }
0x21d: {  	[sflag:s17] =	ssyncset.done $0x0  }
0x21e: {  	[sflag:s17] =	ssyncadd.s32 $0xFFFFC000  }
0x21f: {  	[spmem:s2] =	stream.indirect.scatter.add.f32 [tilespmem:s15], [sflag:$0x3], $0x80, s10, s14, $0xb8;
	[tilespmem:$0x1D000] =	vst v63  }
0x220: {  	_ =	swait.ge [sflag:s18], $0x4000  }
0x221: {  	[sflag:s18] =	ssyncset.done $0x0  }
0x222: {  	[sflag:s18] =	ssyncadd.s32 $0xFFFFC000  }
0x223: {  	[tilespmem:s15], [sflag:$0x1] =	stream.indirect.gather [hbm4b:s5+s14], $0x80, s6, s14, $0xb8;
	[tilespmem:$0x1D000] =	vst v63  }
0x224: {  	_ =	swait.ge [sflag:s20], $0x4000  }
0x225: {  	[sflag:s20] =	ssyncset.done $0x0  }
0x226: {  	[sflag:s20] =	ssyncadd.s32 $0xFFFFC000  }
0x227: {  	[spmem:s2] =	stream.indirect.scatter.add.f32 [tilespmem:s16], [sflag:$0x4], $0x80, s7, s14, $0xb8;
	[tilespmem:$0x1D000] =	vst v63  }
0x228: {  	_ =	swait.ge [sflag:s22], $0x4000  }
0x229: {  	[sflag:s22] =	ssyncset.done $0x0  }
0x22a: {  	[sflag:s22] =	ssyncadd.s32 $0xFFFFC000  }
0x22b: {  	[tilespmem:s16], [sflag:$0x2] =	stream.indirect.gather [hbm4b:s5+s14], $0x80, s11, s14, $0xb8;
	[tilespmem:$0x1D000] =	vst v63  }
0x22c: {  	_ =	swait.ge [sflag:s17], $0x4000  }
0x22d: {  	[sflag:s17] =	ssyncset.done $0x0  }
0x22e: {  	[sflag:s17] =	ssyncadd.s32 $0xFFFFC000  }
0x22f: {  	[spmem:s2] =	stream.indirect.scatter.add.f32 [tilespmem:s15], [sflag:$0x3], $0x80, s19, s14, $0xb8;
	[tilespmem:$0x1D000] =	vst v63  }
0x230: {  	_ =	swait.ge [sflag:s18], $0x4000  }
0x231: {  	[sflag:s18] =	ssyncset.done $0x0  }
0x232: {  	[sflag:s18] =	ssyncadd.s32 $0xFFFFC000  }
0x233: {  	[tilespmem:s15], [sflag:$0x1] =	stream.indirect.gather [hbm4b:s5+s14], $0x80, s21, s14, $0xb8;
	[tilespmem:$0x1D000] =	vst v63  }
0x234: {  	_ =	swait.ge [sflag:s20], $0x4000  }
0x235: {  	[sflag:s20] =	ssyncset.done $0x0  }
0x236: {  	[sflag:s20] =	ssyncadd.s32 $0xFFFFC000  }
0x237: {  	[spmem:s2] =	stream.indirect.scatter.add.f32 [tilespmem:s16], [sflag:$0x4], $0x80, s23, s14, $0xb8;
	[tilespmem:$0x1D000] =	vst v63  }
0x238: {  	_ =	swait.ge [sflag:s22], $0x4000  }
0x239: {  	[sflag:s22] =	ssyncset.done $0x0  }
0x23a: {  	[sflag:s22] =	ssyncadd.s32 $0xFFFFC000  }
0x23b: {  	[tilespmem:s16], [sflag:$0x2] =	stream.indirect.gather [hbm4b:s5+s14], $0x80, s24, s14, $0xb8;
	[tilespmem:$0x1D000] =	vst v63  }
0x23c: {  	_ =	swait.ge [sflag:s17], $0x4000  }
0x23d: {  	[sflag:s17] =	ssyncset.done $0x0  }
0x23e: {  	[sflag:s17] =	ssyncadd.s32 $0xFFFFC000  }
0x23f: {  	[spmem:s2] =	stream.indirect.scatter.add.f32 [tilespmem:s15], [sflag:$0x3], $0x80, s25, s14, $0xb8;
	[tilespmem:$0x1D000] =	vst v63  }
0x240: {  	_ =	swait.ge [sflag:s18], $0x4000  }
0x241: {  	[sflag:s18] =	ssyncset.done $0x0  }
0x242: {  	[sflag:s18] =	ssyncadd.s32 $0xFFFFC000  }
0x243: {  	[tilespmem:s15], [sflag:$0x1] =	stream.indirect.gather [hbm4b:s5+s14], $0x80, s26, s14, $0xb8;
	[tilespmem:$0x1D000] =	vst v63  }
0x244: {  	_ =	swait.ge [sflag:s20], $0x4000  }
0x245: {  	[sflag:s20] =	ssyncset.done $0x0  }
0x246: {  	[sflag:s20] =	ssyncadd.s32 $0xFFFFC000  }
0x247: {  	[spmem:s2] =	stream.indirect.scatter.add.f32 [tilespmem:s16], [sflag:$0x4], $0x80, s28, s14, $0xb8;
	[tilespmem:$0x1D000] =	vst v63  }
0x248: {  	_ =	swait.ge [sflag:s22], $0x4000  }
0x249: {  	[sflag:s22] =	ssyncset.done $0x0  }
0x24a: {  	[sflag:s22] =	ssyncadd.s32 $0xFFFFC000  }
0x24b: {  	[tilespmem:s16], [sflag:$0x2] =	stream.indirect.gather [hbm4b:s5+s14], $0x80, s29, s14, $0xb8;
	[tilespmem:$0x1D000] =	vst v63  }
0x24c: {  	_ =	swait.ge [sflag:s17], $0x4000  }
0x24d: {  	[sflag:s17] =	ssyncset.done $0x0  }
0x24e: {  	[sflag:s17] =	ssyncadd.s32 $0xFFFFC000  }
0x24f: {  	[spmem:s2] =	stream.indirect.scatter.add.f32 [tilespmem:s15], [sflag:$0x3], $0x80, s30, s14, $0xb8;
	[tilespmem:$0x1D000] =	vst v63  }
0x250: {  	_ =	swait.ge [sflag:s20], $0x4000  }
0x251: {  	[sflag:s20] =	ssyncset.done $0x0  }
0x252: {  	p0 =	sne.s32 s0, $0x400;
	[sflag:s20] =	ssyncadd.s32 $0xFFFFC000  }
0x253: {  	[spmem:s2] =	stream.indirect.scatter.add.f32 [tilespmem:s16], [sflag:$0x4], $0x80, s31, s14, $0xb8;
	[tilespmem:$0x1D000] =	vst v63  }
.Ltmp1:
0x254: {  	_ =	swait.ge [sflag:s18], $0x4000;
	(pc) =	sbr.rel @p0 .LBB2_4-.Ltmp1, $4  }
0x255: {  	[sflag:s18] =	ssyncset.done $0x0  }
0x256: {  	[sflag:s18] =	ssyncadd.s32 $0xFFFFC000  }
0x257: {  	_ =	swait.ge [sflag:s22], $0x4000  }
0x258: {  	s0 =	sadd.s32 $0x100, s0;
	[sflag:s22] =	ssyncset.done $0x0  }
0x259: {  	[sflag:s22] =	ssyncadd.s32 $0xFFFFC000  }
0x25a: {  	[bflag:$0x0] =	sbarrier.arrive $0xFFFF  }
0x25b: {  	s9 =	rddreg [dreg:$0x9]  }
0x25c: {  	s0 =	rddreg [dreg:$0xb]  }
0x25d: {  	s8 =	rddreg [dreg:$0xd]  }
0x25e: {  	[hbm:s0], [sflag:s9] =	dma.local [spmem:s8], $0x2800  }
0x25f: {  	_ =	swait.ge [sflag:s12], $0x2800  }
0x260: {  	s1 =	rddreg [dreg:$0xe]  }
0x261: {  	s0 =	rddreg [dreg:$0xc];
	s1 =	sadd.s32 $0x1, s1  }
0x262: {  	p0 =	sne.s32 s1, s0  }
.Ltmp2:
0x263: {  	_ = 	snop;
	(pc) =	sbr.rel @p0 .LBB2_1-.Ltmp2, $3  }
0x264: {  	[sflag:s12] =	ssyncset.done $0x0  }
0x265: {  	[sflag:s12] =	ssyncadd.s32 $0xFFFFD800  }
0x266: {  	[bflag:$0x0] =	sbarrier.arrive $0xFFFF;
	_ =	sdelay $0x1  }
0x267: {  	_ =	sfence.sel $0x180000  }
0x268: {  	[bflag:$0x0] =	sbarrier.arrive $0xFFFF  }
0x269: {  	_ =	strace $0x90000047  }
0x26a: {  	s0 =	stileid.u32;
	[bflag:$0x2] =	sbarrier.arrive $0xFFFF  }
0x26b: {  	p0 =	sne.s32 s0, $0x0;
	s0 =	rddreg [dreg:$0x3]  }
0x26c: {  	s0 =	sadd.s32 @!p0 $0x100000, s0  }
0x26d: {  	[sflag:s0] =	ssyncadd.tile.s32 @!p0 $0x1;
	_ =	shalt  }
.Lfunc_end2:
_tile_overlayer_lowered:
.L_overlay_start_2:
0x26e: {  	(tag) =	ssettag $0x2  }
0x26f: {  	s0 =	rddreg [dreg:$0x0];
	s2 =	stileid.u32  }
0x270: {  	s1 =	rddreg [dreg:$0x1];
	p0 =	sne.s32 s2, $0x0  }
0x271: {  	s3 =	rddreg [dreg:$0x2];
	[bflag:$0x3] =	sbarrier.arrive $0xFFFF;
	s2 =	simm.s32 @!p0 $0x1C05  }
0x272: {  	[timem:s3], [sflag:s2] =	dma.local @!p0 [hbm:s0], s1  }
0x273: {  	s0 =	simm.s32 @!p0 $0x5  }
0x274: {  	_ =	swait.ge @!p0 [sflag:s0], s1  }
0x275: {  	s1 =	ssub.s32 @!p0 $0x0, s1;
	[sflag:s0] =	ssyncset.done @!p0 $0x0  }
0x276: {  	[sflag:s0] =	ssyncadd.s32 @!p0 s1  }
0x277: {  	[bflag:$0x3] =	sbarrier.arrive $0xFFFF  }
0x278: {  	_ =	shalt  }

</sc_bundles>
